<compile_context>
chip_gen: v7x
topology: tpu7x:2x2x1
jax: 0.10.2.dev20260603
libtpu: 0.0.44.dev20260713+nightly
codegen_flags: <defaults>
</compile_context>

<pallas_src>
import functools

import jax
import jax.numpy as jnp
from jax import lax
from jax.experimental import pallas as pl
from jax.experimental.pallas import tpu as pltpu
from jax.experimental.pallas import tpu_sc as plsc

_NC, _NS = 2, 16
_N, _D, _E = 10000, 256, 160000
_H = _D // 2
_NPR = 10240
_SEG = _NPR // _NS

_A_CH = 125
_A_NJ = _E // (_NC * _NS) // _A_CH
_C_CH = 100
_C_NJ = _E // _NS // _C_CH

_mesh = plsc.VectorSubcoreMesh(
    core_axis_name="c", subcore_axis_name="s", num_cores=_NC, num_subcores=_NS
)


_DW = 128


@functools.partial(
    pl.kernel,
    out_type=jax.ShapeDtypeStruct((_NC, _NPR, _DW), jnp.float32),
    mesh=_mesh,
    scratch_types=[
        pltpu.VMEM((_A_NJ, _A_CH), jnp.int32),
        pltpu.VMEM((_A_CH, _DW), jnp.float32),
        [pltpu.SemaphoreType.DMA] * 4,
        pltpu.VMEM_SHARED((_NPR, _DW), jnp.float32),
    ],
)
def _deg_call(col3, zseg, ones, degs, cidx_v, ones_v, sems, deg_sp):
    c = lax.axis_index("c")
    s = lax.axis_index("s")
    w = c * _NS + s
    r0 = s * _SEG
    pltpu.sync_copy(zseg, deg_sp.at[pl.ds(r0, _SEG)])
    pltpu.sync_copy(col3.at[w], cidx_v)
    pltpu.sync_copy(ones, ones_v)
    plsc.subcore_barrier()

    for m in range(4):
        pltpu.async_copy(ones_v, deg_sp.at[cidx_v.at[m]], sems[m], add=True)

    def quad(p, carry):
        for m in range(4):
            j = 4 * p + m
            pltpu.make_async_copy(ones_v, deg_sp.at[cidx_v.at[j]], sems[m]).wait()
            pltpu.async_copy(ones_v, deg_sp.at[cidx_v.at[j + 4]], sems[m], add=True)
        return carry

    lax.fori_loop(0, _A_NJ // 4 - 1, quad, None)
    for m in range(4):
        j = _A_NJ - 4 + m
        pltpu.make_async_copy(ones_v, deg_sp.at[cidx_v.at[j]], sems[m]).wait()
    plsc.subcore_barrier()
    pltpu.sync_copy(deg_sp.at[pl.ds(r0, _SEG)], degs.at[c, pl.ds(r0, _SEG)])


_RB = 1000


def _mm_body(x_ref, w_ref, d_ref, hs0_ref, hs1_ref):
    h = jnp.dot(x_ref[...], w_ref[...], preferred_element_type=jnp.float32)
    deg = d_ref[0, :, :1] + d_ref[1, :, :1] + 1.0
    hs = h * lax.rsqrt(deg)
    hs0_ref[...] = hs[:, :_H]
    hs1_ref[...] = hs[:, _H:]


_mm_call = pl.pallas_call(
    _mm_body,
    grid=(_N // _RB,),
    in_specs=[
        pl.BlockSpec((_RB, _D), lambda i: (i, 0)),
        pl.BlockSpec((_D, _D), lambda i: (0, 0)),
        pl.BlockSpec((_NC, _RB, _DW), lambda i: (0, i, 0)),
    ],
    out_specs=[
        pl.BlockSpec((_RB, _H), lambda i: (i, 0)),
        pl.BlockSpec((_RB, _H), lambda i: (i, 0)),
    ],
    out_shape=[
        jax.ShapeDtypeStruct((_NPR, _H), jnp.float32),
        jax.ShapeDtypeStruct((_NPR, _H), jnp.float32),
    ],
)


@functools.partial(
    pl.kernel,
    out_type=[
        jax.ShapeDtypeStruct((_NPR, _H), jnp.float32),
        jax.ShapeDtypeStruct((_NPR, _H), jnp.float32),
    ],
    mesh=_mesh,
    scratch_types=[
        [pltpu.VMEM((2, _C_CH), jnp.int32)] * 6,
        [pltpu.VMEM((_C_CH, _H), jnp.float32)] * 3,
        [pltpu.SemaphoreType.DMA] * 6,
        [pltpu.SemaphoreType.DMA] * 3,
        [pltpu.SemaphoreType.DMA] * 3,
        pltpu.VMEM_SHARED((_NPR, _H), jnp.float32),
    ],
)
def _agg_call(hs0, hs1, ec4, s0, s1, idxs, rows, semi, semg, sems, agg_sp):
    c = lax.axis_index("c")
    s = lax.axis_index("s")

    def half(hs_ref, out_ref):
        r0 = s * _SEG
        pltpu.sync_copy(hs_ref.at[pl.ds(r0, _SEG)], agg_sp.at[pl.ds(r0, _SEG)])
        plsc.subcore_barrier()

        def chunk_body(j, m, first, do_idx, do_gather):
            b = m % 3
            pltpu.make_async_copy(hs_ref.at[idxs[m].at[0]], rows[b], semg[b]).wait()
            pltpu.async_copy(rows[b], agg_sp.at[idxs[m].at[1]], sems[b], add=True)
            if do_idx:
                m3 = (m + 3) % 6
                pltpu.async_copy(ec4.at[s, j + 3], idxs[m3], semi[m3])
            if not first:
                b1 = (m + 2) % 3
                pltpu.make_async_copy(
                    rows[b1], agg_sp.at[idxs[(m + 5) % 6].at[1]], sems[b1]
                ).wait()
            if do_gather:
                m2 = (m + 2) % 6
                b2 = (m + 2) % 3
                pltpu.make_async_copy(ec4.at[s, j + 2], idxs[m2], semi[m2]).wait()
                pltpu.async_copy(hs_ref.at[idxs[m2].at[0]], rows[b2], semg[b2])

        for m in range(2):
            pltpu.sync_copy(ec4.at[s, m], idxs[m])
        pltpu.async_copy(ec4.at[s, 2], idxs[2], semi[2])
        for m in range(2):
            pltpu.async_copy(hs_ref.at[idxs[m].at[0]], rows[m], semg[m])
        for j in range(6):
            chunk_body(j, j, first=(j == 0), do_idx=True, do_gather=True)

        def sextet(p, carry):
            for m in range(6):
                chunk_body(6 * p + m, m, first=False, do_idx=True, do_gather=True)
            return carry

        lax.fori_loop(1, _C_NJ // 6, sextet, None)
        for j in range(_C_NJ - 4, _C_NJ):
            m = j % 6
            chunk_body(
                j, m, first=False,
                do_idx=(j + 3 < _C_NJ), do_gather=(j + 2 < _C_NJ),
            )
        jl = _C_NJ - 1
        pltpu.make_async_copy(
            rows[jl % 3], agg_sp.at[idxs[jl % 6].at[1]], sems[jl % 3]
        ).wait()
        plsc.subcore_barrier()
        pltpu.sync_copy(agg_sp.at[pl.ds(r0, _SEG)], out_ref.at[pl.ds(r0, _SEG)])

    @pl.when(c == 0)
    def _():
        half(hs0, s0)

    @pl.when(c == 1)
    def _():
        half(hs1, s1)


def _out_body(x_ref, s0_ref, s1_ref, d_ref, b_ref, out_ref):
    deg = d_ref[0, :, :1] + d_ref[1, :, :1] + 1.0
    dinv = lax.rsqrt(deg)
    out_ref[:, :_H] = x_ref[:, :_H] + jnp.maximum(
        dinv * s0_ref[...] + b_ref[0, :_H][None, :], 0.0
    )
    out_ref[:, _H:] = x_ref[:, _H:] + jnp.maximum(
        dinv * s1_ref[...] + b_ref[0, _H:][None, :], 0.0
    )


_out_call = pl.pallas_call(
    _out_body,
    grid=(_N // _RB,),
    in_specs=[
        pl.BlockSpec((_RB, _D), lambda i: (i, 0)),
        pl.BlockSpec((_RB, _H), lambda i: (i, 0)),
        pl.BlockSpec((_RB, _H), lambda i: (i, 0)),
        pl.BlockSpec((_NC, _RB, _DW), lambda i: (0, i, 0)),
        pl.BlockSpec((1, _D), lambda i: (0, 0)),
    ],
    out_specs=pl.BlockSpec((_RB, _D), lambda i: (i, 0)),
    out_shape=jax.ShapeDtypeStruct((_N, _D), jnp.float32),
)


def kernel(x, edge_index, W, b):
    row = edge_index[0]
    col = edge_index[1]
    col3 = col.reshape(_NC * _NS, _A_NJ, _A_CH)
    zseg = jnp.zeros((_SEG, _DW), jnp.float32)
    ones = jnp.ones((_A_CH, _DW), jnp.float32)
    degs = _deg_call(col3, zseg, ones)
    hs0, hs1 = _mm_call(x, W, degs)
    ec4 = jnp.stack(
        [row.reshape(_NS, _C_NJ, _C_CH), col.reshape(_NS, _C_NJ, _C_CH)], axis=2
    )
    s0, s1 = _agg_call(hs0, hs1, ec4)
    return _out_call(x, s0, s1, degs, b.reshape(1, _D))

# --- scband reference (transcript-rebuilt; emitter-appended) ---
"""Pipeline reference for scband-gcnconv-layer-11416023073421 (READ-ONLY COPY).

The authoritative reference and input builder live on the scoring server;
editing this copy changes nothing except your own understanding.
"""

import jax, jax.numpy as jnp
import numpy as np

N = 10000
E = 160000
D = 256


def gcn_forward(x, edge_index, W, b):
    n = x.shape[0]
    loops = jnp.arange(n, dtype=edge_index.dtype)
    row = jnp.concatenate([edge_index[0], loops])  # source nodes (with self-loops)
    col = jnp.concatenate([edge_index[1], loops])  # target nodes (with self-loops)
    # symmetric GCN normalization: deg computed on target index (PyG gcn_norm)
    deg = jnp.zeros((n,), dtype=x.dtype).at[col].add(1.0)
    dinv = jnp.where(deg > 0, 1.0 / jnp.sqrt(deg), 0.0)
    norm = dinv[row] * dinv[col]
    h = x @ W  # linear transform (bias applied after aggregation, as in GCNConv)
    msg = h[row] * norm[:, None]
    agg = jnp.zeros_like(h).at[col].add(msg) + b
    out = jax.nn.relu(agg)
    # dropout is identity in eval mode (p applied only when training)
    # residual=True
    return x + out


def setup_inputs(seed: int = 0) -> dict:
    key = jax.random.key(seed)
    k1, k2, k3 = jax.random.split(key, 3)
    x = jax.random.normal(k1, (N, D), dtype=jnp.float32)
    edge_index = jax.random.randint(k2, (2, E), 0, N, dtype=jnp.int32)
    W = jax.random.normal(k3, (D, D), dtype=jnp.float32) * 0.05
    b = jnp.zeros((D,), dtype=jnp.float32)
    return {"x": x, "edge_index": edge_index, "W": W, "b": b}


def reference(x, edge_index, W, b):
    return gcn_forward(x, edge_index, W, b)

if __name__ == "__main__":
    import jax
    _d = setup_inputs()
    print(jax.jit(kernel)(*tuple(_d.values())))

</pallas_src>

<mosaic_0001>
#map = affine_map<(d0, d1) -> (0, 0)>
#map1 = affine_map<(d0, d1) -> (0, 0, 0, 0)>
module attributes {stable_mosaic.version = 14 : i64} {
  func.func @_agg_call(%arg0: i32, %arg1: i32, %arg2: memref<10240x128xf32, #tpu.memory_space<hbm>>, %arg3: memref<10240x128xf32, #tpu.memory_space<hbm>>, %arg4: memref<16x100x2x100xi32, #tpu.memory_space<hbm>>, %arg5: memref<10240x128xf32, #tpu.memory_space<hbm>>, %arg6: memref<10240x128xf32, #tpu.memory_space<hbm>>, %arg7: memref<2x100xi32, #tpu.memory_space<vmem>>, %arg8: memref<2x100xi32, #tpu.memory_space<vmem>>, %arg9: memref<2x100xi32, #tpu.memory_space<vmem>>, %arg10: memref<2x100xi32, #tpu.memory_space<vmem>>, %arg11: memref<2x100xi32, #tpu.memory_space<vmem>>, %arg12: memref<2x100xi32, #tpu.memory_space<vmem>>, %arg13: memref<100x128xf32, #tpu.memory_space<vmem>>, %arg14: memref<100x128xf32, #tpu.memory_space<vmem>>, %arg15: memref<100x128xf32, #tpu.memory_space<vmem>>, %arg16: memref<!tpu.dma_semaphore, #tpu.memory_space<semaphore_mem>>, %arg17: memref<!tpu.dma_semaphore, #tpu.memory_space<semaphore_mem>>, %arg18: memref<!tpu.dma_semaphore, #tpu.memory_space<semaphore_mem>>, %arg19: memref<!tpu.dma_semaphore, #tpu.memory_space<semaphore_mem>>, %arg20: memref<!tpu.dma_semaphore, #tpu.memory_space<semaphore_mem>>, %arg21: memref<!tpu.dma_semaphore, #tpu.memory_space<semaphore_mem>>, %arg22: memref<!tpu.dma_semaphore, #tpu.memory_space<semaphore_mem>>, %arg23: memref<!tpu.dma_semaphore, #tpu.memory_space<semaphore_mem>>, %arg24: memref<!tpu.dma_semaphore, #tpu.memory_space<semaphore_mem>>, %arg25: memref<!tpu.dma_semaphore, #tpu.memory_space<semaphore_mem>>, %arg26: memref<!tpu.dma_semaphore, #tpu.memory_space<semaphore_mem>>, %arg27: memref<!tpu.dma_semaphore, #tpu.memory_space<semaphore_mem>>, %arg28: memref<10240x128xf32, #tpu.memory_space<vmem_shared>>) attributes {dimension_semantics = [#tpu.dimension_semantics<core_parallel>, #tpu.dimension_semantics<subcore_parallel>], iteration_bounds = array<i64: 2, 16>, scalar_prefetch = 0 : i64, scratch_operands = 22 : i64, tpu.core_type = #tpu.core_type<sc_vector_subcore>, window_params = [{transform_indices = #map}, {transform_indices = #map}, {transform_indices = #map1}, {transform_indices = #map}, {transform_indices = #map}]} {
    %eq3A = arith.constant 0 : i32
    %eq3A_0 = arith.cmpi eq, %arg0, %eq3A : i32
    %convert_element_type3A = arith.extui %eq3A_0 : i1 to i32
    %cond3A = arith.constant 0 : i32
    %cond3A_1 = arith.cmpi ne, %convert_element_type3A, %cond3A : i32
    scf.if %cond3A_1 {
      %mul3A = arith.constant 640 : i32
      %mul3A_7 = arith.muli %arg1, %mul3A : i32
      "tpu.region"() ({
        %run_scoped3A_436 = tpu.sem_alloc : memref<!tpu.dma_semaphore, #tpu.memory_space<semaphore_mem>>
        %dma_start3A_437 = arith.constant 0 : i32
        %dma_start3A_438 = tpu.memref_slice %arg28[%mul3A_7, %dma_start3A_437] : memref<10240x128xf32, #tpu.memory_space<vmem_shared>> -> memref<640x128xf32, #tpu.memory_space<vmem_shared>>
        %dma_start3A_439 = arith.constant 0 : i32
        %dma_start3A_440 = tpu.memref_slice %arg2[%mul3A_7, %dma_start3A_439] : memref<10240x128xf32, #tpu.memory_space<hbm>> -> memref<640x128xf32, #tpu.memory_space<hbm>>
        tpu.enqueue_dma source(%dma_start3A_440 : memref<640x128xf32, #tpu.memory_space<hbm>>) target(%dma_start3A_438 : memref<640x128xf32, #tpu.memory_space<vmem_shared>>) target_semaphore(%run_scoped3A_436 : memref<!tpu.dma_semaphore, #tpu.memory_space<semaphore_mem>>)
        %dma_wait3A_441 = arith.constant 0 : i32
        %dma_wait3A_442 = tpu.memref_slice %arg28[%mul3A_7, %dma_wait3A_441] : memref<10240x128xf32, #tpu.memory_space<vmem_shared>> -> memref<640x128xf32, #tpu.memory_space<vmem_shared>>
        %dma_wait3A_443 = arith.constant 0 : i32
        %dma_wait3A_444 = tpu.memref_slice %arg2[%mul3A_7, %dma_wait3A_443] : memref<10240x128xf32, #tpu.memory_space<hbm>> -> memref<640x128xf32, #tpu.memory_space<hbm>>
        tpu.wait_dma2 semaphore(%run_scoped3A_436 : memref<!tpu.dma_semaphore, #tpu.memory_space<semaphore_mem>>) src(%dma_wait3A_444 : memref<640x128xf32, #tpu.memory_space<hbm>>) dst(%dma_wait3A_442 : memref<640x128xf32, #tpu.memory_space<vmem_shared>>)
        tpu.yield
      }) : () -> ()
      %barrier3A = arith.constant 0 : index
      tpu.barrier barrier_id(%barrier3A)
      %run_scoped3A = arith.constant 0 : i32
      "tpu.region"() ({
        %run_scoped3A_436 = tpu.sem_alloc : memref<!tpu.dma_semaphore, #tpu.memory_space<semaphore_mem>>
        %dma_start3A_437 = arith.constant 0 : i32
        %dma_start3A_438 = arith.constant 0 : i32
        %dma_start3A_439 = tpu.memref_slice %arg4[%arg1, %run_scoped3A, %dma_start3A_437, %dma_start3A_438] : memref<16x100x2x100xi32, #tpu.memory_space<hbm>> -> memref<1x1x2x100xi32, #tpu.memory_space<hbm>>
        %dma_start3A_440 = tpu.memref_squeeze %dma_start3A_439 : memref<1x1x2x100xi32, #tpu.memory_space<hbm>> -> memref<2x100xi32, #tpu.memory_space<hbm>>
        %dma_start3A_441 = arith.constant 0 : i32
        %dma_start3A_442 = arith.constant 0 : i32
        %dma_start3A_443 = tpu.memref_slice %arg4[%arg1, %run_scoped3A, %dma_start3A_441, %dma_start3A_442] : memref<16x100x2x100xi32, #tpu.memory_space<hbm>> -> memref<1x1x2x100xi32, #tpu.memory_space<hbm>>
        %dma_start3A_444 = tpu.memref_squeeze %dma_start3A_443 : memref<1x1x2x100xi32, #tpu.memory_space<hbm>> -> memref<2x100xi32, #tpu.memory_space<hbm>>
        tpu.enqueue_dma source(%dma_start3A_444 : memref<2x100xi32, #tpu.memory_space<hbm>>) target(%arg7 : memref<2x100xi32, #tpu.memory_space<vmem>>) target_semaphore(%run_scoped3A_436 : memref<!tpu.dma_semaphore, #tpu.memory_space<semaphore_mem>>)
        %dma_wait3A_445 = arith.constant 0 : i32
        %dma_wait3A_446 = arith.constant 0 : i32
        %dma_wait3A_447 = tpu.memref_slice %arg4[%arg1, %run_scoped3A, %dma_wait3A_445, %dma_wait3A_446] : memref<16x100x2x100xi32, #tpu.memory_space<hbm>> -> memref<1x1x2x100xi32, #tpu.memory_space<hbm>>
        %dma_wait3A_448 = tpu.memref_squeeze %dma_wait3A_447 : memref<1x1x2x100xi32, #tpu.memory_space<hbm>> -> memref<2x100xi32, #tpu.memory_space<hbm>>
        %dma_wait3A_449 = arith.constant 0 : i32
        %dma_wait3A_450 = arith.constant 0 : i32
        %dma_wait3A_451 = tpu.memref_slice %arg4[%arg1, %run_scoped3A, %dma_wait3A_449, %dma_wait3A_450] : memref<16x100x2x100xi32, #tpu.memory_space<hbm>> -> memref<1x1x2x100xi32, #tpu.memory_space<hbm>>
        %dma_wait3A_452 = tpu.memref_squeeze %dma_wait3A_451 : memref<1x1x2x100xi32, #tpu.memory_space<hbm>> -> memref<2x100xi32, #tpu.memory_space<hbm>>
        tpu.wait_dma2 semaphore(%run_scoped3A_436 : memref<!tpu.dma_semaphore, #tpu.memory_space<semaphore_mem>>) src(%dma_wait3A_452 : memref<2x100xi32, #tpu.memory_space<hbm>>) dst(%arg7 : memref<2x100xi32, #tpu.memory_space<vmem>>)
        tpu.yield
      }) : () -> ()
      %run_scoped3A_8 = arith.constant 1 : i32
      "tpu.region"() ({
        %run_scoped3A_436 = tpu.sem_alloc : memref<!tpu.dma_semaphore, #tpu.memory_space<semaphore_mem>>
        %dma_start3A_437 = arith.constant 0 : i32
        %dma_start3A_438 = arith.constant 0 : i32
        %dma_start3A_439 = tpu.memref_slice %arg4[%arg1, %run_scoped3A_8, %dma_start3A_437, %dma_start3A_438] : memref<16x100x2x100xi32, #tpu.memory_space<hbm>> -> memref<1x1x2x100xi32, #tpu.memory_space<hbm>>
        %dma_start3A_440 = tpu.memref_squeeze %dma_start3A_439 : memref<1x1x2x100xi32, #tpu.memory_space<hbm>> -> memref<2x100xi32, #tpu.memory_space<hbm>>
        %dma_start3A_441 = arith.constant 0 : i32
        %dma_start3A_442 = arith.constant 0 : i32
        %dma_start3A_443 = tpu.memref_slice %arg4[%arg1, %run_scoped3A_8, %dma_start3A_441, %dma_start3A_442] : memref<16x100x2x100xi32, #tpu.memory_space<hbm>> -> memref<1x1x2x100xi32, #tpu.memory_space<hbm>>
        %dma_start3A_444 = tpu.memref_squeeze %dma_start3A_443 : memref<1x1x2x100xi32, #tpu.memory_space<hbm>> -> memref<2x100xi32, #tpu.memory_space<hbm>>
        tpu.enqueue_dma source(%dma_start3A_444 : memref<2x100xi32, #tpu.memory_space<hbm>>) target(%arg8 : memref<2x100xi32, #tpu.memory_space<vmem>>) target_semaphore(%run_scoped3A_436 : memref<!tpu.dma_semaphore, #tpu.memory_space<semaphore_mem>>)
        %dma_wait3A_445 = arith.constant 0 : i32
        %dma_wait3A_446 = arith.constant 0 : i32
        %dma_wait3A_447 = tpu.memref_slice %arg4[%arg1, %run_scoped3A_8, %dma_wait3A_445, %dma_wait3A_446] : memref<16x100x2x100xi32, #tpu.memory_space<hbm>> -> memref<1x1x2x100xi32, #tpu.memory_space<hbm>>
        %dma_wait3A_448 = tpu.memref_squeeze %dma_wait3A_447 : memref<1x1x2x100xi32, #tpu.memory_space<hbm>> -> memref<2x100xi32, #tpu.memory_space<hbm>>
        %dma_wait3A_449 = arith.constant 0 : i32
        %dma_wait3A_450 = arith.constant 0 : i32
        %dma_wait3A_451 = tpu.memref_slice %arg4[%arg1, %run_scoped3A_8, %dma_wait3A_449, %dma_wait3A_450] : memref<16x100x2x100xi32, #tpu.memory_space<hbm>> -> memref<1x1x2x100xi32, #tpu.memory_space<hbm>>
        %dma_wait3A_452 = tpu.memref_squeeze %dma_wait3A_451 : memref<1x1x2x100xi32, #tpu.memory_space<hbm>> -> memref<2x100xi32, #tpu.memory_space<hbm>>
        tpu.wait_dma2 semaphore(%run_scoped3A_436 : memref<!tpu.dma_semaphore, #tpu.memory_space<semaphore_mem>>) src(%dma_wait3A_452 : memref<2x100xi32, #tpu.memory_space<hbm>>) dst(%arg8 : memref<2x100xi32, #tpu.memory_space<vmem>>)
        tpu.yield
      }) : () -> ()
      %dma_start3A = arith.constant 2 : i32
      %dma_start3A_9 = arith.constant 0 : i32
      %dma_start3A_10 = arith.constant 0 : i32
      %dma_start3A_11 = tpu.memref_slice %arg4[%arg1, %dma_start3A, %dma_start3A_9, %dma_start3A_10] : memref<16x100x2x100xi32, #tpu.memory_space<hbm>> -> memref<1x1x2x100xi32, #tpu.memory_space<hbm>>
      %dma_start3A_12 = tpu.memref_squeeze %dma_start3A_11 : memref<1x1x2x100xi32, #tpu.memory_space<hbm>> -> memref<2x100xi32, #tpu.memory_space<hbm>>
      %dma_start3A_13 = arith.constant 0 : i32
      %dma_start3A_14 = arith.constant 0 : i32
      %dma_start3A_15 = tpu.memref_slice %arg4[%arg1, %dma_start3A, %dma_start3A_13, %dma_start3A_14] : memref<16x100x2x100xi32, #tpu.memory_space<hbm>> -> memref<1x1x2x100xi32, #tpu.memory_space<hbm>>
      %dma_start3A_16 = tpu.memref_squeeze %dma_start3A_15 : memref<1x1x2x100xi32, #tpu.memory_space<hbm>> -> memref<2x100xi32, #tpu.memory_space<hbm>>
      tpu.enqueue_dma source(%dma_start3A_16 : memref<2x100xi32, #tpu.memory_space<hbm>>) target(%arg9 : memref<2x100xi32, #tpu.memory_space<vmem>>) target_semaphore(%arg18 : memref<!tpu.dma_semaphore, #tpu.memory_space<semaphore_mem>>)
      %dma_start3A_17 = arith.constant 0 : i32
      %dma_start3A_18 = arith.constant 0 : i32
      %dma_start3A_19 = tpu.memref_slice %arg7[%dma_start3A_17, %dma_start3A_18] : memref<2x100xi32, #tpu.memory_space<vmem>> -> memref<1x100xi32, #tpu.memory_space<vmem>>
      %dma_start3A_20 = tpu.memref_squeeze %dma_start3A_19 : memref<1x100xi32, #tpu.memory_space<vmem>> -> memref<100xi32, #tpu.memory_space<vmem>>
      %dma_start3A_21 = arith.constant 0 : i32
      %dma_start3A_22 = arith.constant 0 : i32
      %dma_start3A_23 = tpu.memref_slice %arg2[%dma_start3A_21, %dma_start3A_22] : memref<10240x128xf32, #tpu.memory_space<hbm>> -> memref<10240x128xf32, #tpu.memory_space<hbm>>
      tpu.enqueue_indirect_dma source(%dma_start3A_23 : memref<10240x128xf32, #tpu.memory_space<hbm>>) target(%arg13 : memref<100x128xf32, #tpu.memory_space<vmem>>) offsets(%dma_start3A_20 : memref<100xi32, #tpu.memory_space<vmem>>) semaphore(%arg22 : memref<!tpu.dma_semaphore, #tpu.memory_space<semaphore_mem>>)
      %dma_start3A_24 = arith.constant 0 : i32
      %dma_start3A_25 = arith.constant 0 : i32
      %dma_start3A_26 = tpu.memref_slice %arg8[%dma_start3A_24, %dma_start3A_25] : memref<2x100xi32, #tpu.memory_space<vmem>> -> memref<1x100xi32, #tpu.memory_space<vmem>>
      %dma_start3A_27 = tpu.memref_squeeze %dma_start3A_26 : memref<1x100xi32, #tpu.memory_space<vmem>> -> memref<100xi32, #tpu.memory_space<vmem>>
      %dma_start3A_28 = arith.constant 0 : i32
      %dma_start3A_29 = arith.constant 0 : i32
      %dma_start3A_30 = tpu.memref_slice %arg2[%dma_start3A_28, %dma_start3A_29] : memref<10240x128xf32, #tpu.memory_space<hbm>> -> memref<10240x128xf32, #tpu.memory_space<hbm>>
      tpu.enqueue_indirect_dma source(%dma_start3A_30 : memref<10240x128xf32, #tpu.memory_space<hbm>>) target(%arg14 : memref<100x128xf32, #tpu.memory_space<vmem>>) offsets(%dma_start3A_27 : memref<100xi32, #tpu.memory_space<vmem>>) semaphore(%arg23 : memref<!tpu.dma_semaphore, #tpu.memory_space<semaphore_mem>>)
      %dma_wait3A = arith.constant 0 : i32
      %dma_wait3A_31 = arith.constant 0 : i32
      %dma_wait3A_32 = tpu.memref_slice %arg7[%dma_wait3A, %dma_wait3A_31] : memref<2x100xi32, #tpu.memory_space<vmem>> -> memref<1x100xi32, #tpu.memory_space<vmem>>
      %dma_wait3A_33 = tpu.memref_squeeze %dma_wait3A_32 : memref<1x100xi32, #tpu.memory_space<vmem>> -> memref<100xi32, #tpu.memory_space<vmem>>
      %dma_wait3A_34 = arith.constant 0 : i32
      %dma_wait3A_35 = arith.constant 0 : i32
      %dma_wait3A_36 = tpu.memref_slice %arg2[%dma_wait3A_34, %dma_wait3A_35] : memref<10240x128xf32, #tpu.memory_space<hbm>> -> memref<10240x128xf32, #tpu.memory_space<hbm>>
      tpu.wait_indirect_dma semaphore(%arg22 : memref<!tpu.dma_semaphore, #tpu.memory_space<semaphore_mem>>) src(%dma_wait3A_36 : memref<10240x128xf32, #tpu.memory_space<hbm>>) dst(%arg13 : memref<100x128xf32, #tpu.memory_space<vmem>>)
      %dma_start3A_37 = arith.constant 1 : i32
      %dma_start3A_38 = arith.constant 0 : i32
      %dma_start3A_39 = tpu.memref_slice %arg7[%dma_start3A_37, %dma_start3A_38] : memref<2x100xi32, #tpu.memory_space<vmem>> -> memref<1x100xi32, #tpu.memory_space<vmem>>
      %dma_start3A_40 = tpu.memref_squeeze %dma_start3A_39 : memref<1x100xi32, #tpu.memory_space<vmem>> -> memref<100xi32, #tpu.memory_space<vmem>>
      %dma_start3A_41 = arith.constant 0 : i32
      %dma_start3A_42 = arith.constant 0 : i32
      %dma_start3A_43 = tpu.memref_slice %arg28[%dma_start3A_41, %dma_start3A_42] : memref<10240x128xf32, #tpu.memory_space<vmem_shared>> -> memref<10240x128xf32, #tpu.memory_space<vmem_shared>>
      tpu.enqueue_indirect_dma source(%arg13 : memref<100x128xf32, #tpu.memory_space<vmem>>) target(%dma_start3A_43 : memref<10240x128xf32, #tpu.memory_space<vmem_shared>>) offsets(%dma_start3A_40 : memref<100xi32, #tpu.memory_space<vmem>>) semaphore(%arg25 : memref<!tpu.dma_semaphore, #tpu.memory_space<semaphore_mem>>) {add = true}
      %dma_start3A_44 = arith.constant 3 : i32
      %dma_start3A_45 = arith.constant 0 : i32
      %dma_start3A_46 = arith.constant 0 : i32
      %dma_start3A_47 = tpu.memref_slice %arg4[%arg1, %dma_start3A_44, %dma_start3A_45, %dma_start3A_46] : memref<16x100x2x100xi32, #tpu.memory_space<hbm>> -> memref<1x1x2x100xi32, #tpu.memory_space<hbm>>
      %dma_start3A_48 = tpu.memref_squeeze %dma_start3A_47 : memref<1x1x2x100xi32, #tpu.memory_space<hbm>> -> memref<2x100xi32, #tpu.memory_space<hbm>>
      %dma_start3A_49 = arith.constant 0 : i32
      %dma_start3A_50 = arith.constant 0 : i32
      %dma_start3A_51 = tpu.memref_slice %arg4[%arg1, %dma_start3A_44, %dma_start3A_49, %dma_start3A_50] : memref<16x100x2x100xi32, #tpu.memory_space<hbm>> -> memref<1x1x2x100xi32, #tpu.memory_space<hbm>>
      %dma_start3A_52 = tpu.memref_squeeze %dma_start3A_51 : memref<1x1x2x100xi32, #tpu.memory_space<hbm>> -> memref<2x100xi32, #tpu.memory_space<hbm>>
      tpu.enqueue_dma source(%dma_start3A_52 : memref<2x100xi32, #tpu.memory_space<hbm>>) target(%arg10 : memref<2x100xi32, #tpu.memory_space<vmem>>) target_semaphore(%arg19 : memref<!tpu.dma_semaphore, #tpu.memory_space<semaphore_mem>>)
      %dma_wait3A_53 = arith.constant 2 : i32
      %dma_wait3A_54 = arith.constant 0 : i32
      %dma_wait3A_55 = arith.constant 0 : i32
      %dma_wait3A_56 = tpu.memref_slice %arg4[%arg1, %dma_wait3A_53, %dma_wait3A_54, %dma_wait3A_55] : memref<16x100x2x100xi32, #tpu.memory_space<hbm>> -> memref<1x1x2x100xi32, #tpu.memory_space<hbm>>
      %dma_wait3A_57 = tpu.memref_squeeze %dma_wait3A_56 : memref<1x1x2x100xi32, #tpu.memory_space<hbm>> -> memref<2x100xi32, #tpu.memory_space<hbm>>
      %dma_wait3A_58 = arith.constant 0 : i32
      %dma_wait3A_59 = arith.constant 0 : i32
      %dma_wait3A_60 = tpu.memref_slice %arg4[%arg1, %dma_wait3A_53, %dma_wait3A_58, %dma_wait3A_59] : memref<16x100x2x100xi32, #tpu.memory_space<hbm>> -> memref<1x1x2x100xi32, #tpu.memory_space<hbm>>
      %dma_wait3A_61 = tpu.memref_squeeze %dma_wait3A_60 : memref<1x1x2x100xi32, #tpu.memory_space<hbm>> -> memref<2x100xi32, #tpu.memory_space<hbm>>
      tpu.wait_dma2 semaphore(%arg18 : memref<!tpu.dma_semaphore, #tpu.memory_space<semaphore_mem>>) src(%dma_wait3A_61 : memref<2x100xi32, #tpu.memory_space<hbm>>) dst(%arg9 : memref<2x100xi32, #tpu.memory_space<vmem>>)
      %dma_start3A_62 = arith.constant 0 : i32
      %dma_start3A_63 = arith.constant 0 : i32
      %dma_start3A_64 = tpu.memref_slice %arg9[%dma_start3A_62, %dma_start3A_63] : memref<2x100xi32, #tpu.memory_space<vmem>> -> memref<1x100xi32, #tpu.memory_space<vmem>>
      %dma_start3A_65 = tpu.memref_squeeze %dma_start3A_64 : memref<1x100xi32, #tpu.memory_space<vmem>> -> memref<100xi32, #tpu.memory_space<vmem>>
      %dma_start3A_66 = arith.constant 0 : i32
      %dma_start3A_67 = arith.constant 0 : i32
      %dma_start3A_68 = tpu.memref_slice %arg2[%dma_start3A_66, %dma_start3A_67] : memref<10240x128xf32, #tpu.memory_space<hbm>> -> memref<10240x128xf32, #tpu.memory_space<hbm>>
      tpu.enqueue_indirect_dma source(%dma_start3A_68 : memref<10240x128xf32, #tpu.memory_space<hbm>>) target(%arg15 : memref<100x128xf32, #tpu.memory_space<vmem>>) offsets(%dma_start3A_65 : memref<100xi32, #tpu.memory_space<vmem>>) semaphore(%arg24 : memref<!tpu.dma_semaphore, #tpu.memory_space<semaphore_mem>>)
      %dma_wait3A_69 = arith.constant 0 : i32
      %dma_wait3A_70 = arith.constant 0 : i32
      %dma_wait3A_71 = tpu.memref_slice %arg8[%dma_wait3A_69, %dma_wait3A_70] : memref<2x100xi32, #tpu.memory_space<vmem>> -> memref<1x100xi32, #tpu.memory_space<vmem>>
      %dma_wait3A_72 = tpu.memref_squeeze %dma_wait3A_71 : memref<1x100xi32, #tpu.memory_space<vmem>> -> memref<100xi32, #tpu.memory_space<vmem>>
      %dma_wait3A_73 = arith.constant 0 : i32
      %dma_wait3A_74 = arith.constant 0 : i32
      %dma_wait3A_75 = tpu.memref_slice %arg2[%dma_wait3A_73, %dma_wait3A_74] : memref<10240x128xf32, #tpu.memory_space<hbm>> -> memref<10240x128xf32, #tpu.memory_space<hbm>>
      tpu.wait_indirect_dma semaphore(%arg23 : memref<!tpu.dma_semaphore, #tpu.memory_space<semaphore_mem>>) src(%dma_wait3A_75 : memref<10240x128xf32, #tpu.memory_space<hbm>>) dst(%arg14 : memref<100x128xf32, #tpu.memory_space<vmem>>)
      %dma_start3A_76 = arith.constant 1 : i32
      %dma_start3A_77 = arith.constant 0 : i32
      %dma_start3A_78 = tpu.memref_slice %arg8[%dma_start3A_76, %dma_start3A_77] : memref<2x100xi32, #tpu.memory_space<vmem>> -> memref<1x100xi32, #tpu.memory_space<vmem>>
      %dma_start3A_79 = tpu.memref_squeeze %dma_start3A_78 : memref<1x100xi32, #tpu.memory_space<vmem>> -> memref<100xi32, #tpu.memory_space<vmem>>
      %dma_start3A_80 = arith.constant 0 : i32
      %dma_start3A_81 = arith.constant 0 : i32
      %dma_start3A_82 = tpu.memref_slice %arg28[%dma_start3A_80, %dma_start3A_81] : memref<10240x128xf32, #tpu.memory_space<vmem_shared>> -> memref<10240x128xf32, #tpu.memory_space<vmem_shared>>
      tpu.enqueue_indirect_dma source(%arg14 : memref<100x128xf32, #tpu.memory_space<vmem>>) target(%dma_start3A_82 : memref<10240x128xf32, #tpu.memory_space<vmem_shared>>) offsets(%dma_start3A_79 : memref<100xi32, #tpu.memory_space<vmem>>) semaphore(%arg26 : memref<!tpu.dma_semaphore, #tpu.memory_space<semaphore_mem>>) {add = true}
      %dma_start3A_83 = arith.constant 4 : i32
      %dma_start3A_84 = arith.constant 0 : i32
      %dma_start3A_85 = arith.constant 0 : i32
      %dma_start3A_86 = tpu.memref_slice %arg4[%arg1, %dma_start3A_83, %dma_start3A_84, %dma_start3A_85] : memref<16x100x2x100xi32, #tpu.memory_space<hbm>> -> memref<1x1x2x100xi32, #tpu.memory_space<hbm>>
      %dma_start3A_87 = tpu.memref_squeeze %dma_start3A_86 : memref<1x1x2x100xi32, #tpu.memory_space<hbm>> -> memref<2x100xi32, #tpu.memory_space<hbm>>
      %dma_start3A_88 = arith.constant 0 : i32
      %dma_start3A_89 = arith.constant 0 : i32
      %dma_start3A_90 = tpu.memref_slice %arg4[%arg1, %dma_start3A_83, %dma_start3A_88, %dma_start3A_89] : memref<16x100x2x100xi32, #tpu.memory_space<hbm>> -> memref<1x1x2x100xi32, #tpu.memory_space<hbm>>
      %dma_start3A_91 = tpu.memref_squeeze %dma_start3A_90 : memref<1x1x2x100xi32, #tpu.memory_space<hbm>> -> memref<2x100xi32, #tpu.memory_space<hbm>>
      tpu.enqueue_dma source(%dma_start3A_91 : memref<2x100xi32, #tpu.memory_space<hbm>>) target(%arg11 : memref<2x100xi32, #tpu.memory_space<vmem>>) target_semaphore(%arg20 : memref<!tpu.dma_semaphore, #tpu.memory_space<semaphore_mem>>)
      %dma_wait3A_92 = arith.constant 1 : i32
      %dma_wait3A_93 = arith.constant 0 : i32
      %dma_wait3A_94 = tpu.memref_slice %arg7[%dma_wait3A_92, %dma_wait3A_93] : memref<2x100xi32, #tpu.memory_space<vmem>> -> memref<1x100xi32, #tpu.memory_space<vmem>>
      %dma_wait3A_95 = tpu.memref_squeeze %dma_wait3A_94 : memref<1x100xi32, #tpu.memory_space<vmem>> -> memref<100xi32, #tpu.memory_space<vmem>>
      %dma_wait3A_96 = arith.constant 0 : i32
      %dma_wait3A_97 = arith.constant 0 : i32
      %dma_wait3A_98 = tpu.memref_slice %arg28[%dma_wait3A_96, %dma_wait3A_97] : memref<10240x128xf32, #tpu.memory_space<vmem_shared>> -> memref<10240x128xf32, #tpu.memory_space<vmem_shared>>
      tpu.wait_indirect_dma semaphore(%arg25 : memref<!tpu.dma_semaphore, #tpu.memory_space<semaphore_mem>>) src(%arg13 : memref<100x128xf32, #tpu.memory_space<vmem>>) dst(%dma_wait3A_98 : memref<10240x128xf32, #tpu.memory_space<vmem_shared>>)
      %dma_wait3A_99 = arith.constant 3 : i32
      %dma_wait3A_100 = arith.constant 0 : i32
      %dma_wait3A_101 = arith.constant 0 : i32
      %dma_wait3A_102 = tpu.memref_slice %arg4[%arg1, %dma_wait3A_99, %dma_wait3A_100, %dma_wait3A_101] : memref<16x100x2x100xi32, #tpu.memory_space<hbm>> -> memref<1x1x2x100xi32, #tpu.memory_space<hbm>>
      %dma_wait3A_103 = tpu.memref_squeeze %dma_wait3A_102 : memref<1x1x2x100xi32, #tpu.memory_space<hbm>> -> memref<2x100xi32, #tpu.memory_space<hbm>>
      %dma_wait3A_104 = arith.constant 0 : i32
      %dma_wait3A_105 = arith.constant 0 : i32
      %dma_wait3A_106 = tpu.memref_slice %arg4[%arg1, %dma_wait3A_99, %dma_wait3A_104, %dma_wait3A_105] : memref<16x100x2x100xi32, #tpu.memory_space<hbm>> -> memref<1x1x2x100xi32, #tpu.memory_space<hbm>>
      %dma_wait3A_107 = tpu.memref_squeeze %dma_wait3A_106 : memref<1x1x2x100xi32, #tpu.memory_space<hbm>> -> memref<2x100xi32, #tpu.memory_space<hbm>>
      tpu.wait_dma2 semaphore(%arg19 : memref<!tpu.dma_semaphore, #tpu.memory_space<semaphore_mem>>) src(%dma_wait3A_107 : memref<2x100xi32, #tpu.memory_space<hbm>>) dst(%arg10 : memref<2x100xi32, #tpu.memory_space<vmem>>)
      %dma_start3A_108 = arith.constant 0 : i32
      %dma_start3A_109 = arith.constant 0 : i32
      %dma_start3A_110 = tpu.memref_slice %arg10[%dma_start3A_108, %dma_start3A_109] : memref<2x100xi32, #tpu.memory_space<vmem>> -> memref<1x100xi32, #tpu.memory_space<vmem>>
      %dma_start3A_111 = tpu.memref_squeeze %dma_start3A_110 : memref<1x100xi32, #tpu.memory_space<vmem>> -> memref<100xi32, #tpu.memory_space<vmem>>
      %dma_start3A_112 = arith.constant 0 : i32
      %dma_start3A_113 = arith.constant 0 : i32
      %dma_start3A_114 = tpu.memref_slice %arg2[%dma_start3A_112, %dma_start3A_113] : memref<10240x128xf32, #tpu.memory_space<hbm>> -> memref<10240x128xf32, #tpu.memory_space<hbm>>
      tpu.enqueue_indirect_dma source(%dma_start3A_114 : memref<10240x128xf32, #tpu.memory_space<hbm>>) target(%arg13 : memref<100x128xf32, #tpu.memory_space<vmem>>) offsets(%dma_start3A_111 : memref<100xi32, #tpu.memory_space<vmem>>) semaphore(%arg22 : memref<!tpu.dma_semaphore, #tpu.memory_space<semaphore_mem>>)
      %dma_wait3A_115 = arith.constant 0 : i32
      %dma_wait3A_116 = arith.constant 0 : i32
      %dma_wait3A_117 = tpu.memref_slice %arg9[%dma_wait3A_115, %dma_wait3A_116] : memref<2x100xi32, #tpu.memory_space<vmem>> -> memref<1x100xi32, #tpu.memory_space<vmem>>
      %dma_wait3A_118 = tpu.memref_squeeze %dma_wait3A_117 : memref<1x100xi32, #tpu.memory_space<vmem>> -> memref<100xi32, #tpu.memory_space<vmem>>
      %dma_wait3A_119 = arith.constant 0 : i32
      %dma_wait3A_120 = arith.constant 0 : i32
      %dma_wait3A_121 = tpu.memref_slice %arg2[%dma_wait3A_119, %dma_wait3A_120] : memref<10240x128xf32, #tpu.memory_space<hbm>> -> memref<10240x128xf32, #tpu.memory_space<hbm>>
      tpu.wait_indirect_dma semaphore(%arg24 : memref<!tpu.dma_semaphore, #tpu.memory_space<semaphore_mem>>) src(%dma_wait3A_121 : memref<10240x128xf32, #tpu.memory_space<hbm>>) dst(%arg15 : memref<100x128xf32, #tpu.memory_space<vmem>>)
      %dma_start3A_122 = arith.constant 1 : i32
      %dma_start3A_123 = arith.constant 0 : i32
      %dma_start3A_124 = tpu.memref_slice %arg9[%dma_start3A_122, %dma_start3A_123] : memref<2x100xi32, #tpu.memory_space<vmem>> -> memref<1x100xi32, #tpu.memory_space<vmem>>
      %dma_start3A_125 = tpu.memref_squeeze %dma_start3A_124 : memref<1x100xi32, #tpu.memory_space<vmem>> -> memref<100xi32, #tpu.memory_space<vmem>>
      %dma_start3A_126 = arith.constant 0 : i32
      %dma_start3A_127 = arith.constant 0 : i32
      %dma_start3A_128 = tpu.memref_slice %arg28[%dma_start3A_126, %dma_start3A_127] : memref<10240x128xf32, #tpu.memory_space<vmem_shared>> -> memref<10240x128xf32, #tpu.memory_space<vmem_shared>>
      tpu.enqueue_indirect_dma source(%arg15 : memref<100x128xf32, #tpu.memory_space<vmem>>) target(%dma_start3A_128 : memref<10240x128xf32, #tpu.memory_space<vmem_shared>>) offsets(%dma_start3A_125 : memref<100xi32, #tpu.memory_space<vmem>>) semaphore(%arg27 : memref<!tpu.dma_semaphore, #tpu.memory_space<semaphore_mem>>) {add = true}
      %dma_start3A_129 = arith.constant 5 : i32
      %dma_start3A_130 = arith.constant 0 : i32
      %dma_start3A_131 = arith.constant 0 : i32
      %dma_start3A_132 = tpu.memref_slice %arg4[%arg1, %dma_start3A_129, %dma_start3A_130, %dma_start3A_131] : memref<16x100x2x100xi32, #tpu.memory_space<hbm>> -> memref<1x1x2x100xi32, #tpu.memory_space<hbm>>
      %dma_start3A_133 = tpu.memref_squeeze %dma_start3A_132 : memref<1x1x2x100xi32, #tpu.memory_space<hbm>> -> memref<2x100xi32, #tpu.memory_space<hbm>>
      %dma_start3A_134 = arith.constant 0 : i32
      %dma_start3A_135 = arith.constant 0 : i32
      %dma_start3A_136 = tpu.memref_slice %arg4[%arg1, %dma_start3A_129, %dma_start3A_134, %dma_start3A_135] : memref<16x100x2x100xi32, #tpu.memory_space<hbm>> -> memref<1x1x2x100xi32, #tpu.memory_space<hbm>>
      %dma_start3A_137 = tpu.memref_squeeze %dma_start3A_136 : memref<1x1x2x100xi32, #tpu.memory_space<hbm>> -> memref<2x100xi32, #tpu.memory_space<hbm>>
      tpu.enqueue_dma source(%dma_start3A_137 : memref<2x100xi32, #tpu.memory_space<hbm>>) target(%arg12 : memref<2x100xi32, #tpu.memory_space<vmem>>) target_semaphore(%arg21 : memref<!tpu.dma_semaphore, #tpu.memory_space<semaphore_mem>>)
      %dma_wait3A_138 = arith.constant 1 : i32
      %dma_wait3A_139 = arith.constant 0 : i32
      %dma_wait3A_140 = tpu.memref_slice %arg8[%dma_wait3A_138, %dma_wait3A_139] : memref<2x100xi32, #tpu.memory_space<vmem>> -> memref<1x100xi32, #tpu.memory_space<vmem>>
      %dma_wait3A_141 = tpu.memref_squeeze %dma_wait3A_140 : memref<1x100xi32, #tpu.memory_space<vmem>> -> memref<100xi32, #tpu.memory_space<vmem>>
      %dma_wait3A_142 = arith.constant 0 : i32
      %dma_wait3A_143 = arith.constant 0 : i32
      %dma_wait3A_144 = tpu.memref_slice %arg28[%dma_wait3A_142, %dma_wait3A_143] : memref<10240x128xf32, #tpu.memory_space<vmem_shared>> -> memref<10240x128xf32, #tpu.memory_space<vmem_shared>>
      tpu.wait_indirect_dma semaphore(%arg26 : memref<!tpu.dma_semaphore, #tpu.memory_space<semaphore_mem>>) src(%arg14 : memref<100x128xf32, #tpu.memory_space<vmem>>) dst(%dma_wait3A_144 : memref<10240x128xf32, #tpu.memory_space<vmem_shared>>)
      %dma_wait3A_145 = arith.constant 4 : i32
      %dma_wait3A_146 = arith.constant 0 : i32
      %dma_wait3A_147 = arith.constant 0 : i32
      %dma_wait3A_148 = tpu.memref_slice %arg4[%arg1, %dma_wait3A_145, %dma_wait3A_146, %dma_wait3A_147] : memref<16x100x2x100xi32, #tpu.memory_space<hbm>> -> memref<1x1x2x100xi32, #tpu.memory_space<hbm>>
      %dma_wait3A_149 = tpu.memref_squeeze %dma_wait3A_148 : memref<1x1x2x100xi32, #tpu.memory_space<hbm>> -> memref<2x100xi32, #tpu.memory_space<hbm>>
      %dma_wait3A_150 = arith.constant 0 : i32
      %dma_wait3A_151 = arith.constant 0 : i32
      %dma_wait3A_152 = tpu.memref_slice %arg4[%arg1, %dma_wait3A_145, %dma_wait3A_150, %dma_wait3A_151] : memref<16x100x2x100xi32, #tpu.memory_space<hbm>> -> memref<1x1x2x100xi32, #tpu.memory_space<hbm>>
      %dma_wait3A_153 = tpu.memref_squeeze %dma_wait3A_152 : memref<1x1x2x100xi32, #tpu.memory_space<hbm>> -> memref<2x100xi32, #tpu.memory_space<hbm>>
      tpu.wait_dma2 semaphore(%arg20 : memref<!tpu.dma_semaphore, #tpu.memory_space<semaphore_mem>>) src(%dma_wait3A_153 : memref<2x100xi32, #tpu.memory_space<hbm>>) dst(%arg11 : memref<2x100xi32, #tpu.memory_space<vmem>>)
      %dma_start3A_154 = arith.constant 0 : i32
      %dma_start3A_155 = arith.constant 0 : i32
      %dma_start3A_156 = tpu.memref_slice %arg11[%dma_start3A_154, %dma_start3A_155] : memref<2x100xi32, #tpu.memory_space<vmem>> -> memref<1x100xi32, #tpu.memory_space<vmem>>
      %dma_start3A_157 = tpu.memref_squeeze %dma_start3A_156 : memref<1x100xi32, #tpu.memory_space<vmem>> -> memref<100xi32, #tpu.memory_space<vmem>>
      %dma_start3A_158 = arith.constant 0 : i32
      %dma_start3A_159 = arith.constant 0 : i32
      %dma_start3A_160 = tpu.memref_slice %arg2[%dma_start3A_158, %dma_start3A_159] : memref<10240x128xf32, #tpu.memory_space<hbm>> -> memref<10240x128xf32, #tpu.memory_space<hbm>>
      tpu.enqueue_indirect_dma source(%dma_start3A_160 : memref<10240x128xf32, #tpu.memory_space<hbm>>) target(%arg14 : memref<100x128xf32, #tpu.memory_space<vmem>>) offsets(%dma_start3A_157 : memref<100xi32, #tpu.memory_space<vmem>>) semaphore(%arg23 : memref<!tpu.dma_semaphore, #tpu.memory_space<semaphore_mem>>)
      %dma_wait3A_161 = arith.constant 0 : i32
      %dma_wait3A_162 = arith.constant 0 : i32
      %dma_wait3A_163 = tpu.memref_slice %arg10[%dma_wait3A_161, %dma_wait3A_162] : memref<2x100xi32, #tpu.memory_space<vmem>> -> memref<1x100xi32, #tpu.memory_space<vmem>>
      %dma_wait3A_164 = tpu.memref_squeeze %dma_wait3A_163 : memref<1x100xi32, #tpu.memory_space<vmem>> -> memref<100xi32, #tpu.memory_space<vmem>>
      %dma_wait3A_165 = arith.constant 0 : i32
      %dma_wait3A_166 = arith.constant 0 : i32
      %dma_wait3A_167 = tpu.memref_slice %arg2[%dma_wait3A_165, %dma_wait3A_166] : memref<10240x128xf32, #tpu.memory_space<hbm>> -> memref<10240x128xf32, #tpu.memory_space<hbm>>
      tpu.wait_indirect_dma semaphore(%arg22 : memref<!tpu.dma_semaphore, #tpu.memory_space<semaphore_mem>>) src(%dma_wait3A_167 : memref<10240x128xf32, #tpu.memory_space<hbm>>) dst(%arg13 : memref<100x128xf32, #tpu.memory_space<vmem>>)
      %dma_start3A_168 = arith.constant 1 : i32
      %dma_start3A_169 = arith.constant 0 : i32
      %dma_start3A_170 = tpu.memref_slice %arg10[%dma_start3A_168, %dma_start3A_169] : memref<2x100xi32, #tpu.memory_space<vmem>> -> memref<1x100xi32, #tpu.memory_space<vmem>>
      %dma_start3A_171 = tpu.memref_squeeze %dma_start3A_170 : memref<1x100xi32, #tpu.memory_space<vmem>> -> memref<100xi32, #tpu.memory_space<vmem>>
      %dma_start3A_172 = arith.constant 0 : i32
      %dma_start3A_173 = arith.constant 0 : i32
      %dma_start3A_174 = tpu.memref_slice %arg28[%dma_start3A_172, %dma_start3A_173] : memref<10240x128xf32, #tpu.memory_space<vmem_shared>> -> memref<10240x128xf32, #tpu.memory_space<vmem_shared>>
      tpu.enqueue_indirect_dma source(%arg13 : memref<100x128xf32, #tpu.memory_space<vmem>>) target(%dma_start3A_174 : memref<10240x128xf32, #tpu.memory_space<vmem_shared>>) offsets(%dma_start3A_171 : memref<100xi32, #tpu.memory_space<vmem>>) semaphore(%arg25 : memref<!tpu.dma_semaphore, #tpu.memory_space<semaphore_mem>>) {add = true}
      %dma_start3A_175 = arith.constant 6 : i32
      %dma_start3A_176 = arith.constant 0 : i32
      %dma_start3A_177 = arith.constant 0 : i32
      %dma_start3A_178 = tpu.memref_slice %arg4[%arg1, %dma_start3A_175, %dma_start3A_176, %dma_start3A_177] : memref<16x100x2x100xi32, #tpu.memory_space<hbm>> -> memref<1x1x2x100xi32, #tpu.memory_space<hbm>>
      %dma_start3A_179 = tpu.memref_squeeze %dma_start3A_178 : memref<1x1x2x100xi32, #tpu.memory_space<hbm>> -> memref<2x100xi32, #tpu.memory_space<hbm>>
      %dma_start3A_180 = arith.constant 0 : i32
      %dma_start3A_181 = arith.constant 0 : i32
      %dma_start3A_182 = tpu.memref_slice %arg4[%arg1, %dma_start3A_175, %dma_start3A_180, %dma_start3A_181] : memref<16x100x2x100xi32, #tpu.memory_space<hbm>> -> memref<1x1x2x100xi32, #tpu.memory_space<hbm>>
      %dma_start3A_183 = tpu.memref_squeeze %dma_start3A_182 : memref<1x1x2x100xi32, #tpu.memory_space<hbm>> -> memref<2x100xi32, #tpu.memory_space<hbm>>
      tpu.enqueue_dma source(%dma_start3A_183 : memref<2x100xi32, #tpu.memory_space<hbm>>) target(%arg7 : memref<2x100xi32, #tpu.memory_space<vmem>>) target_semaphore(%arg16 : memref<!tpu.dma_semaphore, #tpu.memory_space<semaphore_mem>>)
      %dma_wait3A_184 = arith.constant 1 : i32
      %dma_wait3A_185 = arith.constant 0 : i32
      %dma_wait3A_186 = tpu.memref_slice %arg9[%dma_wait3A_184, %dma_wait3A_185] : memref<2x100xi32, #tpu.memory_space<vmem>> -> memref<1x100xi32, #tpu.memory_space<vmem>>
      %dma_wait3A_187 = tpu.memref_squeeze %dma_wait3A_186 : memref<1x100xi32, #tpu.memory_space<vmem>> -> memref<100xi32, #tpu.memory_space<vmem>>
      %dma_wait3A_188 = arith.constant 0 : i32
      %dma_wait3A_189 = arith.constant 0 : i32
      %dma_wait3A_190 = tpu.memref_slice %arg28[%dma_wait3A_188, %dma_wait3A_189] : memref<10240x128xf32, #tpu.memory_space<vmem_shared>> -> memref<10240x128xf32, #tpu.memory_space<vmem_shared>>
      tpu.wait_indirect_dma semaphore(%arg27 : memref<!tpu.dma_semaphore, #tpu.memory_space<semaphore_mem>>) src(%arg15 : memref<100x128xf32, #tpu.memory_space<vmem>>) dst(%dma_wait3A_190 : memref<10240x128xf32, #tpu.memory_space<vmem_shared>>)
      %dma_wait3A_191 = arith.constant 5 : i32
      %dma_wait3A_192 = arith.constant 0 : i32
      %dma_wait3A_193 = arith.constant 0 : i32
      %dma_wait3A_194 = tpu.memref_slice %arg4[%arg1, %dma_wait3A_191, %dma_wait3A_192, %dma_wait3A_193] : memref<16x100x2x100xi32, #tpu.memory_space<hbm>> -> memref<1x1x2x100xi32, #tpu.memory_space<hbm>>
      %dma_wait3A_195 = tpu.memref_squeeze %dma_wait3A_194 : memref<1x1x2x100xi32, #tpu.memory_space<hbm>> -> memref<2x100xi32, #tpu.memory_space<hbm>>
      %dma_wait3A_196 = arith.constant 0 : i32
      %dma_wait3A_197 = arith.constant 0 : i32
      %dma_wait3A_198 = tpu.memref_slice %arg4[%arg1, %dma_wait3A_191, %dma_wait3A_196, %dma_wait3A_197] : memref<16x100x2x100xi32, #tpu.memory_space<hbm>> -> memref<1x1x2x100xi32, #tpu.memory_space<hbm>>
      %dma_wait3A_199 = tpu.memref_squeeze %dma_wait3A_198 : memref<1x1x2x100xi32, #tpu.memory_space<hbm>> -> memref<2x100xi32, #tpu.memory_space<hbm>>
      tpu.wait_dma2 semaphore(%arg21 : memref<!tpu.dma_semaphore, #tpu.memory_space<semaphore_mem>>) src(%dma_wait3A_199 : memref<2x100xi32, #tpu.memory_space<hbm>>) dst(%arg12 : memref<2x100xi32, #tpu.memory_space<vmem>>)
      %dma_start3A_200 = arith.constant 0 : i32
      %dma_start3A_201 = arith.constant 0 : i32
      %dma_start3A_202 = tpu.memref_slice %arg12[%dma_start3A_200, %dma_start3A_201] : memref<2x100xi32, #tpu.memory_space<vmem>> -> memref<1x100xi32, #tpu.memory_space<vmem>>
      %dma_start3A_203 = tpu.memref_squeeze %dma_start3A_202 : memref<1x100xi32, #tpu.memory_space<vmem>> -> memref<100xi32, #tpu.memory_space<vmem>>
      %dma_start3A_204 = arith.constant 0 : i32
      %dma_start3A_205 = arith.constant 0 : i32
      %dma_start3A_206 = tpu.memref_slice %arg2[%dma_start3A_204, %dma_start3A_205] : memref<10240x128xf32, #tpu.memory_space<hbm>> -> memref<10240x128xf32, #tpu.memory_space<hbm>>
      tpu.enqueue_indirect_dma source(%dma_start3A_206 : memref<10240x128xf32, #tpu.memory_space<hbm>>) target(%arg15 : memref<100x128xf32, #tpu.memory_space<vmem>>) offsets(%dma_start3A_203 : memref<100xi32, #tpu.memory_space<vmem>>) semaphore(%arg24 : memref<!tpu.dma_semaphore, #tpu.memory_space<semaphore_mem>>)
      %dma_wait3A_207 = arith.constant 0 : i32
      %dma_wait3A_208 = arith.constant 0 : i32
      %dma_wait3A_209 = tpu.memref_slice %arg11[%dma_wait3A_207, %dma_wait3A_208] : memref<2x100xi32, #tpu.memory_space<vmem>> -> memref<1x100xi32, #tpu.memory_space<vmem>>
      %dma_wait3A_210 = tpu.memref_squeeze %dma_wait3A_209 : memref<1x100xi32, #tpu.memory_space<vmem>> -> memref<100xi32, #tpu.memory_space<vmem>>
      %dma_wait3A_211 = arith.constant 0 : i32
      %dma_wait3A_212 = arith.constant 0 : i32
      %dma_wait3A_213 = tpu.memref_slice %arg2[%dma_wait3A_211, %dma_wait3A_212] : memref<10240x128xf32, #tpu.memory_space<hbm>> -> memref<10240x128xf32, #tpu.memory_space<hbm>>
      tpu.wait_indirect_dma semaphore(%arg23 : memref<!tpu.dma_semaphore, #tpu.memory_space<semaphore_mem>>) src(%dma_wait3A_213 : memref<10240x128xf32, #tpu.memory_space<hbm>>) dst(%arg14 : memref<100x128xf32, #tpu.memory_space<vmem>>)
      %dma_start3A_214 = arith.constant 1 : i32
      %dma_start3A_215 = arith.constant 0 : i32
      %dma_start3A_216 = tpu.memref_slice %arg11[%dma_start3A_214, %dma_start3A_215] : memref<2x100xi32, #tpu.memory_space<vmem>> -> memref<1x100xi32, #tpu.memory_space<vmem>>
      %dma_start3A_217 = tpu.memref_squeeze %dma_start3A_216 : memref<1x100xi32, #tpu.memory_space<vmem>> -> memref<100xi32, #tpu.memory_space<vmem>>
      %dma_start3A_218 = arith.constant 0 : i32
      %dma_start3A_219 = arith.constant 0 : i32
      %dma_start3A_220 = tpu.memref_slice %arg28[%dma_start3A_218, %dma_start3A_219] : memref<10240x128xf32, #tpu.memory_space<vmem_shared>> -> memref<10240x128xf32, #tpu.memory_space<vmem_shared>>
      tpu.enqueue_indirect_dma source(%arg14 : memref<100x128xf32, #tpu.memory_space<vmem>>) target(%dma_start3A_220 : memref<10240x128xf32, #tpu.memory_space<vmem_shared>>) offsets(%dma_start3A_217 : memref<100xi32, #tpu.memory_space<vmem>>) semaphore(%arg26 : memref<!tpu.dma_semaphore, #tpu.memory_space<semaphore_mem>>) {add = true}
      %dma_start3A_221 = arith.constant 7 : i32
      %dma_start3A_222 = arith.constant 0 : i32
      %dma_start3A_223 = arith.constant 0 : i32
      %dma_start3A_224 = tpu.memref_slice %arg4[%arg1, %dma_start3A_221, %dma_start3A_222, %dma_start3A_223] : memref<16x100x2x100xi32, #tpu.memory_space<hbm>> -> memref<1x1x2x100xi32, #tpu.memory_space<hbm>>
      %dma_start3A_225 = tpu.memref_squeeze %dma_start3A_224 : memref<1x1x2x100xi32, #tpu.memory_space<hbm>> -> memref<2x100xi32, #tpu.memory_space<hbm>>
      %dma_start3A_226 = arith.constant 0 : i32
      %dma_start3A_227 = arith.constant 0 : i32
      %dma_start3A_228 = tpu.memref_slice %arg4[%arg1, %dma_start3A_221, %dma_start3A_226, %dma_start3A_227] : memref<16x100x2x100xi32, #tpu.memory_space<hbm>> -> memref<1x1x2x100xi32, #tpu.memory_space<hbm>>
      %dma_start3A_229 = tpu.memref_squeeze %dma_start3A_228 : memref<1x1x2x100xi32, #tpu.memory_space<hbm>> -> memref<2x100xi32, #tpu.memory_space<hbm>>
      tpu.enqueue_dma source(%dma_start3A_229 : memref<2x100xi32, #tpu.memory_space<hbm>>) target(%arg8 : memref<2x100xi32, #tpu.memory_space<vmem>>) target_semaphore(%arg17 : memref<!tpu.dma_semaphore, #tpu.memory_space<semaphore_mem>>)
      %dma_wait3A_230 = arith.constant 1 : i32
      %dma_wait3A_231 = arith.constant 0 : i32
      %dma_wait3A_232 = tpu.memref_slice %arg10[%dma_wait3A_230, %dma_wait3A_231] : memref<2x100xi32, #tpu.memory_space<vmem>> -> memref<1x100xi32, #tpu.memory_space<vmem>>
      %dma_wait3A_233 = tpu.memref_squeeze %dma_wait3A_232 : memref<1x100xi32, #tpu.memory_space<vmem>> -> memref<100xi32, #tpu.memory_space<vmem>>
      %dma_wait3A_234 = arith.constant 0 : i32
      %dma_wait3A_235 = arith.constant 0 : i32
      %dma_wait3A_236 = tpu.memref_slice %arg28[%dma_wait3A_234, %dma_wait3A_235] : memref<10240x128xf32, #tpu.memory_space<vmem_shared>> -> memref<10240x128xf32, #tpu.memory_space<vmem_shared>>
      tpu.wait_indirect_dma semaphore(%arg25 : memref<!tpu.dma_semaphore, #tpu.memory_space<semaphore_mem>>) src(%arg13 : memref<100x128xf32, #tpu.memory_space<vmem>>) dst(%dma_wait3A_236 : memref<10240x128xf32, #tpu.memory_space<vmem_shared>>)
      %dma_wait3A_237 = arith.constant 6 : i32
      %dma_wait3A_238 = arith.constant 0 : i32
      %dma_wait3A_239 = arith.constant 0 : i32
      %dma_wait3A_240 = tpu.memref_slice %arg4[%arg1, %dma_wait3A_237, %dma_wait3A_238, %dma_wait3A_239] : memref<16x100x2x100xi32, #tpu.memory_space<hbm>> -> memref<1x1x2x100xi32, #tpu.memory_space<hbm>>
      %dma_wait3A_241 = tpu.memref_squeeze %dma_wait3A_240 : memref<1x1x2x100xi32, #tpu.memory_space<hbm>> -> memref<2x100xi32, #tpu.memory_space<hbm>>
      %dma_wait3A_242 = arith.constant 0 : i32
      %dma_wait3A_243 = arith.constant 0 : i32
      %dma_wait3A_244 = tpu.memref_slice %arg4[%arg1, %dma_wait3A_237, %dma_wait3A_242, %dma_wait3A_243] : memref<16x100x2x100xi32, #tpu.memory_space<hbm>> -> memref<1x1x2x100xi32, #tpu.memory_space<hbm>>
      %dma_wait3A_245 = tpu.memref_squeeze %dma_wait3A_244 : memref<1x1x2x100xi32, #tpu.memory_space<hbm>> -> memref<2x100xi32, #tpu.memory_space<hbm>>
      tpu.wait_dma2 semaphore(%arg16 : memref<!tpu.dma_semaphore, #tpu.memory_space<semaphore_mem>>) src(%dma_wait3A_245 : memref<2x100xi32, #tpu.memory_space<hbm>>) dst(%arg7 : memref<2x100xi32, #tpu.memory_space<vmem>>)
      %dma_start3A_246 = arith.constant 0 : i32
      %dma_start3A_247 = arith.constant 0 : i32
      %dma_start3A_248 = tpu.memref_slice %arg7[%dma_start3A_246, %dma_start3A_247] : memref<2x100xi32, #tpu.memory_space<vmem>> -> memref<1x100xi32, #tpu.memory_space<vmem>>
      %dma_start3A_249 = tpu.memref_squeeze %dma_start3A_248 : memref<1x100xi32, #tpu.memory_space<vmem>> -> memref<100xi32, #tpu.memory_space<vmem>>
      %dma_start3A_250 = arith.constant 0 : i32
      %dma_start3A_251 = arith.constant 0 : i32
      %dma_start3A_252 = tpu.memref_slice %arg2[%dma_start3A_250, %dma_start3A_251] : memref<10240x128xf32, #tpu.memory_space<hbm>> -> memref<10240x128xf32, #tpu.memory_space<hbm>>
      tpu.enqueue_indirect_dma source(%dma_start3A_252 : memref<10240x128xf32, #tpu.memory_space<hbm>>) target(%arg13 : memref<100x128xf32, #tpu.memory_space<vmem>>) offsets(%dma_start3A_249 : memref<100xi32, #tpu.memory_space<vmem>>) semaphore(%arg22 : memref<!tpu.dma_semaphore, #tpu.memory_space<semaphore_mem>>)
      %dma_wait3A_253 = arith.constant 0 : i32
      %dma_wait3A_254 = arith.constant 0 : i32
      %dma_wait3A_255 = tpu.memref_slice %arg12[%dma_wait3A_253, %dma_wait3A_254] : memref<2x100xi32, #tpu.memory_space<vmem>> -> memref<1x100xi32, #tpu.memory_space<vmem>>
      %dma_wait3A_256 = tpu.memref_squeeze %dma_wait3A_255 : memref<1x100xi32, #tpu.memory_space<vmem>> -> memref<100xi32, #tpu.memory_space<vmem>>
      %dma_wait3A_257 = arith.constant 0 : i32
      %dma_wait3A_258 = arith.constant 0 : i32
      %dma_wait3A_259 = tpu.memref_slice %arg2[%dma_wait3A_257, %dma_wait3A_258] : memref<10240x128xf32, #tpu.memory_space<hbm>> -> memref<10240x128xf32, #tpu.memory_space<hbm>>
      tpu.wait_indirect_dma semaphore(%arg24 : memref<!tpu.dma_semaphore, #tpu.memory_space<semaphore_mem>>) src(%dma_wait3A_259 : memref<10240x128xf32, #tpu.memory_space<hbm>>) dst(%arg15 : memref<100x128xf32, #tpu.memory_space<vmem>>)
      %dma_start3A_260 = arith.constant 1 : i32
      %dma_start3A_261 = arith.constant 0 : i32
      %dma_start3A_262 = tpu.memref_slice %arg12[%dma_start3A_260, %dma_start3A_261] : memref<2x100xi32, #tpu.memory_space<vmem>> -> memref<1x100xi32, #tpu.memory_space<vmem>>
      %dma_start3A_263 = tpu.memref_squeeze %dma_start3A_262 : memref<1x100xi32, #tpu.memory_space<vmem>> -> memref<100xi32, #tpu.memory_space<vmem>>
      %dma_start3A_264 = arith.constant 0 : i32
      %dma_start3A_265 = arith.constant 0 : i32
      %dma_start3A_266 = tpu.memref_slice %arg28[%dma_start3A_264, %dma_start3A_265] : memref<10240x128xf32, #tpu.memory_space<vmem_shared>> -> memref<10240x128xf32, #tpu.memory_space<vmem_shared>>
      tpu.enqueue_indirect_dma source(%arg15 : memref<100x128xf32, #tpu.memory_space<vmem>>) target(%dma_start3A_266 : memref<10240x128xf32, #tpu.memory_space<vmem_shared>>) offsets(%dma_start3A_263 : memref<100xi32, #tpu.memory_space<vmem>>) semaphore(%arg27 : memref<!tpu.dma_semaphore, #tpu.memory_space<semaphore_mem>>) {add = true}
      %dma_start3A_267 = arith.constant 8 : i32
      %dma_start3A_268 = arith.constant 0 : i32
      %dma_start3A_269 = arith.constant 0 : i32
      %dma_start3A_270 = tpu.memref_slice %arg4[%arg1, %dma_start3A_267, %dma_start3A_268, %dma_start3A_269] : memref<16x100x2x100xi32, #tpu.memory_space<hbm>> -> memref<1x1x2x100xi32, #tpu.memory_space<hbm>>
      %dma_start3A_271 = tpu.memref_squeeze %dma_start3A_270 : memref<1x1x2x100xi32, #tpu.memory_space<hbm>> -> memref<2x100xi32, #tpu.memory_space<hbm>>
      %dma_start3A_272 = arith.constant 0 : i32
      %dma_start3A_273 = arith.constant 0 : i32
      %dma_start3A_274 = tpu.memref_slice %arg4[%arg1, %dma_start3A_267, %dma_start3A_272, %dma_start3A_273] : memref<16x100x2x100xi32, #tpu.memory_space<hbm>> -> memref<1x1x2x100xi32, #tpu.memory_space<hbm>>
      %dma_start3A_275 = tpu.memref_squeeze %dma_start3A_274 : memref<1x1x2x100xi32, #tpu.memory_space<hbm>> -> memref<2x100xi32, #tpu.memory_space<hbm>>
      tpu.enqueue_dma source(%dma_start3A_275 : memref<2x100xi32, #tpu.memory_space<hbm>>) target(%arg9 : memref<2x100xi32, #tpu.memory_space<vmem>>) target_semaphore(%arg18 : memref<!tpu.dma_semaphore, #tpu.memory_space<semaphore_mem>>)
      %dma_wait3A_276 = arith.constant 1 : i32
      %dma_wait3A_277 = arith.constant 0 : i32
      %dma_wait3A_278 = tpu.memref_slice %arg11[%dma_wait3A_276, %dma_wait3A_277] : memref<2x100xi32, #tpu.memory_space<vmem>> -> memref<1x100xi32, #tpu.memory_space<vmem>>
      %dma_wait3A_279 = tpu.memref_squeeze %dma_wait3A_278 : memref<1x100xi32, #tpu.memory_space<vmem>> -> memref<100xi32, #tpu.memory_space<vmem>>
      %dma_wait3A_280 = arith.constant 0 : i32
      %dma_wait3A_281 = arith.constant 0 : i32
      %dma_wait3A_282 = tpu.memref_slice %arg28[%dma_wait3A_280, %dma_wait3A_281] : memref<10240x128xf32, #tpu.memory_space<vmem_shared>> -> memref<10240x128xf32, #tpu.memory_space<vmem_shared>>
      tpu.wait_indirect_dma semaphore(%arg26 : memref<!tpu.dma_semaphore, #tpu.memory_space<semaphore_mem>>) src(%arg14 : memref<100x128xf32, #tpu.memory_space<vmem>>) dst(%dma_wait3A_282 : memref<10240x128xf32, #tpu.memory_space<vmem_shared>>)
      %dma_wait3A_283 = arith.constant 7 : i32
      %dma_wait3A_284 = arith.constant 0 : i32
      %dma_wait3A_285 = arith.constant 0 : i32
      %dma_wait3A_286 = tpu.memref_slice %arg4[%arg1, %dma_wait3A_283, %dma_wait3A_284, %dma_wait3A_285] : memref<16x100x2x100xi32, #tpu.memory_space<hbm>> -> memref<1x1x2x100xi32, #tpu.memory_space<hbm>>
      %dma_wait3A_287 = tpu.memref_squeeze %dma_wait3A_286 : memref<1x1x2x100xi32, #tpu.memory_space<hbm>> -> memref<2x100xi32, #tpu.memory_space<hbm>>
      %dma_wait3A_288 = arith.constant 0 : i32
      %dma_wait3A_289 = arith.constant 0 : i32
      %dma_wait3A_290 = tpu.memref_slice %arg4[%arg1, %dma_wait3A_283, %dma_wait3A_288, %dma_wait3A_289] : memref<16x100x2x100xi32, #tpu.memory_space<hbm>> -> memref<1x1x2x100xi32, #tpu.memory_space<hbm>>
      %dma_wait3A_291 = tpu.memref_squeeze %dma_wait3A_290 : memref<1x1x2x100xi32, #tpu.memory_space<hbm>> -> memref<2x100xi32, #tpu.memory_space<hbm>>
      tpu.wait_dma2 semaphore(%arg17 : memref<!tpu.dma_semaphore, #tpu.memory_space<semaphore_mem>>) src(%dma_wait3A_291 : memref<2x100xi32, #tpu.memory_space<hbm>>) dst(%arg8 : memref<2x100xi32, #tpu.memory_space<vmem>>)
      %dma_start3A_292 = arith.constant 0 : i32
      %dma_start3A_293 = arith.constant 0 : i32
      %dma_start3A_294 = tpu.memref_slice %arg8[%dma_start3A_292, %dma_start3A_293] : memref<2x100xi32, #tpu.memory_space<vmem>> -> memref<1x100xi32, #tpu.memory_space<vmem>>
      %dma_start3A_295 = tpu.memref_squeeze %dma_start3A_294 : memref<1x100xi32, #tpu.memory_space<vmem>> -> memref<100xi32, #tpu.memory_space<vmem>>
      %dma_start3A_296 = arith.constant 0 : i32
      %dma_start3A_297 = arith.constant 0 : i32
      %dma_start3A_298 = tpu.memref_slice %arg2[%dma_start3A_296, %dma_start3A_297] : memref<10240x128xf32, #tpu.memory_space<hbm>> -> memref<10240x128xf32, #tpu.memory_space<hbm>>
      tpu.enqueue_indirect_dma source(%dma_start3A_298 : memref<10240x128xf32, #tpu.memory_space<hbm>>) target(%arg14 : memref<100x128xf32, #tpu.memory_space<vmem>>) offsets(%dma_start3A_295 : memref<100xi32, #tpu.memory_space<vmem>>) semaphore(%arg23 : memref<!tpu.dma_semaphore, #tpu.memory_space<semaphore_mem>>)
      %scan3A = arith.constant 1 : i32
      %scan3A_299 = arith.constant 15 : i32
      %scan3A_300 = arith.addi %scan3A, %scan3A_299 : i32
      %scan3A_301 = arith.constant 1 : i32
      scf.for %scan3A_436 = %scan3A to %scan3A_300 step %scan3A_301  : i32 {
        %mul3A_437 = arith.constant 6 : i32
        %mul3A_438 = arith.muli %mul3A_437, %scan3A_436 : i32
        %add3A = arith.constant 0 : i32
        %add3A_439 = arith.addi %mul3A_438, %add3A : i32
        %dma_wait3A_440 = arith.constant 0 : i32
        %dma_wait3A_441 = arith.constant 0 : i32
        %dma_wait3A_442 = tpu.memref_slice %arg7[%dma_wait3A_440, %dma_wait3A_441] : memref<2x100xi32, #tpu.memory_space<vmem>> -> memref<1x100xi32, #tpu.memory_space<vmem>>
        %dma_wait3A_443 = tpu.memref_squeeze %dma_wait3A_442 : memref<1x100xi32, #tpu.memory_space<vmem>> -> memref<100xi32, #tpu.memory_space<vmem>>
        %dma_wait3A_444 = arith.constant 0 : i32
        %dma_wait3A_445 = arith.constant 0 : i32
        %dma_wait3A_446 = tpu.memref_slice %arg2[%dma_wait3A_444, %dma_wait3A_445] : memref<10240x128xf32, #tpu.memory_space<hbm>> -> memref<10240x128xf32, #tpu.memory_space<hbm>>
        tpu.wait_indirect_dma semaphore(%arg22 : memref<!tpu.dma_semaphore, #tpu.memory_space<semaphore_mem>>) src(%dma_wait3A_446 : memref<10240x128xf32, #tpu.memory_space<hbm>>) dst(%arg13 : memref<100x128xf32, #tpu.memory_space<vmem>>)
        %dma_start3A_447 = arith.constant 1 : i32
        %dma_start3A_448 = arith.constant 0 : i32
        %dma_start3A_449 = tpu.memref_slice %arg7[%dma_start3A_447, %dma_start3A_448] : memref<2x100xi32, #tpu.memory_space<vmem>> -> memref<1x100xi32, #tpu.memory_space<vmem>>
        %dma_start3A_450 = tpu.memref_squeeze %dma_start3A_449 : memref<1x100xi32, #tpu.memory_space<vmem>> -> memref<100xi32, #tpu.memory_space<vmem>>
        %dma_start3A_451 = arith.constant 0 : i32
        %dma_start3A_452 = arith.constant 0 : i32
        %dma_start3A_453 = tpu.memref_slice %arg28[%dma_start3A_451, %dma_start3A_452] : memref<10240x128xf32, #tpu.memory_space<vmem_shared>> -> memref<10240x128xf32, #tpu.memory_space<vmem_shared>>
        tpu.enqueue_indirect_dma source(%arg13 : memref<100x128xf32, #tpu.memory_space<vmem>>) target(%dma_start3A_453 : memref<10240x128xf32, #tpu.memory_space<vmem_shared>>) offsets(%dma_start3A_450 : memref<100xi32, #tpu.memory_space<vmem>>) semaphore(%arg25 : memref<!tpu.dma_semaphore, #tpu.memory_space<semaphore_mem>>) {add = true}
        %add3A_454 = arith.constant 3 : i32
        %add3A_455 = arith.addi %add3A_439, %add3A_454 : i32
        %dma_start3A_456 = arith.constant 0 : i32
        %dma_start3A_457 = arith.constant 0 : i32
        %dma_start3A_458 = tpu.memref_slice %arg4[%arg1, %add3A_455, %dma_start3A_456, %dma_start3A_457] : memref<16x100x2x100xi32, #tpu.memory_space<hbm>> -> memref<1x1x2x100xi32, #tpu.memory_space<hbm>>
        %dma_start3A_459 = tpu.memref_squeeze %dma_start3A_458 : memref<1x1x2x100xi32, #tpu.memory_space<hbm>> -> memref<2x100xi32, #tpu.memory_space<hbm>>
        %dma_start3A_460 = arith.constant 0 : i32
        %dma_start3A_461 = arith.constant 0 : i32
        %dma_start3A_462 = tpu.memref_slice %arg4[%arg1, %add3A_455, %dma_start3A_460, %dma_start3A_461] : memref<16x100x2x100xi32, #tpu.memory_space<hbm>> -> memref<1x1x2x100xi32, #tpu.memory_space<hbm>>
        %dma_start3A_463 = tpu.memref_squeeze %dma_start3A_462 : memref<1x1x2x100xi32, #tpu.memory_space<hbm>> -> memref<2x100xi32, #tpu.memory_space<hbm>>
        tpu.enqueue_dma source(%dma_start3A_463 : memref<2x100xi32, #tpu.memory_space<hbm>>) target(%arg10 : memref<2x100xi32, #tpu.memory_space<vmem>>) target_semaphore(%arg19 : memref<!tpu.dma_semaphore, #tpu.memory_space<semaphore_mem>>)
        %dma_wait3A_464 = arith.constant 1 : i32
        %dma_wait3A_465 = arith.constant 0 : i32
        %dma_wait3A_466 = tpu.memref_slice %arg12[%dma_wait3A_464, %dma_wait3A_465] : memref<2x100xi32, #tpu.memory_space<vmem>> -> memref<1x100xi32, #tpu.memory_space<vmem>>
        %dma_wait3A_467 = tpu.memref_squeeze %dma_wait3A_466 : memref<1x100xi32, #tpu.memory_space<vmem>> -> memref<100xi32, #tpu.memory_space<vmem>>
        %dma_wait3A_468 = arith.constant 0 : i32
        %dma_wait3A_469 = arith.constant 0 : i32
        %dma_wait3A_470 = tpu.memref_slice %arg28[%dma_wait3A_468, %dma_wait3A_469] : memref<10240x128xf32, #tpu.memory_space<vmem_shared>> -> memref<10240x128xf32, #tpu.memory_space<vmem_shared>>
        tpu.wait_indirect_dma semaphore(%arg27 : memref<!tpu.dma_semaphore, #tpu.memory_space<semaphore_mem>>) src(%arg15 : memref<100x128xf32, #tpu.memory_space<vmem>>) dst(%dma_wait3A_470 : memref<10240x128xf32, #tpu.memory_space<vmem_shared>>)
        %add3A_471 = arith.constant 2 : i32
        %add3A_472 = arith.addi %add3A_439, %add3A_471 : i32
        %dma_wait3A_473 = arith.constant 0 : i32
        %dma_wait3A_474 = arith.constant 0 : i32
        %dma_wait3A_475 = tpu.memref_slice %arg4[%arg1, %add3A_472, %dma_wait3A_473, %dma_wait3A_474] : memref<16x100x2x100xi32, #tpu.memory_space<hbm>> -> memref<1x1x2x100xi32, #tpu.memory_space<hbm>>
        %dma_wait3A_476 = tpu.memref_squeeze %dma_wait3A_475 : memref<1x1x2x100xi32, #tpu.memory_space<hbm>> -> memref<2x100xi32, #tpu.memory_space<hbm>>
        %dma_wait3A_477 = arith.constant 0 : i32
        %dma_wait3A_478 = arith.constant 0 : i32
        %dma_wait3A_479 = tpu.memref_slice %arg4[%arg1, %add3A_472, %dma_wait3A_477, %dma_wait3A_478] : memref<16x100x2x100xi32, #tpu.memory_space<hbm>> -> memref<1x1x2x100xi32, #tpu.memory_space<hbm>>
        %dma_wait3A_480 = tpu.memref_squeeze %dma_wait3A_479 : memref<1x1x2x100xi32, #tpu.memory_space<hbm>> -> memref<2x100xi32, #tpu.memory_space<hbm>>
        tpu.wait_dma2 semaphore(%arg18 : memref<!tpu.dma_semaphore, #tpu.memory_space<semaphore_mem>>) src(%dma_wait3A_480 : memref<2x100xi32, #tpu.memory_space<hbm>>) dst(%arg9 : memref<2x100xi32, #tpu.memory_space<vmem>>)
        %dma_start3A_481 = arith.constant 0 : i32
        %dma_start3A_482 = arith.constant 0 : i32
        %dma_start3A_483 = tpu.memref_slice %arg9[%dma_start3A_481, %dma_start3A_482] : memref<2x100xi32, #tpu.memory_space<vmem>> -> memref<1x100xi32, #tpu.memory_space<vmem>>
        %dma_start3A_484 = tpu.memref_squeeze %dma_start3A_483 : memref<1x100xi32, #tpu.memory_space<vmem>> -> memref<100xi32, #tpu.memory_space<vmem>>
        %dma_start3A_485 = arith.constant 0 : i32
        %dma_start3A_486 = arith.constant 0 : i32
        %dma_start3A_487 = tpu.memref_slice %arg2[%dma_start3A_485, %dma_start3A_486] : memref<10240x128xf32, #tpu.memory_space<hbm>> -> memref<10240x128xf32, #tpu.memory_space<hbm>>
        tpu.enqueue_indirect_dma source(%dma_start3A_487 : memref<10240x128xf32, #tpu.memory_space<hbm>>) target(%arg15 : memref<100x128xf32, #tpu.memory_space<vmem>>) offsets(%dma_start3A_484 : memref<100xi32, #tpu.memory_space<vmem>>) semaphore(%arg24 : memref<!tpu.dma_semaphore, #tpu.memory_space<semaphore_mem>>)
        %mul3A_488 = arith.constant 6 : i32
        %mul3A_489 = arith.muli %mul3A_488, %scan3A_436 : i32
        %add3A_490 = arith.constant 1 : i32
        %add3A_491 = arith.addi %mul3A_489, %add3A_490 : i32
        %dma_wait3A_492 = arith.constant 0 : i32
        %dma_wait3A_493 = arith.constant 0 : i32
        %dma_wait3A_494 = tpu.memref_slice %arg8[%dma_wait3A_492, %dma_wait3A_493] : memref<2x100xi32, #tpu.memory_space<vmem>> -> memref<1x100xi32, #tpu.memory_space<vmem>>
        %dma_wait3A_495 = tpu.memref_squeeze %dma_wait3A_494 : memref<1x100xi32, #tpu.memory_space<vmem>> -> memref<100xi32, #tpu.memory_space<vmem>>
        %dma_wait3A_496 = arith.constant 0 : i32
        %dma_wait3A_497 = arith.constant 0 : i32
        %dma_wait3A_498 = tpu.memref_slice %arg2[%dma_wait3A_496, %dma_wait3A_497] : memref<10240x128xf32, #tpu.memory_space<hbm>> -> memref<10240x128xf32, #tpu.memory_space<hbm>>
        tpu.wait_indirect_dma semaphore(%arg23 : memref<!tpu.dma_semaphore, #tpu.memory_space<semaphore_mem>>) src(%dma_wait3A_498 : memref<10240x128xf32, #tpu.memory_space<hbm>>) dst(%arg14 : memref<100x128xf32, #tpu.memory_space<vmem>>)
        %dma_start3A_499 = arith.constant 1 : i32
        %dma_start3A_500 = arith.constant 0 : i32
        %dma_start3A_501 = tpu.memref_slice %arg8[%dma_start3A_499, %dma_start3A_500] : memref<2x100xi32, #tpu.memory_space<vmem>> -> memref<1x100xi32, #tpu.memory_space<vmem>>
        %dma_start3A_502 = tpu.memref_squeeze %dma_start3A_501 : memref<1x100xi32, #tpu.memory_space<vmem>> -> memref<100xi32, #tpu.memory_space<vmem>>
        %dma_start3A_503 = arith.constant 0 : i32
        %dma_start3A_504 = arith.constant 0 : i32
        %dma_start3A_505 = tpu.memref_slice %arg28[%dma_start3A_503, %dma_start3A_504] : memref<10240x128xf32, #tpu.memory_space<vmem_shared>> -> memref<10240x128xf32, #tpu.memory_space<vmem_shared>>
        tpu.enqueue_indirect_dma source(%arg14 : memref<100x128xf32, #tpu.memory_space<vmem>>) target(%dma_start3A_505 : memref<10240x128xf32, #tpu.memory_space<vmem_shared>>) offsets(%dma_start3A_502 : memref<100xi32, #tpu.memory_space<vmem>>) semaphore(%arg26 : memref<!tpu.dma_semaphore, #tpu.memory_space<semaphore_mem>>) {add = true}
        %add3A_506 = arith.constant 3 : i32
        %add3A_507 = arith.addi %add3A_491, %add3A_506 : i32
        %dma_start3A_508 = arith.constant 0 : i32
        %dma_start3A_509 = arith.constant 0 : i32
        %dma_start3A_510 = tpu.memref_slice %arg4[%arg1, %add3A_507, %dma_start3A_508, %dma_start3A_509] : memref<16x100x2x100xi32, #tpu.memory_space<hbm>> -> memref<1x1x2x100xi32, #tpu.memory_space<hbm>>
        %dma_start3A_511 = tpu.memref_squeeze %dma_start3A_510 : memref<1x1x2x100xi32, #tpu.memory_space<hbm>> -> memref<2x100xi32, #tpu.memory_space<hbm>>
        %dma_start3A_512 = arith.constant 0 : i32
        %dma_start3A_513 = arith.constant 0 : i32
        %dma_start3A_514 = tpu.memref_slice %arg4[%arg1, %add3A_507, %dma_start3A_512, %dma_start3A_513] : memref<16x100x2x100xi32, #tpu.memory_space<hbm>> -> memref<1x1x2x100xi32, #tpu.memory_space<hbm>>
        %dma_start3A_515 = tpu.memref_squeeze %dma_start3A_514 : memref<1x1x2x100xi32, #tpu.memory_space<hbm>> -> memref<2x100xi32, #tpu.memory_space<hbm>>
        tpu.enqueue_dma source(%dma_start3A_515 : memref<2x100xi32, #tpu.memory_space<hbm>>) target(%arg11 : memref<2x100xi32, #tpu.memory_space<vmem>>) target_semaphore(%arg20 : memref<!tpu.dma_semaphore, #tpu.memory_space<semaphore_mem>>)
        %dma_wait3A_516 = arith.constant 1 : i32
        %dma_wait3A_517 = arith.constant 0 : i32
        %dma_wait3A_518 = tpu.memref_slice %arg7[%dma_wait3A_516, %dma_wait3A_517] : memref<2x100xi32, #tpu.memory_space<vmem>> -> memref<1x100xi32, #tpu.memory_space<vmem>>
        %dma_wait3A_519 = tpu.memref_squeeze %dma_wait3A_518 : memref<1x100xi32, #tpu.memory_space<vmem>> -> memref<100xi32, #tpu.memory_space<vmem>>
        %dma_wait3A_520 = arith.constant 0 : i32
        %dma_wait3A_521 = arith.constant 0 : i32
        %dma_wait3A_522 = tpu.memref_slice %arg28[%dma_wait3A_520, %dma_wait3A_521] : memref<10240x128xf32, #tpu.memory_space<vmem_shared>> -> memref<10240x128xf32, #tpu.memory_space<vmem_shared>>
        tpu.wait_indirect_dma semaphore(%arg25 : memref<!tpu.dma_semaphore, #tpu.memory_space<semaphore_mem>>) src(%arg13 : memref<100x128xf32, #tpu.memory_space<vmem>>) dst(%dma_wait3A_522 : memref<10240x128xf32, #tpu.memory_space<vmem_shared>>)
        %add3A_523 = arith.constant 2 : i32
        %add3A_524 = arith.addi %add3A_491, %add3A_523 : i32
        %dma_wait3A_525 = arith.constant 0 : i32
        %dma_wait3A_526 = arith.constant 0 : i32
        %dma_wait3A_527 = tpu.memref_slice %arg4[%arg1, %add3A_524, %dma_wait3A_525, %dma_wait3A_526] : memref<16x100x2x100xi32, #tpu.memory_space<hbm>> -> memref<1x1x2x100xi32, #tpu.memory_space<hbm>>
        %dma_wait3A_528 = tpu.memref_squeeze %dma_wait3A_527 : memref<1x1x2x100xi32, #tpu.memory_space<hbm>> -> memref<2x100xi32, #tpu.memory_space<hbm>>
        %dma_wait3A_529 = arith.constant 0 : i32
        %dma_wait3A_530 = arith.constant 0 : i32
        %dma_wait3A_531 = tpu.memref_slice %arg4[%arg1, %add3A_524, %dma_wait3A_529, %dma_wait3A_530] : memref<16x100x2x100xi32, #tpu.memory_space<hbm>> -> memref<1x1x2x100xi32, #tpu.memory_space<hbm>>
        %dma_wait3A_532 = tpu.memref_squeeze %dma_wait3A_531 : memref<1x1x2x100xi32, #tpu.memory_space<hbm>> -> memref<2x100xi32, #tpu.memory_space<hbm>>
        tpu.wait_dma2 semaphore(%arg19 : memref<!tpu.dma_semaphore, #tpu.memory_space<semaphore_mem>>) src(%dma_wait3A_532 : memref<2x100xi32, #tpu.memory_space<hbm>>) dst(%arg10 : memref<2x100xi32, #tpu.memory_space<vmem>>)
        %dma_start3A_533 = arith.constant 0 : i32
        %dma_start3A_534 = arith.constant 0 : i32
        %dma_start3A_535 = tpu.memref_slice %arg10[%dma_start3A_533, %dma_start3A_534] : memref<2x100xi32, #tpu.memory_space<vmem>> -> memref<1x100xi32, #tpu.memory_space<vmem>>
        %dma_start3A_536 = tpu.memref_squeeze %dma_start3A_535 : memref<1x100xi32, #tpu.memory_space<vmem>> -> memref<100xi32, #tpu.memory_space<vmem>>
        %dma_start3A_537 = arith.constant 0 : i32
        %dma_start3A_538 = arith.constant 0 : i32
        %dma_start3A_539 = tpu.memref_slice %arg2[%dma_start3A_537, %dma_start3A_538] : memref<10240x128xf32, #tpu.memory_space<hbm>> -> memref<10240x128xf32, #tpu.memory_space<hbm>>
        tpu.enqueue_indirect_dma source(%dma_start3A_539 : memref<10240x128xf32, #tpu.memory_space<hbm>>) target(%arg13 : memref<100x128xf32, #tpu.memory_space<vmem>>) offsets(%dma_start3A_536 : memref<100xi32, #tpu.memory_space<vmem>>) semaphore(%arg22 : memref<!tpu.dma_semaphore, #tpu.memory_space<semaphore_mem>>)
        %mul3A_540 = arith.constant 6 : i32
        %mul3A_541 = arith.muli %mul3A_540, %scan3A_436 : i32
        %add3A_542 = arith.constant 2 : i32
        %add3A_543 = arith.addi %mul3A_541, %add3A_542 : i32
        %dma_wait3A_544 = arith.constant 0 : i32
        %dma_wait3A_545 = arith.constant 0 : i32
        %dma_wait3A_546 = tpu.memref_slice %arg9[%dma_wait3A_544, %dma_wait3A_545] : memref<2x100xi32, #tpu.memory_space<vmem>> -> memref<1x100xi32, #tpu.memory_space<vmem>>
        %dma_wait3A_547 = tpu.memref_squeeze %dma_wait3A_546 : memref<1x100xi32, #tpu.memory_space<vmem>> -> memref<100xi32, #tpu.memory_space<vmem>>
        %dma_wait3A_548 = arith.constant 0 : i32
        %dma_wait3A_549 = arith.constant 0 : i32
        %dma_wait3A_550 = tpu.memref_slice %arg2[%dma_wait3A_548, %dma_wait3A_549] : memref<10240x128xf32, #tpu.memory_space<hbm>> -> memref<10240x128xf32, #tpu.memory_space<hbm>>
        tpu.wait_indirect_dma semaphore(%arg24 : memref<!tpu.dma_semaphore, #tpu.memory_space<semaphore_mem>>) src(%dma_wait3A_550 : memref<10240x128xf32, #tpu.memory_space<hbm>>) dst(%arg15 : memref<100x128xf32, #tpu.memory_space<vmem>>)
        %dma_start3A_551 = arith.constant 1 : i32
        %dma_start3A_552 = arith.constant 0 : i32
        %dma_start3A_553 = tpu.memref_slice %arg9[%dma_start3A_551, %dma_start3A_552] : memref<2x100xi32, #tpu.memory_space<vmem>> -> memref<1x100xi32, #tpu.memory_space<vmem>>
        %dma_start3A_554 = tpu.memref_squeeze %dma_start3A_553 : memref<1x100xi32, #tpu.memory_space<vmem>> -> memref<100xi32, #tpu.memory_space<vmem>>
        %dma_start3A_555 = arith.constant 0 : i32
        %dma_start3A_556 = arith.constant 0 : i32
        %dma_start3A_557 = tpu.memref_slice %arg28[%dma_start3A_555, %dma_start3A_556] : memref<10240x128xf32, #tpu.memory_space<vmem_shared>> -> memref<10240x128xf32, #tpu.memory_space<vmem_shared>>
        tpu.enqueue_indirect_dma source(%arg15 : memref<100x128xf32, #tpu.memory_space<vmem>>) target(%dma_start3A_557 : memref<10240x128xf32, #tpu.memory_space<vmem_shared>>) offsets(%dma_start3A_554 : memref<100xi32, #tpu.memory_space<vmem>>) semaphore(%arg27 : memref<!tpu.dma_semaphore, #tpu.memory_space<semaphore_mem>>) {add = true}
        %add3A_558 = arith.constant 3 : i32
        %add3A_559 = arith.addi %add3A_543, %add3A_558 : i32
        %dma_start3A_560 = arith.constant 0 : i32
        %dma_start3A_561 = arith.constant 0 : i32
        %dma_start3A_562 = tpu.memref_slice %arg4[%arg1, %add3A_559, %dma_start3A_560, %dma_start3A_561] : memref<16x100x2x100xi32, #tpu.memory_space<hbm>> -> memref<1x1x2x100xi32, #tpu.memory_space<hbm>>
        %dma_start3A_563 = tpu.memref_squeeze %dma_start3A_562 : memref<1x1x2x100xi32, #tpu.memory_space<hbm>> -> memref<2x100xi32, #tpu.memory_space<hbm>>
        %dma_start3A_564 = arith.constant 0 : i32
        %dma_start3A_565 = arith.constant 0 : i32
        %dma_start3A_566 = tpu.memref_slice %arg4[%arg1, %add3A_559, %dma_start3A_564, %dma_start3A_565] : memref<16x100x2x100xi32, #tpu.memory_space<hbm>> -> memref<1x1x2x100xi32, #tpu.memory_space<hbm>>
        %dma_start3A_567 = tpu.memref_squeeze %dma_start3A_566 : memref<1x1x2x100xi32, #tpu.memory_space<hbm>> -> memref<2x100xi32, #tpu.memory_space<hbm>>
        tpu.enqueue_dma source(%dma_start3A_567 : memref<2x100xi32, #tpu.memory_space<hbm>>) target(%arg12 : memref<2x100xi32, #tpu.memory_space<vmem>>) target_semaphore(%arg21 : memref<!tpu.dma_semaphore, #tpu.memory_space<semaphore_mem>>)
        %dma_wait3A_568 = arith.constant 1 : i32
        %dma_wait3A_569 = arith.constant 0 : i32
        %dma_wait3A_570 = tpu.memref_slice %arg8[%dma_wait3A_568, %dma_wait3A_569] : memref<2x100xi32, #tpu.memory_space<vmem>> -> memref<1x100xi32, #tpu.memory_space<vmem>>
        %dma_wait3A_571 = tpu.memref_squeeze %dma_wait3A_570 : memref<1x100xi32, #tpu.memory_space<vmem>> -> memref<100xi32, #tpu.memory_space<vmem>>
        %dma_wait3A_572 = arith.constant 0 : i32
        %dma_wait3A_573 = arith.constant 0 : i32
        %dma_wait3A_574 = tpu.memref_slice %arg28[%dma_wait3A_572, %dma_wait3A_573] : memref<10240x128xf32, #tpu.memory_space<vmem_shared>> -> memref<10240x128xf32, #tpu.memory_space<vmem_shared>>
        tpu.wait_indirect_dma semaphore(%arg26 : memref<!tpu.dma_semaphore, #tpu.memory_space<semaphore_mem>>) src(%arg14 : memref<100x128xf32, #tpu.memory_space<vmem>>) dst(%dma_wait3A_574 : memref<10240x128xf32, #tpu.memory_space<vmem_shared>>)
        %add3A_575 = arith.constant 2 : i32
        %add3A_576 = arith.addi %add3A_543, %add3A_575 : i32
        %dma_wait3A_577 = arith.constant 0 : i32
        %dma_wait3A_578 = arith.constant 0 : i32
        %dma_wait3A_579 = tpu.memref_slice %arg4[%arg1, %add3A_576, %dma_wait3A_577, %dma_wait3A_578] : memref<16x100x2x100xi32, #tpu.memory_space<hbm>> -> memref<1x1x2x100xi32, #tpu.memory_space<hbm>>
        %dma_wait3A_580 = tpu.memref_squeeze %dma_wait3A_579 : memref<1x1x2x100xi32, #tpu.memory_space<hbm>> -> memref<2x100xi32, #tpu.memory_space<hbm>>
        %dma_wait3A_581 = arith.constant 0 : i32
        %dma_wait3A_582 = arith.constant 0 : i32
        %dma_wait3A_583 = tpu.memref_slice %arg4[%arg1, %add3A_576, %dma_wait3A_581, %dma_wait3A_582] : memref<16x100x2x100xi32, #tpu.memory_space<hbm>> -> memref<1x1x2x100xi32, #tpu.memory_space<hbm>>
        %dma_wait3A_584 = tpu.memref_squeeze %dma_wait3A_583 : memref<1x1x2x100xi32, #tpu.memory_space<hbm>> -> memref<2x100xi32, #tpu.memory_space<hbm>>
        tpu.wait_dma2 semaphore(%arg20 : memref<!tpu.dma_semaphore, #tpu.memory_space<semaphore_mem>>) src(%dma_wait3A_584 : memref<2x100xi32, #tpu.memory_space<hbm>>) dst(%arg11 : memref<2x100xi32, #tpu.memory_space<vmem>>)
        %dma_start3A_585 = arith.constant 0 : i32
        %dma_start3A_586 = arith.constant 0 : i32
        %dma_start3A_587 = tpu.memref_slice %arg11[%dma_start3A_585, %dma_start3A_586] : memref<2x100xi32, #tpu.memory_space<vmem>> -> memref<1x100xi32, #tpu.memory_space<vmem>>
        %dma_start3A_588 = tpu.memref_squeeze %dma_start3A_587 : memref<1x100xi32, #tpu.memory_space<vmem>> -> memref<100xi32, #tpu.memory_space<vmem>>
        %dma_start3A_589 = arith.constant 0 : i32
        %dma_start3A_590 = arith.constant 0 : i32
        %dma_start3A_591 = tpu.memref_slice %arg2[%dma_start3A_589, %dma_start3A_590] : memref<10240x128xf32, #tpu.memory_space<hbm>> -> memref<10240x128xf32, #tpu.memory_space<hbm>>
        tpu.enqueue_indirect_dma source(%dma_start3A_591 : memref<10240x128xf32, #tpu.memory_space<hbm>>) target(%arg14 : memref<100x128xf32, #tpu.memory_space<vmem>>) offsets(%dma_start3A_588 : memref<100xi32, #tpu.memory_space<vmem>>) semaphore(%arg23 : memref<!tpu.dma_semaphore, #tpu.memory_space<semaphore_mem>>)
        %mul3A_592 = arith.constant 6 : i32
        %mul3A_593 = arith.muli %mul3A_592, %scan3A_436 : i32
        %add3A_594 = arith.constant 3 : i32
        %add3A_595 = arith.addi %mul3A_593, %add3A_594 : i32
        %dma_wait3A_596 = arith.constant 0 : i32
        %dma_wait3A_597 = arith.constant 0 : i32
        %dma_wait3A_598 = tpu.memref_slice %arg10[%dma_wait3A_596, %dma_wait3A_597] : memref<2x100xi32, #tpu.memory_space<vmem>> -> memref<1x100xi32, #tpu.memory_space<vmem>>
        %dma_wait3A_599 = tpu.memref_squeeze %dma_wait3A_598 : memref<1x100xi32, #tpu.memory_space<vmem>> -> memref<100xi32, #tpu.memory_space<vmem>>
        %dma_wait3A_600 = arith.constant 0 : i32
        %dma_wait3A_601 = arith.constant 0 : i32
        %dma_wait3A_602 = tpu.memref_slice %arg2[%dma_wait3A_600, %dma_wait3A_601] : memref<10240x128xf32, #tpu.memory_space<hbm>> -> memref<10240x128xf32, #tpu.memory_space<hbm>>
        tpu.wait_indirect_dma semaphore(%arg22 : memref<!tpu.dma_semaphore, #tpu.memory_space<semaphore_mem>>) src(%dma_wait3A_602 : memref<10240x128xf32, #tpu.memory_space<hbm>>) dst(%arg13 : memref<100x128xf32, #tpu.memory_space<vmem>>)
        %dma_start3A_603 = arith.constant 1 : i32
        %dma_start3A_604 = arith.constant 0 : i32
        %dma_start3A_605 = tpu.memref_slice %arg10[%dma_start3A_603, %dma_start3A_604] : memref<2x100xi32, #tpu.memory_space<vmem>> -> memref<1x100xi32, #tpu.memory_space<vmem>>
        %dma_start3A_606 = tpu.memref_squeeze %dma_start3A_605 : memref<1x100xi32, #tpu.memory_space<vmem>> -> memref<100xi32, #tpu.memory_space<vmem>>
        %dma_start3A_607 = arith.constant 0 : i32
        %dma_start3A_608 = arith.constant 0 : i32
        %dma_start3A_609 = tpu.memref_slice %arg28[%dma_start3A_607, %dma_start3A_608] : memref<10240x128xf32, #tpu.memory_space<vmem_shared>> -> memref<10240x128xf32, #tpu.memory_space<vmem_shared>>
        tpu.enqueue_indirect_dma source(%arg13 : memref<100x128xf32, #tpu.memory_space<vmem>>) target(%dma_start3A_609 : memref<10240x128xf32, #tpu.memory_space<vmem_shared>>) offsets(%dma_start3A_606 : memref<100xi32, #tpu.memory_space<vmem>>) semaphore(%arg25 : memref<!tpu.dma_semaphore, #tpu.memory_space<semaphore_mem>>) {add = true}
        %add3A_610 = arith.constant 3 : i32
        %add3A_611 = arith.addi %add3A_595, %add3A_610 : i32
        %dma_start3A_612 = arith.constant 0 : i32
        %dma_start3A_613 = arith.constant 0 : i32
        %dma_start3A_614 = tpu.memref_slice %arg4[%arg1, %add3A_611, %dma_start3A_612, %dma_start3A_613] : memref<16x100x2x100xi32, #tpu.memory_space<hbm>> -> memref<1x1x2x100xi32, #tpu.memory_space<hbm>>
        %dma_start3A_615 = tpu.memref_squeeze %dma_start3A_614 : memref<1x1x2x100xi32, #tpu.memory_space<hbm>> -> memref<2x100xi32, #tpu.memory_space<hbm>>
        %dma_start3A_616 = arith.constant 0 : i32
        %dma_start3A_617 = arith.constant 0 : i32
        %dma_start3A_618 = tpu.memref_slice %arg4[%arg1, %add3A_611, %dma_start3A_616, %dma_start3A_617] : memref<16x100x2x100xi32, #tpu.memory_space<hbm>> -> memref<1x1x2x100xi32, #tpu.memory_space<hbm>>
        %dma_start3A_619 = tpu.memref_squeeze %dma_start3A_618 : memref<1x1x2x100xi32, #tpu.memory_space<hbm>> -> memref<2x100xi32, #tpu.memory_space<hbm>>
        tpu.enqueue_dma source(%dma_start3A_619 : memref<2x100xi32, #tpu.memory_space<hbm>>) target(%arg7 : memref<2x100xi32, #tpu.memory_space<vmem>>) target_semaphore(%arg16 : memref<!tpu.dma_semaphore, #tpu.memory_space<semaphore_mem>>)
        %dma_wait3A_620 = arith.constant 1 : i32
        %dma_wait3A_621 = arith.constant 0 : i32
        %dma_wait3A_622 = tpu.memref_slice %arg9[%dma_wait3A_620, %dma_wait3A_621] : memref<2x100xi32, #tpu.memory_space<vmem>> -> memref<1x100xi32, #tpu.memory_space<vmem>>
        %dma_wait3A_623 = tpu.memref_squeeze %dma_wait3A_622 : memref<1x100xi32, #tpu.memory_space<vmem>> -> memref<100xi32, #tpu.memory_space<vmem>>
        %dma_wait3A_624 = arith.constant 0 : i32
        %dma_wait3A_625 = arith.constant 0 : i32
        %dma_wait3A_626 = tpu.memref_slice %arg28[%dma_wait3A_624, %dma_wait3A_625] : memref<10240x128xf32, #tpu.memory_space<vmem_shared>> -> memref<10240x128xf32, #tpu.memory_space<vmem_shared>>
        tpu.wait_indirect_dma semaphore(%arg27 : memref<!tpu.dma_semaphore, #tpu.memory_space<semaphore_mem>>) src(%arg15 : memref<100x128xf32, #tpu.memory_space<vmem>>) dst(%dma_wait3A_626 : memref<10240x128xf32, #tpu.memory_space<vmem_shared>>)
        %add3A_627 = arith.constant 2 : i32
        %add3A_628 = arith.addi %add3A_595, %add3A_627 : i32
        %dma_wait3A_629 = arith.constant 0 : i32
        %dma_wait3A_630 = arith.constant 0 : i32
        %dma_wait3A_631 = tpu.memref_slice %arg4[%arg1, %add3A_628, %dma_wait3A_629, %dma_wait3A_630] : memref<16x100x2x100xi32, #tpu.memory_space<hbm>> -> memref<1x1x2x100xi32, #tpu.memory_space<hbm>>
        %dma_wait3A_632 = tpu.memref_squeeze %dma_wait3A_631 : memref<1x1x2x100xi32, #tpu.memory_space<hbm>> -> memref<2x100xi32, #tpu.memory_space<hbm>>
        %dma_wait3A_633 = arith.constant 0 : i32
        %dma_wait3A_634 = arith.constant 0 : i32
        %dma_wait3A_635 = tpu.memref_slice %arg4[%arg1, %add3A_628, %dma_wait3A_633, %dma_wait3A_634] : memref<16x100x2x100xi32, #tpu.memory_space<hbm>> -> memref<1x1x2x100xi32, #tpu.memory_space<hbm>>
        %dma_wait3A_636 = tpu.memref_squeeze %dma_wait3A_635 : memref<1x1x2x100xi32, #tpu.memory_space<hbm>> -> memref<2x100xi32, #tpu.memory_space<hbm>>
        tpu.wait_dma2 semaphore(%arg21 : memref<!tpu.dma_semaphore, #tpu.memory_space<semaphore_mem>>) src(%dma_wait3A_636 : memref<2x100xi32, #tpu.memory_space<hbm>>) dst(%arg12 : memref<2x100xi32, #tpu.memory_space<vmem>>)
        %dma_start3A_637 = arith.constant 0 : i32
        %dma_start3A_638 = arith.constant 0 : i32
        %dma_start3A_639 = tpu.memref_slice %arg12[%dma_start3A_637, %dma_start3A_638] : memref<2x100xi32, #tpu.memory_space<vmem>> -> memref<1x100xi32, #tpu.memory_space<vmem>>
        %dma_start3A_640 = tpu.memref_squeeze %dma_start3A_639 : memref<1x100xi32, #tpu.memory_space<vmem>> -> memref<100xi32, #tpu.memory_space<vmem>>
        %dma_start3A_641 = arith.constant 0 : i32
        %dma_start3A_642 = arith.constant 0 : i32
        %dma_start3A_643 = tpu.memref_slice %arg2[%dma_start3A_641, %dma_start3A_642] : memref<10240x128xf32, #tpu.memory_space<hbm>> -> memref<10240x128xf32, #tpu.memory_space<hbm>>
        tpu.enqueue_indirect_dma source(%dma_start3A_643 : memref<10240x128xf32, #tpu.memory_space<hbm>>) target(%arg15 : memref<100x128xf32, #tpu.memory_space<vmem>>) offsets(%dma_start3A_640 : memref<100xi32, #tpu.memory_space<vmem>>) semaphore(%arg24 : memref<!tpu.dma_semaphore, #tpu.memory_space<semaphore_mem>>)
        %mul3A_644 = arith.constant 6 : i32
        %mul3A_645 = arith.muli %mul3A_644, %scan3A_436 : i32
        %add3A_646 = arith.constant 4 : i32
        %add3A_647 = arith.addi %mul3A_645, %add3A_646 : i32
        %dma_wait3A_648 = arith.constant 0 : i32
        %dma_wait3A_649 = arith.constant 0 : i32
        %dma_wait3A_650 = tpu.memref_slice %arg11[%dma_wait3A_648, %dma_wait3A_649] : memref<2x100xi32, #tpu.memory_space<vmem>> -> memref<1x100xi32, #tpu.memory_space<vmem>>
        %dma_wait3A_651 = tpu.memref_squeeze %dma_wait3A_650 : memref<1x100xi32, #tpu.memory_space<vmem>> -> memref<100xi32, #tpu.memory_space<vmem>>
        %dma_wait3A_652 = arith.constant 0 : i32
        %dma_wait3A_653 = arith.constant 0 : i32
        %dma_wait3A_654 = tpu.memref_slice %arg2[%dma_wait3A_652, %dma_wait3A_653] : memref<10240x128xf32, #tpu.memory_space<hbm>> -> memref<10240x128xf32, #tpu.memory_space<hbm>>
        tpu.wait_indirect_dma semaphore(%arg23 : memref<!tpu.dma_semaphore, #tpu.memory_space<semaphore_mem>>) src(%dma_wait3A_654 : memref<10240x128xf32, #tpu.memory_space<hbm>>) dst(%arg14 : memref<100x128xf32, #tpu.memory_space<vmem>>)
        %dma_start3A_655 = arith.constant 1 : i32
        %dma_start3A_656 = arith.constant 0 : i32
        %dma_start3A_657 = tpu.memref_slice %arg11[%dma_start3A_655, %dma_start3A_656] : memref<2x100xi32, #tpu.memory_space<vmem>> -> memref<1x100xi32, #tpu.memory_space<vmem>>
        %dma_start3A_658 = tpu.memref_squeeze %dma_start3A_657 : memref<1x100xi32, #tpu.memory_space<vmem>> -> memref<100xi32, #tpu.memory_space<vmem>>
        %dma_start3A_659 = arith.constant 0 : i32
        %dma_start3A_660 = arith.constant 0 : i32
        %dma_start3A_661 = tpu.memref_slice %arg28[%dma_start3A_659, %dma_start3A_660] : memref<10240x128xf32, #tpu.memory_space<vmem_shared>> -> memref<10240x128xf32, #tpu.memory_space<vmem_shared>>
        tpu.enqueue_indirect_dma source(%arg14 : memref<100x128xf32, #tpu.memory_space<vmem>>) target(%dma_start3A_661 : memref<10240x128xf32, #tpu.memory_space<vmem_shared>>) offsets(%dma_start3A_658 : memref<100xi32, #tpu.memory_space<vmem>>) semaphore(%arg26 : memref<!tpu.dma_semaphore, #tpu.memory_space<semaphore_mem>>) {add = true}
        %add3A_662 = arith.constant 3 : i32
        %add3A_663 = arith.addi %add3A_647, %add3A_662 : i32
        %dma_start3A_664 = arith.constant 0 : i32
        %dma_start3A_665 = arith.constant 0 : i32
        %dma_start3A_666 = tpu.memref_slice %arg4[%arg1, %add3A_663, %dma_start3A_664, %dma_start3A_665] : memref<16x100x2x100xi32, #tpu.memory_space<hbm>> -> memref<1x1x2x100xi32, #tpu.memory_space<hbm>>
        %dma_start3A_667 = tpu.memref_squeeze %dma_start3A_666 : memref<1x1x2x100xi32, #tpu.memory_space<hbm>> -> memref<2x100xi32, #tpu.memory_space<hbm>>
        %dma_start3A_668 = arith.constant 0 : i32
        %dma_start3A_669 = arith.constant 0 : i32
        %dma_start3A_670 = tpu.memref_slice %arg4[%arg1, %add3A_663, %dma_start3A_668, %dma_start3A_669] : memref<16x100x2x100xi32, #tpu.memory_space<hbm>> -> memref<1x1x2x100xi32, #tpu.memory_space<hbm>>
        %dma_start3A_671 = tpu.memref_squeeze %dma_start3A_670 : memref<1x1x2x100xi32, #tpu.memory_space<hbm>> -> memref<2x100xi32, #tpu.memory_space<hbm>>
        tpu.enqueue_dma source(%dma_start3A_671 : memref<2x100xi32, #tpu.memory_space<hbm>>) target(%arg8 : memref<2x100xi32, #tpu.memory_space<vmem>>) target_semaphore(%arg17 : memref<!tpu.dma_semaphore, #tpu.memory_space<semaphore_mem>>)
        %dma_wait3A_672 = arith.constant 1 : i32
        %dma_wait3A_673 = arith.constant 0 : i32
        %dma_wait3A_674 = tpu.memref_slice %arg10[%dma_wait3A_672, %dma_wait3A_673] : memref<2x100xi32, #tpu.memory_space<vmem>> -> memref<1x100xi32, #tpu.memory_space<vmem>>
        %dma_wait3A_675 = tpu.memref_squeeze %dma_wait3A_674 : memref<1x100xi32, #tpu.memory_space<vmem>> -> memref<100xi32, #tpu.memory_space<vmem>>
        %dma_wait3A_676 = arith.constant 0 : i32
        %dma_wait3A_677 = arith.constant 0 : i32
        %dma_wait3A_678 = tpu.memref_slice %arg28[%dma_wait3A_676, %dma_wait3A_677] : memref<10240x128xf32, #tpu.memory_space<vmem_shared>> -> memref<10240x128xf32, #tpu.memory_space<vmem_shared>>
        tpu.wait_indirect_dma semaphore(%arg25 : memref<!tpu.dma_semaphore, #tpu.memory_space<semaphore_mem>>) src(%arg13 : memref<100x128xf32, #tpu.memory_space<vmem>>) dst(%dma_wait3A_678 : memref<10240x128xf32, #tpu.memory_space<vmem_shared>>)
        %add3A_679 = arith.constant 2 : i32
        %add3A_680 = arith.addi %add3A_647, %add3A_679 : i32
        %dma_wait3A_681 = arith.constant 0 : i32
        %dma_wait3A_682 = arith.constant 0 : i32
        %dma_wait3A_683 = tpu.memref_slice %arg4[%arg1, %add3A_680, %dma_wait3A_681, %dma_wait3A_682] : memref<16x100x2x100xi32, #tpu.memory_space<hbm>> -> memref<1x1x2x100xi32, #tpu.memory_space<hbm>>
        %dma_wait3A_684 = tpu.memref_squeeze %dma_wait3A_683 : memref<1x1x2x100xi32, #tpu.memory_space<hbm>> -> memref<2x100xi32, #tpu.memory_space<hbm>>
        %dma_wait3A_685 = arith.constant 0 : i32
        %dma_wait3A_686 = arith.constant 0 : i32
        %dma_wait3A_687 = tpu.memref_slice %arg4[%arg1, %add3A_680, %dma_wait3A_685, %dma_wait3A_686] : memref<16x100x2x100xi32, #tpu.memory_space<hbm>> -> memref<1x1x2x100xi32, #tpu.memory_space<hbm>>
        %dma_wait3A_688 = tpu.memref_squeeze %dma_wait3A_687 : memref<1x1x2x100xi32, #tpu.memory_space<hbm>> -> memref<2x100xi32, #tpu.memory_space<hbm>>
        tpu.wait_dma2 semaphore(%arg16 : memref<!tpu.dma_semaphore, #tpu.memory_space<semaphore_mem>>) src(%dma_wait3A_688 : memref<2x100xi32, #tpu.memory_space<hbm>>) dst(%arg7 : memref<2x100xi32, #tpu.memory_space<vmem>>)
        %dma_start3A_689 = arith.constant 0 : i32
        %dma_start3A_690 = arith.constant 0 : i32
        %dma_start3A_691 = tpu.memref_slice %arg7[%dma_start3A_689, %dma_start3A_690] : memref<2x100xi32, #tpu.memory_space<vmem>> -> memref<1x100xi32, #tpu.memory_space<vmem>>
        %dma_start3A_692 = tpu.memref_squeeze %dma_start3A_691 : memref<1x100xi32, #tpu.memory_space<vmem>> -> memref<100xi32, #tpu.memory_space<vmem>>
        %dma_start3A_693 = arith.constant 0 : i32
        %dma_start3A_694 = arith.constant 0 : i32
        %dma_start3A_695 = tpu.memref_slice %arg2[%dma_start3A_693, %dma_start3A_694] : memref<10240x128xf32, #tpu.memory_space<hbm>> -> memref<10240x128xf32, #tpu.memory_space<hbm>>
        tpu.enqueue_indirect_dma source(%dma_start3A_695 : memref<10240x128xf32, #tpu.memory_space<hbm>>) target(%arg13 : memref<100x128xf32, #tpu.memory_space<vmem>>) offsets(%dma_start3A_692 : memref<100xi32, #tpu.memory_space<vmem>>) semaphore(%arg22 : memref<!tpu.dma_semaphore, #tpu.memory_space<semaphore_mem>>)
        %mul3A_696 = arith.constant 6 : i32
        %mul3A_697 = arith.muli %mul3A_696, %scan3A_436 : i32
        %add3A_698 = arith.constant 5 : i32
        %add3A_699 = arith.addi %mul3A_697, %add3A_698 : i32
        %dma_wait3A_700 = arith.constant 0 : i32
        %dma_wait3A_701 = arith.constant 0 : i32
        %dma_wait3A_702 = tpu.memref_slice %arg12[%dma_wait3A_700, %dma_wait3A_701] : memref<2x100xi32, #tpu.memory_space<vmem>> -> memref<1x100xi32, #tpu.memory_space<vmem>>
        %dma_wait3A_703 = tpu.memref_squeeze %dma_wait3A_702 : memref<1x100xi32, #tpu.memory_space<vmem>> -> memref<100xi32, #tpu.memory_space<vmem>>
        %dma_wait3A_704 = arith.constant 0 : i32
        %dma_wait3A_705 = arith.constant 0 : i32
        %dma_wait3A_706 = tpu.memref_slice %arg2[%dma_wait3A_704, %dma_wait3A_705] : memref<10240x128xf32, #tpu.memory_space<hbm>> -> memref<10240x128xf32, #tpu.memory_space<hbm>>
        tpu.wait_indirect_dma semaphore(%arg24 : memref<!tpu.dma_semaphore, #tpu.memory_space<semaphore_mem>>) src(%dma_wait3A_706 : memref<10240x128xf32, #tpu.memory_space<hbm>>) dst(%arg15 : memref<100x128xf32, #tpu.memory_space<vmem>>)
        %dma_start3A_707 = arith.constant 1 : i32
        %dma_start3A_708 = arith.constant 0 : i32
        %dma_start3A_709 = tpu.memref_slice %arg12[%dma_start3A_707, %dma_start3A_708] : memref<2x100xi32, #tpu.memory_space<vmem>> -> memref<1x100xi32, #tpu.memory_space<vmem>>
        %dma_start3A_710 = tpu.memref_squeeze %dma_start3A_709 : memref<1x100xi32, #tpu.memory_space<vmem>> -> memref<100xi32, #tpu.memory_space<vmem>>
        %dma_start3A_711 = arith.constant 0 : i32
        %dma_start3A_712 = arith.constant 0 : i32
        %dma_start3A_713 = tpu.memref_slice %arg28[%dma_start3A_711, %dma_start3A_712] : memref<10240x128xf32, #tpu.memory_space<vmem_shared>> -> memref<10240x128xf32, #tpu.memory_space<vmem_shared>>
        tpu.enqueue_indirect_dma source(%arg15 : memref<100x128xf32, #tpu.memory_space<vmem>>) target(%dma_start3A_713 : memref<10240x128xf32, #tpu.memory_space<vmem_shared>>) offsets(%dma_start3A_710 : memref<100xi32, #tpu.memory_space<vmem>>) semaphore(%arg27 : memref<!tpu.dma_semaphore, #tpu.memory_space<semaphore_mem>>) {add = true}
        %add3A_714 = arith.constant 3 : i32
        %add3A_715 = arith.addi %add3A_699, %add3A_714 : i32
        %dma_start3A_716 = arith.constant 0 : i32
        %dma_start3A_717 = arith.constant 0 : i32
        %dma_start3A_718 = tpu.memref_slice %arg4[%arg1, %add3A_715, %dma_start3A_716, %dma_start3A_717] : memref<16x100x2x100xi32, #tpu.memory_space<hbm>> -> memref<1x1x2x100xi32, #tpu.memory_space<hbm>>
        %dma_start3A_719 = tpu.memref_squeeze %dma_start3A_718 : memref<1x1x2x100xi32, #tpu.memory_space<hbm>> -> memref<2x100xi32, #tpu.memory_space<hbm>>
        %dma_start3A_720 = arith.constant 0 : i32
        %dma_start3A_721 = arith.constant 0 : i32
        %dma_start3A_722 = tpu.memref_slice %arg4[%arg1, %add3A_715, %dma_start3A_720, %dma_start3A_721] : memref<16x100x2x100xi32, #tpu.memory_space<hbm>> -> memref<1x1x2x100xi32, #tpu.memory_space<hbm>>
        %dma_start3A_723 = tpu.memref_squeeze %dma_start3A_722 : memref<1x1x2x100xi32, #tpu.memory_space<hbm>> -> memref<2x100xi32, #tpu.memory_space<hbm>>
        tpu.enqueue_dma source(%dma_start3A_723 : memref<2x100xi32, #tpu.memory_space<hbm>>) target(%arg9 : memref<2x100xi32, #tpu.memory_space<vmem>>) target_semaphore(%arg18 : memref<!tpu.dma_semaphore, #tpu.memory_space<semaphore_mem>>)
        %dma_wait3A_724 = arith.constant 1 : i32
        %dma_wait3A_725 = arith.constant 0 : i32
        %dma_wait3A_726 = tpu.memref_slice %arg11[%dma_wait3A_724, %dma_wait3A_725] : memref<2x100xi32, #tpu.memory_space<vmem>> -> memref<1x100xi32, #tpu.memory_space<vmem>>
        %dma_wait3A_727 = tpu.memref_squeeze %dma_wait3A_726 : memref<1x100xi32, #tpu.memory_space<vmem>> -> memref<100xi32, #tpu.memory_space<vmem>>
        %dma_wait3A_728 = arith.constant 0 : i32
        %dma_wait3A_729 = arith.constant 0 : i32
        %dma_wait3A_730 = tpu.memref_slice %arg28[%dma_wait3A_728, %dma_wait3A_729] : memref<10240x128xf32, #tpu.memory_space<vmem_shared>> -> memref<10240x128xf32, #tpu.memory_space<vmem_shared>>
        tpu.wait_indirect_dma semaphore(%arg26 : memref<!tpu.dma_semaphore, #tpu.memory_space<semaphore_mem>>) src(%arg14 : memref<100x128xf32, #tpu.memory_space<vmem>>) dst(%dma_wait3A_730 : memref<10240x128xf32, #tpu.memory_space<vmem_shared>>)
        %add3A_731 = arith.constant 2 : i32
        %add3A_732 = arith.addi %add3A_699, %add3A_731 : i32
        %dma_wait3A_733 = arith.constant 0 : i32
        %dma_wait3A_734 = arith.constant 0 : i32
        %dma_wait3A_735 = tpu.memref_slice %arg4[%arg1, %add3A_732, %dma_wait3A_733, %dma_wait3A_734] : memref<16x100x2x100xi32, #tpu.memory_space<hbm>> -> memref<1x1x2x100xi32, #tpu.memory_space<hbm>>
        %dma_wait3A_736 = tpu.memref_squeeze %dma_wait3A_735 : memref<1x1x2x100xi32, #tpu.memory_space<hbm>> -> memref<2x100xi32, #tpu.memory_space<hbm>>
        %dma_wait3A_737 = arith.constant 0 : i32
        %dma_wait3A_738 = arith.constant 0 : i32
        %dma_wait3A_739 = tpu.memref_slice %arg4[%arg1, %add3A_732, %dma_wait3A_737, %dma_wait3A_738] : memref<16x100x2x100xi32, #tpu.memory_space<hbm>> -> memref<1x1x2x100xi32, #tpu.memory_space<hbm>>
        %dma_wait3A_740 = tpu.memref_squeeze %dma_wait3A_739 : memref<1x1x2x100xi32, #tpu.memory_space<hbm>> -> memref<2x100xi32, #tpu.memory_space<hbm>>
        tpu.wait_dma2 semaphore(%arg17 : memref<!tpu.dma_semaphore, #tpu.memory_space<semaphore_mem>>) src(%dma_wait3A_740 : memref<2x100xi32, #tpu.memory_space<hbm>>) dst(%arg8 : memref<2x100xi32, #tpu.memory_space<vmem>>)
        %dma_start3A_741 = arith.constant 0 : i32
        %dma_start3A_742 = arith.constant 0 : i32
        %dma_start3A_743 = tpu.memref_slice %arg8[%dma_start3A_741, %dma_start3A_742] : memref<2x100xi32, #tpu.memory_space<vmem>> -> memref<1x100xi32, #tpu.memory_space<vmem>>
        %dma_start3A_744 = tpu.memref_squeeze %dma_start3A_743 : memref<1x100xi32, #tpu.memory_space<vmem>> -> memref<100xi32, #tpu.memory_space<vmem>>
        %dma_start3A_745 = arith.constant 0 : i32
        %dma_start3A_746 = arith.constant 0 : i32
        %dma_start3A_747 = tpu.memref_slice %arg2[%dma_start3A_745, %dma_start3A_746] : memref<10240x128xf32, #tpu.memory_space<hbm>> -> memref<10240x128xf32, #tpu.memory_space<hbm>>
        tpu.enqueue_indirect_dma source(%dma_start3A_747 : memref<10240x128xf32, #tpu.memory_space<hbm>>) target(%arg14 : memref<100x128xf32, #tpu.memory_space<vmem>>) offsets(%dma_start3A_744 : memref<100xi32, #tpu.memory_space<vmem>>) semaphore(%arg23 : memref<!tpu.dma_semaphore, #tpu.memory_space<semaphore_mem>>)
      }
      %scan3A_302 = arith.constant 15 : i32
      %dma_wait3A_303 = arith.constant 0 : i32
      %dma_wait3A_304 = arith.constant 0 : i32
      %dma_wait3A_305 = tpu.memref_slice %arg7[%dma_wait3A_303, %dma_wait3A_304] : memref<2x100xi32, #tpu.memory_space<vmem>> -> memref<1x100xi32, #tpu.memory_space<vmem>>
      %dma_wait3A_306 = tpu.memref_squeeze %dma_wait3A_305 : memref<1x100xi32, #tpu.memory_space<vmem>> -> memref<100xi32, #tpu.memory_space<vmem>>
      %dma_wait3A_307 = arith.constant 0 : i32
      %dma_wait3A_308 = arith.constant 0 : i32
      %dma_wait3A_309 = tpu.memref_slice %arg2[%dma_wait3A_307, %dma_wait3A_308] : memref<10240x128xf32, #tpu.memory_space<hbm>> -> memref<10240x128xf32, #tpu.memory_space<hbm>>
      tpu.wait_indirect_dma semaphore(%arg22 : memref<!tpu.dma_semaphore, #tpu.memory_space<semaphore_mem>>) src(%dma_wait3A_309 : memref<10240x128xf32, #tpu.memory_space<hbm>>) dst(%arg13 : memref<100x128xf32, #tpu.memory_space<vmem>>)
      %dma_start3A_310 = arith.constant 1 : i32
      %dma_start3A_311 = arith.constant 0 : i32
      %dma_start3A_312 = tpu.memref_slice %arg7[%dma_start3A_310, %dma_start3A_311] : memref<2x100xi32, #tpu.memory_space<vmem>> -> memref<1x100xi32, #tpu.memory_space<vmem>>
      %dma_start3A_313 = tpu.memref_squeeze %dma_start3A_312 : memref<1x100xi32, #tpu.memory_space<vmem>> -> memref<100xi32, #tpu.memory_space<vmem>>
      %dma_start3A_314 = arith.constant 0 : i32
      %dma_start3A_315 = arith.constant 0 : i32
      %dma_start3A_316 = tpu.memref_slice %arg28[%dma_start3A_314, %dma_start3A_315] : memref<10240x128xf32, #tpu.memory_space<vmem_shared>> -> memref<10240x128xf32, #tpu.memory_space<vmem_shared>>
      tpu.enqueue_indirect_dma source(%arg13 : memref<100x128xf32, #tpu.memory_space<vmem>>) target(%dma_start3A_316 : memref<10240x128xf32, #tpu.memory_space<vmem_shared>>) offsets(%dma_start3A_313 : memref<100xi32, #tpu.memory_space<vmem>>) semaphore(%arg25 : memref<!tpu.dma_semaphore, #tpu.memory_space<semaphore_mem>>) {add = true}
      %dma_start3A_317 = arith.constant 99 : i32
      %dma_start3A_318 = arith.constant 0 : i32
      %dma_start3A_319 = arith.constant 0 : i32
      %dma_start3A_320 = tpu.memref_slice %arg4[%arg1, %dma_start3A_317, %dma_start3A_318, %dma_start3A_319] : memref<16x100x2x100xi32, #tpu.memory_space<hbm>> -> memref<1x1x2x100xi32, #tpu.memory_space<hbm>>
      %dma_start3A_321 = tpu.memref_squeeze %dma_start3A_320 : memref<1x1x2x100xi32, #tpu.memory_space<hbm>> -> memref<2x100xi32, #tpu.memory_space<hbm>>
      %dma_start3A_322 = arith.constant 0 : i32
      %dma_start3A_323 = arith.constant 0 : i32
      %dma_start3A_324 = tpu.memref_slice %arg4[%arg1, %dma_start3A_317, %dma_start3A_322, %dma_start3A_323] : memref<16x100x2x100xi32, #tpu.memory_space<hbm>> -> memref<1x1x2x100xi32, #tpu.memory_space<hbm>>
      %dma_start3A_325 = tpu.memref_squeeze %dma_start3A_324 : memref<1x1x2x100xi32, #tpu.memory_space<hbm>> -> memref<2x100xi32, #tpu.memory_space<hbm>>
      tpu.enqueue_dma source(%dma_start3A_325 : memref<2x100xi32, #tpu.memory_space<hbm>>) target(%arg10 : memref<2x100xi32, #tpu.memory_space<vmem>>) target_semaphore(%arg19 : memref<!tpu.dma_semaphore, #tpu.memory_space<semaphore_mem>>)
      %dma_wait3A_326 = arith.constant 1 : i32
      %dma_wait3A_327 = arith.constant 0 : i32
      %dma_wait3A_328 = tpu.memref_slice %arg12[%dma_wait3A_326, %dma_wait3A_327] : memref<2x100xi32, #tpu.memory_space<vmem>> -> memref<1x100xi32, #tpu.memory_space<vmem>>
      %dma_wait3A_329 = tpu.memref_squeeze %dma_wait3A_328 : memref<1x100xi32, #tpu.memory_space<vmem>> -> memref<100xi32, #tpu.memory_space<vmem>>
      %dma_wait3A_330 = arith.constant 0 : i32
      %dma_wait3A_331 = arith.constant 0 : i32
      %dma_wait3A_332 = tpu.memref_slice %arg28[%dma_wait3A_330, %dma_wait3A_331] : memref<10240x128xf32, #tpu.memory_space<vmem_shared>> -> memref<10240x128xf32, #tpu.memory_space<vmem_shared>>
      tpu.wait_indirect_dma semaphore(%arg27 : memref<!tpu.dma_semaphore, #tpu.memory_space<semaphore_mem>>) src(%arg15 : memref<100x128xf32, #tpu.memory_space<vmem>>) dst(%dma_wait3A_332 : memref<10240x128xf32, #tpu.memory_space<vmem_shared>>)
      %dma_wait3A_333 = arith.constant 98 : i32
      %dma_wait3A_334 = arith.constant 0 : i32
      %dma_wait3A_335 = arith.constant 0 : i32
      %dma_wait3A_336 = tpu.memref_slice %arg4[%arg1, %dma_wait3A_333, %dma_wait3A_334, %dma_wait3A_335] : memref<16x100x2x100xi32, #tpu.memory_space<hbm>> -> memref<1x1x2x100xi32, #tpu.memory_space<hbm>>
      %dma_wait3A_337 = tpu.memref_squeeze %dma_wait3A_336 : memref<1x1x2x100xi32, #tpu.memory_space<hbm>> -> memref<2x100xi32, #tpu.memory_space<hbm>>
      %dma_wait3A_338 = arith.constant 0 : i32
      %dma_wait3A_339 = arith.constant 0 : i32
      %dma_wait3A_340 = tpu.memref_slice %arg4[%arg1, %dma_wait3A_333, %dma_wait3A_338, %dma_wait3A_339] : memref<16x100x2x100xi32, #tpu.memory_space<hbm>> -> memref<1x1x2x100xi32, #tpu.memory_space<hbm>>
      %dma_wait3A_341 = tpu.memref_squeeze %dma_wait3A_340 : memref<1x1x2x100xi32, #tpu.memory_space<hbm>> -> memref<2x100xi32, #tpu.memory_space<hbm>>
      tpu.wait_dma2 semaphore(%arg18 : memref<!tpu.dma_semaphore, #tpu.memory_space<semaphore_mem>>) src(%dma_wait3A_341 : memref<2x100xi32, #tpu.memory_space<hbm>>) dst(%arg9 : memref<2x100xi32, #tpu.memory_space<vmem>>)
      %dma_start3A_342 = arith.constant 0 : i32
      %dma_start3A_343 = arith.constant 0 : i32
      %dma_start3A_344 = tpu.memref_slice %arg9[%dma_start3A_342, %dma_start3A_343] : memref<2x100xi32, #tpu.memory_space<vmem>> -> memref<1x100xi32, #tpu.memory_space<vmem>>
      %dma_start3A_345 = tpu.memref_squeeze %dma_start3A_344 : memref<1x100xi32, #tpu.memory_space<vmem>> -> memref<100xi32, #tpu.memory_space<vmem>>
      %dma_start3A_346 = arith.constant 0 : i32
      %dma_start3A_347 = arith.constant 0 : i32
      %dma_start3A_348 = tpu.memref_slice %arg2[%dma_start3A_346, %dma_start3A_347] : memref<10240x128xf32, #tpu.memory_space<hbm>> -> memref<10240x128xf32, #tpu.memory_space<hbm>>
      tpu.enqueue_indirect_dma source(%dma_start3A_348 : memref<10240x128xf32, #tpu.memory_space<hbm>>) target(%arg15 : memref<100x128xf32, #tpu.memory_space<vmem>>) offsets(%dma_start3A_345 : memref<100xi32, #tpu.memory_space<vmem>>) semaphore(%arg24 : memref<!tpu.dma_semaphore, #tpu.memory_space<semaphore_mem>>)
      %dma_wait3A_349 = arith.constant 0 : i32
      %dma_wait3A_350 = arith.constant 0 : i32
      %dma_wait3A_351 = tpu.memref_slice %arg8[%dma_wait3A_349, %dma_wait3A_350] : memref<2x100xi32, #tpu.memory_space<vmem>> -> memref<1x100xi32, #tpu.memory_space<vmem>>
      %dma_wait3A_352 = tpu.memref_squeeze %dma_wait3A_351 : memref<1x100xi32, #tpu.memory_space<vmem>> -> memref<100xi32, #tpu.memory_space<vmem>>
      %dma_wait3A_353 = arith.constant 0 : i32
      %dma_wait3A_354 = arith.constant 0 : i32
      %dma_wait3A_355 = tpu.memref_slice %arg2[%dma_wait3A_353, %dma_wait3A_354] : memref<10240x128xf32, #tpu.memory_space<hbm>> -> memref<10240x128xf32, #tpu.memory_space<hbm>>
      tpu.wait_indirect_dma semaphore(%arg23 : memref<!tpu.dma_semaphore, #tpu.memory_space<semaphore_mem>>) src(%dma_wait3A_355 : memref<10240x128xf32, #tpu.memory_space<hbm>>) dst(%arg14 : memref<100x128xf32, #tpu.memory_space<vmem>>)
      %dma_start3A_356 = arith.constant 1 : i32
      %dma_start3A_357 = arith.constant 0 : i32
      %dma_start3A_358 = tpu.memref_slice %arg8[%dma_start3A_356, %dma_start3A_357] : memref<2x100xi32, #tpu.memory_space<vmem>> -> memref<1x100xi32, #tpu.memory_space<vmem>>
      %dma_start3A_359 = tpu.memref_squeeze %dma_start3A_358 : memref<1x100xi32, #tpu.memory_space<vmem>> -> memref<100xi32, #tpu.memory_space<vmem>>
      %dma_start3A_360 = arith.constant 0 : i32
      %dma_start3A_361 = arith.constant 0 : i32
      %dma_start3A_362 = tpu.memref_slice %arg28[%dma_start3A_360, %dma_start3A_361] : memref<10240x128xf32, #tpu.memory_space<vmem_shared>> -> memref<10240x128xf32, #tpu.memory_space<vmem_shared>>
      tpu.enqueue_indirect_dma source(%arg14 : memref<100x128xf32, #tpu.memory_space<vmem>>) target(%dma_start3A_362 : memref<10240x128xf32, #tpu.memory_space<vmem_shared>>) offsets(%dma_start3A_359 : memref<100xi32, #tpu.memory_space<vmem>>) semaphore(%arg26 : memref<!tpu.dma_semaphore, #tpu.memory_space<semaphore_mem>>) {add = true}
      %dma_wait3A_363 = arith.constant 1 : i32
      %dma_wait3A_364 = arith.constant 0 : i32
      %dma_wait3A_365 = tpu.memref_slice %arg7[%dma_wait3A_363, %dma_wait3A_364] : memref<2x100xi32, #tpu.memory_space<vmem>> -> memref<1x100xi32, #tpu.memory_space<vmem>>
      %dma_wait3A_366 = tpu.memref_squeeze %dma_wait3A_365 : memref<1x100xi32, #tpu.memory_space<vmem>> -> memref<100xi32, #tpu.memory_space<vmem>>
      %dma_wait3A_367 = arith.constant 0 : i32
      %dma_wait3A_368 = arith.constant 0 : i32
      %dma_wait3A_369 = tpu.memref_slice %arg28[%dma_wait3A_367, %dma_wait3A_368] : memref<10240x128xf32, #tpu.memory_space<vmem_shared>> -> memref<10240x128xf32, #tpu.memory_space<vmem_shared>>
      tpu.wait_indirect_dma semaphore(%arg25 : memref<!tpu.dma_semaphore, #tpu.memory_space<semaphore_mem>>) src(%arg13 : memref<100x128xf32, #tpu.memory_space<vmem>>) dst(%dma_wait3A_369 : memref<10240x128xf32, #tpu.memory_space<vmem_shared>>)
      %dma_wait3A_370 = arith.constant 99 : i32
      %dma_wait3A_371 = arith.constant 0 : i32
      %dma_wait3A_372 = arith.constant 0 : i32
      %dma_wait3A_373 = tpu.memref_slice %arg4[%arg1, %dma_wait3A_370, %dma_wait3A_371, %dma_wait3A_372] : memref<16x100x2x100xi32, #tpu.memory_space<hbm>> -> memref<1x1x2x100xi32, #tpu.memory_space<hbm>>
      %dma_wait3A_374 = tpu.memref_squeeze %dma_wait3A_373 : memref<1x1x2x100xi32, #tpu.memory_space<hbm>> -> memref<2x100xi32, #tpu.memory_space<hbm>>
      %dma_wait3A_375 = arith.constant 0 : i32
      %dma_wait3A_376 = arith.constant 0 : i32
      %dma_wait3A_377 = tpu.memref_slice %arg4[%arg1, %dma_wait3A_370, %dma_wait3A_375, %dma_wait3A_376] : memref<16x100x2x100xi32, #tpu.memory_space<hbm>> -> memref<1x1x2x100xi32, #tpu.memory_space<hbm>>
      %dma_wait3A_378 = tpu.memref_squeeze %dma_wait3A_377 : memref<1x1x2x100xi32, #tpu.memory_space<hbm>> -> memref<2x100xi32, #tpu.memory_space<hbm>>
      tpu.wait_dma2 semaphore(%arg19 : memref<!tpu.dma_semaphore, #tpu.memory_space<semaphore_mem>>) src(%dma_wait3A_378 : memref<2x100xi32, #tpu.memory_space<hbm>>) dst(%arg10 : memref<2x100xi32, #tpu.memory_space<vmem>>)
      %dma_start3A_379 = arith.constant 0 : i32
      %dma_start3A_380 = arith.constant 0 : i32
      %dma_start3A_381 = tpu.memref_slice %arg10[%dma_start3A_379, %dma_start3A_380] : memref<2x100xi32, #tpu.memory_space<vmem>> -> memref<1x100xi32, #tpu.memory_space<vmem>>
      %dma_start3A_382 = tpu.memref_squeeze %dma_start3A_381 : memref<1x100xi32, #tpu.memory_space<vmem>> -> memref<100xi32, #tpu.memory_space<vmem>>
      %dma_start3A_383 = arith.constant 0 : i32
      %dma_start3A_384 = arith.constant 0 : i32
      %dma_start3A_385 = tpu.memref_slice %arg2[%dma_start3A_383, %dma_start3A_384] : memref<10240x128xf32, #tpu.memory_space<hbm>> -> memref<10240x128xf32, #tpu.memory_space<hbm>>
      tpu.enqueue_indirect_dma source(%dma_start3A_385 : memref<10240x128xf32, #tpu.memory_space<hbm>>) target(%arg13 : memref<100x128xf32, #tpu.memory_space<vmem>>) offsets(%dma_start3A_382 : memref<100xi32, #tpu.memory_space<vmem>>) semaphore(%arg22 : memref<!tpu.dma_semaphore, #tpu.memory_space<semaphore_mem>>)
      %dma_wait3A_386 = arith.constant 0 : i32
      %dma_wait3A_387 = arith.constant 0 : i32
      %dma_wait3A_388 = tpu.memref_slice %arg9[%dma_wait3A_386, %dma_wait3A_387] : memref<2x100xi32, #tpu.memory_space<vmem>> -> memref<1x100xi32, #tpu.memory_space<vmem>>
      %dma_wait3A_389 = tpu.memref_squeeze %dma_wait3A_388 : memref<1x100xi32, #tpu.memory_space<vmem>> -> memref<100xi32, #tpu.memory_space<vmem>>
      %dma_wait3A_390 = arith.constant 0 : i32
      %dma_wait3A_391 = arith.constant 0 : i32
      %dma_wait3A_392 = tpu.memref_slice %arg2[%dma_wait3A_390, %dma_wait3A_391] : memref<10240x128xf32, #tpu.memory_space<hbm>> -> memref<10240x128xf32, #tpu.memory_space<hbm>>
      tpu.wait_indirect_dma semaphore(%arg24 : memref<!tpu.dma_semaphore, #tpu.memory_space<semaphore_mem>>) src(%dma_wait3A_392 : memref<10240x128xf32, #tpu.memory_space<hbm>>) dst(%arg15 : memref<100x128xf32, #tpu.memory_space<vmem>>)
      %dma_start3A_393 = arith.constant 1 : i32
      %dma_start3A_394 = arith.constant 0 : i32
      %dma_start3A_395 = tpu.memref_slice %arg9[%dma_start3A_393, %dma_start3A_394] : memref<2x100xi32, #tpu.memory_space<vmem>> -> memref<1x100xi32, #tpu.memory_space<vmem>>
      %dma_start3A_396 = tpu.memref_squeeze %dma_start3A_395 : memref<1x100xi32, #tpu.memory_space<vmem>> -> memref<100xi32, #tpu.memory_space<vmem>>
      %dma_start3A_397 = arith.constant 0 : i32
      %dma_start3A_398 = arith.constant 0 : i32
      %dma_start3A_399 = tpu.memref_slice %arg28[%dma_start3A_397, %dma_start3A_398] : memref<10240x128xf32, #tpu.memory_space<vmem_shared>> -> memref<10240x128xf32, #tpu.memory_space<vmem_shared>>
      tpu.enqueue_indirect_dma source(%arg15 : memref<100x128xf32, #tpu.memory_space<vmem>>) target(%dma_start3A_399 : memref<10240x128xf32, #tpu.memory_space<vmem_shared>>) offsets(%dma_start3A_396 : memref<100xi32, #tpu.memory_space<vmem>>) semaphore(%arg27 : memref<!tpu.dma_semaphore, #tpu.memory_space<semaphore_mem>>) {add = true}
      %dma_wait3A_400 = arith.constant 1 : i32
      %dma_wait3A_401 = arith.constant 0 : i32
      %dma_wait3A_402 = tpu.memref_slice %arg8[%dma_wait3A_400, %dma_wait3A_401] : memref<2x100xi32, #tpu.memory_space<vmem>> -> memref<1x100xi32, #tpu.memory_space<vmem>>
      %dma_wait3A_403 = tpu.memref_squeeze %dma_wait3A_402 : memref<1x100xi32, #tpu.memory_space<vmem>> -> memref<100xi32, #tpu.memory_space<vmem>>
      %dma_wait3A_404 = arith.constant 0 : i32
      %dma_wait3A_405 = arith.constant 0 : i32
      %dma_wait3A_406 = tpu.memref_slice %arg28[%dma_wait3A_404, %dma_wait3A_405] : memref<10240x128xf32, #tpu.memory_space<vmem_shared>> -> memref<10240x128xf32, #tpu.memory_space<vmem_shared>>
      tpu.wait_indirect_dma semaphore(%arg26 : memref<!tpu.dma_semaphore, #tpu.memory_space<semaphore_mem>>) src(%arg14 : memref<100x128xf32, #tpu.memory_space<vmem>>) dst(%dma_wait3A_406 : memref<10240x128xf32, #tpu.memory_space<vmem_shared>>)
      %dma_wait3A_407 = arith.constant 0 : i32
      %dma_wait3A_408 = arith.constant 0 : i32
      %dma_wait3A_409 = tpu.memref_slice %arg10[%dma_wait3A_407, %dma_wait3A_408] : memref<2x100xi32, #tpu.memory_space<vmem>> -> memref<1x100xi32, #tpu.memory_space<vmem>>
      %dma_wait3A_410 = tpu.memref_squeeze %dma_wait3A_409 : memref<1x100xi32, #tpu.memory_space<vmem>> -> memref<100xi32, #tpu.memory_space<vmem>>
      %dma_wait3A_411 = arith.constant 0 : i32
      %dma_wait3A_412 = arith.constant 0 : i32
      %dma_wait3A_413 = tpu.memref_slice %arg2[%dma_wait3A_411, %dma_wait3A_412] : memref<10240x128xf32, #tpu.memory_space<hbm>> -> memref<10240x128xf32, #tpu.memory_space<hbm>>
      tpu.wait_indirect_dma semaphore(%arg22 : memref<!tpu.dma_semaphore, #tpu.memory_space<semaphore_mem>>) src(%dma_wait3A_413 : memref<10240x128xf32, #tpu.memory_space<hbm>>) dst(%arg13 : memref<100x128xf32, #tpu.memory_space<vmem>>)
      %dma_start3A_414 = arith.constant 1 : i32
      %dma_start3A_415 = arith.constant 0 : i32
      %dma_start3A_416 = tpu.memref_slice %arg10[%dma_start3A_414, %dma_start3A_415] : memref<2x100xi32, #tpu.memory_space<vmem>> -> memref<1x100xi32, #tpu.memory_space<vmem>>
      %dma_start3A_417 = tpu.memref_squeeze %dma_start3A_416 : memref<1x100xi32, #tpu.memory_space<vmem>> -> memref<100xi32, #tpu.memory_space<vmem>>
      %dma_start3A_418 = arith.constant 0 : i32
      %dma_start3A_419 = arith.constant 0 : i32
      %dma_start3A_420 = tpu.memref_slice %arg28[%dma_start3A_418, %dma_start3A_419] : memref<10240x128xf32, #tpu.memory_space<vmem_shared>> -> memref<10240x128xf32, #tpu.memory_space<vmem_shared>>
      tpu.enqueue_indirect_dma source(%arg13 : memref<100x128xf32, #tpu.memory_space<vmem>>) target(%dma_start3A_420 : memref<10240x128xf32, #tpu.memory_space<vmem_shared>>) offsets(%dma_start3A_417 : memref<100xi32, #tpu.memory_space<vmem>>) semaphore(%arg25 : memref<!tpu.dma_semaphore, #tpu.memory_space<semaphore_mem>>) {add = true}
      %dma_wait3A_421 = arith.constant 1 : i32
      %dma_wait3A_422 = arith.constant 0 : i32
      %dma_wait3A_423 = tpu.memref_slice %arg9[%dma_wait3A_421, %dma_wait3A_422] : memref<2x100xi32, #tpu.memory_space<vmem>> -> memref<1x100xi32, #tpu.memory_space<vmem>>
      %dma_wait3A_424 = tpu.memref_squeeze %dma_wait3A_423 : memref<1x100xi32, #tpu.memory_space<vmem>> -> memref<100xi32, #tpu.memory_space<vmem>>
      %dma_wait3A_425 = arith.constant 0 : i32
      %dma_wait3A_426 = arith.constant 0 : i32
      %dma_wait3A_427 = tpu.memref_slice %arg28[%dma_wait3A_425, %dma_wait3A_426] : memref<10240x128xf32, #tpu.memory_space<vmem_shared>> -> memref<10240x128xf32, #tpu.memory_space<vmem_shared>>
      tpu.wait_indirect_dma semaphore(%arg27 : memref<!tpu.dma_semaphore, #tpu.memory_space<semaphore_mem>>) src(%arg15 : memref<100x128xf32, #tpu.memory_space<vmem>>) dst(%dma_wait3A_427 : memref<10240x128xf32, #tpu.memory_space<vmem_shared>>)
      %dma_wait3A_428 = arith.constant 1 : i32
      %dma_wait3A_429 = arith.constant 0 : i32
      %dma_wait3A_430 = tpu.memref_slice %arg10[%dma_wait3A_428, %dma_wait3A_429] : memref<2x100xi32, #tpu.memory_space<vmem>> -> memref<1x100xi32, #tpu.memory_space<vmem>>
      %dma_wait3A_431 = tpu.memref_squeeze %dma_wait3A_430 : memref<1x100xi32, #tpu.memory_space<vmem>> -> memref<100xi32, #tpu.memory_space<vmem>>
      %dma_wait3A_432 = arith.constant 0 : i32
      %dma_wait3A_433 = arith.constant 0 : i32
      %dma_wait3A_434 = tpu.memref_slice %arg28[%dma_wait3A_432, %dma_wait3A_433] : memref<10240x128xf32, #tpu.memory_space<vmem_shared>> -> memref<10240x128xf32, #tpu.memory_space<vmem_shared>>
      tpu.wait_indirect_dma semaphore(%arg25 : memref<!tpu.dma_semaphore, #tpu.memory_space<semaphore_mem>>) src(%arg13 : memref<100x128xf32, #tpu.memory_space<vmem>>) dst(%dma_wait3A_434 : memref<10240x128xf32, #tpu.memory_space<vmem_shared>>)
      %barrier3A_435 = arith.constant 0 : index
      tpu.barrier barrier_id(%barrier3A_435)
      "tpu.region"() ({
        %run_scoped3A_436 = tpu.sem_alloc : memref<!tpu.dma_semaphore, #tpu.memory_space<semaphore_mem>>
        %dma_start3A_437 = arith.constant 0 : i32
        %dma_start3A_438 = tpu.memref_slice %arg5[%mul3A_7, %dma_start3A_437] : memref<10240x128xf32, #tpu.memory_space<hbm>> -> memref<640x128xf32, #tpu.memory_space<hbm>>
        %dma_start3A_439 = arith.constant 0 : i32
        %dma_start3A_440 = tpu.memref_slice %arg28[%mul3A_7, %dma_start3A_439] : memref<10240x128xf32, #tpu.memory_space<vmem_shared>> -> memref<640x128xf32, #tpu.memory_space<vmem_shared>>
        tpu.enqueue_dma source(%dma_start3A_440 : memref<640x128xf32, #tpu.memory_space<vmem_shared>>) target(%dma_start3A_438 : memref<640x128xf32, #tpu.memory_space<hbm>>) target_semaphore(%run_scoped3A_436 : memref<!tpu.dma_semaphore, #tpu.memory_space<semaphore_mem>>)
        %dma_wait3A_441 = arith.constant 0 : i32
        %dma_wait3A_442 = tpu.memref_slice %arg5[%mul3A_7, %dma_wait3A_441] : memref<10240x128xf32, #tpu.memory_space<hbm>> -> memref<640x128xf32, #tpu.memory_space<hbm>>
        %dma_wait3A_443 = arith.constant 0 : i32
        %dma_wait3A_444 = tpu.memref_slice %arg28[%mul3A_7, %dma_wait3A_443] : memref<10240x128xf32, #tpu.memory_space<vmem_shared>> -> memref<640x128xf32, #tpu.memory_space<vmem_shared>>
        tpu.wait_dma2 semaphore(%run_scoped3A_436 : memref<!tpu.dma_semaphore, #tpu.memory_space<semaphore_mem>>) src(%dma_wait3A_444 : memref<640x128xf32, #tpu.memory_space<vmem_shared>>) dst(%dma_wait3A_442 : memref<640x128xf32, #tpu.memory_space<hbm>>)
        tpu.yield
      }) : () -> ()
    } else {
    }
    %eq3A_2 = arith.constant 1 : i32
    %eq3A_3 = arith.cmpi eq, %arg0, %eq3A_2 : i32
    %convert_element_type3A_4 = arith.extui %eq3A_3 : i1 to i32
    %cond3A_5 = arith.constant 0 : i32
    %cond3A_6 = arith.cmpi ne, %convert_element_type3A_4, %cond3A_5 : i32
    scf.if %cond3A_6 {
      %mul3A = arith.constant 640 : i32
      %mul3A_7 = arith.muli %arg1, %mul3A : i32
      "tpu.region"() ({
        %run_scoped3A_436 = tpu.sem_alloc : memref<!tpu.dma_semaphore, #tpu.memory_space<semaphore_mem>>
        %dma_start3A_437 = arith.constant 0 : i32
        %dma_start3A_438 = tpu.memref_slice %arg28[%mul3A_7, %dma_start3A_437] : memref<10240x128xf32, #tpu.memory_space<vmem_shared>> -> memref<640x128xf32, #tpu.memory_space<vmem_shared>>
        %dma_start3A_439 = arith.constant 0 : i32
        %dma_start3A_440 = tpu.memref_slice %arg3[%mul3A_7, %dma_start3A_439] : memref<10240x128xf32, #tpu.memory_space<hbm>> -> memref<640x128xf32, #tpu.memory_space<hbm>>
        tpu.enqueue_dma source(%dma_start3A_440 : memref<640x128xf32, #tpu.memory_space<hbm>>) target(%dma_start3A_438 : memref<640x128xf32, #tpu.memory_space<vmem_shared>>) target_semaphore(%run_scoped3A_436 : memref<!tpu.dma_semaphore, #tpu.memory_space<semaphore_mem>>)
        %dma_wait3A_441 = arith.constant 0 : i32
        %dma_wait3A_442 = tpu.memref_slice %arg28[%mul3A_7, %dma_wait3A_441] : memref<10240x128xf32, #tpu.memory_space<vmem_shared>> -> memref<640x128xf32, #tpu.memory_space<vmem_shared>>
        %dma_wait3A_443 = arith.constant 0 : i32
        %dma_wait3A_444 = tpu.memref_slice %arg3[%mul3A_7, %dma_wait3A_443] : memref<10240x128xf32, #tpu.memory_space<hbm>> -> memref<640x128xf32, #tpu.memory_space<hbm>>
        tpu.wait_dma2 semaphore(%run_scoped3A_436 : memref<!tpu.dma_semaphore, #tpu.memory_space<semaphore_mem>>) src(%dma_wait3A_444 : memref<640x128xf32, #tpu.memory_space<hbm>>) dst(%dma_wait3A_442 : memref<640x128xf32, #tpu.memory_space<vmem_shared>>)
        tpu.yield
      }) : () -> ()
      %barrier3A = arith.constant 0 : index
      tpu.barrier barrier_id(%barrier3A)
      %run_scoped3A = arith.constant 0 : i32
      "tpu.region"() ({
        %run_scoped3A_436 = tpu.sem_alloc : memref<!tpu.dma_semaphore, #tpu.memory_space<semaphore_mem>>
        %dma_start3A_437 = arith.constant 0 : i32
        %dma_start3A_438 = arith.constant 0 : i32
        %dma_start3A_439 = tpu.memref_slice %arg4[%arg1, %run_scoped3A, %dma_start3A_437, %dma_start3A_438] : memref<16x100x2x100xi32, #tpu.memory_space<hbm>> -> memref<1x1x2x100xi32, #tpu.memory_space<hbm>>
        %dma_start3A_440 = tpu.memref_squeeze %dma_start3A_439 : memref<1x1x2x100xi32, #tpu.memory_space<hbm>> -> memref<2x100xi32, #tpu.memory_space<hbm>>
        %dma_start3A_441 = arith.constant 0 : i32
        %dma_start3A_442 = arith.constant 0 : i32
        %dma_start3A_443 = tpu.memref_slice %arg4[%arg1, %run_scoped3A, %dma_start3A_441, %dma_start3A_442] : memref<16x100x2x100xi32, #tpu.memory_space<hbm>> -> memref<1x1x2x100xi32, #tpu.memory_space<hbm>>
        %dma_start3A_444 = tpu.memref_squeeze %dma_start3A_443 : memref<1x1x2x100xi32, #tpu.memory_space<hbm>> -> memref<2x100xi32, #tpu.memory_space<hbm>>
        tpu.enqueue_dma source(%dma_start3A_444 : memref<2x100xi32, #tpu.memory_space<hbm>>) target(%arg7 : memref<2x100xi32, #tpu.memory_space<vmem>>) target_semaphore(%run_scoped3A_436 : memref<!tpu.dma_semaphore, #tpu.memory_space<semaphore_mem>>)
        %dma_wait3A_445 = arith.constant 0 : i32
        %dma_wait3A_446 = arith.constant 0 : i32
        %dma_wait3A_447 = tpu.memref_slice %arg4[%arg1, %run_scoped3A, %dma_wait3A_445, %dma_wait3A_446] : memref<16x100x2x100xi32, #tpu.memory_space<hbm>> -> memref<1x1x2x100xi32, #tpu.memory_space<hbm>>
        %dma_wait3A_448 = tpu.memref_squeeze %dma_wait3A_447 : memref<1x1x2x100xi32, #tpu.memory_space<hbm>> -> memref<2x100xi32, #tpu.memory_space<hbm>>
        %dma_wait3A_449 = arith.constant 0 : i32
        %dma_wait3A_450 = arith.constant 0 : i32
        %dma_wait3A_451 = tpu.memref_slice %arg4[%arg1, %run_scoped3A, %dma_wait3A_449, %dma_wait3A_450] : memref<16x100x2x100xi32, #tpu.memory_space<hbm>> -> memref<1x1x2x100xi32, #tpu.memory_space<hbm>>
        %dma_wait3A_452 = tpu.memref_squeeze %dma_wait3A_451 : memref<1x1x2x100xi32, #tpu.memory_space<hbm>> -> memref<2x100xi32, #tpu.memory_space<hbm>>
        tpu.wait_dma2 semaphore(%run_scoped3A_436 : memref<!tpu.dma_semaphore, #tpu.memory_space<semaphore_mem>>) src(%dma_wait3A_452 : memref<2x100xi32, #tpu.memory_space<hbm>>) dst(%arg7 : memref<2x100xi32, #tpu.memory_space<vmem>>)
        tpu.yield
      }) : () -> ()
      %run_scoped3A_8 = arith.constant 1 : i32
      "tpu.region"() ({
        %run_scoped3A_436 = tpu.sem_alloc : memref<!tpu.dma_semaphore, #tpu.memory_space<semaphore_mem>>
        %dma_start3A_437 = arith.constant 0 : i32
        %dma_start3A_438 = arith.constant 0 : i32
        %dma_start3A_439 = tpu.memref_slice %arg4[%arg1, %run_scoped3A_8, %dma_start3A_437, %dma_start3A_438] : memref<16x100x2x100xi32, #tpu.memory_space<hbm>> -> memref<1x1x2x100xi32, #tpu.memory_space<hbm>>
        %dma_start3A_440 = tpu.memref_squeeze %dma_start3A_439 : memref<1x1x2x100xi32, #tpu.memory_space<hbm>> -> memref<2x100xi32, #tpu.memory_space<hbm>>
        %dma_start3A_441 = arith.constant 0 : i32
        %dma_start3A_442 = arith.constant 0 : i32
        %dma_start3A_443 = tpu.memref_slice %arg4[%arg1, %run_scoped3A_8, %dma_start3A_441, %dma_start3A_442] : memref<16x100x2x100xi32, #tpu.memory_space<hbm>> -> memref<1x1x2x100xi32, #tpu.memory_space<hbm>>
        %dma_start3A_444 = tpu.memref_squeeze %dma_start3A_443 : memref<1x1x2x100xi32, #tpu.memory_space<hbm>> -> memref<2x100xi32, #tpu.memory_space<hbm>>
        tpu.enqueue_dma source(%dma_start3A_444 : memref<2x100xi32, #tpu.memory_space<hbm>>) target(%arg8 : memref<2x100xi32, #tpu.memory_space<vmem>>) target_semaphore(%run_scoped3A_436 : memref<!tpu.dma_semaphore, #tpu.memory_space<semaphore_mem>>)
        %dma_wait3A_445 = arith.constant 0 : i32
        %dma_wait3A_446 = arith.constant 0 : i32
        %dma_wait3A_447 = tpu.memref_slice %arg4[%arg1, %run_scoped3A_8, %dma_wait3A_445, %dma_wait3A_446] : memref<16x100x2x100xi32, #tpu.memory_space<hbm>> -> memref<1x1x2x100xi32, #tpu.memory_space<hbm>>
        %dma_wait3A_448 = tpu.memref_squeeze %dma_wait3A_447 : memref<1x1x2x100xi32, #tpu.memory_space<hbm>> -> memref<2x100xi32, #tpu.memory_space<hbm>>
        %dma_wait3A_449 = arith.constant 0 : i32
        %dma_wait3A_450 = arith.constant 0 : i32
        %dma_wait3A_451 = tpu.memref_slice %arg4[%arg1, %run_scoped3A_8, %dma_wait3A_449, %dma_wait3A_450] : memref<16x100x2x100xi32, #tpu.memory_space<hbm>> -> memref<1x1x2x100xi32, #tpu.memory_space<hbm>>
        %dma_wait3A_452 = tpu.memref_squeeze %dma_wait3A_451 : memref<1x1x2x100xi32, #tpu.memory_space<hbm>> -> memref<2x100xi32, #tpu.memory_space<hbm>>
        tpu.wait_dma2 semaphore(%run_scoped3A_436 : memref<!tpu.dma_semaphore, #tpu.memory_space<semaphore_mem>>) src(%dma_wait3A_452 : memref<2x100xi32, #tpu.memory_space<hbm>>) dst(%arg8 : memref<2x100xi32, #tpu.memory_space<vmem>>)
        tpu.yield
      }) : () -> ()
      %dma_start3A = arith.constant 2 : i32
      %dma_start3A_9 = arith.constant 0 : i32
      %dma_start3A_10 = arith.constant 0 : i32
      %dma_start3A_11 = tpu.memref_slice %arg4[%arg1, %dma_start3A, %dma_start3A_9, %dma_start3A_10] : memref<16x100x2x100xi32, #tpu.memory_space<hbm>> -> memref<1x1x2x100xi32, #tpu.memory_space<hbm>>
      %dma_start3A_12 = tpu.memref_squeeze %dma_start3A_11 : memref<1x1x2x100xi32, #tpu.memory_space<hbm>> -> memref<2x100xi32, #tpu.memory_space<hbm>>
      %dma_start3A_13 = arith.constant 0 : i32
      %dma_start3A_14 = arith.constant 0 : i32
      %dma_start3A_15 = tpu.memref_slice %arg4[%arg1, %dma_start3A, %dma_start3A_13, %dma_start3A_14] : memref<16x100x2x100xi32, #tpu.memory_space<hbm>> -> memref<1x1x2x100xi32, #tpu.memory_space<hbm>>
      %dma_start3A_16 = tpu.memref_squeeze %dma_start3A_15 : memref<1x1x2x100xi32, #tpu.memory_space<hbm>> -> memref<2x100xi32, #tpu.memory_space<hbm>>
      tpu.enqueue_dma source(%dma_start3A_16 : memref<2x100xi32, #tpu.memory_space<hbm>>) target(%arg9 : memref<2x100xi32, #tpu.memory_space<vmem>>) target_semaphore(%arg18 : memref<!tpu.dma_semaphore, #tpu.memory_space<semaphore_mem>>)
      %dma_start3A_17 = arith.constant 0 : i32
      %dma_start3A_18 = arith.constant 0 : i32
      %dma_start3A_19 = tpu.memref_slice %arg7[%dma_start3A_17, %dma_start3A_18] : memref<2x100xi32, #tpu.memory_space<vmem>> -> memref<1x100xi32, #tpu.memory_space<vmem>>
      %dma_start3A_20 = tpu.memref_squeeze %dma_start3A_19 : memref<1x100xi32, #tpu.memory_space<vmem>> -> memref<100xi32, #tpu.memory_space<vmem>>
      %dma_start3A_21 = arith.constant 0 : i32
      %dma_start3A_22 = arith.constant 0 : i32
      %dma_start3A_23 = tpu.memref_slice %arg3[%dma_start3A_21, %dma_start3A_22] : memref<10240x128xf32, #tpu.memory_space<hbm>> -> memref<10240x128xf32, #tpu.memory_space<hbm>>
      tpu.enqueue_indirect_dma source(%dma_start3A_23 : memref<10240x128xf32, #tpu.memory_space<hbm>>) target(%arg13 : memref<100x128xf32, #tpu.memory_space<vmem>>) offsets(%dma_start3A_20 : memref<100xi32, #tpu.memory_space<vmem>>) semaphore(%arg22 : memref<!tpu.dma_semaphore, #tpu.memory_space<semaphore_mem>>)
      %dma_start3A_24 = arith.constant 0 : i32
      %dma_start3A_25 = arith.constant 0 : i32
      %dma_start3A_26 = tpu.memref_slice %arg8[%dma_start3A_24, %dma_start3A_25] : memref<2x100xi32, #tpu.memory_space<vmem>> -> memref<1x100xi32, #tpu.memory_space<vmem>>
      %dma_start3A_27 = tpu.memref_squeeze %dma_start3A_26 : memref<1x100xi32, #tpu.memory_space<vmem>> -> memref<100xi32, #tpu.memory_space<vmem>>
      %dma_start3A_28 = arith.constant 0 : i32
      %dma_start3A_29 = arith.constant 0 : i32
      %dma_start3A_30 = tpu.memref_slice %arg3[%dma_start3A_28, %dma_start3A_29] : memref<10240x128xf32, #tpu.memory_space<hbm>> -> memref<10240x128xf32, #tpu.memory_space<hbm>>
      tpu.enqueue_indirect_dma source(%dma_start3A_30 : memref<10240x128xf32, #tpu.memory_space<hbm>>) target(%arg14 : memref<100x128xf32, #tpu.memory_space<vmem>>) offsets(%dma_start3A_27 : memref<100xi32, #tpu.memory_space<vmem>>) semaphore(%arg23 : memref<!tpu.dma_semaphore, #tpu.memory_space<semaphore_mem>>)
      %dma_wait3A = arith.constant 0 : i32
      %dma_wait3A_31 = arith.constant 0 : i32
      %dma_wait3A_32 = tpu.memref_slice %arg7[%dma_wait3A, %dma_wait3A_31] : memref<2x100xi32, #tpu.memory_space<vmem>> -> memref<1x100xi32, #tpu.memory_space<vmem>>
      %dma_wait3A_33 = tpu.memref_squeeze %dma_wait3A_32 : memref<1x100xi32, #tpu.memory_space<vmem>> -> memref<100xi32, #tpu.memory_space<vmem>>
      %dma_wait3A_34 = arith.constant 0 : i32
      %dma_wait3A_35 = arith.constant 0 : i32
      %dma_wait3A_36 = tpu.memref_slice %arg3[%dma_wait3A_34, %dma_wait3A_35] : memref<10240x128xf32, #tpu.memory_space<hbm>> -> memref<10240x128xf32, #tpu.memory_space<hbm>>
      tpu.wait_indirect_dma semaphore(%arg22 : memref<!tpu.dma_semaphore, #tpu.memory_space<semaphore_mem>>) src(%dma_wait3A_36 : memref<10240x128xf32, #tpu.memory_space<hbm>>) dst(%arg13 : memref<100x128xf32, #tpu.memory_space<vmem>>)
      %dma_start3A_37 = arith.constant 1 : i32
      %dma_start3A_38 = arith.constant 0 : i32
      %dma_start3A_39 = tpu.memref_slice %arg7[%dma_start3A_37, %dma_start3A_38] : memref<2x100xi32, #tpu.memory_space<vmem>> -> memref<1x100xi32, #tpu.memory_space<vmem>>
      %dma_start3A_40 = tpu.memref_squeeze %dma_start3A_39 : memref<1x100xi32, #tpu.memory_space<vmem>> -> memref<100xi32, #tpu.memory_space<vmem>>
      %dma_start3A_41 = arith.constant 0 : i32
      %dma_start3A_42 = arith.constant 0 : i32
      %dma_start3A_43 = tpu.memref_slice %arg28[%dma_start3A_41, %dma_start3A_42] : memref<10240x128xf32, #tpu.memory_space<vmem_shared>> -> memref<10240x128xf32, #tpu.memory_space<vmem_shared>>
      tpu.enqueue_indirect_dma source(%arg13 : memref<100x128xf32, #tpu.memory_space<vmem>>) target(%dma_start3A_43 : memref<10240x128xf32, #tpu.memory_space<vmem_shared>>) offsets(%dma_start3A_40 : memref<100xi32, #tpu.memory_space<vmem>>) semaphore(%arg25 : memref<!tpu.dma_semaphore, #tpu.memory_space<semaphore_mem>>) {add = true}
      %dma_start3A_44 = arith.constant 3 : i32
      %dma_start3A_45 = arith.constant 0 : i32
      %dma_start3A_46 = arith.constant 0 : i32
      %dma_start3A_47 = tpu.memref_slice %arg4[%arg1, %dma_start3A_44, %dma_start3A_45, %dma_start3A_46] : memref<16x100x2x100xi32, #tpu.memory_space<hbm>> -> memref<1x1x2x100xi32, #tpu.memory_space<hbm>>
      %dma_start3A_48 = tpu.memref_squeeze %dma_start3A_47 : memref<1x1x2x100xi32, #tpu.memory_space<hbm>> -> memref<2x100xi32, #tpu.memory_space<hbm>>
      %dma_start3A_49 = arith.constant 0 : i32
      %dma_start3A_50 = arith.constant 0 : i32
      %dma_start3A_51 = tpu.memref_slice %arg4[%arg1, %dma_start3A_44, %dma_start3A_49, %dma_start3A_50] : memref<16x100x2x100xi32, #tpu.memory_space<hbm>> -> memref<1x1x2x100xi32, #tpu.memory_space<hbm>>
      %dma_start3A_52 = tpu.memref_squeeze %dma_start3A_51 : memref<1x1x2x100xi32, #tpu.memory_space<hbm>> -> memref<2x100xi32, #tpu.memory_space<hbm>>
      tpu.enqueue_dma source(%dma_start3A_52 : memref<2x100xi32, #tpu.memory_space<hbm>>) target(%arg10 : memref<2x100xi32, #tpu.memory_space<vmem>>) target_semaphore(%arg19 : memref<!tpu.dma_semaphore, #tpu.memory_space<semaphore_mem>>)
      %dma_wait3A_53 = arith.constant 2 : i32
      %dma_wait3A_54 = arith.constant 0 : i32
      %dma_wait3A_55 = arith.constant 0 : i32
      %dma_wait3A_56 = tpu.memref_slice %arg4[%arg1, %dma_wait3A_53, %dma_wait3A_54, %dma_wait3A_55] : memref<16x100x2x100xi32, #tpu.memory_space<hbm>> -> memref<1x1x2x100xi32, #tpu.memory_space<hbm>>
      %dma_wait3A_57 = tpu.memref_squeeze %dma_wait3A_56 : memref<1x1x2x100xi32, #tpu.memory_space<hbm>> -> memref<2x100xi32, #tpu.memory_space<hbm>>
      %dma_wait3A_58 = arith.constant 0 : i32
      %dma_wait3A_59 = arith.constant 0 : i32
      %dma_wait3A_60 = tpu.memref_slice %arg4[%arg1, %dma_wait3A_53, %dma_wait3A_58, %dma_wait3A_59] : memref<16x100x2x100xi32, #tpu.memory_space<hbm>> -> memref<1x1x2x100xi32, #tpu.memory_space<hbm>>
      %dma_wait3A_61 = tpu.memref_squeeze %dma_wait3A_60 : memref<1x1x2x100xi32, #tpu.memory_space<hbm>> -> memref<2x100xi32, #tpu.memory_space<hbm>>
      tpu.wait_dma2 semaphore(%arg18 : memref<!tpu.dma_semaphore, #tpu.memory_space<semaphore_mem>>) src(%dma_wait3A_61 : memref<2x100xi32, #tpu.memory_space<hbm>>) dst(%arg9 : memref<2x100xi32, #tpu.memory_space<vmem>>)
      %dma_start3A_62 = arith.constant 0 : i32
      %dma_start3A_63 = arith.constant 0 : i32
      %dma_start3A_64 = tpu.memref_slice %arg9[%dma_start3A_62, %dma_start3A_63] : memref<2x100xi32, #tpu.memory_space<vmem>> -> memref<1x100xi32, #tpu.memory_space<vmem>>
      %dma_start3A_65 = tpu.memref_squeeze %dma_start3A_64 : memref<1x100xi32, #tpu.memory_space<vmem>> -> memref<100xi32, #tpu.memory_space<vmem>>
      %dma_start3A_66 = arith.constant 0 : i32
      %dma_start3A_67 = arith.constant 0 : i32
      %dma_start3A_68 = tpu.memref_slice %arg3[%dma_start3A_66, %dma_start3A_67] : memref<10240x128xf32, #tpu.memory_space<hbm>> -> memref<10240x128xf32, #tpu.memory_space<hbm>>
      tpu.enqueue_indirect_dma source(%dma_start3A_68 : memref<10240x128xf32, #tpu.memory_space<hbm>>) target(%arg15 : memref<100x128xf32, #tpu.memory_space<vmem>>) offsets(%dma_start3A_65 : memref<100xi32, #tpu.memory_space<vmem>>) semaphore(%arg24 : memref<!tpu.dma_semaphore, #tpu.memory_space<semaphore_mem>>)
      %dma_wait3A_69 = arith.constant 0 : i32
      %dma_wait3A_70 = arith.constant 0 : i32
      %dma_wait3A_71 = tpu.memref_slice %arg8[%dma_wait3A_69, %dma_wait3A_70] : memref<2x100xi32, #tpu.memory_space<vmem>> -> memref<1x100xi32, #tpu.memory_space<vmem>>
      %dma_wait3A_72 = tpu.memref_squeeze %dma_wait3A_71 : memref<1x100xi32, #tpu.memory_space<vmem>> -> memref<100xi32, #tpu.memory_space<vmem>>
      %dma_wait3A_73 = arith.constant 0 : i32
      %dma_wait3A_74 = arith.constant 0 : i32
      %dma_wait3A_75 = tpu.memref_slice %arg3[%dma_wait3A_73, %dma_wait3A_74] : memref<10240x128xf32, #tpu.memory_space<hbm>> -> memref<10240x128xf32, #tpu.memory_space<hbm>>
      tpu.wait_indirect_dma semaphore(%arg23 : memref<!tpu.dma_semaphore, #tpu.memory_space<semaphore_mem>>) src(%dma_wait3A_75 : memref<10240x128xf32, #tpu.memory_space<hbm>>) dst(%arg14 : memref<100x128xf32, #tpu.memory_space<vmem>>)
      %dma_start3A_76 = arith.constant 1 : i32
      %dma_start3A_77 = arith.constant 0 : i32
      %dma_start3A_78 = tpu.memref_slice %arg8[%dma_start3A_76, %dma_start3A_77] : memref<2x100xi32, #tpu.memory_space<vmem>> -> memref<1x100xi32, #tpu.memory_space<vmem>>
      %dma_start3A_79 = tpu.memref_squeeze %dma_start3A_78 : memref<1x100xi32, #tpu.memory_space<vmem>> -> memref<100xi32, #tpu.memory_space<vmem>>
      %dma_start3A_80 = arith.constant 0 : i32
      %dma_start3A_81 = arith.constant 0 : i32
      %dma_start3A_82 = tpu.memref_slice %arg28[%dma_start3A_80, %dma_start3A_81] : memref<10240x128xf32, #tpu.memory_space<vmem_shared>> -> memref<10240x128xf32, #tpu.memory_space<vmem_shared>>
      tpu.enqueue_indirect_dma source(%arg14 : memref<100x128xf32, #tpu.memory_space<vmem>>) target(%dma_start3A_82 : memref<10240x128xf32, #tpu.memory_space<vmem_shared>>) offsets(%dma_start3A_79 : memref<100xi32, #tpu.memory_space<vmem>>) semaphore(%arg26 : memref<!tpu.dma_semaphore, #tpu.memory_space<semaphore_mem>>) {add = true}
      %dma_start3A_83 = arith.constant 4 : i32
      %dma_start3A_84 = arith.constant 0 : i32
      %dma_start3A_85 = arith.constant 0 : i32
      %dma_start3A_86 = tpu.memref_slice %arg4[%arg1, %dma_start3A_83, %dma_start3A_84, %dma_start3A_85] : memref<16x100x2x100xi32, #tpu.memory_space<hbm>> -> memref<1x1x2x100xi32, #tpu.memory_space<hbm>>
      %dma_start3A_87 = tpu.memref_squeeze %dma_start3A_86 : memref<1x1x2x100xi32, #tpu.memory_space<hbm>> -> memref<2x100xi32, #tpu.memory_space<hbm>>
      %dma_start3A_88 = arith.constant 0 : i32
      %dma_start3A_89 = arith.constant 0 : i32
      %dma_start3A_90 = tpu.memref_slice %arg4[%arg1, %dma_start3A_83, %dma_start3A_88, %dma_start3A_89] : memref<16x100x2x100xi32, #tpu.memory_space<hbm>> -> memref<1x1x2x100xi32, #tpu.memory_space<hbm>>
      %dma_start3A_91 = tpu.memref_squeeze %dma_start3A_90 : memref<1x1x2x100xi32, #tpu.memory_space<hbm>> -> memref<2x100xi32, #tpu.memory_space<hbm>>
      tpu.enqueue_dma source(%dma_start3A_91 : memref<2x100xi32, #tpu.memory_space<hbm>>) target(%arg11 : memref<2x100xi32, #tpu.memory_space<vmem>>) target_semaphore(%arg20 : memref<!tpu.dma_semaphore, #tpu.memory_space<semaphore_mem>>)
      %dma_wait3A_92 = arith.constant 1 : i32
      %dma_wait3A_93 = arith.constant 0 : i32
      %dma_wait3A_94 = tpu.memref_slice %arg7[%dma_wait3A_92, %dma_wait3A_93] : memref<2x100xi32, #tpu.memory_space<vmem>> -> memref<1x100xi32, #tpu.memory_space<vmem>>
      %dma_wait3A_95 = tpu.memref_squeeze %dma_wait3A_94 : memref<1x100xi32, #tpu.memory_space<vmem>> -> memref<100xi32, #tpu.memory_space<vmem>>
      %dma_wait3A_96 = arith.constant 0 : i32
      %dma_wait3A_97 = arith.constant 0 : i32
      %dma_wait3A_98 = tpu.memref_slice %arg28[%dma_wait3A_96, %dma_wait3A_97] : memref<10240x128xf32, #tpu.memory_space<vmem_shared>> -> memref<10240x128xf32, #tpu.memory_space<vmem_shared>>
      tpu.wait_indirect_dma semaphore(%arg25 : memref<!tpu.dma_semaphore, #tpu.memory_space<semaphore_mem>>) src(%arg13 : memref<100x128xf32, #tpu.memory_space<vmem>>) dst(%dma_wait3A_98 : memref<10240x128xf32, #tpu.memory_space<vmem_shared>>)
      %dma_wait3A_99 = arith.constant 3 : i32
      %dma_wait3A_100 = arith.constant 0 : i32
      %dma_wait3A_101 = arith.constant 0 : i32
      %dma_wait3A_102 = tpu.memref_slice %arg4[%arg1, %dma_wait3A_99, %dma_wait3A_100, %dma_wait3A_101] : memref<16x100x2x100xi32, #tpu.memory_space<hbm>> -> memref<1x1x2x100xi32, #tpu.memory_space<hbm>>
      %dma_wait3A_103 = tpu.memref_squeeze %dma_wait3A_102 : memref<1x1x2x100xi32, #tpu.memory_space<hbm>> -> memref<2x100xi32, #tpu.memory_space<hbm>>
      %dma_wait3A_104 = arith.constant 0 : i32
      %dma_wait3A_105 = arith.constant 0 : i32
      %dma_wait3A_106 = tpu.memref_slice %arg4[%arg1, %dma_wait3A_99, %dma_wait3A_104, %dma_wait3A_105] : memref<16x100x2x100xi32, #tpu.memory_space<hbm>> -> memref<1x1x2x100xi32, #tpu.memory_space<hbm>>
      %dma_wait3A_107 = tpu.memref_squeeze %dma_wait3A_106 : memref<1x1x2x100xi32, #tpu.memory_space<hbm>> -> memref<2x100xi32, #tpu.memory_space<hbm>>
      tpu.wait_dma2 semaphore(%arg19 : memref<!tpu.dma_semaphore, #tpu.memory_space<semaphore_mem>>) src(%dma_wait3A_107 : memref<2x100xi32, #tpu.memory_space<hbm>>) dst(%arg10 : memref<2x100xi32, #tpu.memory_space<vmem>>)
      %dma_start3A_108 = arith.constant 0 : i32
      %dma_start3A_109 = arith.constant 0 : i32
      %dma_start3A_110 = tpu.memref_slice %arg10[%dma_start3A_108, %dma_start3A_109] : memref<2x100xi32, #tpu.memory_space<vmem>> -> memref<1x100xi32, #tpu.memory_space<vmem>>
      %dma_start3A_111 = tpu.memref_squeeze %dma_start3A_110 : memref<1x100xi32, #tpu.memory_space<vmem>> -> memref<100xi32, #tpu.memory_space<vmem>>
      %dma_start3A_112 = arith.constant 0 : i32
      %dma_start3A_113 = arith.constant 0 : i32
      %dma_start3A_114 = tpu.memref_slice %arg3[%dma_start3A_112, %dma_start3A_113] : memref<10240x128xf32, #tpu.memory_space<hbm>> -> memref<10240x128xf32, #tpu.memory_space<hbm>>
      tpu.enqueue_indirect_dma source(%dma_start3A_114 : memref<10240x128xf32, #tpu.memory_space<hbm>>) target(%arg13 : memref<100x128xf32, #tpu.memory_space<vmem>>) offsets(%dma_start3A_111 : memref<100xi32, #tpu.memory_space<vmem>>) semaphore(%arg22 : memref<!tpu.dma_semaphore, #tpu.memory_space<semaphore_mem>>)
      %dma_wait3A_115 = arith.constant 0 : i32
      %dma_wait3A_116 = arith.constant 0 : i32
      %dma_wait3A_117 = tpu.memref_slice %arg9[%dma_wait3A_115, %dma_wait3A_116] : memref<2x100xi32, #tpu.memory_space<vmem>> -> memref<1x100xi32, #tpu.memory_space<vmem>>
      %dma_wait3A_118 = tpu.memref_squeeze %dma_wait3A_117 : memref<1x100xi32, #tpu.memory_space<vmem>> -> memref<100xi32, #tpu.memory_space<vmem>>
      %dma_wait3A_119 = arith.constant 0 : i32
      %dma_wait3A_120 = arith.constant 0 : i32
      %dma_wait3A_121 = tpu.memref_slice %arg3[%dma_wait3A_119, %dma_wait3A_120] : memref<10240x128xf32, #tpu.memory_space<hbm>> -> memref<10240x128xf32, #tpu.memory_space<hbm>>
      tpu.wait_indirect_dma semaphore(%arg24 : memref<!tpu.dma_semaphore, #tpu.memory_space<semaphore_mem>>) src(%dma_wait3A_121 : memref<10240x128xf32, #tpu.memory_space<hbm>>) dst(%arg15 : memref<100x128xf32, #tpu.memory_space<vmem>>)
      %dma_start3A_122 = arith.constant 1 : i32
      %dma_start3A_123 = arith.constant 0 : i32
      %dma_start3A_124 = tpu.memref_slice %arg9[%dma_start3A_122, %dma_start3A_123] : memref<2x100xi32, #tpu.memory_space<vmem>> -> memref<1x100xi32, #tpu.memory_space<vmem>>
      %dma_start3A_125 = tpu.memref_squeeze %dma_start3A_124 : memref<1x100xi32, #tpu.memory_space<vmem>> -> memref<100xi32, #tpu.memory_space<vmem>>
      %dma_start3A_126 = arith.constant 0 : i32
      %dma_start3A_127 = arith.constant 0 : i32
      %dma_start3A_128 = tpu.memref_slice %arg28[%dma_start3A_126, %dma_start3A_127] : memref<10240x128xf32, #tpu.memory_space<vmem_shared>> -> memref<10240x128xf32, #tpu.memory_space<vmem_shared>>
      tpu.enqueue_indirect_dma source(%arg15 : memref<100x128xf32, #tpu.memory_space<vmem>>) target(%dma_start3A_128 : memref<10240x128xf32, #tpu.memory_space<vmem_shared>>) offsets(%dma_start3A_125 : memref<100xi32, #tpu.memory_space<vmem>>) semaphore(%arg27 : memref<!tpu.dma_semaphore, #tpu.memory_space<semaphore_mem>>) {add = true}
      %dma_start3A_129 = arith.constant 5 : i32
      %dma_start3A_130 = arith.constant 0 : i32
      %dma_start3A_131 = arith.constant 0 : i32
      %dma_start3A_132 = tpu.memref_slice %arg4[%arg1, %dma_start3A_129, %dma_start3A_130, %dma_start3A_131] : memref<16x100x2x100xi32, #tpu.memory_space<hbm>> -> memref<1x1x2x100xi32, #tpu.memory_space<hbm>>
      %dma_start3A_133 = tpu.memref_squeeze %dma_start3A_132 : memref<1x1x2x100xi32, #tpu.memory_space<hbm>> -> memref<2x100xi32, #tpu.memory_space<hbm>>
      %dma_start3A_134 = arith.constant 0 : i32
      %dma_start3A_135 = arith.constant 0 : i32
      %dma_start3A_136 = tpu.memref_slice %arg4[%arg1, %dma_start3A_129, %dma_start3A_134, %dma_start3A_135] : memref<16x100x2x100xi32, #tpu.memory_space<hbm>> -> memref<1x1x2x100xi32, #tpu.memory_space<hbm>>
      %dma_start3A_137 = tpu.memref_squeeze %dma_start3A_136 : memref<1x1x2x100xi32, #tpu.memory_space<hbm>> -> memref<2x100xi32, #tpu.memory_space<hbm>>
      tpu.enqueue_dma source(%dma_start3A_137 : memref<2x100xi32, #tpu.memory_space<hbm>>) target(%arg12 : memref<2x100xi32, #tpu.memory_space<vmem>>) target_semaphore(%arg21 : memref<!tpu.dma_semaphore, #tpu.memory_space<semaphore_mem>>)
      %dma_wait3A_138 = arith.constant 1 : i32
      %dma_wait3A_139 = arith.constant 0 : i32
      %dma_wait3A_140 = tpu.memref_slice %arg8[%dma_wait3A_138, %dma_wait3A_139] : memref<2x100xi32, #tpu.memory_space<vmem>> -> memref<1x100xi32, #tpu.memory_space<vmem>>
      %dma_wait3A_141 = tpu.memref_squeeze %dma_wait3A_140 : memref<1x100xi32, #tpu.memory_space<vmem>> -> memref<100xi32, #tpu.memory_space<vmem>>
      %dma_wait3A_142 = arith.constant 0 : i32
      %dma_wait3A_143 = arith.constant 0 : i32
      %dma_wait3A_144 = tpu.memref_slice %arg28[%dma_wait3A_142, %dma_wait3A_143] : memref<10240x128xf32, #tpu.memory_space<vmem_shared>> -> memref<10240x128xf32, #tpu.memory_space<vmem_shared>>
      tpu.wait_indirect_dma semaphore(%arg26 : memref<!tpu.dma_semaphore, #tpu.memory_space<semaphore_mem>>) src(%arg14 : memref<100x128xf32, #tpu.memory_space<vmem>>) dst(%dma_wait3A_144 : memref<10240x128xf32, #tpu.memory_space<vmem_shared>>)
      %dma_wait3A_145 = arith.constant 4 : i32
      %dma_wait3A_146 = arith.constant 0 : i32
      %dma_wait3A_147 = arith.constant 0 : i32
      %dma_wait3A_148 = tpu.memref_slice %arg4[%arg1, %dma_wait3A_145, %dma_wait3A_146, %dma_wait3A_147] : memref<16x100x2x100xi32, #tpu.memory_space<hbm>> -> memref<1x1x2x100xi32, #tpu.memory_space<hbm>>
      %dma_wait3A_149 = tpu.memref_squeeze %dma_wait3A_148 : memref<1x1x2x100xi32, #tpu.memory_space<hbm>> -> memref<2x100xi32, #tpu.memory_space<hbm>>
      %dma_wait3A_150 = arith.constant 0 : i32
      %dma_wait3A_151 = arith.constant 0 : i32
      %dma_wait3A_152 = tpu.memref_slice %arg4[%arg1, %dma_wait3A_145, %dma_wait3A_150, %dma_wait3A_151] : memref<16x100x2x100xi32, #tpu.memory_space<hbm>> -> memref<1x1x2x100xi32, #tpu.memory_space<hbm>>
      %dma_wait3A_153 = tpu.memref_squeeze %dma_wait3A_152 : memref<1x1x2x100xi32, #tpu.memory_space<hbm>> -> memref<2x100xi32, #tpu.memory_space<hbm>>
      tpu.wait_dma2 semaphore(%arg20 : memref<!tpu.dma_semaphore, #tpu.memory_space<semaphore_mem>>) src(%dma_wait3A_153 : memref<2x100xi32, #tpu.memory_space<hbm>>) dst(%arg11 : memref<2x100xi32, #tpu.memory_space<vmem>>)
      %dma_start3A_154 = arith.constant 0 : i32
      %dma_start3A_155 = arith.constant 0 : i32
      %dma_start3A_156 = tpu.memref_slice %arg11[%dma_start3A_154, %dma_start3A_155] : memref<2x100xi32, #tpu.memory_space<vmem>> -> memref<1x100xi32, #tpu.memory_space<vmem>>
      %dma_start3A_157 = tpu.memref_squeeze %dma_start3A_156 : memref<1x100xi32, #tpu.memory_space<vmem>> -> memref<100xi32, #tpu.memory_space<vmem>>
      %dma_start3A_158 = arith.constant 0 : i32
      %dma_start3A_159 = arith.constant 0 : i32
      %dma_start3A_160 = tpu.memref_slice %arg3[%dma_start3A_158, %dma_start3A_159] : memref<10240x128xf32, #tpu.memory_space<hbm>> -> memref<10240x128xf32, #tpu.memory_space<hbm>>
      tpu.enqueue_indirect_dma source(%dma_start3A_160 : memref<10240x128xf32, #tpu.memory_space<hbm>>) target(%arg14 : memref<100x128xf32, #tpu.memory_space<vmem>>) offsets(%dma_start3A_157 : memref<100xi32, #tpu.memory_space<vmem>>) semaphore(%arg23 : memref<!tpu.dma_semaphore, #tpu.memory_space<semaphore_mem>>)
      %dma_wait3A_161 = arith.constant 0 : i32
      %dma_wait3A_162 = arith.constant 0 : i32
      %dma_wait3A_163 = tpu.memref_slice %arg10[%dma_wait3A_161, %dma_wait3A_162] : memref<2x100xi32, #tpu.memory_space<vmem>> -> memref<1x100xi32, #tpu.memory_space<vmem>>
      %dma_wait3A_164 = tpu.memref_squeeze %dma_wait3A_163 : memref<1x100xi32, #tpu.memory_space<vmem>> -> memref<100xi32, #tpu.memory_space<vmem>>
      %dma_wait3A_165 = arith.constant 0 : i32
      %dma_wait3A_166 = arith.constant 0 : i32
      %dma_wait3A_167 = tpu.memref_slice %arg3[%dma_wait3A_165, %dma_wait3A_166] : memref<10240x128xf32, #tpu.memory_space<hbm>> -> memref<10240x128xf32, #tpu.memory_space<hbm>>
      tpu.wait_indirect_dma semaphore(%arg22 : memref<!tpu.dma_semaphore, #tpu.memory_space<semaphore_mem>>) src(%dma_wait3A_167 : memref<10240x128xf32, #tpu.memory_space<hbm>>) dst(%arg13 : memref<100x128xf32, #tpu.memory_space<vmem>>)
      %dma_start3A_168 = arith.constant 1 : i32
      %dma_start3A_169 = arith.constant 0 : i32
      %dma_start3A_170 = tpu.memref_slice %arg10[%dma_start3A_168, %dma_start3A_169] : memref<2x100xi32, #tpu.memory_space<vmem>> -> memref<1x100xi32, #tpu.memory_space<vmem>>
      %dma_start3A_171 = tpu.memref_squeeze %dma_start3A_170 : memref<1x100xi32, #tpu.memory_space<vmem>> -> memref<100xi32, #tpu.memory_space<vmem>>
      %dma_start3A_172 = arith.constant 0 : i32
      %dma_start3A_173 = arith.constant 0 : i32
      %dma_start3A_174 = tpu.memref_slice %arg28[%dma_start3A_172, %dma_start3A_173] : memref<10240x128xf32, #tpu.memory_space<vmem_shared>> -> memref<10240x128xf32, #tpu.memory_space<vmem_shared>>
      tpu.enqueue_indirect_dma source(%arg13 : memref<100x128xf32, #tpu.memory_space<vmem>>) target(%dma_start3A_174 : memref<10240x128xf32, #tpu.memory_space<vmem_shared>>) offsets(%dma_start3A_171 : memref<100xi32, #tpu.memory_space<vmem>>) semaphore(%arg25 : memref<!tpu.dma_semaphore, #tpu.memory_space<semaphore_mem>>) {add = true}
      %dma_start3A_175 = arith.constant 6 : i32
      %dma_start3A_176 = arith.constant 0 : i32
      %dma_start3A_177 = arith.constant 0 : i32
      %dma_start3A_178 = tpu.memref_slice %arg4[%arg1, %dma_start3A_175, %dma_start3A_176, %dma_start3A_177] : memref<16x100x2x100xi32, #tpu.memory_space<hbm>> -> memref<1x1x2x100xi32, #tpu.memory_space<hbm>>
      %dma_start3A_179 = tpu.memref_squeeze %dma_start3A_178 : memref<1x1x2x100xi32, #tpu.memory_space<hbm>> -> memref<2x100xi32, #tpu.memory_space<hbm>>
      %dma_start3A_180 = arith.constant 0 : i32
      %dma_start3A_181 = arith.constant 0 : i32
      %dma_start3A_182 = tpu.memref_slice %arg4[%arg1, %dma_start3A_175, %dma_start3A_180, %dma_start3A_181] : memref<16x100x2x100xi32, #tpu.memory_space<hbm>> -> memref<1x1x2x100xi32, #tpu.memory_space<hbm>>
      %dma_start3A_183 = tpu.memref_squeeze %dma_start3A_182 : memref<1x1x2x100xi32, #tpu.memory_space<hbm>> -> memref<2x100xi32, #tpu.memory_space<hbm>>
      tpu.enqueue_dma source(%dma_start3A_183 : memref<2x100xi32, #tpu.memory_space<hbm>>) target(%arg7 : memref<2x100xi32, #tpu.memory_space<vmem>>) target_semaphore(%arg16 : memref<!tpu.dma_semaphore, #tpu.memory_space<semaphore_mem>>)
      %dma_wait3A_184 = arith.constant 1 : i32
      %dma_wait3A_185 = arith.constant 0 : i32
      %dma_wait3A_186 = tpu.memref_slice %arg9[%dma_wait3A_184, %dma_wait3A_185] : memref<2x100xi32, #tpu.memory_space<vmem>> -> memref<1x100xi32, #tpu.memory_space<vmem>>
      %dma_wait3A_187 = tpu.memref_squeeze %dma_wait3A_186 : memref<1x100xi32, #tpu.memory_space<vmem>> -> memref<100xi32, #tpu.memory_space<vmem>>
      %dma_wait3A_188 = arith.constant 0 : i32
      %dma_wait3A_189 = arith.constant 0 : i32
      %dma_wait3A_190 = tpu.memref_slice %arg28[%dma_wait3A_188, %dma_wait3A_189] : memref<10240x128xf32, #tpu.memory_space<vmem_shared>> -> memref<10240x128xf32, #tpu.memory_space<vmem_shared>>
      tpu.wait_indirect_dma semaphore(%arg27 : memref<!tpu.dma_semaphore, #tpu.memory_space<semaphore_mem>>) src(%arg15 : memref<100x128xf32, #tpu.memory_space<vmem>>) dst(%dma_wait3A_190 : memref<10240x128xf32, #tpu.memory_space<vmem_shared>>)
      %dma_wait3A_191 = arith.constant 5 : i32
      %dma_wait3A_192 = arith.constant 0 : i32
      %dma_wait3A_193 = arith.constant 0 : i32
      %dma_wait3A_194 = tpu.memref_slice %arg4[%arg1, %dma_wait3A_191, %dma_wait3A_192, %dma_wait3A_193] : memref<16x100x2x100xi32, #tpu.memory_space<hbm>> -> memref<1x1x2x100xi32, #tpu.memory_space<hbm>>
      %dma_wait3A_195 = tpu.memref_squeeze %dma_wait3A_194 : memref<1x1x2x100xi32, #tpu.memory_space<hbm>> -> memref<2x100xi32, #tpu.memory_space<hbm>>
      %dma_wait3A_196 = arith.constant 0 : i32
      %dma_wait3A_197 = arith.constant 0 : i32
      %dma_wait3A_198 = tpu.memref_slice %arg4[%arg1, %dma_wait3A_191, %dma_wait3A_196, %dma_wait3A_197] : memref<16x100x2x100xi32, #tpu.memory_space<hbm>> -> memref<1x1x2x100xi32, #tpu.memory_space<hbm>>
      %dma_wait3A_199 = tpu.memref_squeeze %dma_wait3A_198 : memref<1x1x2x100xi32, #tpu.memory_space<hbm>> -> memref<2x100xi32, #tpu.memory_space<hbm>>
      tpu.wait_dma2 semaphore(%arg21 : memref<!tpu.dma_semaphore, #tpu.memory_space<semaphore_mem>>) src(%dma_wait3A_199 : memref<2x100xi32, #tpu.memory_space<hbm>>) dst(%arg12 : memref<2x100xi32, #tpu.memory_space<vmem>>)
      %dma_start3A_200 = arith.constant 0 : i32
      %dma_start3A_201 = arith.constant 0 : i32
      %dma_start3A_202 = tpu.memref_slice %arg12[%dma_start3A_200, %dma_start3A_201] : memref<2x100xi32, #tpu.memory_space<vmem>> -> memref<1x100xi32, #tpu.memory_space<vmem>>
      %dma_start3A_203 = tpu.memref_squeeze %dma_start3A_202 : memref<1x100xi32, #tpu.memory_space<vmem>> -> memref<100xi32, #tpu.memory_space<vmem>>
      %dma_start3A_204 = arith.constant 0 : i32
      %dma_start3A_205 = arith.constant 0 : i32
      %dma_start3A_206 = tpu.memref_slice %arg3[%dma_start3A_204, %dma_start3A_205] : memref<10240x128xf32, #tpu.memory_space<hbm>> -> memref<10240x128xf32, #tpu.memory_space<hbm>>
      tpu.enqueue_indirect_dma source(%dma_start3A_206 : memref<10240x128xf32, #tpu.memory_space<hbm>>) target(%arg15 : memref<100x128xf32, #tpu.memory_space<vmem>>) offsets(%dma_start3A_203 : memref<100xi32, #tpu.memory_space<vmem>>) semaphore(%arg24 : memref<!tpu.dma_semaphore, #tpu.memory_space<semaphore_mem>>)
      %dma_wait3A_207 = arith.constant 0 : i32
      %dma_wait3A_208 = arith.constant 0 : i32
      %dma_wait3A_209 = tpu.memref_slice %arg11[%dma_wait3A_207, %dma_wait3A_208] : memref<2x100xi32, #tpu.memory_space<vmem>> -> memref<1x100xi32, #tpu.memory_space<vmem>>
      %dma_wait3A_210 = tpu.memref_squeeze %dma_wait3A_209 : memref<1x100xi32, #tpu.memory_space<vmem>> -> memref<100xi32, #tpu.memory_space<vmem>>
      %dma_wait3A_211 = arith.constant 0 : i32
      %dma_wait3A_212 = arith.constant 0 : i32
      %dma_wait3A_213 = tpu.memref_slice %arg3[%dma_wait3A_211, %dma_wait3A_212] : memref<10240x128xf32, #tpu.memory_space<hbm>> -> memref<10240x128xf32, #tpu.memory_space<hbm>>
      tpu.wait_indirect_dma semaphore(%arg23 : memref<!tpu.dma_semaphore, #tpu.memory_space<semaphore_mem>>) src(%dma_wait3A_213 : memref<10240x128xf32, #tpu.memory_space<hbm>>) dst(%arg14 : memref<100x128xf32, #tpu.memory_space<vmem>>)
      %dma_start3A_214 = arith.constant 1 : i32
      %dma_start3A_215 = arith.constant 0 : i32
      %dma_start3A_216 = tpu.memref_slice %arg11[%dma_start3A_214, %dma_start3A_215] : memref<2x100xi32, #tpu.memory_space<vmem>> -> memref<1x100xi32, #tpu.memory_space<vmem>>
      %dma_start3A_217 = tpu.memref_squeeze %dma_start3A_216 : memref<1x100xi32, #tpu.memory_space<vmem>> -> memref<100xi32, #tpu.memory_space<vmem>>
      %dma_start3A_218 = arith.constant 0 : i32
      %dma_start3A_219 = arith.constant 0 : i32
      %dma_start3A_220 = tpu.memref_slice %arg28[%dma_start3A_218, %dma_start3A_219] : memref<10240x128xf32, #tpu.memory_space<vmem_shared>> -> memref<10240x128xf32, #tpu.memory_space<vmem_shared>>
      tpu.enqueue_indirect_dma source(%arg14 : memref<100x128xf32, #tpu.memory_space<vmem>>) target(%dma_start3A_220 : memref<10240x128xf32, #tpu.memory_space<vmem_shared>>) offsets(%dma_start3A_217 : memref<100xi32, #tpu.memory_space<vmem>>) semaphore(%arg26 : memref<!tpu.dma_semaphore, #tpu.memory_space<semaphore_mem>>) {add = true}
      %dma_start3A_221 = arith.constant 7 : i32
      %dma_start3A_222 = arith.constant 0 : i32
      %dma_start3A_223 = arith.constant 0 : i32
      %dma_start3A_224 = tpu.memref_slice %arg4[%arg1, %dma_start3A_221, %dma_start3A_222, %dma_start3A_223] : memref<16x100x2x100xi32, #tpu.memory_space<hbm>> -> memref<1x1x2x100xi32, #tpu.memory_space<hbm>>
      %dma_start3A_225 = tpu.memref_squeeze %dma_start3A_224 : memref<1x1x2x100xi32, #tpu.memory_space<hbm>> -> memref<2x100xi32, #tpu.memory_space<hbm>>
      %dma_start3A_226 = arith.constant 0 : i32
      %dma_start3A_227 = arith.constant 0 : i32
      %dma_start3A_228 = tpu.memref_slice %arg4[%arg1, %dma_start3A_221, %dma_start3A_226, %dma_start3A_227] : memref<16x100x2x100xi32, #tpu.memory_space<hbm>> -> memref<1x1x2x100xi32, #tpu.memory_space<hbm>>
      %dma_start3A_229 = tpu.memref_squeeze %dma_start3A_228 : memref<1x1x2x100xi32, #tpu.memory_space<hbm>> -> memref<2x100xi32, #tpu.memory_space<hbm>>
      tpu.enqueue_dma source(%dma_start3A_229 : memref<2x100xi32, #tpu.memory_space<hbm>>) target(%arg8 : memref<2x100xi32, #tpu.memory_space<vmem>>) target_semaphore(%arg17 : memref<!tpu.dma_semaphore, #tpu.memory_space<semaphore_mem>>)
      %dma_wait3A_230 = arith.constant 1 : i32
      %dma_wait3A_231 = arith.constant 0 : i32
      %dma_wait3A_232 = tpu.memref_slice %arg10[%dma_wait3A_230, %dma_wait3A_231] : memref<2x100xi32, #tpu.memory_space<vmem>> -> memref<1x100xi32, #tpu.memory_space<vmem>>
      %dma_wait3A_233 = tpu.memref_squeeze %dma_wait3A_232 : memref<1x100xi32, #tpu.memory_space<vmem>> -> memref<100xi32, #tpu.memory_space<vmem>>
      %dma_wait3A_234 = arith.constant 0 : i32
      %dma_wait3A_235 = arith.constant 0 : i32
      %dma_wait3A_236 = tpu.memref_slice %arg28[%dma_wait3A_234, %dma_wait3A_235] : memref<10240x128xf32, #tpu.memory_space<vmem_shared>> -> memref<10240x128xf32, #tpu.memory_space<vmem_shared>>
      tpu.wait_indirect_dma semaphore(%arg25 : memref<!tpu.dma_semaphore, #tpu.memory_space<semaphore_mem>>) src(%arg13 : memref<100x128xf32, #tpu.memory_space<vmem>>) dst(%dma_wait3A_236 : memref<10240x128xf32, #tpu.memory_space<vmem_shared>>)
      %dma_wait3A_237 = arith.constant 6 : i32
      %dma_wait3A_238 = arith.constant 0 : i32
      %dma_wait3A_239 = arith.constant 0 : i32
      %dma_wait3A_240 = tpu.memref_slice %arg4[%arg1, %dma_wait3A_237, %dma_wait3A_238, %dma_wait3A_239] : memref<16x100x2x100xi32, #tpu.memory_space<hbm>> -> memref<1x1x2x100xi32, #tpu.memory_space<hbm>>
      %dma_wait3A_241 = tpu.memref_squeeze %dma_wait3A_240 : memref<1x1x2x100xi32, #tpu.memory_space<hbm>> -> memref<2x100xi32, #tpu.memory_space<hbm>>
      %dma_wait3A_242 = arith.constant 0 : i32
      %dma_wait3A_243 = arith.constant 0 : i32
      %dma_wait3A_244 = tpu.memref_slice %arg4[%arg1, %dma_wait3A_237, %dma_wait3A_242, %dma_wait3A_243] : memref<16x100x2x100xi32, #tpu.memory_space<hbm>> -> memref<1x1x2x100xi32, #tpu.memory_space<hbm>>
      %dma_wait3A_245 = tpu.memref_squeeze %dma_wait3A_244 : memref<1x1x2x100xi32, #tpu.memory_space<hbm>> -> memref<2x100xi32, #tpu.memory_space<hbm>>
      tpu.wait_dma2 semaphore(%arg16 : memref<!tpu.dma_semaphore, #tpu.memory_space<semaphore_mem>>) src(%dma_wait3A_245 : memref<2x100xi32, #tpu.memory_space<hbm>>) dst(%arg7 : memref<2x100xi32, #tpu.memory_space<vmem>>)
      %dma_start3A_246 = arith.constant 0 : i32
      %dma_start3A_247 = arith.constant 0 : i32
      %dma_start3A_248 = tpu.memref_slice %arg7[%dma_start3A_246, %dma_start3A_247] : memref<2x100xi32, #tpu.memory_space<vmem>> -> memref<1x100xi32, #tpu.memory_space<vmem>>
      %dma_start3A_249 = tpu.memref_squeeze %dma_start3A_248 : memref<1x100xi32, #tpu.memory_space<vmem>> -> memref<100xi32, #tpu.memory_space<vmem>>
      %dma_start3A_250 = arith.constant 0 : i32
      %dma_start3A_251 = arith.constant 0 : i32
      %dma_start3A_252 = tpu.memref_slice %arg3[%dma_start3A_250, %dma_start3A_251] : memref<10240x128xf32, #tpu.memory_space<hbm>> -> memref<10240x128xf32, #tpu.memory_space<hbm>>
      tpu.enqueue_indirect_dma source(%dma_start3A_252 : memref<10240x128xf32, #tpu.memory_space<hbm>>) target(%arg13 : memref<100x128xf32, #tpu.memory_space<vmem>>) offsets(%dma_start3A_249 : memref<100xi32, #tpu.memory_space<vmem>>) semaphore(%arg22 : memref<!tpu.dma_semaphore, #tpu.memory_space<semaphore_mem>>)
      %dma_wait3A_253 = arith.constant 0 : i32
      %dma_wait3A_254 = arith.constant 0 : i32
      %dma_wait3A_255 = tpu.memref_slice %arg12[%dma_wait3A_253, %dma_wait3A_254] : memref<2x100xi32, #tpu.memory_space<vmem>> -> memref<1x100xi32, #tpu.memory_space<vmem>>
      %dma_wait3A_256 = tpu.memref_squeeze %dma_wait3A_255 : memref<1x100xi32, #tpu.memory_space<vmem>> -> memref<100xi32, #tpu.memory_space<vmem>>
      %dma_wait3A_257 = arith.constant 0 : i32
      %dma_wait3A_258 = arith.constant 0 : i32
      %dma_wait3A_259 = tpu.memref_slice %arg3[%dma_wait3A_257, %dma_wait3A_258] : memref<10240x128xf32, #tpu.memory_space<hbm>> -> memref<10240x128xf32, #tpu.memory_space<hbm>>
      tpu.wait_indirect_dma semaphore(%arg24 : memref<!tpu.dma_semaphore, #tpu.memory_space<semaphore_mem>>) src(%dma_wait3A_259 : memref<10240x128xf32, #tpu.memory_space<hbm>>) dst(%arg15 : memref<100x128xf32, #tpu.memory_space<vmem>>)
      %dma_start3A_260 = arith.constant 1 : i32
      %dma_start3A_261 = arith.constant 0 : i32
      %dma_start3A_262 = tpu.memref_slice %arg12[%dma_start3A_260, %dma_start3A_261] : memref<2x100xi32, #tpu.memory_space<vmem>> -> memref<1x100xi32, #tpu.memory_space<vmem>>
      %dma_start3A_263 = tpu.memref_squeeze %dma_start3A_262 : memref<1x100xi32, #tpu.memory_space<vmem>> -> memref<100xi32, #tpu.memory_space<vmem>>
      %dma_start3A_264 = arith.constant 0 : i32
      %dma_start3A_265 = arith.constant 0 : i32
      %dma_start3A_266 = tpu.memref_slice %arg28[%dma_start3A_264, %dma_start3A_265] : memref<10240x128xf32, #tpu.memory_space<vmem_shared>> -> memref<10240x128xf32, #tpu.memory_space<vmem_shared>>
      tpu.enqueue_indirect_dma source(%arg15 : memref<100x128xf32, #tpu.memory_space<vmem>>) target(%dma_start3A_266 : memref<10240x128xf32, #tpu.memory_space<vmem_shared>>) offsets(%dma_start3A_263 : memref<100xi32, #tpu.memory_space<vmem>>) semaphore(%arg27 : memref<!tpu.dma_semaphore, #tpu.memory_space<semaphore_mem>>) {add = true}
      %dma_start3A_267 = arith.constant 8 : i32
      %dma_start3A_268 = arith.constant 0 : i32
      %dma_start3A_269 = arith.constant 0 : i32
      %dma_start3A_270 = tpu.memref_slice %arg4[%arg1, %dma_start3A_267, %dma_start3A_268, %dma_start3A_269] : memref<16x100x2x100xi32, #tpu.memory_space<hbm>> -> memref<1x1x2x100xi32, #tpu.memory_space<hbm>>
      %dma_start3A_271 = tpu.memref_squeeze %dma_start3A_270 : memref<1x1x2x100xi32, #tpu.memory_space<hbm>> -> memref<2x100xi32, #tpu.memory_space<hbm>>
      %dma_start3A_272 = arith.constant 0 : i32
      %dma_start3A_273 = arith.constant 0 : i32
      %dma_start3A_274 = tpu.memref_slice %arg4[%arg1, %dma_start3A_267, %dma_start3A_272, %dma_start3A_273] : memref<16x100x2x100xi32, #tpu.memory_space<hbm>> -> memref<1x1x2x100xi32, #tpu.memory_space<hbm>>
      %dma_start3A_275 = tpu.memref_squeeze %dma_start3A_274 : memref<1x1x2x100xi32, #tpu.memory_space<hbm>> -> memref<2x100xi32, #tpu.memory_space<hbm>>
      tpu.enqueue_dma source(%dma_start3A_275 : memref<2x100xi32, #tpu.memory_space<hbm>>) target(%arg9 : memref<2x100xi32, #tpu.memory_space<vmem>>) target_semaphore(%arg18 : memref<!tpu.dma_semaphore, #tpu.memory_space<semaphore_mem>>)
      %dma_wait3A_276 = arith.constant 1 : i32
      %dma_wait3A_277 = arith.constant 0 : i32
      %dma_wait3A_278 = tpu.memref_slice %arg11[%dma_wait3A_276, %dma_wait3A_277] : memref<2x100xi32, #tpu.memory_space<vmem>> -> memref<1x100xi32, #tpu.memory_space<vmem>>
      %dma_wait3A_279 = tpu.memref_squeeze %dma_wait3A_278 : memref<1x100xi32, #tpu.memory_space<vmem>> -> memref<100xi32, #tpu.memory_space<vmem>>
      %dma_wait3A_280 = arith.constant 0 : i32
      %dma_wait3A_281 = arith.constant 0 : i32
      %dma_wait3A_282 = tpu.memref_slice %arg28[%dma_wait3A_280, %dma_wait3A_281] : memref<10240x128xf32, #tpu.memory_space<vmem_shared>> -> memref<10240x128xf32, #tpu.memory_space<vmem_shared>>
      tpu.wait_indirect_dma semaphore(%arg26 : memref<!tpu.dma_semaphore, #tpu.memory_space<semaphore_mem>>) src(%arg14 : memref<100x128xf32, #tpu.memory_space<vmem>>) dst(%dma_wait3A_282 : memref<10240x128xf32, #tpu.memory_space<vmem_shared>>)
      %dma_wait3A_283 = arith.constant 7 : i32
      %dma_wait3A_284 = arith.constant 0 : i32
      %dma_wait3A_285 = arith.constant 0 : i32
      %dma_wait3A_286 = tpu.memref_slice %arg4[%arg1, %dma_wait3A_283, %dma_wait3A_284, %dma_wait3A_285] : memref<16x100x2x100xi32, #tpu.memory_space<hbm>> -> memref<1x1x2x100xi32, #tpu.memory_space<hbm>>
      %dma_wait3A_287 = tpu.memref_squeeze %dma_wait3A_286 : memref<1x1x2x100xi32, #tpu.memory_space<hbm>> -> memref<2x100xi32, #tpu.memory_space<hbm>>
      %dma_wait3A_288 = arith.constant 0 : i32
      %dma_wait3A_289 = arith.constant 0 : i32
      %dma_wait3A_290 = tpu.memref_slice %arg4[%arg1, %dma_wait3A_283, %dma_wait3A_288, %dma_wait3A_289] : memref<16x100x2x100xi32, #tpu.memory_space<hbm>> -> memref<1x1x2x100xi32, #tpu.memory_space<hbm>>
      %dma_wait3A_291 = tpu.memref_squeeze %dma_wait3A_290 : memref<1x1x2x100xi32, #tpu.memory_space<hbm>> -> memref<2x100xi32, #tpu.memory_space<hbm>>
      tpu.wait_dma2 semaphore(%arg17 : memref<!tpu.dma_semaphore, #tpu.memory_space<semaphore_mem>>) src(%dma_wait3A_291 : memref<2x100xi32, #tpu.memory_space<hbm>>) dst(%arg8 : memref<2x100xi32, #tpu.memory_space<vmem>>)
      %dma_start3A_292 = arith.constant 0 : i32
      %dma_start3A_293 = arith.constant 0 : i32
      %dma_start3A_294 = tpu.memref_slice %arg8[%dma_start3A_292, %dma_start3A_293] : memref<2x100xi32, #tpu.memory_space<vmem>> -> memref<1x100xi32, #tpu.memory_space<vmem>>
      %dma_start3A_295 = tpu.memref_squeeze %dma_start3A_294 : memref<1x100xi32, #tpu.memory_space<vmem>> -> memref<100xi32, #tpu.memory_space<vmem>>
      %dma_start3A_296 = arith.constant 0 : i32
      %dma_start3A_297 = arith.constant 0 : i32
      %dma_start3A_298 = tpu.memref_slice %arg3[%dma_start3A_296, %dma_start3A_297] : memref<10240x128xf32, #tpu.memory_space<hbm>> -> memref<10240x128xf32, #tpu.memory_space<hbm>>
      tpu.enqueue_indirect_dma source(%dma_start3A_298 : memref<10240x128xf32, #tpu.memory_space<hbm>>) target(%arg14 : memref<100x128xf32, #tpu.memory_space<vmem>>) offsets(%dma_start3A_295 : memref<100xi32, #tpu.memory_space<vmem>>) semaphore(%arg23 : memref<!tpu.dma_semaphore, #tpu.memory_space<semaphore_mem>>)
      %scan3A = arith.constant 1 : i32
      %scan3A_299 = arith.constant 15 : i32
      %scan3A_300 = arith.addi %scan3A, %scan3A_299 : i32
      %scan3A_301 = arith.constant 1 : i32
      scf.for %scan3A_436 = %scan3A to %scan3A_300 step %scan3A_301  : i32 {
        %mul3A_437 = arith.constant 6 : i32
        %mul3A_438 = arith.muli %mul3A_437, %scan3A_436 : i32
        %add3A = arith.constant 0 : i32
        %add3A_439 = arith.addi %mul3A_438, %add3A : i32
        %dma_wait3A_440 = arith.constant 0 : i32
        %dma_wait3A_441 = arith.constant 0 : i32
        %dma_wait3A_442 = tpu.memref_slice %arg7[%dma_wait3A_440, %dma_wait3A_441] : memref<2x100xi32, #tpu.memory_space<vmem>> -> memref<1x100xi32, #tpu.memory_space<vmem>>
        %dma_wait3A_443 = tpu.memref_squeeze %dma_wait3A_442 : memref<1x100xi32, #tpu.memory_space<vmem>> -> memref<100xi32, #tpu.memory_space<vmem>>
        %dma_wait3A_444 = arith.constant 0 : i32
        %dma_wait3A_445 = arith.constant 0 : i32
        %dma_wait3A_446 = tpu.memref_slice %arg3[%dma_wait3A_444, %dma_wait3A_445] : memref<10240x128xf32, #tpu.memory_space<hbm>> -> memref<10240x128xf32, #tpu.memory_space<hbm>>
        tpu.wait_indirect_dma semaphore(%arg22 : memref<!tpu.dma_semaphore, #tpu.memory_space<semaphore_mem>>) src(%dma_wait3A_446 : memref<10240x128xf32, #tpu.memory_space<hbm>>) dst(%arg13 : memref<100x128xf32, #tpu.memory_space<vmem>>)
        %dma_start3A_447 = arith.constant 1 : i32
        %dma_start3A_448 = arith.constant 0 : i32
        %dma_start3A_449 = tpu.memref_slice %arg7[%dma_start3A_447, %dma_start3A_448] : memref<2x100xi32, #tpu.memory_space<vmem>> -> memref<1x100xi32, #tpu.memory_space<vmem>>
        %dma_start3A_450 = tpu.memref_squeeze %dma_start3A_449 : memref<1x100xi32, #tpu.memory_space<vmem>> -> memref<100xi32, #tpu.memory_space<vmem>>
        %dma_start3A_451 = arith.constant 0 : i32
        %dma_start3A_452 = arith.constant 0 : i32
        %dma_start3A_453 = tpu.memref_slice %arg28[%dma_start3A_451, %dma_start3A_452] : memref<10240x128xf32, #tpu.memory_space<vmem_shared>> -> memref<10240x128xf32, #tpu.memory_space<vmem_shared>>
        tpu.enqueue_indirect_dma source(%arg13 : memref<100x128xf32, #tpu.memory_space<vmem>>) target(%dma_start3A_453 : memref<10240x128xf32, #tpu.memory_space<vmem_shared>>) offsets(%dma_start3A_450 : memref<100xi32, #tpu.memory_space<vmem>>) semaphore(%arg25 : memref<!tpu.dma_semaphore, #tpu.memory_space<semaphore_mem>>) {add = true}
        %add3A_454 = arith.constant 3 : i32
        %add3A_455 = arith.addi %add3A_439, %add3A_454 : i32
        %dma_start3A_456 = arith.constant 0 : i32
        %dma_start3A_457 = arith.constant 0 : i32
        %dma_start3A_458 = tpu.memref_slice %arg4[%arg1, %add3A_455, %dma_start3A_456, %dma_start3A_457] : memref<16x100x2x100xi32, #tpu.memory_space<hbm>> -> memref<1x1x2x100xi32, #tpu.memory_space<hbm>>
        %dma_start3A_459 = tpu.memref_squeeze %dma_start3A_458 : memref<1x1x2x100xi32, #tpu.memory_space<hbm>> -> memref<2x100xi32, #tpu.memory_space<hbm>>
        %dma_start3A_460 = arith.constant 0 : i32
        %dma_start3A_461 = arith.constant 0 : i32
        %dma_start3A_462 = tpu.memref_slice %arg4[%arg1, %add3A_455, %dma_start3A_460, %dma_start3A_461] : memref<16x100x2x100xi32, #tpu.memory_space<hbm>> -> memref<1x1x2x100xi32, #tpu.memory_space<hbm>>
        %dma_start3A_463 = tpu.memref_squeeze %dma_start3A_462 : memref<1x1x2x100xi32, #tpu.memory_space<hbm>> -> memref<2x100xi32, #tpu.memory_space<hbm>>
        tpu.enqueue_dma source(%dma_start3A_463 : memref<2x100xi32, #tpu.memory_space<hbm>>) target(%arg10 : memref<2x100xi32, #tpu.memory_space<vmem>>) target_semaphore(%arg19 : memref<!tpu.dma_semaphore, #tpu.memory_space<semaphore_mem>>)
        %dma_wait3A_464 = arith.constant 1 : i32
        %dma_wait3A_465 = arith.constant 0 : i32
        %dma_wait3A_466 = tpu.memref_slice %arg12[%dma_wait3A_464, %dma_wait3A_465] : memref<2x100xi32, #tpu.memory_space<vmem>> -> memref<1x100xi32, #tpu.memory_space<vmem>>
        %dma_wait3A_467 = tpu.memref_squeeze %dma_wait3A_466 : memref<1x100xi32, #tpu.memory_space<vmem>> -> memref<100xi32, #tpu.memory_space<vmem>>
        %dma_wait3A_468 = arith.constant 0 : i32
        %dma_wait3A_469 = arith.constant 0 : i32
        %dma_wait3A_470 = tpu.memref_slice %arg28[%dma_wait3A_468, %dma_wait3A_469] : memref<10240x128xf32, #tpu.memory_space<vmem_shared>> -> memref<10240x128xf32, #tpu.memory_space<vmem_shared>>
        tpu.wait_indirect_dma semaphore(%arg27 : memref<!tpu.dma_semaphore, #tpu.memory_space<semaphore_mem>>) src(%arg15 : memref<100x128xf32, #tpu.memory_space<vmem>>) dst(%dma_wait3A_470 : memref<10240x128xf32, #tpu.memory_space<vmem_shared>>)
        %add3A_471 = arith.constant 2 : i32
        %add3A_472 = arith.addi %add3A_439, %add3A_471 : i32
        %dma_wait3A_473 = arith.constant 0 : i32
        %dma_wait3A_474 = arith.constant 0 : i32
        %dma_wait3A_475 = tpu.memref_slice %arg4[%arg1, %add3A_472, %dma_wait3A_473, %dma_wait3A_474] : memref<16x100x2x100xi32, #tpu.memory_space<hbm>> -> memref<1x1x2x100xi32, #tpu.memory_space<hbm>>
        %dma_wait3A_476 = tpu.memref_squeeze %dma_wait3A_475 : memref<1x1x2x100xi32, #tpu.memory_space<hbm>> -> memref<2x100xi32, #tpu.memory_space<hbm>>
        %dma_wait3A_477 = arith.constant 0 : i32
        %dma_wait3A_478 = arith.constant 0 : i32
        %dma_wait3A_479 = tpu.memref_slice %arg4[%arg1, %add3A_472, %dma_wait3A_477, %dma_wait3A_478] : memref<16x100x2x100xi32, #tpu.memory_space<hbm>> -> memref<1x1x2x100xi32, #tpu.memory_space<hbm>>
        %dma_wait3A_480 = tpu.memref_squeeze %dma_wait3A_479 : memref<1x1x2x100xi32, #tpu.memory_space<hbm>> -> memref<2x100xi32, #tpu.memory_space<hbm>>
        tpu.wait_dma2 semaphore(%arg18 : memref<!tpu.dma_semaphore, #tpu.memory_space<semaphore_mem>>) src(%dma_wait3A_480 : memref<2x100xi32, #tpu.memory_space<hbm>>) dst(%arg9 : memref<2x100xi32, #tpu.memory_space<vmem>>)
        %dma_start3A_481 = arith.constant 0 : i32
        %dma_start3A_482 = arith.constant 0 : i32
        %dma_start3A_483 = tpu.memref_slice %arg9[%dma_start3A_481, %dma_start3A_482] : memref<2x100xi32, #tpu.memory_space<vmem>> -> memref<1x100xi32, #tpu.memory_space<vmem>>
        %dma_start3A_484 = tpu.memref_squeeze %dma_start3A_483 : memref<1x100xi32, #tpu.memory_space<vmem>> -> memref<100xi32, #tpu.memory_space<vmem>>
        %dma_start3A_485 = arith.constant 0 : i32
        %dma_start3A_486 = arith.constant 0 : i32
        %dma_start3A_487 = tpu.memref_slice %arg3[%dma_start3A_485, %dma_start3A_486] : memref<10240x128xf32, #tpu.memory_space<hbm>> -> memref<10240x128xf32, #tpu.memory_space<hbm>>
        tpu.enqueue_indirect_dma source(%dma_start3A_487 : memref<10240x128xf32, #tpu.memory_space<hbm>>) target(%arg15 : memref<100x128xf32, #tpu.memory_space<vmem>>) offsets(%dma_start3A_484 : memref<100xi32, #tpu.memory_space<vmem>>) semaphore(%arg24 : memref<!tpu.dma_semaphore, #tpu.memory_space<semaphore_mem>>)
        %mul3A_488 = arith.constant 6 : i32
        %mul3A_489 = arith.muli %mul3A_488, %scan3A_436 : i32
        %add3A_490 = arith.constant 1 : i32
        %add3A_491 = arith.addi %mul3A_489, %add3A_490 : i32
        %dma_wait3A_492 = arith.constant 0 : i32
        %dma_wait3A_493 = arith.constant 0 : i32
        %dma_wait3A_494 = tpu.memref_slice %arg8[%dma_wait3A_492, %dma_wait3A_493] : memref<2x100xi32, #tpu.memory_space<vmem>> -> memref<1x100xi32, #tpu.memory_space<vmem>>
        %dma_wait3A_495 = tpu.memref_squeeze %dma_wait3A_494 : memref<1x100xi32, #tpu.memory_space<vmem>> -> memref<100xi32, #tpu.memory_space<vmem>>
        %dma_wait3A_496 = arith.constant 0 : i32
        %dma_wait3A_497 = arith.constant 0 : i32
        %dma_wait3A_498 = tpu.memref_slice %arg3[%dma_wait3A_496, %dma_wait3A_497] : memref<10240x128xf32, #tpu.memory_space<hbm>> -> memref<10240x128xf32, #tpu.memory_space<hbm>>
        tpu.wait_indirect_dma semaphore(%arg23 : memref<!tpu.dma_semaphore, #tpu.memory_space<semaphore_mem>>) src(%dma_wait3A_498 : memref<10240x128xf32, #tpu.memory_space<hbm>>) dst(%arg14 : memref<100x128xf32, #tpu.memory_space<vmem>>)
        %dma_start3A_499 = arith.constant 1 : i32
        %dma_start3A_500 = arith.constant 0 : i32
        %dma_start3A_501 = tpu.memref_slice %arg8[%dma_start3A_499, %dma_start3A_500] : memref<2x100xi32, #tpu.memory_space<vmem>> -> memref<1x100xi32, #tpu.memory_space<vmem>>
        %dma_start3A_502 = tpu.memref_squeeze %dma_start3A_501 : memref<1x100xi32, #tpu.memory_space<vmem>> -> memref<100xi32, #tpu.memory_space<vmem>>
        %dma_start3A_503 = arith.constant 0 : i32
        %dma_start3A_504 = arith.constant 0 : i32
        %dma_start3A_505 = tpu.memref_slice %arg28[%dma_start3A_503, %dma_start3A_504] : memref<10240x128xf32, #tpu.memory_space<vmem_shared>> -> memref<10240x128xf32, #tpu.memory_space<vmem_shared>>
        tpu.enqueue_indirect_dma source(%arg14 : memref<100x128xf32, #tpu.memory_space<vmem>>) target(%dma_start3A_505 : memref<10240x128xf32, #tpu.memory_space<vmem_shared>>) offsets(%dma_start3A_502 : memref<100xi32, #tpu.memory_space<vmem>>) semaphore(%arg26 : memref<!tpu.dma_semaphore, #tpu.memory_space<semaphore_mem>>) {add = true}
        %add3A_506 = arith.constant 3 : i32
        %add3A_507 = arith.addi %add3A_491, %add3A_506 : i32
        %dma_start3A_508 = arith.constant 0 : i32
        %dma_start3A_509 = arith.constant 0 : i32
        %dma_start3A_510 = tpu.memref_slice %arg4[%arg1, %add3A_507, %dma_start3A_508, %dma_start3A_509] : memref<16x100x2x100xi32, #tpu.memory_space<hbm>> -> memref<1x1x2x100xi32, #tpu.memory_space<hbm>>
        %dma_start3A_511 = tpu.memref_squeeze %dma_start3A_510 : memref<1x1x2x100xi32, #tpu.memory_space<hbm>> -> memref<2x100xi32, #tpu.memory_space<hbm>>
        %dma_start3A_512 = arith.constant 0 : i32
        %dma_start3A_513 = arith.constant 0 : i32
        %dma_start3A_514 = tpu.memref_slice %arg4[%arg1, %add3A_507, %dma_start3A_512, %dma_start3A_513] : memref<16x100x2x100xi32, #tpu.memory_space<hbm>> -> memref<1x1x2x100xi32, #tpu.memory_space<hbm>>
        %dma_start3A_515 = tpu.memref_squeeze %dma_start3A_514 : memref<1x1x2x100xi32, #tpu.memory_space<hbm>> -> memref<2x100xi32, #tpu.memory_space<hbm>>
        tpu.enqueue_dma source(%dma_start3A_515 : memref<2x100xi32, #tpu.memory_space<hbm>>) target(%arg11 : memref<2x100xi32, #tpu.memory_space<vmem>>) target_semaphore(%arg20 : memref<!tpu.dma_semaphore, #tpu.memory_space<semaphore_mem>>)
        %dma_wait3A_516 = arith.constant 1 : i32
        %dma_wait3A_517 = arith.constant 0 : i32
        %dma_wait3A_518 = tpu.memref_slice %arg7[%dma_wait3A_516, %dma_wait3A_517] : memref<2x100xi32, #tpu.memory_space<vmem>> -> memref<1x100xi32, #tpu.memory_space<vmem>>
        %dma_wait3A_519 = tpu.memref_squeeze %dma_wait3A_518 : memref<1x100xi32, #tpu.memory_space<vmem>> -> memref<100xi32, #tpu.memory_space<vmem>>
        %dma_wait3A_520 = arith.constant 0 : i32
        %dma_wait3A_521 = arith.constant 0 : i32
        %dma_wait3A_522 = tpu.memref_slice %arg28[%dma_wait3A_520, %dma_wait3A_521] : memref<10240x128xf32, #tpu.memory_space<vmem_shared>> -> memref<10240x128xf32, #tpu.memory_space<vmem_shared>>
        tpu.wait_indirect_dma semaphore(%arg25 : memref<!tpu.dma_semaphore, #tpu.memory_space<semaphore_mem>>) src(%arg13 : memref<100x128xf32, #tpu.memory_space<vmem>>) dst(%dma_wait3A_522 : memref<10240x128xf32, #tpu.memory_space<vmem_shared>>)
        %add3A_523 = arith.constant 2 : i32
        %add3A_524 = arith.addi %add3A_491, %add3A_523 : i32
        %dma_wait3A_525 = arith.constant 0 : i32
        %dma_wait3A_526 = arith.constant 0 : i32
        %dma_wait3A_527 = tpu.memref_slice %arg4[%arg1, %add3A_524, %dma_wait3A_525, %dma_wait3A_526] : memref<16x100x2x100xi32, #tpu.memory_space<hbm>> -> memref<1x1x2x100xi32, #tpu.memory_space<hbm>>
        %dma_wait3A_528 = tpu.memref_squeeze %dma_wait3A_527 : memref<1x1x2x100xi32, #tpu.memory_space<hbm>> -> memref<2x100xi32, #tpu.memory_space<hbm>>
        %dma_wait3A_529 = arith.constant 0 : i32
        %dma_wait3A_530 = arith.constant 0 : i32
        %dma_wait3A_531 = tpu.memref_slice %arg4[%arg1, %add3A_524, %dma_wait3A_529, %dma_wait3A_530] : memref<16x100x2x100xi32, #tpu.memory_space<hbm>> -> memref<1x1x2x100xi32, #tpu.memory_space<hbm>>
        %dma_wait3A_532 = tpu.memref_squeeze %dma_wait3A_531 : memref<1x1x2x100xi32, #tpu.memory_space<hbm>> -> memref<2x100xi32, #tpu.memory_space<hbm>>
        tpu.wait_dma2 semaphore(%arg19 : memref<!tpu.dma_semaphore, #tpu.memory_space<semaphore_mem>>) src(%dma_wait3A_532 : memref<2x100xi32, #tpu.memory_space<hbm>>) dst(%arg10 : memref<2x100xi32, #tpu.memory_space<vmem>>)
        %dma_start3A_533 = arith.constant 0 : i32
        %dma_start3A_534 = arith.constant 0 : i32
        %dma_start3A_535 = tpu.memref_slice %arg10[%dma_start3A_533, %dma_start3A_534] : memref<2x100xi32, #tpu.memory_space<vmem>> -> memref<1x100xi32, #tpu.memory_space<vmem>>
        %dma_start3A_536 = tpu.memref_squeeze %dma_start3A_535 : memref<1x100xi32, #tpu.memory_space<vmem>> -> memref<100xi32, #tpu.memory_space<vmem>>
        %dma_start3A_537 = arith.constant 0 : i32
        %dma_start3A_538 = arith.constant 0 : i32
        %dma_start3A_539 = tpu.memref_slice %arg3[%dma_start3A_537, %dma_start3A_538] : memref<10240x128xf32, #tpu.memory_space<hbm>> -> memref<10240x128xf32, #tpu.memory_space<hbm>>
        tpu.enqueue_indirect_dma source(%dma_start3A_539 : memref<10240x128xf32, #tpu.memory_space<hbm>>) target(%arg13 : memref<100x128xf32, #tpu.memory_space<vmem>>) offsets(%dma_start3A_536 : memref<100xi32, #tpu.memory_space<vmem>>) semaphore(%arg22 : memref<!tpu.dma_semaphore, #tpu.memory_space<semaphore_mem>>)
        %mul3A_540 = arith.constant 6 : i32
        %mul3A_541 = arith.muli %mul3A_540, %scan3A_436 : i32
        %add3A_542 = arith.constant 2 : i32
        %add3A_543 = arith.addi %mul3A_541, %add3A_542 : i32
        %dma_wait3A_544 = arith.constant 0 : i32
        %dma_wait3A_545 = arith.constant 0 : i32
        %dma_wait3A_546 = tpu.memref_slice %arg9[%dma_wait3A_544, %dma_wait3A_545] : memref<2x100xi32, #tpu.memory_space<vmem>> -> memref<1x100xi32, #tpu.memory_space<vmem>>
        %dma_wait3A_547 = tpu.memref_squeeze %dma_wait3A_546 : memref<1x100xi32, #tpu.memory_space<vmem>> -> memref<100xi32, #tpu.memory_space<vmem>>
        %dma_wait3A_548 = arith.constant 0 : i32
        %dma_wait3A_549 = arith.constant 0 : i32
        %dma_wait3A_550 = tpu.memref_slice %arg3[%dma_wait3A_548, %dma_wait3A_549] : memref<10240x128xf32, #tpu.memory_space<hbm>> -> memref<10240x128xf32, #tpu.memory_space<hbm>>
        tpu.wait_indirect_dma semaphore(%arg24 : memref<!tpu.dma_semaphore, #tpu.memory_space<semaphore_mem>>) src(%dma_wait3A_550 : memref<10240x128xf32, #tpu.memory_space<hbm>>) dst(%arg15 : memref<100x128xf32, #tpu.memory_space<vmem>>)
        %dma_start3A_551 = arith.constant 1 : i32
        %dma_start3A_552 = arith.constant 0 : i32
        %dma_start3A_553 = tpu.memref_slice %arg9[%dma_start3A_551, %dma_start3A_552] : memref<2x100xi32, #tpu.memory_space<vmem>> -> memref<1x100xi32, #tpu.memory_space<vmem>>
        %dma_start3A_554 = tpu.memref_squeeze %dma_start3A_553 : memref<1x100xi32, #tpu.memory_space<vmem>> -> memref<100xi32, #tpu.memory_space<vmem>>
        %dma_start3A_555 = arith.constant 0 : i32
        %dma_start3A_556 = arith.constant 0 : i32
        %dma_start3A_557 = tpu.memref_slice %arg28[%dma_start3A_555, %dma_start3A_556] : memref<10240x128xf32, #tpu.memory_space<vmem_shared>> -> memref<10240x128xf32, #tpu.memory_space<vmem_shared>>
        tpu.enqueue_indirect_dma source(%arg15 : memref<100x128xf32, #tpu.memory_space<vmem>>) target(%dma_start3A_557 : memref<10240x128xf32, #tpu.memory_space<vmem_shared>>) offsets(%dma_start3A_554 : memref<100xi32, #tpu.memory_space<vmem>>) semaphore(%arg27 : memref<!tpu.dma_semaphore, #tpu.memory_space<semaphore_mem>>) {add = true}
        %add3A_558 = arith.constant 3 : i32
        %add3A_559 = arith.addi %add3A_543, %add3A_558 : i32
        %dma_start3A_560 = arith.constant 0 : i32
        %dma_start3A_561 = arith.constant 0 : i32
        %dma_start3A_562 = tpu.memref_slice %arg4[%arg1, %add3A_559, %dma_start3A_560, %dma_start3A_561] : memref<16x100x2x100xi32, #tpu.memory_space<hbm>> -> memref<1x1x2x100xi32, #tpu.memory_space<hbm>>
        %dma_start3A_563 = tpu.memref_squeeze %dma_start3A_562 : memref<1x1x2x100xi32, #tpu.memory_space<hbm>> -> memref<2x100xi32, #tpu.memory_space<hbm>>
        %dma_start3A_564 = arith.constant 0 : i32
        %dma_start3A_565 = arith.constant 0 : i32
        %dma_start3A_566 = tpu.memref_slice %arg4[%arg1, %add3A_559, %dma_start3A_564, %dma_start3A_565] : memref<16x100x2x100xi32, #tpu.memory_space<hbm>> -> memref<1x1x2x100xi32, #tpu.memory_space<hbm>>
        %dma_start3A_567 = tpu.memref_squeeze %dma_start3A_566 : memref<1x1x2x100xi32, #tpu.memory_space<hbm>> -> memref<2x100xi32, #tpu.memory_space<hbm>>
        tpu.enqueue_dma source(%dma_start3A_567 : memref<2x100xi32, #tpu.memory_space<hbm>>) target(%arg12 : memref<2x100xi32, #tpu.memory_space<vmem>>) target_semaphore(%arg21 : memref<!tpu.dma_semaphore, #tpu.memory_space<semaphore_mem>>)
        %dma_wait3A_568 = arith.constant 1 : i32
        %dma_wait3A_569 = arith.constant 0 : i32
        %dma_wait3A_570 = tpu.memref_slice %arg8[%dma_wait3A_568, %dma_wait3A_569] : memref<2x100xi32, #tpu.memory_space<vmem>> -> memref<1x100xi32, #tpu.memory_space<vmem>>
        %dma_wait3A_571 = tpu.memref_squeeze %dma_wait3A_570 : memref<1x100xi32, #tpu.memory_space<vmem>> -> memref<100xi32, #tpu.memory_space<vmem>>
        %dma_wait3A_572 = arith.constant 0 : i32
        %dma_wait3A_573 = arith.constant 0 : i32
        %dma_wait3A_574 = tpu.memref_slice %arg28[%dma_wait3A_572, %dma_wait3A_573] : memref<10240x128xf32, #tpu.memory_space<vmem_shared>> -> memref<10240x128xf32, #tpu.memory_space<vmem_shared>>
        tpu.wait_indirect_dma semaphore(%arg26 : memref<!tpu.dma_semaphore, #tpu.memory_space<semaphore_mem>>) src(%arg14 : memref<100x128xf32, #tpu.memory_space<vmem>>) dst(%dma_wait3A_574 : memref<10240x128xf32, #tpu.memory_space<vmem_shared>>)
        %add3A_575 = arith.constant 2 : i32
        %add3A_576 = arith.addi %add3A_543, %add3A_575 : i32
        %dma_wait3A_577 = arith.constant 0 : i32
        %dma_wait3A_578 = arith.constant 0 : i32
        %dma_wait3A_579 = tpu.memref_slice %arg4[%arg1, %add3A_576, %dma_wait3A_577, %dma_wait3A_578] : memref<16x100x2x100xi32, #tpu.memory_space<hbm>> -> memref<1x1x2x100xi32, #tpu.memory_space<hbm>>
        %dma_wait3A_580 = tpu.memref_squeeze %dma_wait3A_579 : memref<1x1x2x100xi32, #tpu.memory_space<hbm>> -> memref<2x100xi32, #tpu.memory_space<hbm>>
        %dma_wait3A_581 = arith.constant 0 : i32
        %dma_wait3A_582 = arith.constant 0 : i32
        %dma_wait3A_583 = tpu.memref_slice %arg4[%arg1, %add3A_576, %dma_wait3A_581, %dma_wait3A_582] : memref<16x100x2x100xi32, #tpu.memory_space<hbm>> -> memref<1x1x2x100xi32, #tpu.memory_space<hbm>>
        %dma_wait3A_584 = tpu.memref_squeeze %dma_wait3A_583 : memref<1x1x2x100xi32, #tpu.memory_space<hbm>> -> memref<2x100xi32, #tpu.memory_space<hbm>>
        tpu.wait_dma2 semaphore(%arg20 : memref<!tpu.dma_semaphore, #tpu.memory_space<semaphore_mem>>) src(%dma_wait3A_584 : memref<2x100xi32, #tpu.memory_space<hbm>>) dst(%arg11 : memref<2x100xi32, #tpu.memory_space<vmem>>)
        %dma_start3A_585 = arith.constant 0 : i32
        %dma_start3A_586 = arith.constant 0 : i32
        %dma_start3A_587 = tpu.memref_slice %arg11[%dma_start3A_585, %dma_start3A_586] : memref<2x100xi32, #tpu.memory_space<vmem>> -> memref<1x100xi32, #tpu.memory_space<vmem>>
        %dma_start3A_588 = tpu.memref_squeeze %dma_start3A_587 : memref<1x100xi32, #tpu.memory_space<vmem>> -> memref<100xi32, #tpu.memory_space<vmem>>
        %dma_start3A_589 = arith.constant 0 : i32
        %dma_start3A_590 = arith.constant 0 : i32
        %dma_start3A_591 = tpu.memref_slice %arg3[%dma_start3A_589, %dma_start3A_590] : memref<10240x128xf32, #tpu.memory_space<hbm>> -> memref<10240x128xf32, #tpu.memory_space<hbm>>
        tpu.enqueue_indirect_dma source(%dma_start3A_591 : memref<10240x128xf32, #tpu.memory_space<hbm>>) target(%arg14 : memref<100x128xf32, #tpu.memory_space<vmem>>) offsets(%dma_start3A_588 : memref<100xi32, #tpu.memory_space<vmem>>) semaphore(%arg23 : memref<!tpu.dma_semaphore, #tpu.memory_space<semaphore_mem>>)
        %mul3A_592 = arith.constant 6 : i32
        %mul3A_593 = arith.muli %mul3A_592, %scan3A_436 : i32
        %add3A_594 = arith.constant 3 : i32
        %add3A_595 = arith.addi %mul3A_593, %add3A_594 : i32
        %dma_wait3A_596 = arith.constant 0 : i32
        %dma_wait3A_597 = arith.constant 0 : i32
        %dma_wait3A_598 = tpu.memref_slice %arg10[%dma_wait3A_596, %dma_wait3A_597] : memref<2x100xi32, #tpu.memory_space<vmem>> -> memref<1x100xi32, #tpu.memory_space<vmem>>
        %dma_wait3A_599 = tpu.memref_squeeze %dma_wait3A_598 : memref<1x100xi32, #tpu.memory_space<vmem>> -> memref<100xi32, #tpu.memory_space<vmem>>
        %dma_wait3A_600 = arith.constant 0 : i32
        %dma_wait3A_601 = arith.constant 0 : i32
        %dma_wait3A_602 = tpu.memref_slice %arg3[%dma_wait3A_600, %dma_wait3A_601] : memref<10240x128xf32, #tpu.memory_space<hbm>> -> memref<10240x128xf32, #tpu.memory_space<hbm>>
        tpu.wait_indirect_dma semaphore(%arg22 : memref<!tpu.dma_semaphore, #tpu.memory_space<semaphore_mem>>) src(%dma_wait3A_602 : memref<10240x128xf32, #tpu.memory_space<hbm>>) dst(%arg13 : memref<100x128xf32, #tpu.memory_space<vmem>>)
        %dma_start3A_603 = arith.constant 1 : i32
        %dma_start3A_604 = arith.constant 0 : i32
        %dma_start3A_605 = tpu.memref_slice %arg10[%dma_start3A_603, %dma_start3A_604] : memref<2x100xi32, #tpu.memory_space<vmem>> -> memref<1x100xi32, #tpu.memory_space<vmem>>
        %dma_start3A_606 = tpu.memref_squeeze %dma_start3A_605 : memref<1x100xi32, #tpu.memory_space<vmem>> -> memref<100xi32, #tpu.memory_space<vmem>>
        %dma_start3A_607 = arith.constant 0 : i32
        %dma_start3A_608 = arith.constant 0 : i32
        %dma_start3A_609 = tpu.memref_slice %arg28[%dma_start3A_607, %dma_start3A_608] : memref<10240x128xf32, #tpu.memory_space<vmem_shared>> -> memref<10240x128xf32, #tpu.memory_space<vmem_shared>>
        tpu.enqueue_indirect_dma source(%arg13 : memref<100x128xf32, #tpu.memory_space<vmem>>) target(%dma_start3A_609 : memref<10240x128xf32, #tpu.memory_space<vmem_shared>>) offsets(%dma_start3A_606 : memref<100xi32, #tpu.memory_space<vmem>>) semaphore(%arg25 : memref<!tpu.dma_semaphore, #tpu.memory_space<semaphore_mem>>) {add = true}
        %add3A_610 = arith.constant 3 : i32
        %add3A_611 = arith.addi %add3A_595, %add3A_610 : i32
        %dma_start3A_612 = arith.constant 0 : i32
        %dma_start3A_613 = arith.constant 0 : i32
        %dma_start3A_614 = tpu.memref_slice %arg4[%arg1, %add3A_611, %dma_start3A_612, %dma_start3A_613] : memref<16x100x2x100xi32, #tpu.memory_space<hbm>> -> memref<1x1x2x100xi32, #tpu.memory_space<hbm>>
        %dma_start3A_615 = tpu.memref_squeeze %dma_start3A_614 : memref<1x1x2x100xi32, #tpu.memory_space<hbm>> -> memref<2x100xi32, #tpu.memory_space<hbm>>
        %dma_start3A_616 = arith.constant 0 : i32
        %dma_start3A_617 = arith.constant 0 : i32
        %dma_start3A_618 = tpu.memref_slice %arg4[%arg1, %add3A_611, %dma_start3A_616, %dma_start3A_617] : memref<16x100x2x100xi32, #tpu.memory_space<hbm>> -> memref<1x1x2x100xi32, #tpu.memory_space<hbm>>
        %dma_start3A_619 = tpu.memref_squeeze %dma_start3A_618 : memref<1x1x2x100xi32, #tpu.memory_space<hbm>> -> memref<2x100xi32, #tpu.memory_space<hbm>>
        tpu.enqueue_dma source(%dma_start3A_619 : memref<2x100xi32, #tpu.memory_space<hbm>>) target(%arg7 : memref<2x100xi32, #tpu.memory_space<vmem>>) target_semaphore(%arg16 : memref<!tpu.dma_semaphore, #tpu.memory_space<semaphore_mem>>)
        %dma_wait3A_620 = arith.constant 1 : i32
        %dma_wait3A_621 = arith.constant 0 : i32
        %dma_wait3A_622 = tpu.memref_slice %arg9[%dma_wait3A_620, %dma_wait3A_621] : memref<2x100xi32, #tpu.memory_space<vmem>> -> memref<1x100xi32, #tpu.memory_space<vmem>>
        %dma_wait3A_623 = tpu.memref_squeeze %dma_wait3A_622 : memref<1x100xi32, #tpu.memory_space<vmem>> -> memref<100xi32, #tpu.memory_space<vmem>>
        %dma_wait3A_624 = arith.constant 0 : i32
        %dma_wait3A_625 = arith.constant 0 : i32
        %dma_wait3A_626 = tpu.memref_slice %arg28[%dma_wait3A_624, %dma_wait3A_625] : memref<10240x128xf32, #tpu.memory_space<vmem_shared>> -> memref<10240x128xf32, #tpu.memory_space<vmem_shared>>
        tpu.wait_indirect_dma semaphore(%arg27 : memref<!tpu.dma_semaphore, #tpu.memory_space<semaphore_mem>>) src(%arg15 : memref<100x128xf32, #tpu.memory_space<vmem>>) dst(%dma_wait3A_626 : memref<10240x128xf32, #tpu.memory_space<vmem_shared>>)
        %add3A_627 = arith.constant 2 : i32
        %add3A_628 = arith.addi %add3A_595, %add3A_627 : i32
        %dma_wait3A_629 = arith.constant 0 : i32
        %dma_wait3A_630 = arith.constant 0 : i32
        %dma_wait3A_631 = tpu.memref_slice %arg4[%arg1, %add3A_628, %dma_wait3A_629, %dma_wait3A_630] : memref<16x100x2x100xi32, #tpu.memory_space<hbm>> -> memref<1x1x2x100xi32, #tpu.memory_space<hbm>>
        %dma_wait3A_632 = tpu.memref_squeeze %dma_wait3A_631 : memref<1x1x2x100xi32, #tpu.memory_space<hbm>> -> memref<2x100xi32, #tpu.memory_space<hbm>>
        %dma_wait3A_633 = arith.constant 0 : i32
        %dma_wait3A_634 = arith.constant 0 : i32
        %dma_wait3A_635 = tpu.memref_slice %arg4[%arg1, %add3A_628, %dma_wait3A_633, %dma_wait3A_634] : memref<16x100x2x100xi32, #tpu.memory_space<hbm>> -> memref<1x1x2x100xi32, #tpu.memory_space<hbm>>
        %dma_wait3A_636 = tpu.memref_squeeze %dma_wait3A_635 : memref<1x1x2x100xi32, #tpu.memory_space<hbm>> -> memref<2x100xi32, #tpu.memory_space<hbm>>
        tpu.wait_dma2 semaphore(%arg21 : memref<!tpu.dma_semaphore, #tpu.memory_space<semaphore_mem>>) src(%dma_wait3A_636 : memref<2x100xi32, #tpu.memory_space<hbm>>) dst(%arg12 : memref<2x100xi32, #tpu.memory_space<vmem>>)
        %dma_start3A_637 = arith.constant 0 : i32
        %dma_start3A_638 = arith.constant 0 : i32
        %dma_start3A_639 = tpu.memref_slice %arg12[%dma_start3A_637, %dma_start3A_638] : memref<2x100xi32, #tpu.memory_space<vmem>> -> memref<1x100xi32, #tpu.memory_space<vmem>>
        %dma_start3A_640 = tpu.memref_squeeze %dma_start3A_639 : memref<1x100xi32, #tpu.memory_space<vmem>> -> memref<100xi32, #tpu.memory_space<vmem>>
        %dma_start3A_641 = arith.constant 0 : i32
        %dma_start3A_642 = arith.constant 0 : i32
        %dma_start3A_643 = tpu.memref_slice %arg3[%dma_start3A_641, %dma_start3A_642] : memref<10240x128xf32, #tpu.memory_space<hbm>> -> memref<10240x128xf32, #tpu.memory_space<hbm>>
        tpu.enqueue_indirect_dma source(%dma_start3A_643 : memref<10240x128xf32, #tpu.memory_space<hbm>>) target(%arg15 : memref<100x128xf32, #tpu.memory_space<vmem>>) offsets(%dma_start3A_640 : memref<100xi32, #tpu.memory_space<vmem>>) semaphore(%arg24 : memref<!tpu.dma_semaphore, #tpu.memory_space<semaphore_mem>>)
        %mul3A_644 = arith.constant 6 : i32
        %mul3A_645 = arith.muli %mul3A_644, %scan3A_436 : i32
        %add3A_646 = arith.constant 4 : i32
        %add3A_647 = arith.addi %mul3A_645, %add3A_646 : i32
        %dma_wait3A_648 = arith.constant 0 : i32
        %dma_wait3A_649 = arith.constant 0 : i32
        %dma_wait3A_650 = tpu.memref_slice %arg11[%dma_wait3A_648, %dma_wait3A_649] : memref<2x100xi32, #tpu.memory_space<vmem>> -> memref<1x100xi32, #tpu.memory_space<vmem>>
        %dma_wait3A_651 = tpu.memref_squeeze %dma_wait3A_650 : memref<1x100xi32, #tpu.memory_space<vmem>> -> memref<100xi32, #tpu.memory_space<vmem>>
        %dma_wait3A_652 = arith.constant 0 : i32
        %dma_wait3A_653 = arith.constant 0 : i32
        %dma_wait3A_654 = tpu.memref_slice %arg3[%dma_wait3A_652, %dma_wait3A_653] : memref<10240x128xf32, #tpu.memory_space<hbm>> -> memref<10240x128xf32, #tpu.memory_space<hbm>>
        tpu.wait_indirect_dma semaphore(%arg23 : memref<!tpu.dma_semaphore, #tpu.memory_space<semaphore_mem>>) src(%dma_wait3A_654 : memref<10240x128xf32, #tpu.memory_space<hbm>>) dst(%arg14 : memref<100x128xf32, #tpu.memory_space<vmem>>)
        %dma_start3A_655 = arith.constant 1 : i32
        %dma_start3A_656 = arith.constant 0 : i32
        %dma_start3A_657 = tpu.memref_slice %arg11[%dma_start3A_655, %dma_start3A_656] : memref<2x100xi32, #tpu.memory_space<vmem>> -> memref<1x100xi32, #tpu.memory_space<vmem>>
        %dma_start3A_658 = tpu.memref_squeeze %dma_start3A_657 : memref<1x100xi32, #tpu.memory_space<vmem>> -> memref<100xi32, #tpu.memory_space<vmem>>
        %dma_start3A_659 = arith.constant 0 : i32
        %dma_start3A_660 = arith.constant 0 : i32
        %dma_start3A_661 = tpu.memref_slice %arg28[%dma_start3A_659, %dma_start3A_660] : memref<10240x128xf32, #tpu.memory_space<vmem_shared>> -> memref<10240x128xf32, #tpu.memory_space<vmem_shared>>
        tpu.enqueue_indirect_dma source(%arg14 : memref<100x128xf32, #tpu.memory_space<vmem>>) target(%dma_start3A_661 : memref<10240x128xf32, #tpu.memory_space<vmem_shared>>) offsets(%dma_start3A_658 : memref<100xi32, #tpu.memory_space<vmem>>) semaphore(%arg26 : memref<!tpu.dma_semaphore, #tpu.memory_space<semaphore_mem>>) {add = true}
        %add3A_662 = arith.constant 3 : i32
        %add3A_663 = arith.addi %add3A_647, %add3A_662 : i32
        %dma_start3A_664 = arith.constant 0 : i32
        %dma_start3A_665 = arith.constant 0 : i32
        %dma_start3A_666 = tpu.memref_slice %arg4[%arg1, %add3A_663, %dma_start3A_664, %dma_start3A_665] : memref<16x100x2x100xi32, #tpu.memory_space<hbm>> -> memref<1x1x2x100xi32, #tpu.memory_space<hbm>>
        %dma_start3A_667 = tpu.memref_squeeze %dma_start3A_666 : memref<1x1x2x100xi32, #tpu.memory_space<hbm>> -> memref<2x100xi32, #tpu.memory_space<hbm>>
        %dma_start3A_668 = arith.constant 0 : i32
        %dma_start3A_669 = arith.constant 0 : i32
        %dma_start3A_670 = tpu.memref_slice %arg4[%arg1, %add3A_663, %dma_start3A_668, %dma_start3A_669] : memref<16x100x2x100xi32, #tpu.memory_space<hbm>> -> memref<1x1x2x100xi32, #tpu.memory_space<hbm>>
        %dma_start3A_671 = tpu.memref_squeeze %dma_start3A_670 : memref<1x1x2x100xi32, #tpu.memory_space<hbm>> -> memref<2x100xi32, #tpu.memory_space<hbm>>
        tpu.enqueue_dma source(%dma_start3A_671 : memref<2x100xi32, #tpu.memory_space<hbm>>) target(%arg8 : memref<2x100xi32, #tpu.memory_space<vmem>>) target_semaphore(%arg17 : memref<!tpu.dma_semaphore, #tpu.memory_space<semaphore_mem>>)
        %dma_wait3A_672 = arith.constant 1 : i32
        %dma_wait3A_673 = arith.constant 0 : i32
        %dma_wait3A_674 = tpu.memref_slice %arg10[%dma_wait3A_672, %dma_wait3A_673] : memref<2x100xi32, #tpu.memory_space<vmem>> -> memref<1x100xi32, #tpu.memory_space<vmem>>
        %dma_wait3A_675 = tpu.memref_squeeze %dma_wait3A_674 : memref<1x100xi32, #tpu.memory_space<vmem>> -> memref<100xi32, #tpu.memory_space<vmem>>
        %dma_wait3A_676 = arith.constant 0 : i32
        %dma_wait3A_677 = arith.constant 0 : i32
        %dma_wait3A_678 = tpu.memref_slice %arg28[%dma_wait3A_676, %dma_wait3A_677] : memref<10240x128xf32, #tpu.memory_space<vmem_shared>> -> memref<10240x128xf32, #tpu.memory_space<vmem_shared>>
        tpu.wait_indirect_dma semaphore(%arg25 : memref<!tpu.dma_semaphore, #tpu.memory_space<semaphore_mem>>) src(%arg13 : memref<100x128xf32, #tpu.memory_space<vmem>>) dst(%dma_wait3A_678 : memref<10240x128xf32, #tpu.memory_space<vmem_shared>>)
        %add3A_679 = arith.constant 2 : i32
        %add3A_680 = arith.addi %add3A_647, %add3A_679 : i32
        %dma_wait3A_681 = arith.constant 0 : i32
        %dma_wait3A_682 = arith.constant 0 : i32
        %dma_wait3A_683 = tpu.memref_slice %arg4[%arg1, %add3A_680, %dma_wait3A_681, %dma_wait3A_682] : memref<16x100x2x100xi32, #tpu.memory_space<hbm>> -> memref<1x1x2x100xi32, #tpu.memory_space<hbm>>
        %dma_wait3A_684 = tpu.memref_squeeze %dma_wait3A_683 : memref<1x1x2x100xi32, #tpu.memory_space<hbm>> -> memref<2x100xi32, #tpu.memory_space<hbm>>
        %dma_wait3A_685 = arith.constant 0 : i32
        %dma_wait3A_686 = arith.constant 0 : i32
        %dma_wait3A_687 = tpu.memref_slice %arg4[%arg1, %add3A_680, %dma_wait3A_685, %dma_wait3A_686] : memref<16x100x2x100xi32, #tpu.memory_space<hbm>> -> memref<1x1x2x100xi32, #tpu.memory_space<hbm>>
        %dma_wait3A_688 = tpu.memref_squeeze %dma_wait3A_687 : memref<1x1x2x100xi32, #tpu.memory_space<hbm>> -> memref<2x100xi32, #tpu.memory_space<hbm>>
        tpu.wait_dma2 semaphore(%arg16 : memref<!tpu.dma_semaphore, #tpu.memory_space<semaphore_mem>>) src(%dma_wait3A_688 : memref<2x100xi32, #tpu.memory_space<hbm>>) dst(%arg7 : memref<2x100xi32, #tpu.memory_space<vmem>>)
        %dma_start3A_689 = arith.constant 0 : i32
        %dma_start3A_690 = arith.constant 0 : i32
        %dma_start3A_691 = tpu.memref_slice %arg7[%dma_start3A_689, %dma_start3A_690] : memref<2x100xi32, #tpu.memory_space<vmem>> -> memref<1x100xi32, #tpu.memory_space<vmem>>
        %dma_start3A_692 = tpu.memref_squeeze %dma_start3A_691 : memref<1x100xi32, #tpu.memory_space<vmem>> -> memref<100xi32, #tpu.memory_space<vmem>>
        %dma_start3A_693 = arith.constant 0 : i32
        %dma_start3A_694 = arith.constant 0 : i32
        %dma_start3A_695 = tpu.memref_slice %arg3[%dma_start3A_693, %dma_start3A_694] : memref<10240x128xf32, #tpu.memory_space<hbm>> -> memref<10240x128xf32, #tpu.memory_space<hbm>>
        tpu.enqueue_indirect_dma source(%dma_start3A_695 : memref<10240x128xf32, #tpu.memory_space<hbm>>) target(%arg13 : memref<100x128xf32, #tpu.memory_space<vmem>>) offsets(%dma_start3A_692 : memref<100xi32, #tpu.memory_space<vmem>>) semaphore(%arg22 : memref<!tpu.dma_semaphore, #tpu.memory_space<semaphore_mem>>)
        %mul3A_696 = arith.constant 6 : i32
        %mul3A_697 = arith.muli %mul3A_696, %scan3A_436 : i32
        %add3A_698 = arith.constant 5 : i32
        %add3A_699 = arith.addi %mul3A_697, %add3A_698 : i32
        %dma_wait3A_700 = arith.constant 0 : i32
        %dma_wait3A_701 = arith.constant 0 : i32
        %dma_wait3A_702 = tpu.memref_slice %arg12[%dma_wait3A_700, %dma_wait3A_701] : memref<2x100xi32, #tpu.memory_space<vmem>> -> memref<1x100xi32, #tpu.memory_space<vmem>>
        %dma_wait3A_703 = tpu.memref_squeeze %dma_wait3A_702 : memref<1x100xi32, #tpu.memory_space<vmem>> -> memref<100xi32, #tpu.memory_space<vmem>>
        %dma_wait3A_704 = arith.constant 0 : i32
        %dma_wait3A_705 = arith.constant 0 : i32
        %dma_wait3A_706 = tpu.memref_slice %arg3[%dma_wait3A_704, %dma_wait3A_705] : memref<10240x128xf32, #tpu.memory_space<hbm>> -> memref<10240x128xf32, #tpu.memory_space<hbm>>
        tpu.wait_indirect_dma semaphore(%arg24 : memref<!tpu.dma_semaphore, #tpu.memory_space<semaphore_mem>>) src(%dma_wait3A_706 : memref<10240x128xf32, #tpu.memory_space<hbm>>) dst(%arg15 : memref<100x128xf32, #tpu.memory_space<vmem>>)
        %dma_start3A_707 = arith.constant 1 : i32
        %dma_start3A_708 = arith.constant 0 : i32
        %dma_start3A_709 = tpu.memref_slice %arg12[%dma_start3A_707, %dma_start3A_708] : memref<2x100xi32, #tpu.memory_space<vmem>> -> memref<1x100xi32, #tpu.memory_space<vmem>>
        %dma_start3A_710 = tpu.memref_squeeze %dma_start3A_709 : memref<1x100xi32, #tpu.memory_space<vmem>> -> memref<100xi32, #tpu.memory_space<vmem>>
        %dma_start3A_711 = arith.constant 0 : i32
        %dma_start3A_712 = arith.constant 0 : i32
        %dma_start3A_713 = tpu.memref_slice %arg28[%dma_start3A_711, %dma_start3A_712] : memref<10240x128xf32, #tpu.memory_space<vmem_shared>> -> memref<10240x128xf32, #tpu.memory_space<vmem_shared>>
        tpu.enqueue_indirect_dma source(%arg15 : memref<100x128xf32, #tpu.memory_space<vmem>>) target(%dma_start3A_713 : memref<10240x128xf32, #tpu.memory_space<vmem_shared>>) offsets(%dma_start3A_710 : memref<100xi32, #tpu.memory_space<vmem>>) semaphore(%arg27 : memref<!tpu.dma_semaphore, #tpu.memory_space<semaphore_mem>>) {add = true}
        %add3A_714 = arith.constant 3 : i32
        %add3A_715 = arith.addi %add3A_699, %add3A_714 : i32
        %dma_start3A_716 = arith.constant 0 : i32
        %dma_start3A_717 = arith.constant 0 : i32
        %dma_start3A_718 = tpu.memref_slice %arg4[%arg1, %add3A_715, %dma_start3A_716, %dma_start3A_717] : memref<16x100x2x100xi32, #tpu.memory_space<hbm>> -> memref<1x1x2x100xi32, #tpu.memory_space<hbm>>
        %dma_start3A_719 = tpu.memref_squeeze %dma_start3A_718 : memref<1x1x2x100xi32, #tpu.memory_space<hbm>> -> memref<2x100xi32, #tpu.memory_space<hbm>>
        %dma_start3A_720 = arith.constant 0 : i32
        %dma_start3A_721 = arith.constant 0 : i32
        %dma_start3A_722 = tpu.memref_slice %arg4[%arg1, %add3A_715, %dma_start3A_720, %dma_start3A_721] : memref<16x100x2x100xi32, #tpu.memory_space<hbm>> -> memref<1x1x2x100xi32, #tpu.memory_space<hbm>>
        %dma_start3A_723 = tpu.memref_squeeze %dma_start3A_722 : memref<1x1x2x100xi32, #tpu.memory_space<hbm>> -> memref<2x100xi32, #tpu.memory_space<hbm>>
        tpu.enqueue_dma source(%dma_start3A_723 : memref<2x100xi32, #tpu.memory_space<hbm>>) target(%arg9 : memref<2x100xi32, #tpu.memory_space<vmem>>) target_semaphore(%arg18 : memref<!tpu.dma_semaphore, #tpu.memory_space<semaphore_mem>>)
        %dma_wait3A_724 = arith.constant 1 : i32
        %dma_wait3A_725 = arith.constant 0 : i32
        %dma_wait3A_726 = tpu.memref_slice %arg11[%dma_wait3A_724, %dma_wait3A_725] : memref<2x100xi32, #tpu.memory_space<vmem>> -> memref<1x100xi32, #tpu.memory_space<vmem>>
        %dma_wait3A_727 = tpu.memref_squeeze %dma_wait3A_726 : memref<1x100xi32, #tpu.memory_space<vmem>> -> memref<100xi32, #tpu.memory_space<vmem>>
        %dma_wait3A_728 = arith.constant 0 : i32
        %dma_wait3A_729 = arith.constant 0 : i32
        %dma_wait3A_730 = tpu.memref_slice %arg28[%dma_wait3A_728, %dma_wait3A_729] : memref<10240x128xf32, #tpu.memory_space<vmem_shared>> -> memref<10240x128xf32, #tpu.memory_space<vmem_shared>>
        tpu.wait_indirect_dma semaphore(%arg26 : memref<!tpu.dma_semaphore, #tpu.memory_space<semaphore_mem>>) src(%arg14 : memref<100x128xf32, #tpu.memory_space<vmem>>) dst(%dma_wait3A_730 : memref<10240x128xf32, #tpu.memory_space<vmem_shared>>)
        %add3A_731 = arith.constant 2 : i32
        %add3A_732 = arith.addi %add3A_699, %add3A_731 : i32
        %dma_wait3A_733 = arith.constant 0 : i32
        %dma_wait3A_734 = arith.constant 0 : i32
        %dma_wait3A_735 = tpu.memref_slice %arg4[%arg1, %add3A_732, %dma_wait3A_733, %dma_wait3A_734] : memref<16x100x2x100xi32, #tpu.memory_space<hbm>> -> memref<1x1x2x100xi32, #tpu.memory_space<hbm>>
        %dma_wait3A_736 = tpu.memref_squeeze %dma_wait3A_735 : memref<1x1x2x100xi32, #tpu.memory_space<hbm>> -> memref<2x100xi32, #tpu.memory_space<hbm>>
        %dma_wait3A_737 = arith.constant 0 : i32
        %dma_wait3A_738 = arith.constant 0 : i32
        %dma_wait3A_739 = tpu.memref_slice %arg4[%arg1, %add3A_732, %dma_wait3A_737, %dma_wait3A_738] : memref<16x100x2x100xi32, #tpu.memory_space<hbm>> -> memref<1x1x2x100xi32, #tpu.memory_space<hbm>>
        %dma_wait3A_740 = tpu.memref_squeeze %dma_wait3A_739 : memref<1x1x2x100xi32, #tpu.memory_space<hbm>> -> memref<2x100xi32, #tpu.memory_space<hbm>>
        tpu.wait_dma2 semaphore(%arg17 : memref<!tpu.dma_semaphore, #tpu.memory_space<semaphore_mem>>) src(%dma_wait3A_740 : memref<2x100xi32, #tpu.memory_space<hbm>>) dst(%arg8 : memref<2x100xi32, #tpu.memory_space<vmem>>)
        %dma_start3A_741 = arith.constant 0 : i32
        %dma_start3A_742 = arith.constant 0 : i32
        %dma_start3A_743 = tpu.memref_slice %arg8[%dma_start3A_741, %dma_start3A_742] : memref<2x100xi32, #tpu.memory_space<vmem>> -> memref<1x100xi32, #tpu.memory_space<vmem>>
        %dma_start3A_744 = tpu.memref_squeeze %dma_start3A_743 : memref<1x100xi32, #tpu.memory_space<vmem>> -> memref<100xi32, #tpu.memory_space<vmem>>
        %dma_start3A_745 = arith.constant 0 : i32
        %dma_start3A_746 = arith.constant 0 : i32
        %dma_start3A_747 = tpu.memref_slice %arg3[%dma_start3A_745, %dma_start3A_746] : memref<10240x128xf32, #tpu.memory_space<hbm>> -> memref<10240x128xf32, #tpu.memory_space<hbm>>
        tpu.enqueue_indirect_dma source(%dma_start3A_747 : memref<10240x128xf32, #tpu.memory_space<hbm>>) target(%arg14 : memref<100x128xf32, #tpu.memory_space<vmem>>) offsets(%dma_start3A_744 : memref<100xi32, #tpu.memory_space<vmem>>) semaphore(%arg23 : memref<!tpu.dma_semaphore, #tpu.memory_space<semaphore_mem>>)
      }
      %scan3A_302 = arith.constant 15 : i32
      %dma_wait3A_303 = arith.constant 0 : i32
      %dma_wait3A_304 = arith.constant 0 : i32
      %dma_wait3A_305 = tpu.memref_slice %arg7[%dma_wait3A_303, %dma_wait3A_304] : memref<2x100xi32, #tpu.memory_space<vmem>> -> memref<1x100xi32, #tpu.memory_space<vmem>>
      %dma_wait3A_306 = tpu.memref_squeeze %dma_wait3A_305 : memref<1x100xi32, #tpu.memory_space<vmem>> -> memref<100xi32, #tpu.memory_space<vmem>>
      %dma_wait3A_307 = arith.constant 0 : i32
      %dma_wait3A_308 = arith.constant 0 : i32
      %dma_wait3A_309 = tpu.memref_slice %arg3[%dma_wait3A_307, %dma_wait3A_308] : memref<10240x128xf32, #tpu.memory_space<hbm>> -> memref<10240x128xf32, #tpu.memory_space<hbm>>
      tpu.wait_indirect_dma semaphore(%arg22 : memref<!tpu.dma_semaphore, #tpu.memory_space<semaphore_mem>>) src(%dma_wait3A_309 : memref<10240x128xf32, #tpu.memory_space<hbm>>) dst(%arg13 : memref<100x128xf32, #tpu.memory_space<vmem>>)
      %dma_start3A_310 = arith.constant 1 : i32
      %dma_start3A_311 = arith.constant 0 : i32
      %dma_start3A_312 = tpu.memref_slice %arg7[%dma_start3A_310, %dma_start3A_311] : memref<2x100xi32, #tpu.memory_space<vmem>> -> memref<1x100xi32, #tpu.memory_space<vmem>>
      %dma_start3A_313 = tpu.memref_squeeze %dma_start3A_312 : memref<1x100xi32, #tpu.memory_space<vmem>> -> memref<100xi32, #tpu.memory_space<vmem>>
      %dma_start3A_314 = arith.constant 0 : i32
      %dma_start3A_315 = arith.constant 0 : i32
      %dma_start3A_316 = tpu.memref_slice %arg28[%dma_start3A_314, %dma_start3A_315] : memref<10240x128xf32, #tpu.memory_space<vmem_shared>> -> memref<10240x128xf32, #tpu.memory_space<vmem_shared>>
      tpu.enqueue_indirect_dma source(%arg13 : memref<100x128xf32, #tpu.memory_space<vmem>>) target(%dma_start3A_316 : memref<10240x128xf32, #tpu.memory_space<vmem_shared>>) offsets(%dma_start3A_313 : memref<100xi32, #tpu.memory_space<vmem>>) semaphore(%arg25 : memref<!tpu.dma_semaphore, #tpu.memory_space<semaphore_mem>>) {add = true}
      %dma_start3A_317 = arith.constant 99 : i32
      %dma_start3A_318 = arith.constant 0 : i32
      %dma_start3A_319 = arith.constant 0 : i32
      %dma_start3A_320 = tpu.memref_slice %arg4[%arg1, %dma_start3A_317, %dma_start3A_318, %dma_start3A_319] : memref<16x100x2x100xi32, #tpu.memory_space<hbm>> -> memref<1x1x2x100xi32, #tpu.memory_space<hbm>>
      %dma_start3A_321 = tpu.memref_squeeze %dma_start3A_320 : memref<1x1x2x100xi32, #tpu.memory_space<hbm>> -> memref<2x100xi32, #tpu.memory_space<hbm>>
      %dma_start3A_322 = arith.constant 0 : i32
      %dma_start3A_323 = arith.constant 0 : i32
      %dma_start3A_324 = tpu.memref_slice %arg4[%arg1, %dma_start3A_317, %dma_start3A_322, %dma_start3A_323] : memref<16x100x2x100xi32, #tpu.memory_space<hbm>> -> memref<1x1x2x100xi32, #tpu.memory_space<hbm>>
      %dma_start3A_325 = tpu.memref_squeeze %dma_start3A_324 : memref<1x1x2x100xi32, #tpu.memory_space<hbm>> -> memref<2x100xi32, #tpu.memory_space<hbm>>
      tpu.enqueue_dma source(%dma_start3A_325 : memref<2x100xi32, #tpu.memory_space<hbm>>) target(%arg10 : memref<2x100xi32, #tpu.memory_space<vmem>>) target_semaphore(%arg19 : memref<!tpu.dma_semaphore, #tpu.memory_space<semaphore_mem>>)
      %dma_wait3A_326 = arith.constant 1 : i32
      %dma_wait3A_327 = arith.constant 0 : i32
      %dma_wait3A_328 = tpu.memref_slice %arg12[%dma_wait3A_326, %dma_wait3A_327] : memref<2x100xi32, #tpu.memory_space<vmem>> -> memref<1x100xi32, #tpu.memory_space<vmem>>
      %dma_wait3A_329 = tpu.memref_squeeze %dma_wait3A_328 : memref<1x100xi32, #tpu.memory_space<vmem>> -> memref<100xi32, #tpu.memory_space<vmem>>
      %dma_wait3A_330 = arith.constant 0 : i32
      %dma_wait3A_331 = arith.constant 0 : i32
      %dma_wait3A_332 = tpu.memref_slice %arg28[%dma_wait3A_330, %dma_wait3A_331] : memref<10240x128xf32, #tpu.memory_space<vmem_shared>> -> memref<10240x128xf32, #tpu.memory_space<vmem_shared>>
      tpu.wait_indirect_dma semaphore(%arg27 : memref<!tpu.dma_semaphore, #tpu.memory_space<semaphore_mem>>) src(%arg15 : memref<100x128xf32, #tpu.memory_space<vmem>>) dst(%dma_wait3A_332 : memref<10240x128xf32, #tpu.memory_space<vmem_shared>>)
      %dma_wait3A_333 = arith.constant 98 : i32
      %dma_wait3A_334 = arith.constant 0 : i32
      %dma_wait3A_335 = arith.constant 0 : i32
      %dma_wait3A_336 = tpu.memref_slice %arg4[%arg1, %dma_wait3A_333, %dma_wait3A_334, %dma_wait3A_335] : memref<16x100x2x100xi32, #tpu.memory_space<hbm>> -> memref<1x1x2x100xi32, #tpu.memory_space<hbm>>
      %dma_wait3A_337 = tpu.memref_squeeze %dma_wait3A_336 : memref<1x1x2x100xi32, #tpu.memory_space<hbm>> -> memref<2x100xi32, #tpu.memory_space<hbm>>
      %dma_wait3A_338 = arith.constant 0 : i32
      %dma_wait3A_339 = arith.constant 0 : i32
      %dma_wait3A_340 = tpu.memref_slice %arg4[%arg1, %dma_wait3A_333, %dma_wait3A_338, %dma_wait3A_339] : memref<16x100x2x100xi32, #tpu.memory_space<hbm>> -> memref<1x1x2x100xi32, #tpu.memory_space<hbm>>
      %dma_wait3A_341 = tpu.memref_squeeze %dma_wait3A_340 : memref<1x1x2x100xi32, #tpu.memory_space<hbm>> -> memref<2x100xi32, #tpu.memory_space<hbm>>
      tpu.wait_dma2 semaphore(%arg18 : memref<!tpu.dma_semaphore, #tpu.memory_space<semaphore_mem>>) src(%dma_wait3A_341 : memref<2x100xi32, #tpu.memory_space<hbm>>) dst(%arg9 : memref<2x100xi32, #tpu.memory_space<vmem>>)
      %dma_start3A_342 = arith.constant 0 : i32
      %dma_start3A_343 = arith.constant 0 : i32
      %dma_start3A_344 = tpu.memref_slice %arg9[%dma_start3A_342, %dma_start3A_343] : memref<2x100xi32, #tpu.memory_space<vmem>> -> memref<1x100xi32, #tpu.memory_space<vmem>>
      %dma_start3A_345 = tpu.memref_squeeze %dma_start3A_344 : memref<1x100xi32, #tpu.memory_space<vmem>> -> memref<100xi32, #tpu.memory_space<vmem>>
      %dma_start3A_346 = arith.constant 0 : i32
      %dma_start3A_347 = arith.constant 0 : i32
      %dma_start3A_348 = tpu.memref_slice %arg3[%dma_start3A_346, %dma_start3A_347] : memref<10240x128xf32, #tpu.memory_space<hbm>> -> memref<10240x128xf32, #tpu.memory_space<hbm>>
      tpu.enqueue_indirect_dma source(%dma_start3A_348 : memref<10240x128xf32, #tpu.memory_space<hbm>>) target(%arg15 : memref<100x128xf32, #tpu.memory_space<vmem>>) offsets(%dma_start3A_345 : memref<100xi32, #tpu.memory_space<vmem>>) semaphore(%arg24 : memref<!tpu.dma_semaphore, #tpu.memory_space<semaphore_mem>>)
      %dma_wait3A_349 = arith.constant 0 : i32
      %dma_wait3A_350 = arith.constant 0 : i32
      %dma_wait3A_351 = tpu.memref_slice %arg8[%dma_wait3A_349, %dma_wait3A_350] : memref<2x100xi32, #tpu.memory_space<vmem>> -> memref<1x100xi32, #tpu.memory_space<vmem>>
      %dma_wait3A_352 = tpu.memref_squeeze %dma_wait3A_351 : memref<1x100xi32, #tpu.memory_space<vmem>> -> memref<100xi32, #tpu.memory_space<vmem>>
      %dma_wait3A_353 = arith.constant 0 : i32
      %dma_wait3A_354 = arith.constant 0 : i32
      %dma_wait3A_355 = tpu.memref_slice %arg3[%dma_wait3A_353, %dma_wait3A_354] : memref<10240x128xf32, #tpu.memory_space<hbm>> -> memref<10240x128xf32, #tpu.memory_space<hbm>>
      tpu.wait_indirect_dma semaphore(%arg23 : memref<!tpu.dma_semaphore, #tpu.memory_space<semaphore_mem>>) src(%dma_wait3A_355 : memref<10240x128xf32, #tpu.memory_space<hbm>>) dst(%arg14 : memref<100x128xf32, #tpu.memory_space<vmem>>)
      %dma_start3A_356 = arith.constant 1 : i32
      %dma_start3A_357 = arith.constant 0 : i32
      %dma_start3A_358 = tpu.memref_slice %arg8[%dma_start3A_356, %dma_start3A_357] : memref<2x100xi32, #tpu.memory_space<vmem>> -> memref<1x100xi32, #tpu.memory_space<vmem>>
      %dma_start3A_359 = tpu.memref_squeeze %dma_start3A_358 : memref<1x100xi32, #tpu.memory_space<vmem>> -> memref<100xi32, #tpu.memory_space<vmem>>
      %dma_start3A_360 = arith.constant 0 : i32
      %dma_start3A_361 = arith.constant 0 : i32
      %dma_start3A_362 = tpu.memref_slice %arg28[%dma_start3A_360, %dma_start3A_361] : memref<10240x128xf32, #tpu.memory_space<vmem_shared>> -> memref<10240x128xf32, #tpu.memory_space<vmem_shared>>
      tpu.enqueue_indirect_dma source(%arg14 : memref<100x128xf32, #tpu.memory_space<vmem>>) target(%dma_start3A_362 : memref<10240x128xf32, #tpu.memory_space<vmem_shared>>) offsets(%dma_start3A_359 : memref<100xi32, #tpu.memory_space<vmem>>) semaphore(%arg26 : memref<!tpu.dma_semaphore, #tpu.memory_space<semaphore_mem>>) {add = true}
      %dma_wait3A_363 = arith.constant 1 : i32
      %dma_wait3A_364 = arith.constant 0 : i32
      %dma_wait3A_365 = tpu.memref_slice %arg7[%dma_wait3A_363, %dma_wait3A_364] : memref<2x100xi32, #tpu.memory_space<vmem>> -> memref<1x100xi32, #tpu.memory_space<vmem>>
      %dma_wait3A_366 = tpu.memref_squeeze %dma_wait3A_365 : memref<1x100xi32, #tpu.memory_space<vmem>> -> memref<100xi32, #tpu.memory_space<vmem>>
      %dma_wait3A_367 = arith.constant 0 : i32
      %dma_wait3A_368 = arith.constant 0 : i32
      %dma_wait3A_369 = tpu.memref_slice %arg28[%dma_wait3A_367, %dma_wait3A_368] : memref<10240x128xf32, #tpu.memory_space<vmem_shared>> -> memref<10240x128xf32, #tpu.memory_space<vmem_shared>>
      tpu.wait_indirect_dma semaphore(%arg25 : memref<!tpu.dma_semaphore, #tpu.memory_space<semaphore_mem>>) src(%arg13 : memref<100x128xf32, #tpu.memory_space<vmem>>) dst(%dma_wait3A_369 : memref<10240x128xf32, #tpu.memory_space<vmem_shared>>)
      %dma_wait3A_370 = arith.constant 99 : i32
      %dma_wait3A_371 = arith.constant 0 : i32
      %dma_wait3A_372 = arith.constant 0 : i32
      %dma_wait3A_373 = tpu.memref_slice %arg4[%arg1, %dma_wait3A_370, %dma_wait3A_371, %dma_wait3A_372] : memref<16x100x2x100xi32, #tpu.memory_space<hbm>> -> memref<1x1x2x100xi32, #tpu.memory_space<hbm>>
      %dma_wait3A_374 = tpu.memref_squeeze %dma_wait3A_373 : memref<1x1x2x100xi32, #tpu.memory_space<hbm>> -> memref<2x100xi32, #tpu.memory_space<hbm>>
      %dma_wait3A_375 = arith.constant 0 : i32
      %dma_wait3A_376 = arith.constant 0 : i32
      %dma_wait3A_377 = tpu.memref_slice %arg4[%arg1, %dma_wait3A_370, %dma_wait3A_375, %dma_wait3A_376] : memref<16x100x2x100xi32, #tpu.memory_space<hbm>> -> memref<1x1x2x100xi32, #tpu.memory_space<hbm>>
      %dma_wait3A_378 = tpu.memref_squeeze %dma_wait3A_377 : memref<1x1x2x100xi32, #tpu.memory_space<hbm>> -> memref<2x100xi32, #tpu.memory_space<hbm>>
      tpu.wait_dma2 semaphore(%arg19 : memref<!tpu.dma_semaphore, #tpu.memory_space<semaphore_mem>>) src(%dma_wait3A_378 : memref<2x100xi32, #tpu.memory_space<hbm>>) dst(%arg10 : memref<2x100xi32, #tpu.memory_space<vmem>>)
      %dma_start3A_379 = arith.constant 0 : i32
      %dma_start3A_380 = arith.constant 0 : i32
      %dma_start3A_381 = tpu.memref_slice %arg10[%dma_start3A_379, %dma_start3A_380] : memref<2x100xi32, #tpu.memory_space<vmem>> -> memref<1x100xi32, #tpu.memory_space<vmem>>
      %dma_start3A_382 = tpu.memref_squeeze %dma_start3A_381 : memref<1x100xi32, #tpu.memory_space<vmem>> -> memref<100xi32, #tpu.memory_space<vmem>>
      %dma_start3A_383 = arith.constant 0 : i32
      %dma_start3A_384 = arith.constant 0 : i32
      %dma_start3A_385 = tpu.memref_slice %arg3[%dma_start3A_383, %dma_start3A_384] : memref<10240x128xf32, #tpu.memory_space<hbm>> -> memref<10240x128xf32, #tpu.memory_space<hbm>>
      tpu.enqueue_indirect_dma source(%dma_start3A_385 : memref<10240x128xf32, #tpu.memory_space<hbm>>) target(%arg13 : memref<100x128xf32, #tpu.memory_space<vmem>>) offsets(%dma_start3A_382 : memref<100xi32, #tpu.memory_space<vmem>>) semaphore(%arg22 : memref<!tpu.dma_semaphore, #tpu.memory_space<semaphore_mem>>)
      %dma_wait3A_386 = arith.constant 0 : i32
      %dma_wait3A_387 = arith.constant 0 : i32
      %dma_wait3A_388 = tpu.memref_slice %arg9[%dma_wait3A_386, %dma_wait3A_387] : memref<2x100xi32, #tpu.memory_space<vmem>> -> memref<1x100xi32, #tpu.memory_space<vmem>>
      %dma_wait3A_389 = tpu.memref_squeeze %dma_wait3A_388 : memref<1x100xi32, #tpu.memory_space<vmem>> -> memref<100xi32, #tpu.memory_space<vmem>>
      %dma_wait3A_390 = arith.constant 0 : i32
      %dma_wait3A_391 = arith.constant 0 : i32
      %dma_wait3A_392 = tpu.memref_slice %arg3[%dma_wait3A_390, %dma_wait3A_391] : memref<10240x128xf32, #tpu.memory_space<hbm>> -> memref<10240x128xf32, #tpu.memory_space<hbm>>
      tpu.wait_indirect_dma semaphore(%arg24 : memref<!tpu.dma_semaphore, #tpu.memory_space<semaphore_mem>>) src(%dma_wait3A_392 : memref<10240x128xf32, #tpu.memory_space<hbm>>) dst(%arg15 : memref<100x128xf32, #tpu.memory_space<vmem>>)
      %dma_start3A_393 = arith.constant 1 : i32
      %dma_start3A_394 = arith.constant 0 : i32
      %dma_start3A_395 = tpu.memref_slice %arg9[%dma_start3A_393, %dma_start3A_394] : memref<2x100xi32, #tpu.memory_space<vmem>> -> memref<1x100xi32, #tpu.memory_space<vmem>>
      %dma_start3A_396 = tpu.memref_squeeze %dma_start3A_395 : memref<1x100xi32, #tpu.memory_space<vmem>> -> memref<100xi32, #tpu.memory_space<vmem>>
      %dma_start3A_397 = arith.constant 0 : i32
      %dma_start3A_398 = arith.constant 0 : i32
      %dma_start3A_399 = tpu.memref_slice %arg28[%dma_start3A_397, %dma_start3A_398] : memref<10240x128xf32, #tpu.memory_space<vmem_shared>> -> memref<10240x128xf32, #tpu.memory_space<vmem_shared>>
      tpu.enqueue_indirect_dma source(%arg15 : memref<100x128xf32, #tpu.memory_space<vmem>>) target(%dma_start3A_399 : memref<10240x128xf32, #tpu.memory_space<vmem_shared>>) offsets(%dma_start3A_396 : memref<100xi32, #tpu.memory_space<vmem>>) semaphore(%arg27 : memref<!tpu.dma_semaphore, #tpu.memory_space<semaphore_mem>>) {add = true}
      %dma_wait3A_400 = arith.constant 1 : i32
      %dma_wait3A_401 = arith.constant 0 : i32
      %dma_wait3A_402 = tpu.memref_slice %arg8[%dma_wait3A_400, %dma_wait3A_401] : memref<2x100xi32, #tpu.memory_space<vmem>> -> memref<1x100xi32, #tpu.memory_space<vmem>>
      %dma_wait3A_403 = tpu.memref_squeeze %dma_wait3A_402 : memref<1x100xi32, #tpu.memory_space<vmem>> -> memref<100xi32, #tpu.memory_space<vmem>>
      %dma_wait3A_404 = arith.constant 0 : i32
      %dma_wait3A_405 = arith.constant 0 : i32
      %dma_wait3A_406 = tpu.memref_slice %arg28[%dma_wait3A_404, %dma_wait3A_405] : memref<10240x128xf32, #tpu.memory_space<vmem_shared>> -> memref<10240x128xf32, #tpu.memory_space<vmem_shared>>
      tpu.wait_indirect_dma semaphore(%arg26 : memref<!tpu.dma_semaphore, #tpu.memory_space<semaphore_mem>>) src(%arg14 : memref<100x128xf32, #tpu.memory_space<vmem>>) dst(%dma_wait3A_406 : memref<10240x128xf32, #tpu.memory_space<vmem_shared>>)
      %dma_wait3A_407 = arith.constant 0 : i32
      %dma_wait3A_408 = arith.constant 0 : i32
      %dma_wait3A_409 = tpu.memref_slice %arg10[%dma_wait3A_407, %dma_wait3A_408] : memref<2x100xi32, #tpu.memory_space<vmem>> -> memref<1x100xi32, #tpu.memory_space<vmem>>
      %dma_wait3A_410 = tpu.memref_squeeze %dma_wait3A_409 : memref<1x100xi32, #tpu.memory_space<vmem>> -> memref<100xi32, #tpu.memory_space<vmem>>
      %dma_wait3A_411 = arith.constant 0 : i32
      %dma_wait3A_412 = arith.constant 0 : i32
      %dma_wait3A_413 = tpu.memref_slice %arg3[%dma_wait3A_411, %dma_wait3A_412] : memref<10240x128xf32, #tpu.memory_space<hbm>> -> memref<10240x128xf32, #tpu.memory_space<hbm>>
      tpu.wait_indirect_dma semaphore(%arg22 : memref<!tpu.dma_semaphore, #tpu.memory_space<semaphore_mem>>) src(%dma_wait3A_413 : memref<10240x128xf32, #tpu.memory_space<hbm>>) dst(%arg13 : memref<100x128xf32, #tpu.memory_space<vmem>>)
      %dma_start3A_414 = arith.constant 1 : i32
      %dma_start3A_415 = arith.constant 0 : i32
      %dma_start3A_416 = tpu.memref_slice %arg10[%dma_start3A_414, %dma_start3A_415] : memref<2x100xi32, #tpu.memory_space<vmem>> -> memref<1x100xi32, #tpu.memory_space<vmem>>
      %dma_start3A_417 = tpu.memref_squeeze %dma_start3A_416 : memref<1x100xi32, #tpu.memory_space<vmem>> -> memref<100xi32, #tpu.memory_space<vmem>>
      %dma_start3A_418 = arith.constant 0 : i32
      %dma_start3A_419 = arith.constant 0 : i32
      %dma_start3A_420 = tpu.memref_slice %arg28[%dma_start3A_418, %dma_start3A_419] : memref<10240x128xf32, #tpu.memory_space<vmem_shared>> -> memref<10240x128xf32, #tpu.memory_space<vmem_shared>>
      tpu.enqueue_indirect_dma source(%arg13 : memref<100x128xf32, #tpu.memory_space<vmem>>) target(%dma_start3A_420 : memref<10240x128xf32, #tpu.memory_space<vmem_shared>>) offsets(%dma_start3A_417 : memref<100xi32, #tpu.memory_space<vmem>>) semaphore(%arg25 : memref<!tpu.dma_semaphore, #tpu.memory_space<semaphore_mem>>) {add = true}
      %dma_wait3A_421 = arith.constant 1 : i32
      %dma_wait3A_422 = arith.constant 0 : i32
      %dma_wait3A_423 = tpu.memref_slice %arg9[%dma_wait3A_421, %dma_wait3A_422] : memref<2x100xi32, #tpu.memory_space<vmem>> -> memref<1x100xi32, #tpu.memory_space<vmem>>
      %dma_wait3A_424 = tpu.memref_squeeze %dma_wait3A_423 : memref<1x100xi32, #tpu.memory_space<vmem>> -> memref<100xi32, #tpu.memory_space<vmem>>
      %dma_wait3A_425 = arith.constant 0 : i32
      %dma_wait3A_426 = arith.constant 0 : i32
      %dma_wait3A_427 = tpu.memref_slice %arg28[%dma_wait3A_425, %dma_wait3A_426] : memref<10240x128xf32, #tpu.memory_space<vmem_shared>> -> memref<10240x128xf32, #tpu.memory_space<vmem_shared>>
      tpu.wait_indirect_dma semaphore(%arg27 : memref<!tpu.dma_semaphore, #tpu.memory_space<semaphore_mem>>) src(%arg15 : memref<100x128xf32, #tpu.memory_space<vmem>>) dst(%dma_wait3A_427 : memref<10240x128xf32, #tpu.memory_space<vmem_shared>>)
      %dma_wait3A_428 = arith.constant 1 : i32
      %dma_wait3A_429 = arith.constant 0 : i32
      %dma_wait3A_430 = tpu.memref_slice %arg10[%dma_wait3A_428, %dma_wait3A_429] : memref<2x100xi32, #tpu.memory_space<vmem>> -> memref<1x100xi32, #tpu.memory_space<vmem>>
      %dma_wait3A_431 = tpu.memref_squeeze %dma_wait3A_430 : memref<1x100xi32, #tpu.memory_space<vmem>> -> memref<100xi32, #tpu.memory_space<vmem>>
      %dma_wait3A_432 = arith.constant 0 : i32
      %dma_wait3A_433 = arith.constant 0 : i32
      %dma_wait3A_434 = tpu.memref_slice %arg28[%dma_wait3A_432, %dma_wait3A_433] : memref<10240x128xf32, #tpu.memory_space<vmem_shared>> -> memref<10240x128xf32, #tpu.memory_space<vmem_shared>>
      tpu.wait_indirect_dma semaphore(%arg25 : memref<!tpu.dma_semaphore, #tpu.memory_space<semaphore_mem>>) src(%arg13 : memref<100x128xf32, #tpu.memory_space<vmem>>) dst(%dma_wait3A_434 : memref<10240x128xf32, #tpu.memory_space<vmem_shared>>)
      %barrier3A_435 = arith.constant 0 : index
      tpu.barrier barrier_id(%barrier3A_435)
      "tpu.region"() ({
        %run_scoped3A_436 = tpu.sem_alloc : memref<!tpu.dma_semaphore, #tpu.memory_space<semaphore_mem>>
        %dma_start3A_437 = arith.constant 0 : i32
        %dma_start3A_438 = tpu.memref_slice %arg6[%mul3A_7, %dma_start3A_437] : memref<10240x128xf32, #tpu.memory_space<hbm>> -> memref<640x128xf32, #tpu.memory_space<hbm>>
        %dma_start3A_439 = arith.constant 0 : i32
        %dma_start3A_440 = tpu.memref_slice %arg28[%mul3A_7, %dma_start3A_439] : memref<10240x128xf32, #tpu.memory_space<vmem_shared>> -> memref<640x128xf32, #tpu.memory_space<vmem_shared>>
        tpu.enqueue_dma source(%dma_start3A_440 : memref<640x128xf32, #tpu.memory_space<vmem_shared>>) target(%dma_start3A_438 : memref<640x128xf32, #tpu.memory_space<hbm>>) target_semaphore(%run_scoped3A_436 : memref<!tpu.dma_semaphore, #tpu.memory_space<semaphore_mem>>)
        %dma_wait3A_441 = arith.constant 0 : i32
        %dma_wait3A_442 = tpu.memref_slice %arg6[%mul3A_7, %dma_wait3A_441] : memref<10240x128xf32, #tpu.memory_space<hbm>> -> memref<640x128xf32, #tpu.memory_space<hbm>>
        %dma_wait3A_443 = arith.constant 0 : i32
        %dma_wait3A_444 = tpu.memref_slice %arg28[%mul3A_7, %dma_wait3A_443] : memref<10240x128xf32, #tpu.memory_space<vmem_shared>> -> memref<640x128xf32, #tpu.memory_space<vmem_shared>>
        tpu.wait_dma2 semaphore(%run_scoped3A_436 : memref<!tpu.dma_semaphore, #tpu.memory_space<semaphore_mem>>) src(%dma_wait3A_444 : memref<640x128xf32, #tpu.memory_space<vmem_shared>>) dst(%dma_wait3A_442 : memref<640x128xf32, #tpu.memory_space<hbm>>)
        tpu.yield
      }) : () -> ()
    } else {
    }
    return
  }
}

#map = affine_map<(d0, d1) -> (0, 0, 0)>
#map1 = affine_map<(d0, d1) -> (0, 0)>
module attributes {stable_mosaic.version = 14 : i64} {
  func.func @_deg_call(%arg0: i32, %arg1: i32, %arg2: memref<32x40x125xi32, #tpu.memory_space<hbm>>, %arg3: memref<640x128xf32, #tpu.memory_space<hbm>>, %arg4: memref<125x128xf32, #tpu.memory_space<hbm>>, %arg5: memref<2x10240x128xf32, #tpu.memory_space<hbm>>, %arg6: memref<40x125xi32, #tpu.memory_space<vmem>>, %arg7: memref<125x128xf32, #tpu.memory_space<vmem>>, %arg8: memref<!tpu.dma_semaphore, #tpu.memory_space<semaphore_mem>>, %arg9: memref<!tpu.dma_semaphore, #tpu.memory_space<semaphore_mem>>, %arg10: memref<!tpu.dma_semaphore, #tpu.memory_space<semaphore_mem>>, %arg11: memref<!tpu.dma_semaphore, #tpu.memory_space<semaphore_mem>>, %arg12: memref<10240x128xf32, #tpu.memory_space<vmem_shared>>) attributes {dimension_semantics = [#tpu.dimension_semantics<core_parallel>, #tpu.dimension_semantics<subcore_parallel>], iteration_bounds = array<i64: 2, 16>, scalar_prefetch = 0 : i64, scratch_operands = 7 : i64, tpu.core_type = #tpu.core_type<sc_vector_subcore>, window_params = [{transform_indices = #map}, {transform_indices = #map1}, {transform_indices = #map1}, {transform_indices = #map}]} {
    %mul3A = arith.constant 16 : i32
    %mul3A_0 = arith.muli %arg0, %mul3A : i32
    %add3A = arith.addi %mul3A_0, %arg1 : i32
    %mul3A_1 = arith.constant 640 : i32
    %mul3A_2 = arith.muli %arg1, %mul3A_1 : i32
    "tpu.region"() ({
      %run_scoped3A = tpu.sem_alloc : memref<!tpu.dma_semaphore, #tpu.memory_space<semaphore_mem>>
      %dma_start3A_62 = arith.constant 0 : i32
      %dma_start3A_63 = tpu.memref_slice %arg12[%mul3A_2, %dma_start3A_62] : memref<10240x128xf32, #tpu.memory_space<vmem_shared>> -> memref<640x128xf32, #tpu.memory_space<vmem_shared>>
      tpu.enqueue_dma source(%arg3 : memref<640x128xf32, #tpu.memory_space<hbm>>) target(%dma_start3A_63 : memref<640x128xf32, #tpu.memory_space<vmem_shared>>) target_semaphore(%run_scoped3A : memref<!tpu.dma_semaphore, #tpu.memory_space<semaphore_mem>>)
      %dma_wait3A_64 = arith.constant 0 : i32
      %dma_wait3A_65 = tpu.memref_slice %arg12[%mul3A_2, %dma_wait3A_64] : memref<10240x128xf32, #tpu.memory_space<vmem_shared>> -> memref<640x128xf32, #tpu.memory_space<vmem_shared>>
      tpu.wait_dma2 semaphore(%run_scoped3A : memref<!tpu.dma_semaphore, #tpu.memory_space<semaphore_mem>>) src(%arg3 : memref<640x128xf32, #tpu.memory_space<hbm>>) dst(%dma_wait3A_65 : memref<640x128xf32, #tpu.memory_space<vmem_shared>>)
      tpu.yield
    }) : () -> ()
    "tpu.region"() ({
      %run_scoped3A = tpu.sem_alloc : memref<!tpu.dma_semaphore, #tpu.memory_space<semaphore_mem>>
      %dma_start3A_62 = arith.constant 0 : i32
      %dma_start3A_63 = arith.constant 0 : i32
      %dma_start3A_64 = tpu.memref_slice %arg2[%add3A, %dma_start3A_62, %dma_start3A_63] : memref<32x40x125xi32, #tpu.memory_space<hbm>> -> memref<1x40x125xi32, #tpu.memory_space<hbm>>
      %dma_start3A_65 = tpu.memref_squeeze %dma_start3A_64 : memref<1x40x125xi32, #tpu.memory_space<hbm>> -> memref<40x125xi32, #tpu.memory_space<hbm>>
      %dma_start3A_66 = arith.constant 0 : i32
      %dma_start3A_67 = arith.constant 0 : i32
      %dma_start3A_68 = tpu.memref_slice %arg2[%add3A, %dma_start3A_66, %dma_start3A_67] : memref<32x40x125xi32, #tpu.memory_space<hbm>> -> memref<1x40x125xi32, #tpu.memory_space<hbm>>
      %dma_start3A_69 = tpu.memref_squeeze %dma_start3A_68 : memref<1x40x125xi32, #tpu.memory_space<hbm>> -> memref<40x125xi32, #tpu.memory_space<hbm>>
      tpu.enqueue_dma source(%dma_start3A_69 : memref<40x125xi32, #tpu.memory_space<hbm>>) target(%arg6 : memref<40x125xi32, #tpu.memory_space<vmem>>) target_semaphore(%run_scoped3A : memref<!tpu.dma_semaphore, #tpu.memory_space<semaphore_mem>>)
      %dma_wait3A_70 = arith.constant 0 : i32
      %dma_wait3A_71 = arith.constant 0 : i32
      %dma_wait3A_72 = tpu.memref_slice %arg2[%add3A, %dma_wait3A_70, %dma_wait3A_71] : memref<32x40x125xi32, #tpu.memory_space<hbm>> -> memref<1x40x125xi32, #tpu.memory_space<hbm>>
      %dma_wait3A_73 = tpu.memref_squeeze %dma_wait3A_72 : memref<1x40x125xi32, #tpu.memory_space<hbm>> -> memref<40x125xi32, #tpu.memory_space<hbm>>
      %dma_wait3A_74 = arith.constant 0 : i32
      %dma_wait3A_75 = arith.constant 0 : i32
      %dma_wait3A_76 = tpu.memref_slice %arg2[%add3A, %dma_wait3A_74, %dma_wait3A_75] : memref<32x40x125xi32, #tpu.memory_space<hbm>> -> memref<1x40x125xi32, #tpu.memory_space<hbm>>
      %dma_wait3A_77 = tpu.memref_squeeze %dma_wait3A_76 : memref<1x40x125xi32, #tpu.memory_space<hbm>> -> memref<40x125xi32, #tpu.memory_space<hbm>>
      tpu.wait_dma2 semaphore(%run_scoped3A : memref<!tpu.dma_semaphore, #tpu.memory_space<semaphore_mem>>) src(%dma_wait3A_77 : memref<40x125xi32, #tpu.memory_space<hbm>>) dst(%arg6 : memref<40x125xi32, #tpu.memory_space<vmem>>)
      tpu.yield
    }) : () -> ()
    "tpu.region"() ({
      %run_scoped3A = tpu.sem_alloc : memref<!tpu.dma_semaphore, #tpu.memory_space<semaphore_mem>>
      tpu.enqueue_dma source(%arg4 : memref<125x128xf32, #tpu.memory_space<hbm>>) target(%arg7 : memref<125x128xf32, #tpu.memory_space<vmem>>) target_semaphore(%run_scoped3A : memref<!tpu.dma_semaphore, #tpu.memory_space<semaphore_mem>>)
      tpu.wait_dma2 semaphore(%run_scoped3A : memref<!tpu.dma_semaphore, #tpu.memory_space<semaphore_mem>>) src(%arg4 : memref<125x128xf32, #tpu.memory_space<hbm>>) dst(%arg7 : memref<125x128xf32, #tpu.memory_space<vmem>>)
      tpu.yield
    }) : () -> ()
    %barrier3A = arith.constant 0 : index
    tpu.barrier barrier_id(%barrier3A)
    %dma_start3A = arith.constant 0 : i32
    %dma_start3A_3 = arith.constant 0 : i32
    %dma_start3A_4 = tpu.memref_slice %arg6[%dma_start3A, %dma_start3A_3] : memref<40x125xi32, #tpu.memory_space<vmem>> -> memref<1x125xi32, #tpu.memory_space<vmem>>
    %dma_start3A_5 = tpu.memref_squeeze %dma_start3A_4 : memref<1x125xi32, #tpu.memory_space<vmem>> -> memref<125xi32, #tpu.memory_space<vmem>>
    %dma_start3A_6 = arith.constant 0 : i32
    %dma_start3A_7 = arith.constant 0 : i32
    %dma_start3A_8 = tpu.memref_slice %arg12[%dma_start3A_6, %dma_start3A_7] : memref<10240x128xf32, #tpu.memory_space<vmem_shared>> -> memref<10240x128xf32, #tpu.memory_space<vmem_shared>>
    tpu.enqueue_indirect_dma source(%arg7 : memref<125x128xf32, #tpu.memory_space<vmem>>) target(%dma_start3A_8 : memref<10240x128xf32, #tpu.memory_space<vmem_shared>>) offsets(%dma_start3A_5 : memref<125xi32, #tpu.memory_space<vmem>>) semaphore(%arg8 : memref<!tpu.dma_semaphore, #tpu.memory_space<semaphore_mem>>) {add = true}
    %dma_start3A_9 = arith.constant 1 : i32
    %dma_start3A_10 = arith.constant 0 : i32
    %dma_start3A_11 = tpu.memref_slice %arg6[%dma_start3A_9, %dma_start3A_10] : memref<40x125xi32, #tpu.memory_space<vmem>> -> memref<1x125xi32, #tpu.memory_space<vmem>>
    %dma_start3A_12 = tpu.memref_squeeze %dma_start3A_11 : memref<1x125xi32, #tpu.memory_space<vmem>> -> memref<125xi32, #tpu.memory_space<vmem>>
    %dma_start3A_13 = arith.constant 0 : i32
    %dma_start3A_14 = arith.constant 0 : i32
    %dma_start3A_15 = tpu.memref_slice %arg12[%dma_start3A_13, %dma_start3A_14] : memref<10240x128xf32, #tpu.memory_space<vmem_shared>> -> memref<10240x128xf32, #tpu.memory_space<vmem_shared>>
    tpu.enqueue_indirect_dma source(%arg7 : memref<125x128xf32, #tpu.memory_space<vmem>>) target(%dma_start3A_15 : memref<10240x128xf32, #tpu.memory_space<vmem_shared>>) offsets(%dma_start3A_12 : memref<125xi32, #tpu.memory_space<vmem>>) semaphore(%arg9 : memref<!tpu.dma_semaphore, #tpu.memory_space<semaphore_mem>>) {add = true}
    %dma_start3A_16 = arith.constant 2 : i32
    %dma_start3A_17 = arith.constant 0 : i32
    %dma_start3A_18 = tpu.memref_slice %arg6[%dma_start3A_16, %dma_start3A_17] : memref<40x125xi32, #tpu.memory_space<vmem>> -> memref<1x125xi32, #tpu.memory_space<vmem>>
    %dma_start3A_19 = tpu.memref_squeeze %dma_start3A_18 : memref<1x125xi32, #tpu.memory_space<vmem>> -> memref<125xi32, #tpu.memory_space<vmem>>
    %dma_start3A_20 = arith.constant 0 : i32
    %dma_start3A_21 = arith.constant 0 : i32
    %dma_start3A_22 = tpu.memref_slice %arg12[%dma_start3A_20, %dma_start3A_21] : memref<10240x128xf32, #tpu.memory_space<vmem_shared>> -> memref<10240x128xf32, #tpu.memory_space<vmem_shared>>
    tpu.enqueue_indirect_dma source(%arg7 : memref<125x128xf32, #tpu.memory_space<vmem>>) target(%dma_start3A_22 : memref<10240x128xf32, #tpu.memory_space<vmem_shared>>) offsets(%dma_start3A_19 : memref<125xi32, #tpu.memory_space<vmem>>) semaphore(%arg10 : memref<!tpu.dma_semaphore, #tpu.memory_space<semaphore_mem>>) {add = true}
    %dma_start3A_23 = arith.constant 3 : i32
    %dma_start3A_24 = arith.constant 0 : i32
    %dma_start3A_25 = tpu.memref_slice %arg6[%dma_start3A_23, %dma_start3A_24] : memref<40x125xi32, #tpu.memory_space<vmem>> -> memref<1x125xi32, #tpu.memory_space<vmem>>
    %dma_start3A_26 = tpu.memref_squeeze %dma_start3A_25 : memref<1x125xi32, #tpu.memory_space<vmem>> -> memref<125xi32, #tpu.memory_space<vmem>>
    %dma_start3A_27 = arith.constant 0 : i32
    %dma_start3A_28 = arith.constant 0 : i32
    %dma_start3A_29 = tpu.memref_slice %arg12[%dma_start3A_27, %dma_start3A_28] : memref<10240x128xf32, #tpu.memory_space<vmem_shared>> -> memref<10240x128xf32, #tpu.memory_space<vmem_shared>>
    tpu.enqueue_indirect_dma source(%arg7 : memref<125x128xf32, #tpu.memory_space<vmem>>) target(%dma_start3A_29 : memref<10240x128xf32, #tpu.memory_space<vmem_shared>>) offsets(%dma_start3A_26 : memref<125xi32, #tpu.memory_space<vmem>>) semaphore(%arg11 : memref<!tpu.dma_semaphore, #tpu.memory_space<semaphore_mem>>) {add = true}
    %scan3A = arith.constant 0 : i32
    %scan3A_30 = arith.constant 9 : i32
    %scan3A_31 = arith.addi %scan3A, %scan3A_30 : i32
    %scan3A_32 = arith.constant 1 : i32
    scf.for %scan3A_62 = %scan3A to %scan3A_31 step %scan3A_32  : i32 {
      %mul3A_63 = arith.constant 4 : i32
      %mul3A_64 = arith.muli %mul3A_63, %scan3A_62 : i32
      %add3A_65 = arith.constant 0 : i32
      %add3A_66 = arith.addi %mul3A_64, %add3A_65 : i32
      %dma_wait3A_67 = arith.constant 0 : i32
      %dma_wait3A_68 = tpu.memref_slice %arg6[%add3A_66, %dma_wait3A_67] : memref<40x125xi32, #tpu.memory_space<vmem>> -> memref<1x125xi32, #tpu.memory_space<vmem>>
      %dma_wait3A_69 = tpu.memref_squeeze %dma_wait3A_68 : memref<1x125xi32, #tpu.memory_space<vmem>> -> memref<125xi32, #tpu.memory_space<vmem>>
      %dma_wait3A_70 = arith.constant 0 : i32
      %dma_wait3A_71 = arith.constant 0 : i32
      %dma_wait3A_72 = tpu.memref_slice %arg12[%dma_wait3A_70, %dma_wait3A_71] : memref<10240x128xf32, #tpu.memory_space<vmem_shared>> -> memref<10240x128xf32, #tpu.memory_space<vmem_shared>>
      tpu.wait_indirect_dma semaphore(%arg8 : memref<!tpu.dma_semaphore, #tpu.memory_space<semaphore_mem>>) src(%arg7 : memref<125x128xf32, #tpu.memory_space<vmem>>) dst(%dma_wait3A_72 : memref<10240x128xf32, #tpu.memory_space<vmem_shared>>)
      %add3A_73 = arith.constant 4 : i32
      %add3A_74 = arith.addi %add3A_66, %add3A_73 : i32
      %dma_start3A_75 = arith.constant 0 : i32
      %dma_start3A_76 = tpu.memref_slice %arg6[%add3A_74, %dma_start3A_75] : memref<40x125xi32, #tpu.memory_space<vmem>> -> memref<1x125xi32, #tpu.memory_space<vmem>>
      %dma_start3A_77 = tpu.memref_squeeze %dma_start3A_76 : memref<1x125xi32, #tpu.memory_space<vmem>> -> memref<125xi32, #tpu.memory_space<vmem>>
      %dma_start3A_78 = arith.constant 0 : i32
      %dma_start3A_79 = arith.constant 0 : i32
      %dma_start3A_80 = tpu.memref_slice %arg12[%dma_start3A_78, %dma_start3A_79] : memref<10240x128xf32, #tpu.memory_space<vmem_shared>> -> memref<10240x128xf32, #tpu.memory_space<vmem_shared>>
      tpu.enqueue_indirect_dma source(%arg7 : memref<125x128xf32, #tpu.memory_space<vmem>>) target(%dma_start3A_80 : memref<10240x128xf32, #tpu.memory_space<vmem_shared>>) offsets(%dma_start3A_77 : memref<125xi32, #tpu.memory_space<vmem>>) semaphore(%arg8 : memref<!tpu.dma_semaphore, #tpu.memory_space<semaphore_mem>>) {add = true}
      %mul3A_81 = arith.constant 4 : i32
      %mul3A_82 = arith.muli %mul3A_81, %scan3A_62 : i32
      %add3A_83 = arith.constant 1 : i32
      %add3A_84 = arith.addi %mul3A_82, %add3A_83 : i32
      %dma_wait3A_85 = arith.constant 0 : i32
      %dma_wait3A_86 = tpu.memref_slice %arg6[%add3A_84, %dma_wait3A_85] : memref<40x125xi32, #tpu.memory_space<vmem>> -> memref<1x125xi32, #tpu.memory_space<vmem>>
      %dma_wait3A_87 = tpu.memref_squeeze %dma_wait3A_86 : memref<1x125xi32, #tpu.memory_space<vmem>> -> memref<125xi32, #tpu.memory_space<vmem>>
      %dma_wait3A_88 = arith.constant 0 : i32
      %dma_wait3A_89 = arith.constant 0 : i32
      %dma_wait3A_90 = tpu.memref_slice %arg12[%dma_wait3A_88, %dma_wait3A_89] : memref<10240x128xf32, #tpu.memory_space<vmem_shared>> -> memref<10240x128xf32, #tpu.memory_space<vmem_shared>>
      tpu.wait_indirect_dma semaphore(%arg9 : memref<!tpu.dma_semaphore, #tpu.memory_space<semaphore_mem>>) src(%arg7 : memref<125x128xf32, #tpu.memory_space<vmem>>) dst(%dma_wait3A_90 : memref<10240x128xf32, #tpu.memory_space<vmem_shared>>)
      %add3A_91 = arith.constant 4 : i32
      %add3A_92 = arith.addi %add3A_84, %add3A_91 : i32
      %dma_start3A_93 = arith.constant 0 : i32
      %dma_start3A_94 = tpu.memref_slice %arg6[%add3A_92, %dma_start3A_93] : memref<40x125xi32, #tpu.memory_space<vmem>> -> memref<1x125xi32, #tpu.memory_space<vmem>>
      %dma_start3A_95 = tpu.memref_squeeze %dma_start3A_94 : memref<1x125xi32, #tpu.memory_space<vmem>> -> memref<125xi32, #tpu.memory_space<vmem>>
      %dma_start3A_96 = arith.constant 0 : i32
      %dma_start3A_97 = arith.constant 0 : i32
      %dma_start3A_98 = tpu.memref_slice %arg12[%dma_start3A_96, %dma_start3A_97] : memref<10240x128xf32, #tpu.memory_space<vmem_shared>> -> memref<10240x128xf32, #tpu.memory_space<vmem_shared>>
      tpu.enqueue_indirect_dma source(%arg7 : memref<125x128xf32, #tpu.memory_space<vmem>>) target(%dma_start3A_98 : memref<10240x128xf32, #tpu.memory_space<vmem_shared>>) offsets(%dma_start3A_95 : memref<125xi32, #tpu.memory_space<vmem>>) semaphore(%arg9 : memref<!tpu.dma_semaphore, #tpu.memory_space<semaphore_mem>>) {add = true}
      %mul3A_99 = arith.constant 4 : i32
      %mul3A_100 = arith.muli %mul3A_99, %scan3A_62 : i32
      %add3A_101 = arith.constant 2 : i32
      %add3A_102 = arith.addi %mul3A_100, %add3A_101 : i32
      %dma_wait3A_103 = arith.constant 0 : i32
      %dma_wait3A_104 = tpu.memref_slice %arg6[%add3A_102, %dma_wait3A_103] : memref<40x125xi32, #tpu.memory_space<vmem>> -> memref<1x125xi32, #tpu.memory_space<vmem>>
      %dma_wait3A_105 = tpu.memref_squeeze %dma_wait3A_104 : memref<1x125xi32, #tpu.memory_space<vmem>> -> memref<125xi32, #tpu.memory_space<vmem>>
      %dma_wait3A_106 = arith.constant 0 : i32
      %dma_wait3A_107 = arith.constant 0 : i32
      %dma_wait3A_108 = tpu.memref_slice %arg12[%dma_wait3A_106, %dma_wait3A_107] : memref<10240x128xf32, #tpu.memory_space<vmem_shared>> -> memref<10240x128xf32, #tpu.memory_space<vmem_shared>>
      tpu.wait_indirect_dma semaphore(%arg10 : memref<!tpu.dma_semaphore, #tpu.memory_space<semaphore_mem>>) src(%arg7 : memref<125x128xf32, #tpu.memory_space<vmem>>) dst(%dma_wait3A_108 : memref<10240x128xf32, #tpu.memory_space<vmem_shared>>)
      %add3A_109 = arith.constant 4 : i32
      %add3A_110 = arith.addi %add3A_102, %add3A_109 : i32
      %dma_start3A_111 = arith.constant 0 : i32
      %dma_start3A_112 = tpu.memref_slice %arg6[%add3A_110, %dma_start3A_111] : memref<40x125xi32, #tpu.memory_space<vmem>> -> memref<1x125xi32, #tpu.memory_space<vmem>>
      %dma_start3A_113 = tpu.memref_squeeze %dma_start3A_112 : memref<1x125xi32, #tpu.memory_space<vmem>> -> memref<125xi32, #tpu.memory_space<vmem>>
      %dma_start3A_114 = arith.constant 0 : i32
      %dma_start3A_115 = arith.constant 0 : i32
      %dma_start3A_116 = tpu.memref_slice %arg12[%dma_start3A_114, %dma_start3A_115] : memref<10240x128xf32, #tpu.memory_space<vmem_shared>> -> memref<10240x128xf32, #tpu.memory_space<vmem_shared>>
      tpu.enqueue_indirect_dma source(%arg7 : memref<125x128xf32, #tpu.memory_space<vmem>>) target(%dma_start3A_116 : memref<10240x128xf32, #tpu.memory_space<vmem_shared>>) offsets(%dma_start3A_113 : memref<125xi32, #tpu.memory_space<vmem>>) semaphore(%arg10 : memref<!tpu.dma_semaphore, #tpu.memory_space<semaphore_mem>>) {add = true}
      %mul3A_117 = arith.constant 4 : i32
      %mul3A_118 = arith.muli %mul3A_117, %scan3A_62 : i32
      %add3A_119 = arith.constant 3 : i32
      %add3A_120 = arith.addi %mul3A_118, %add3A_119 : i32
      %dma_wait3A_121 = arith.constant 0 : i32
      %dma_wait3A_122 = tpu.memref_slice %arg6[%add3A_120, %dma_wait3A_121] : memref<40x125xi32, #tpu.memory_space<vmem>> -> memref<1x125xi32, #tpu.memory_space<vmem>>
      %dma_wait3A_123 = tpu.memref_squeeze %dma_wait3A_122 : memref<1x125xi32, #tpu.memory_space<vmem>> -> memref<125xi32, #tpu.memory_space<vmem>>
      %dma_wait3A_124 = arith.constant 0 : i32
      %dma_wait3A_125 = arith.constant 0 : i32
      %dma_wait3A_126 = tpu.memref_slice %arg12[%dma_wait3A_124, %dma_wait3A_125] : memref<10240x128xf32, #tpu.memory_space<vmem_shared>> -> memref<10240x128xf32, #tpu.memory_space<vmem_shared>>
      tpu.wait_indirect_dma semaphore(%arg11 : memref<!tpu.dma_semaphore, #tpu.memory_space<semaphore_mem>>) src(%arg7 : memref<125x128xf32, #tpu.memory_space<vmem>>) dst(%dma_wait3A_126 : memref<10240x128xf32, #tpu.memory_space<vmem_shared>>)
      %add3A_127 = arith.constant 4 : i32
      %add3A_128 = arith.addi %add3A_120, %add3A_127 : i32
      %dma_start3A_129 = arith.constant 0 : i32
      %dma_start3A_130 = tpu.memref_slice %arg6[%add3A_128, %dma_start3A_129] : memref<40x125xi32, #tpu.memory_space<vmem>> -> memref<1x125xi32, #tpu.memory_space<vmem>>
      %dma_start3A_131 = tpu.memref_squeeze %dma_start3A_130 : memref<1x125xi32, #tpu.memory_space<vmem>> -> memref<125xi32, #tpu.memory_space<vmem>>
      %dma_start3A_132 = arith.constant 0 : i32
      %dma_start3A_133 = arith.constant 0 : i32
      %dma_start3A_134 = tpu.memref_slice %arg12[%dma_start3A_132, %dma_start3A_133] : memref<10240x128xf32, #tpu.memory_space<vmem_shared>> -> memref<10240x128xf32, #tpu.memory_space<vmem_shared>>
      tpu.enqueue_indirect_dma source(%arg7 : memref<125x128xf32, #tpu.memory_space<vmem>>) target(%dma_start3A_134 : memref<10240x128xf32, #tpu.memory_space<vmem_shared>>) offsets(%dma_start3A_131 : memref<125xi32, #tpu.memory_space<vmem>>) semaphore(%arg11 : memref<!tpu.dma_semaphore, #tpu.memory_space<semaphore_mem>>) {add = true}
    }
    %scan3A_33 = arith.constant 9 : i32
    %dma_wait3A = arith.constant 36 : i32
    %dma_wait3A_34 = arith.constant 0 : i32
    %dma_wait3A_35 = tpu.memref_slice %arg6[%dma_wait3A, %dma_wait3A_34] : memref<40x125xi32, #tpu.memory_space<vmem>> -> memref<1x125xi32, #tpu.memory_space<vmem>>
    %dma_wait3A_36 = tpu.memref_squeeze %dma_wait3A_35 : memref<1x125xi32, #tpu.memory_space<vmem>> -> memref<125xi32, #tpu.memory_space<vmem>>
    %dma_wait3A_37 = arith.constant 0 : i32
    %dma_wait3A_38 = arith.constant 0 : i32
    %dma_wait3A_39 = tpu.memref_slice %arg12[%dma_wait3A_37, %dma_wait3A_38] : memref<10240x128xf32, #tpu.memory_space<vmem_shared>> -> memref<10240x128xf32, #tpu.memory_space<vmem_shared>>
    tpu.wait_indirect_dma semaphore(%arg8 : memref<!tpu.dma_semaphore, #tpu.memory_space<semaphore_mem>>) src(%arg7 : memref<125x128xf32, #tpu.memory_space<vmem>>) dst(%dma_wait3A_39 : memref<10240x128xf32, #tpu.memory_space<vmem_shared>>)
    %dma_wait3A_40 = arith.constant 37 : i32
    %dma_wait3A_41 = arith.constant 0 : i32
    %dma_wait3A_42 = tpu.memref_slice %arg6[%dma_wait3A_40, %dma_wait3A_41] : memref<40x125xi32, #tpu.memory_space<vmem>> -> memref<1x125xi32, #tpu.memory_space<vmem>>
    %dma_wait3A_43 = tpu.memref_squeeze %dma_wait3A_42 : memref<1x125xi32, #tpu.memory_space<vmem>> -> memref<125xi32, #tpu.memory_space<vmem>>
    %dma_wait3A_44 = arith.constant 0 : i32
    %dma_wait3A_45 = arith.constant 0 : i32
    %dma_wait3A_46 = tpu.memref_slice %arg12[%dma_wait3A_44, %dma_wait3A_45] : memref<10240x128xf32, #tpu.memory_space<vmem_shared>> -> memref<10240x128xf32, #tpu.memory_space<vmem_shared>>
    tpu.wait_indirect_dma semaphore(%arg9 : memref<!tpu.dma_semaphore, #tpu.memory_space<semaphore_mem>>) src(%arg7 : memref<125x128xf32, #tpu.memory_space<vmem>>) dst(%dma_wait3A_46 : memref<10240x128xf32, #tpu.memory_space<vmem_shared>>)
    %dma_wait3A_47 = arith.constant 38 : i32
    %dma_wait3A_48 = arith.constant 0 : i32
    %dma_wait3A_49 = tpu.memref_slice %arg6[%dma_wait3A_47, %dma_wait3A_48] : memref<40x125xi32, #tpu.memory_space<vmem>> -> memref<1x125xi32, #tpu.memory_space<vmem>>
    %dma_wait3A_50 = tpu.memref_squeeze %dma_wait3A_49 : memref<1x125xi32, #tpu.memory_space<vmem>> -> memref<125xi32, #tpu.memory_space<vmem>>
    %dma_wait3A_51 = arith.constant 0 : i32
    %dma_wait3A_52 = arith.constant 0 : i32
    %dma_wait3A_53 = tpu.memref_slice %arg12[%dma_wait3A_51, %dma_wait3A_52] : memref<10240x128xf32, #tpu.memory_space<vmem_shared>> -> memref<10240x128xf32, #tpu.memory_space<vmem_shared>>
    tpu.wait_indirect_dma semaphore(%arg10 : memref<!tpu.dma_semaphore, #tpu.memory_space<semaphore_mem>>) src(%arg7 : memref<125x128xf32, #tpu.memory_space<vmem>>) dst(%dma_wait3A_53 : memref<10240x128xf32, #tpu.memory_space<vmem_shared>>)
    %dma_wait3A_54 = arith.constant 39 : i32
    %dma_wait3A_55 = arith.constant 0 : i32
    %dma_wait3A_56 = tpu.memref_slice %arg6[%dma_wait3A_54, %dma_wait3A_55] : memref<40x125xi32, #tpu.memory_space<vmem>> -> memref<1x125xi32, #tpu.memory_space<vmem>>
    %dma_wait3A_57 = tpu.memref_squeeze %dma_wait3A_56 : memref<1x125xi32, #tpu.memory_space<vmem>> -> memref<125xi32, #tpu.memory_space<vmem>>
    %dma_wait3A_58 = arith.constant 0 : i32
    %dma_wait3A_59 = arith.constant 0 : i32
    %dma_wait3A_60 = tpu.memref_slice %arg12[%dma_wait3A_58, %dma_wait3A_59] : memref<10240x128xf32, #tpu.memory_space<vmem_shared>> -> memref<10240x128xf32, #tpu.memory_space<vmem_shared>>
    tpu.wait_indirect_dma semaphore(%arg11 : memref<!tpu.dma_semaphore, #tpu.memory_space<semaphore_mem>>) src(%arg7 : memref<125x128xf32, #tpu.memory_space<vmem>>) dst(%dma_wait3A_60 : memref<10240x128xf32, #tpu.memory_space<vmem_shared>>)
    %barrier3A_61 = arith.constant 0 : index
    tpu.barrier barrier_id(%barrier3A_61)
    "tpu.region"() ({
      %run_scoped3A = tpu.sem_alloc : memref<!tpu.dma_semaphore, #tpu.memory_space<semaphore_mem>>
      %dma_start3A_62 = arith.constant 0 : i32
      %dma_start3A_63 = tpu.memref_slice %arg5[%arg0, %mul3A_2, %dma_start3A_62] : memref<2x10240x128xf32, #tpu.memory_space<hbm>> -> memref<1x640x128xf32, #tpu.memory_space<hbm>>
      %dma_start3A_64 = tpu.memref_squeeze %dma_start3A_63 : memref<1x640x128xf32, #tpu.memory_space<hbm>> -> memref<640x128xf32, #tpu.memory_space<hbm>>
      %dma_start3A_65 = arith.constant 0 : i32
      %dma_start3A_66 = tpu.memref_slice %arg12[%mul3A_2, %dma_start3A_65] : memref<10240x128xf32, #tpu.memory_space<vmem_shared>> -> memref<640x128xf32, #tpu.memory_space<vmem_shared>>
      tpu.enqueue_dma source(%dma_start3A_66 : memref<640x128xf32, #tpu.memory_space<vmem_shared>>) target(%dma_start3A_64 : memref<640x128xf32, #tpu.memory_space<hbm>>) target_semaphore(%run_scoped3A : memref<!tpu.dma_semaphore, #tpu.memory_space<semaphore_mem>>)
      %dma_wait3A_67 = arith.constant 0 : i32
      %dma_wait3A_68 = tpu.memref_slice %arg5[%arg0, %mul3A_2, %dma_wait3A_67] : memref<2x10240x128xf32, #tpu.memory_space<hbm>> -> memref<1x640x128xf32, #tpu.memory_space<hbm>>
      %dma_wait3A_69 = tpu.memref_squeeze %dma_wait3A_68 : memref<1x640x128xf32, #tpu.memory_space<hbm>> -> memref<640x128xf32, #tpu.memory_space<hbm>>
      %dma_wait3A_70 = arith.constant 0 : i32
      %dma_wait3A_71 = tpu.memref_slice %arg12[%mul3A_2, %dma_wait3A_70] : memref<10240x128xf32, #tpu.memory_space<vmem_shared>> -> memref<640x128xf32, #tpu.memory_space<vmem_shared>>
      tpu.wait_dma2 semaphore(%run_scoped3A : memref<!tpu.dma_semaphore, #tpu.memory_space<semaphore_mem>>) src(%dma_wait3A_71 : memref<640x128xf32, #tpu.memory_space<vmem_shared>>) dst(%dma_wait3A_69 : memref<640x128xf32, #tpu.memory_space<hbm>>)
      tpu.yield
    }) : () -> ()
    return
  }
}

module attributes {stable_mosaic.version = 14 : i64} {
  func.func @_mm_body(%arg0: i32, %arg1: memref<1000x256xf32, #tpu.memory_space<vmem>>, %arg2: memref<256x256xf32, #tpu.memory_space<vmem>>, %arg3: memref<2x1000x128xf32, #tpu.memory_space<vmem>>, %arg4: memref<1000x128xf32, #tpu.memory_space<vmem>>, %arg5: memref<1000x128xf32, #tpu.memory_space<vmem>>) attributes {dimension_semantics = [#tpu.dimension_semantics<arbitrary>], iteration_bounds = array<i64: 10>, scalar_prefetch = 0 : i64, scratch_operands = 0 : i64, tpu.core_type = #tpu.core_type<tc>, window_params = [{transform_indices = @transform_0, window_bounds = array<i64: 1000, 256>}, {pipeline_mode = #tpu.pipeline_mode<synchronous>, transform_indices = @transform_1, window_bounds = array<i64: 256, 256>}, {transform_indices = @transform_2, window_bounds = array<i64: 2, 1000, 128>}, {transform_indices = @transform_3, window_bounds = array<i64: 1000, 128>}, {transform_indices = @transform_4, window_bounds = array<i64: 1000, 128>}]} {
    %get3A = arith.constant 0 : index
    %get3A_0 = arith.constant 0 : index
    %get3A_1 = vector.load %arg1[%get3A, %get3A_0] : memref<1000x256xf32, #tpu.memory_space<vmem>>, vector<1000x256xf32>
    %get3A_2 = arith.constant 0 : index
    %get3A_3 = arith.constant 0 : index
    %get3A_4 = vector.load %arg2[%get3A_2, %get3A_3] : memref<256x256xf32, #tpu.memory_space<vmem>>, vector<256x256xf32>
    %dot_general3A = arith.constant dense<0.000000e+00> : vector<1000x256xf32>
    %dot_general3A_5 = tpu.matmul %get3A_1, %get3A_4, %dot_general3A {dimension_numbers = #tpu.dot_dimension_numbers<[1], [0], [0], [1], [0, 0, 1, 1], [], []>, transpose_lhs_hint = false} : vector<1000x256xf32>, vector<256x256xf32>, vector<1000x256xf32> -> vector<1000x256xf32>
    %get3A_6 = arith.constant 0 : index
    %get3A_7 = arith.constant 0 : index
    %get3A_8 = arith.constant 0 : index
    %get3A_9 = vector.load %arg3[%get3A_6, %get3A_7, %get3A_8] : memref<2x1000x128xf32, #tpu.memory_space<vmem>>, vector<1x1000x1xf32>
    %get3A_10 = vector.shape_cast %get3A_9 : vector<1x1000x1xf32> to vector<1000x1xf32>
    %get3A_11 = arith.constant 1 : index
    %get3A_12 = arith.constant 0 : index
    %get3A_13 = arith.constant 0 : index
    %get3A_14 = vector.load %arg3[%get3A_11, %get3A_12, %get3A_13] : memref<2x1000x128xf32, #tpu.memory_space<vmem>>, vector<1x1000x1xf32>
    %get3A_15 = vector.shape_cast %get3A_14 : vector<1x1000x1xf32> to vector<1000x1xf32>
    %add3A = arith.addf %get3A_10, %get3A_15 : vector<1000x1xf32>
    %add3A_16 = arith.constant 1.000000e+00 : f32
    %add3A_17 = vector.broadcast %add3A_16 : f32 to vector<1000x1xf32>
    %add3A_18 = arith.addf %add3A, %add3A_17 : vector<1000x1xf32>
    %rsqrt3A = math.rsqrt %add3A_18 : vector<1000x1xf32>
    %mul3A = vector.broadcast %rsqrt3A : vector<1000x1xf32> to vector<1000x256xf32>
    %mul3A_19 = arith.mulf %dot_general3A_5, %mul3A : vector<1000x256xf32>
    %slice3A = vector.extract_strided_slice %mul3A_19 {offsets = [0, 0], sizes = [1000, 128], strides = [1, 1]} : vector<1000x256xf32> to vector<1000x128xf32>
    %swap3A = arith.constant 0 : index
    %swap3A_20 = arith.constant 0 : index
    %swap3A_21 = vector.load %arg4[%swap3A, %swap3A_20] : memref<1000x128xf32, #tpu.memory_space<vmem>>, vector<1000x128xf32>
    tpu.vector_store %arg4[%swap3A, %swap3A_20], %slice3A {strides = array<i32>} : memref<1000x128xf32, #tpu.memory_space<vmem>>, vector<1000x128xf32>,
    %slice3A_22 = vector.extract_strided_slice %mul3A_19 {offsets = [0, 128], sizes = [1000, 128], strides = [1, 1]} : vector<1000x256xf32> to vector<1000x128xf32>
    %swap3A_23 = arith.constant 0 : index
    %swap3A_24 = arith.constant 0 : index
    %swap3A_25 = vector.load %arg5[%swap3A_23, %swap3A_24] : memref<1000x128xf32, #tpu.memory_space<vmem>>, vector<1000x128xf32>
    tpu.vector_store %arg5[%swap3A_23, %swap3A_24], %slice3A_22 {strides = array<i32>} : memref<1000x128xf32, #tpu.memory_space<vmem>>, vector<1000x128xf32>,
    return
  }
  func.func @transform_0(%arg0: i32) -> (i32, i32) {
    %c0_i32 = arith.constant 0 : i32
    %c0_i32_0 = arith.constant 0 : i32
    return %arg0, %c0_i32 : i32, i32
  }
  func.func @transform_1(%arg0: i32) -> (i32, i32) {
    %c0_i32 = arith.constant 0 : i32
    %c0_i32_0 = arith.constant 0 : i32
    %c0_i32_1 = arith.constant 0 : i32
    return %c0_i32, %c0_i32_0 : i32, i32
  }
  func.func @transform_2(%arg0: i32) -> (i32, i32, i32) {
    %c0_i32 = arith.constant 0 : i32
    %c0_i32_0 = arith.constant 0 : i32
    %c0_i32_1 = arith.constant 0 : i32
    return %c0_i32, %arg0, %c0_i32_0 : i32, i32, i32
  }
  func.func @transform_3(%arg0: i32) -> (i32, i32) {
    %c0_i32 = arith.constant 0 : i32
    %c0_i32_0 = arith.constant 0 : i32
    return %arg0, %c0_i32 : i32, i32
  }
  func.func @transform_4(%arg0: i32) -> (i32, i32) {
    %c0_i32 = arith.constant 0 : i32
    %c0_i32_0 = arith.constant 0 : i32
    return %arg0, %c0_i32 : i32, i32
  }
}

module attributes {stable_mosaic.version = 14 : i64} {
  func.func @_out_body(%arg0: i32, %arg1: memref<1000x256xf32, #tpu.memory_space<vmem>>, %arg2: memref<1000x128xf32, #tpu.memory_space<vmem>>, %arg3: memref<1000x128xf32, #tpu.memory_space<vmem>>, %arg4: memref<2x1000x128xf32, #tpu.memory_space<vmem>>, %arg5: memref<1x256xf32, #tpu.memory_space<vmem>>, %arg6: memref<1000x256xf32, #tpu.memory_space<vmem>>) attributes {dimension_semantics = [#tpu.dimension_semantics<arbitrary>], iteration_bounds = array<i64: 10>, scalar_prefetch = 0 : i64, scratch_operands = 0 : i64, tpu.core_type = #tpu.core_type<tc>, window_params = [{transform_indices = @transform_0, window_bounds = array<i64: 1000, 256>}, {transform_indices = @transform_1, window_bounds = array<i64: 1000, 128>}, {transform_indices = @transform_2, window_bounds = array<i64: 1000, 128>}, {transform_indices = @transform_3, window_bounds = array<i64: 2, 1000, 128>}, {pipeline_mode = #tpu.pipeline_mode<synchronous>, transform_indices = @transform_4, window_bounds = array<i64: 1, 256>}, {transform_indices = @transform_5, window_bounds = array<i64: 1000, 256>}]} {
    %get3A = arith.constant 0 : index
    %get3A_0 = arith.constant 0 : index
    %get3A_1 = arith.constant 0 : index
    %get3A_2 = vector.load %arg4[%get3A, %get3A_0, %get3A_1] : memref<2x1000x128xf32, #tpu.memory_space<vmem>>, vector<1x1000x1xf32>
    %get3A_3 = vector.shape_cast %get3A_2 : vector<1x1000x1xf32> to vector<1000x1xf32>
    %get3A_4 = arith.constant 1 : index
    %get3A_5 = arith.constant 0 : index
    %get3A_6 = arith.constant 0 : index
    %get3A_7 = vector.load %arg4[%get3A_4, %get3A_5, %get3A_6] : memref<2x1000x128xf32, #tpu.memory_space<vmem>>, vector<1x1000x1xf32>
    %get3A_8 = vector.shape_cast %get3A_7 : vector<1x1000x1xf32> to vector<1000x1xf32>
    %add3A = arith.addf %get3A_3, %get3A_8 : vector<1000x1xf32>
    %add3A_9 = arith.constant 1.000000e+00 : f32
    %add3A_10 = vector.broadcast %add3A_9 : f32 to vector<1000x1xf32>
    %add3A_11 = arith.addf %add3A, %add3A_10 : vector<1000x1xf32>
    %rsqrt3A = math.rsqrt %add3A_11 : vector<1000x1xf32>
    %get3A_12 = arith.constant 0 : index
    %get3A_13 = arith.constant 0 : index
    %get3A_14 = vector.load %arg1[%get3A_12, %get3A_13] : memref<1000x256xf32, #tpu.memory_space<vmem>>, vector<1000x128xf32>
    %get3A_15 = arith.constant 0 : index
    %get3A_16 = arith.constant 0 : index
    %get3A_17 = vector.load %arg2[%get3A_15, %get3A_16] : memref<1000x128xf32, #tpu.memory_space<vmem>>, vector<1000x128xf32>
    %mul3A = vector.broadcast %rsqrt3A : vector<1000x1xf32> to vector<1000x128xf32>
    %mul3A_18 = arith.mulf %mul3A, %get3A_17 : vector<1000x128xf32>
    %get3A_19 = arith.constant 0 : index
    %get3A_20 = arith.constant 0 : index
    %get3A_21 = vector.load %arg5[%get3A_19, %get3A_20] : memref<1x256xf32, #tpu.memory_space<vmem>>, vector<1x128xf32>
    %get3A_22 = vector.shape_cast %get3A_21 : vector<1x128xf32> to vector<128xf32>
    %broadcast_in_dim3A = vector.shape_cast %get3A_22 : vector<128xf32> to vector<1x128xf32>
    %add3A_23 = vector.broadcast %broadcast_in_dim3A : vector<1x128xf32> to vector<1000x128xf32>
    %add3A_24 = arith.addf %mul3A_18, %add3A_23 : vector<1000x128xf32>
    %max3A = arith.constant 0.000000e+00 : f32
    %max3A_25 = vector.broadcast %max3A : f32 to vector<1000x128xf32>
    %max3A_26 = arith.maximumf %add3A_24, %max3A_25 : vector<1000x128xf32>
    %add3A_27 = arith.addf %get3A_14, %max3A_26 : vector<1000x128xf32>
    %swap3A = arith.constant 0 : index
    %swap3A_28 = arith.constant 0 : index
    %swap3A_29 = vector.load %arg6[%swap3A, %swap3A_28] : memref<1000x256xf32, #tpu.memory_space<vmem>>, vector<1000x128xf32>
    tpu.vector_store %arg6[%swap3A, %swap3A_28], %add3A_27 {strides = array<i32>} : memref<1000x256xf32, #tpu.memory_space<vmem>>, vector<1000x128xf32>,
    %get3A_30 = arith.constant 0 : index
    %get3A_31 = arith.constant 128 : index
    %get3A_32 = vector.load %arg1[%get3A_30, %get3A_31] : memref<1000x256xf32, #tpu.memory_space<vmem>>, vector<1000x128xf32>
    %get3A_33 = arith.constant 0 : index
    %get3A_34 = arith.constant 0 : index
    %get3A_35 = vector.load %arg3[%get3A_33, %get3A_34] : memref<1000x128xf32, #tpu.memory_space<vmem>>, vector<1000x128xf32>
    %mul3A_36 = vector.broadcast %rsqrt3A : vector<1000x1xf32> to vector<1000x128xf32>
    %mul3A_37 = arith.mulf %mul3A_36, %get3A_35 : vector<1000x128xf32>
    %get3A_38 = arith.constant 0 : index
    %get3A_39 = arith.constant 128 : index
    %get3A_40 = vector.load %arg5[%get3A_38, %get3A_39] : memref<1x256xf32, #tpu.memory_space<vmem>>, vector<1x128xf32>
    %get3A_41 = vector.shape_cast %get3A_40 : vector<1x128xf32> to vector<128xf32>
    %broadcast_in_dim3A_42 = vector.shape_cast %get3A_41 : vector<128xf32> to vector<1x128xf32>
    %add3A_43 = vector.broadcast %broadcast_in_dim3A_42 : vector<1x128xf32> to vector<1000x128xf32>
    %add3A_44 = arith.addf %mul3A_37, %add3A_43 : vector<1000x128xf32>
    %max3A_45 = arith.constant 0.000000e+00 : f32
    %max3A_46 = vector.broadcast %max3A_45 : f32 to vector<1000x128xf32>
    %max3A_47 = arith.maximumf %add3A_44, %max3A_46 : vector<1000x128xf32>
    %add3A_48 = arith.addf %get3A_32, %max3A_47 : vector<1000x128xf32>
    %swap3A_49 = arith.constant 0 : index
    %swap3A_50 = arith.constant 128 : index
    %swap3A_51 = vector.load %arg6[%swap3A_49, %swap3A_50] : memref<1000x256xf32, #tpu.memory_space<vmem>>, vector<1000x128xf32>
    tpu.vector_store %arg6[%swap3A_49, %swap3A_50], %add3A_48 {strides = array<i32>} : memref<1000x256xf32, #tpu.memory_space<vmem>>, vector<1000x128xf32>,
    return
  }
  func.func @transform_0(%arg0: i32) -> (i32, i32) {
    %c0_i32 = arith.constant 0 : i32
    %c0_i32_0 = arith.constant 0 : i32
    return %arg0, %c0_i32 : i32, i32
  }
  func.func @transform_1(%arg0: i32) -> (i32, i32) {
    %c0_i32 = arith.constant 0 : i32
    %c0_i32_0 = arith.constant 0 : i32
    return %arg0, %c0_i32 : i32, i32
  }
  func.func @transform_2(%arg0: i32) -> (i32, i32) {
    %c0_i32 = arith.constant 0 : i32
    %c0_i32_0 = arith.constant 0 : i32
    return %arg0, %c0_i32 : i32, i32
  }
  func.func @transform_3(%arg0: i32) -> (i32, i32, i32) {
    %c0_i32 = arith.constant 0 : i32
    %c0_i32_0 = arith.constant 0 : i32
    %c0_i32_1 = arith.constant 0 : i32
    return %c0_i32, %arg0, %c0_i32_0 : i32, i32, i32
  }
  func.func @transform_4(%arg0: i32) -> (i32, i32) {
    %c0_i32 = arith.constant 0 : i32
    %c0_i32_0 = arith.constant 0 : i32
    %c0_i32_1 = arith.constant 0 : i32
    return %c0_i32, %c0_i32_0 : i32, i32
  }
  func.func @transform_5(%arg0: i32) -> (i32, i32) {
    %c0_i32 = arith.constant 0 : i32
    %c0_i32_0 = arith.constant 0 : i32
    return %arg0, %c0_i32 : i32, i32
  }
}

</mosaic_0001>

<sc_bundles>
// kernel: kernel.6.cloned.1.call-start
scs
__scs_entry_jumppad:
0x0: {  	(pc) =	sbr.rel $0x88, $3  }
0x1: {  	(tag) =	ssettag $0x0;
	lr =	simm.s32 $0x1  }
0x2: {  	[smem:$0x3F9D] =	sst lr;
	_ =	strace $0xD0000000  }
0x3: {  	_ = 	snop  }
0x4: {  	_ = 	snop  }
0x5: {  	_ = 	snop  }
0x6: {  	_ = 	snop  }
0x7: {  	_ = 	snop  }
__scs_overlays_trampoline_lowered:
0x8: {  	[smem:$0x3FAC] =	sst s0  }
0x9: {  	[smem:$0x3FAD] =	sst s1  }
0xa: {  	[smem:$0x3FAE] =	sst s2  }
0xb: {  	[smem:$0x3FAF] =	sst s3  }
0xc: {  	[smem:$0x3FB0] =	sst s4  }
0xd: {  	[smem:$0x3FB1] =	sst s5  }
0xe: {  	[smem:$0x3FB2] =	sst s6  }
0xf: {  	[smem:$0x3FB3] =	sst s7  }
0x10: {  	[smem:$0x3FB4] =	sst s8  }
0x11: {  	[smem:$0x3FB5] =	sst s9;
	s0 =	simm.s32 @!p0 $0x0  }
0x12: {  	s1 =	sld [smem:$0x3F9B];
	s0 =	simm.s32 @p0 $0x1  }
0x13: {  	[smem:$0x3FB6] =	sst s0;
	s0 =	simm.s32 @!p1 $0x0  }
0x14: {  	s2 =	sld [smem:$0x3F9A];
	s0 =	simm.s32 @p1 $0x1  }
0x15: {  	[smem:$0x3FB7] =	sst s0;
	s0 =	simm.s32 @!p2 $0x0  }
0x16: {  	s3 =	sld [smem:$0x3FDB];
	s0 =	simm.s32 @p2 $0x1  }
0x17: {  	s4 =	simm.s32 $0x1BF5;
	[smem:$0x3FB9] =	sst s0  }
0x18: {  	s0 =	sld [smem:$0x3F9C];
	_ =	swait.ge [sflag:s4], $0x0  }
0x19: {  	s7 =	sld [smem:$0x3F9D]  }
0x1a: {  	s8 =	sadd.s32 $0xFFFFE003, lr  }
0x1b: {  	s9 =	sadd.s32 $0xFFFFFEF7, lr;
	s5 =	simm.s32 $0xFFFFFFFF;
	p2 =	slt.u32 s8, $0xFFFFF086  }
0x1c: {  	p1 =	slt.u32 s9, $0xF7A;
	s5 =	simm.s32 @!p2 $0x0  }
0x1d: {  	s5 =	simm.s32 @p1 $0x1;
	p0 =	seq.s32 s7, s2  }
0x1e: {  	s7 =	smul.u32 @!p0 $0xF7A, s2;
	p2 =	seq.s32 @!p0 s5, $0x0  }
0x1f: {  	s9 =	smul.u32 $0xF7A, s1;
	s8 =	simm.s32 @!p0 $0x1BF5;
	p2 =	por !p2, p0  }
0x20: {  	[sflag:s8] =	ssyncset.s32 @!p0 $0xFFFFF086;
	s6 =	sadd.s32 @!p0 s3, s7;
	s7 =	simm.s32 @!p0 $0x108  }
0x21: {  	s3 =	sadd.s32 s3, s9;
	s6 =	sadd.s32 @!p0 $0x88, s6;
	s7 =	simm.s32 @p2 $0x1082  }
0x22: {  	[simem:s7], [sflag:s8] =	dma.local @!p0 [hbm:s6], $0xF7A  }
0x23: {  	s9 =	sor.u32 $0xD0000000, s2;
	s6 =	simm.s32 $0x108;
	_ =	swait.ge @!p0 [sflag:s8], $0x0  }
0x24: {  	s3 =	sadd.s32 $0x88, s3;
	s6 =	simm.s32 @!p1 $0x1082;
	[sflag:s4] =	ssyncset.s32 $0xFFFFF086  }
0x25: {  	[simem:s6], [sflag:s4] =	dma.local [hbm:s3], $0xF7A  }
0x26: {  	[smem:$0x3F9D] =	sst s1;
	(tag) =	ssettag s2;
	_ =	strace s9  }
0x27: {  	s1 =	sld [smem:$0x3FAD]  }
0x28: {  	s2 =	sld [smem:$0x3FAE]  }
0x29: {  	s4 =	sld [smem:$0x3FB0]  }
0x2a: {  	p0 =	seq.s32 s5, $0x0;
	s5 =	sld [smem:$0x3FB1]  }
0x2b: {  	s6 =	sld [smem:$0x3FB2]  }
0x2c: {  	s7 =	sld [smem:$0x3FB3]  }
0x2d: {  	s3 =	simm.s32 $0x108;
	s8 =	sld [smem:$0x3FB4]  }
0x2e: {  	s3 =	simm.s32 @!p0 $0x1082;
	s9 =	sld [smem:$0x3FB5]  }
0x2f: {  	lr =	sadd.s32 s0, s3;
	s0 =	sld [smem:$0x3FAC]  }
0x30: {  	s3 =	sld [smem:$0x3FAF]  }
0x31: {  	[smem:$0x3FB8] =	sst s10  }
0x32: {  	s10 =	sld [smem:$0x3FB6];
	_ =	sdelay $0x3  }
0x33: {  	p0 =	seq.s32 s10, $0x1;
	s10 =	sld [smem:$0x3FB8];
	_ =	sdelay $0x3  }
0x34: {  	[smem:$0x3FB8] =	sst s10  }
0x35: {  	s10 =	sld [smem:$0x3FB7];
	_ =	sdelay $0x3  }
0x36: {  	p1 =	seq.s32 s10, $0x1;
	s10 =	sld [smem:$0x3FB8];
	_ =	sdelay $0x3  }
0x37: {  	[smem:$0x3FB8] =	sst s10  }
0x38: {  	s10 =	sld [smem:$0x3FB9]  }
0x39: {  	_ = 	snop;
	(pc) =	sbr.ind lr, $3  }
0x3a: {  	_ = 	snop  }
0x3b: {  	_ = 	snop  }
0x3c: {  	p2 =	seq.s32 s10, $0x1;
	s10 =	sld [smem:$0x3FB8]  }
0x3d: {  	_ =	shalt  }
0x3e: {  	_ =	shalt  }
0x3f: {  	_ =	shalt  }
0x40: {  	_ =	shalt  }
0x41: {  	_ =	shalt  }
0x42: {  	_ =	shalt  }
0x43: {  	_ =	shalt  }
0x44: {  	_ =	shalt  }
0x45: {  	_ =	shalt  }
0x46: {  	_ =	shalt  }
0x47: {  	_ =	shalt  }
0x48: {  	_ =	shalt  }
0x49: {  	_ =	shalt  }
0x4a: {  	_ =	shalt  }
0x4b: {  	_ =	shalt  }
0x4c: {  	_ =	shalt  }
0x4d: {  	_ =	shalt  }
0x4e: {  	_ =	shalt  }
0x4f: {  	_ =	shalt  }
0x50: {  	_ =	shalt  }
0x51: {  	_ =	shalt  }
0x52: {  	_ =	shalt  }
0x53: {  	_ =	shalt  }
0x54: {  	_ =	shalt  }
0x55: {  	_ =	shalt  }
0x56: {  	_ =	shalt  }
0x57: {  	_ =	shalt  }
0x58: {  	_ =	shalt  }
0x59: {  	_ =	shalt  }
0x5a: {  	_ =	shalt  }
0x5b: {  	_ =	shalt  }
0x5c: {  	_ =	shalt  }
0x5d: {  	_ =	shalt  }
0x5e: {  	_ =	shalt  }
0x5f: {  	_ =	shalt  }
0x60: {  	_ =	shalt  }
0x61: {  	_ =	shalt  }
0x62: {  	_ =	shalt  }
0x63: {  	_ =	shalt  }
0x64: {  	_ =	shalt  }
0x65: {  	_ =	shalt  }
0x66: {  	_ =	shalt  }
0x67: {  	_ =	shalt  }
0x68: {  	_ =	shalt  }
0x69: {  	_ =	shalt  }
0x6a: {  	_ =	shalt  }
0x6b: {  	_ =	shalt  }
0x6c: {  	_ =	shalt  }
0x6d: {  	_ =	shalt  }
0x6e: {  	_ =	shalt  }
0x6f: {  	_ =	shalt  }
0x70: {  	_ =	shalt  }
0x71: {  	_ =	shalt  }
0x72: {  	_ =	shalt  }
0x73: {  	_ =	shalt  }
0x74: {  	_ =	shalt  }
0x75: {  	_ =	shalt  }
0x76: {  	_ =	shalt  }
0x77: {  	_ =	shalt  }
0x78: {  	_ =	shalt  }
0x79: {  	_ =	shalt  }
0x7a: {  	_ =	shalt  }
0x7b: {  	_ =	shalt  }
0x7c: {  	_ =	shalt  }
0x7d: {  	_ =	shalt  }
0x7e: {  	_ =	shalt  }
0x7f: {  	_ =	shalt  }
0x80: {  	_ =	shalt  }
0x81: {  	_ =	shalt  }
0x82: {  	_ =	shalt  }
0x83: {  	_ =	shalt  }
0x84: {  	_ =	shalt  }
0x85: {  	_ =	shalt  }
0x86: {  	_ =	shalt  }
0x87: {  	_ =	shalt  }
.Lfunc_end0:
.L_simem_size_0:
called_computation_lowered:
.L_overlay_start_0:
0x88: {  	s2 =	sld [smem:$0x3FD9]  }
0x89: {  	s3 =	sld [smem:$0x3FFE];
	_ =	sdelay $0x1  }
0x8a: {  	s1 =	srdreg.scid  }
0x8b: {  	s0 =	sand.u32 $0x1, s1  }
0x8c: {  	s17 =	sshll.u32 s0, $0xA;
	s2 =	sadd.s32 s3, s2  }
0x8d: {  	s2 =	sadd.s32 s2, s17  }
0x8e: {  	[smem:$0x3FC4] =	sst s2  }
0x8f: {  	_ = 	snop  }
0x90: {  	s2 =	sld [smem:$0x3FD0];
	(tm) =	ssettm $0x1  }
0x91: {  	s18 =	sld [smem:$0x3FFB];
	_ =	sdelay $0x3  }
0x92: {  	_ =	strace s18  }
0x93: {  	s3 =	sld [smem:$0x3FFC];
	_ =	sdelay $0x3  }
0x94: {  	_ =	strace s3  }
0x95: {  	s3 =	sld [smem:$0x3FFD];
	_ =	sdelay $0x3  }
0x96: {  	_ =	strace s3  }
0x97: {  	_ =	strace $0x8FFFFFFF  }
0x98: {  	s19 =	sld [smem:$0x3FDB];
	_ =	sdelay $0x1  }
0x99: {  	s4 =	simm.s32 $_scs_section_size  }
0x9a: {  	s5 =	simm.s32 $_size__tile_overlayer_lowered;
	s6 =	simm.s32 $_tile_overlayer_lowered  }
0x9b: {  	s22 =	simm.s32 $0x1BFF;
	s21 =	sshll.u32 s6, $0x1;
	s3 =	sadd.s32 s4, s19  }
0x9c: {  	s7 =	simm.s32 $0x0;
	s20 =	sshll.u32 s5, $0x1;
	s5 =	sadd.s32 s21, s3  }
0x9d: {  	[timem:s7], [sflag:s22] =	dma.local [hbm:s5], s20  }
0x9e: {  	_ =	swait.ge [sflag:s22], s20  }
0x9f: {  	s4 =	ssub.s32 $0x0, s20;
	[sflag:s22] =	ssyncset.done $0x0  }
0xa0: {  	[sflag:s22] =	ssyncadd.s32 s4;
	_ =	sdelay $0x1  }
0xa1: {  	s23 =	simm.s32 $0x1B8B  }
0xa2: {  	_ =	swait.ge [sflag:s23], $0x1  }
0xa3: {  	[sflag:s23] =	ssyncset.done $0x0  }
0xa4: {  	s25 =	simm.s32 $0x1B8E;
	s24 =	sld [smem:$0x3FFE];
	[sflag:s23] =	ssyncadd.s32 $0xFFFFFFFF  }
0xa5: {  	s26 =	simm.s32 $execute0_lowered;
	[smem:$0x3FD2] =	sst s25  }
0xa6: {  	s5 =	sshll.u32 s26, $0x1;
	_ =	strace $0x80000046;
	[dreg:$0x1] =	wrdreg $0xFFFFFFFF  }
0xa7: {  	s28 =	simm.s32 $_size_execute0_lowered;
	s3 =	sadd.s32 s3, s5;
	[dreg:$0x0] =	wrdreg $0x0  }
0xa8: {  	s5 =	sshll.u32 s28, $0x1;
	[dreg:$0x2] =	wrdreg s3  }
0xa9: {  	[dreg:$0x3] =	wrdreg s5  }
0xaa: {  	[dreg:$0x4] =	wrdreg $0xC0  }
0xab: {  	_ =	task [dreg:s7], $0x5FFFF  }
0xac: {  	[dreg:$0x1] =	wrdreg $0xFFFFFFFF  }
0xad: {  	[dreg:$0x0] =	wrdreg $0x60  }
0xae: {  	[dreg:$0x2] =	wrdreg s2  }
0xaf: {  	[dreg:$0x3] =	wrdreg s24  }
0xb0: {  	[dreg:$0x4] =	wrdreg $0x54000  }
0xb1: {  	[dreg:$0x5] =	wrdreg $0x9  }
0xb2: {  	_ =	task.clear_ibuf [dreg:s7], $0x6FFFF;
	_ =	strace $0x90000046  }
0xb3: {  	s29 =	simm.s32 $0x9;
	_ =	strace $0x80000048  }
0xb4: {  	_ =	swait.ge [sflag:s29], $0x1  }
0xb5: {  	[sflag:s29] =	ssyncadd.s32 $0xFFFFFFFF  }
0xb6: {  	_ =	strace $0x90000048  }
0xb7: {  	_ =	sfence  }
0xb8: {  	s30 =	sld [smem:$0x0];
	_ =	sdelay $0x2  }
0xb9: {  	s31 =	sshll.u32 s1, $0xD;
	s1 =	sshrl.u32 s1, $0x2  }
0xba: {  	s3 =	sand.u32 $0x4000, s31;
	s1 =	sadd.s32 s1, s30  }
0xbb: {  	s0 =	sor.u32 s3, s0;
	s1 =	sshll.u32 s1, $0x11  }
0xbc: {  	s0 =	sor.u32 s1, s0  }
0xbd: {  	s0 =	sadd.s32 $0x8F2B, s0  }
0xbe: {  	[sflag:s0] =	ssyncadd.remote.s32 $0x1  }
0xbf: {  	_ =	sfence.sel $0xFFFF  }
0xc0: {  	[dreg:$0x0] =	wrdreg $0xFFFFFFFF;
	(pc) =	sbr.abs _section_cstart, $3  }
0xc1: {  	[dreg:$0x1] =	wrdreg $0xFFFFFFFF  }
0xc2: {  	_ =	task.clear_ibuf [dreg:s7], $0x2FFFF;
	_ =	strace $0x9FFFFFFF  }
0xc3: {  	(tm) =	ssettm $0x7FFFFFFF  }
tec
execute0_lowered:
.L_overlay_start_1:
0x0: {  	(tag) =	ssettag $0x1  }
0x1: {  	s0 =	rddreg [dreg:$0x0]  }
0x2: {  	s1 =	rddreg [dreg:$0x1]  }
0x3: {  	s2 =	rddreg [dreg:$0x2]  }
0x4: {  	s12 =	rddreg [dreg:$0x3];
	s31 =	simm.s32 $0x0  }
0x5: {  	s3 =	srdreg.scid;
	[smem:$0x7FF] =	sst s31;
	s7 =	sadd.s32 $0x2600, s1  }
0x6: {  	s22 =	sadd.s32 $0x1E00, s1;
	_ =	strace $0x80000047;
	[dreg:$0x4] =	wrdreg s7  }
0x7: {  	s8 =	stileid.u32;
	s24 =	simm.s32 $0x80;
	[dreg:$0x5] =	wrdreg s22  }
0x8: {  	s25 =	simm.s32 $0x100;
	s26 =	simm.s32 $0x180;
	[dreg:$0x8] =	wrdreg s24  }
0x9: {  	s10 =	simm.s32 $0x400;
	s11 =	simm.s32 $0x480;
	[dreg:$0x9] =	wrdreg s25  }
0xa: {  	s14 =	simm.s32 $0x500;
	s15 =	simm.s32 $0x580;
	[dreg:$0xa] =	wrdreg s26  }
0xb: {  	s17 =	simm.s32 $0x600;
	s18 =	simm.s32 $0x680;
	[dreg:$0xf] =	wrdreg s10  }
0xc: {  	s19 =	simm.s32 $0x700;
	s20 =	simm.s32 $0x780;
	[dreg:$0x10] =	wrdreg s11  }
0xd: {  	s30 =	simm.s32 $0xB80;
	s29 =	simm.s32 $0xC00;
	[dreg:$0x11] =	wrdreg s14  }
0xe: {  	s28 =	simm.s32 $0xC80;
	p0 =	por $0x0, $0x0;
	[dreg:$0x12] =	wrdreg s15  }
0xf: {  	s3 =	sand.u32 $0x1, s3;
	s5 =	smul.u32 $0x14000, s8;
	[dreg:$0x13] =	wrdreg s17  }
0x10: {  	s9 =	smul.u32 $0x50000, s8;
	s16 =	sshll.u32 s8, $0x6;
	[dreg:$0x14] =	wrdreg s18  }
0x11: {  	s4 =	smul.u32 $0x140000, s3;
	s6 =	sshll.u32 s3, $0x4;
	[dreg:$0x15] =	wrdreg s19  }
0x12: {  	s7 =	simm.s32 $0x380;
	[dreg:$0x16] =	wrdreg s20;
	s22 =	simm.s32 $0x880  }
0x13: {  	s24 =	simm.s32 $0x980;
	s25 =	simm.s32 $0xA00;
	s10 =	simm.s32 $0x3  }
0x14: {  	s26 =	simm.s32 $0xA80;
	s11 =	simm.s32 $0x4;
	s18 =	simm.s32 $0xB00  }
0x15: {  	s20 =	simm.s32 $0x1000;
	s19 =	simm.s32 $0x1100;
	[dreg:$0xe] =	wrdreg s7  }
0x16: {  	s17 =	simm.s32 $0x1180;
	s15 =	simm.s32 $0x1280;
	[dreg:$0x18] =	wrdreg s22  }
0x17: {  	s14 =	simm.s32 $0x1300;
	s6 =	sor.u32 s8, s6;
	[dreg:$0x1a] =	wrdreg s24  }
0x18: {  	s13 =	sshrl.u32 s9, $0x2;
	s7 =	simm.s32 $0x7D;
	[dreg:$0x1b] =	wrdreg s25  }
0x19: {  	s8 =	simm.s32 $0x1;
	s9 =	simm.s32 $0x2;
	[dreg:$0x1c] =	wrdreg s26  }
0x1a: {  	s26 =	simm.s32 $0xD00;
	s25 =	simm.s32 $0xD80;
	s24 =	simm.s32 $0xE00  }
0x1b: {  	s22 =	simm.s32 $0xF00;
	s4 =	sadd.s32 s5, s4;
	s21 =	smul.u32 $0x280, s6  }
0x1c: {  	s5 =	ssub.s32 $0x2, s3;
	s6 =	simm.s32 $0x300;
	s4 =	sshrl.u32 s4, $0x3  }
0x1d: {  	s3 =	sshrl.u32 s5, $0x1;
	[dreg:$0xd] =	wrdreg s6;
	s1 =	sadd.s32 s4, s1  }
0x1e: {  	s6 =	simm.s32 $0x1400;
	s23 =	sadd.s32 $0x4E00, s1;
	s1 =	simm.s32 $0x200  }
0x1f: {  	s0 =	sadd.s32 s0, s21;
	[dreg:$0xb] =	wrdreg s1;
	s1 =	ssub.s32 s5, s3  }
0x20: {  	s4 =	simm.s32 $0x280;
	[dreg:$0x6] =	wrdreg s0;
	s1 =	smax.u32 s1, $0x1  }
0x21: {  	s21 =	simm.s32 $0x800;
	[dreg:$0xc] =	wrdreg s4;
	p1 =	sne.s32 s1, $0x1  }
.Ltmp0:
0x22: {  	s4 =	sadd.s32 s13, s2;
	[dreg:$0x17] =	wrdreg s21;
	(pc) =	sbr.rel @!p1 .LBB2_1-.Ltmp0, $4  }
0x23: {  	s21 =	simm.s32 $0xF80;
	s13 =	simm.s32 $0x1380;
	[dreg:$0x7] =	wrdreg s23  }
0x24: {  	s3 =	sor.u32 $0x1C05, s16;
	s4 =	sshrl.u32 s4, $0x3;
	s23 =	simm.s32 $0x900  }
0x25: {  	s5 =	simm.s32 $0x5;
	s16 =	simm.s32 $0x1200;
	[dreg:$0x19] =	wrdreg s23  }
0x26: {  	s23 =	simm.s32 $0xE80;
	s0 =	sadd.s32 $0xFFFFFFFF, s1;
	s1 =	rddreg [dreg:$0x4]  }
0x27: {  	[spmem:s4], [sflag:s3] =	dma.local [hbm:s1], $0x2800  }
0x28: {  	_ =	swait.ge [sflag:s5], $0x2800  }
0x29: {  	[sflag:s5] =	ssyncset.done $0x0  }
0x2a: {  	s12 =	rddreg [dreg:$0x6];
	[sflag:s5] =	ssyncadd.s32 $0xFFFFD800  }
0x2b: {  	[tilespmem:s31], [sflag:$0x5] =	stream.linear.gather [hbm4b:s12+s31], $0x1400, $0x38;
	[tilespmem:$0x19400] =	vst v63  }
0x2c: {  	_ =	swait.ge [sflag:s5], $0x1400  }
0x2d: {  	[sflag:s5] =	ssyncset.done $0x0  }
0x2e: {  	s12 =	rddreg [dreg:$0x5];
	[sflag:s5] =	ssyncadd.s32 $0xFFFFEC00  }
0x2f: {  	[tilespmem:s6], [sflag:$0x5] =	stream.linear.gather [hbm4b:s12+s31], $0x3E80, $0x38;
	[tilespmem:$0x19400] =	vst v63  }
0x30: {  	_ =	swait.ge [sflag:s5], $0x3E80  }
0x31: {  	[sflag:s5] =	ssyncset.done $0x0  }
0x32: {  	[sflag:s5] =	ssyncadd.s32 $0xFFFFC180  }
0x33: {  	[bflag:$0x0] =	sbarrier.arrive $0xFFFF  }
0x34: {  	[spmem:s2] =	stream.indirect.scatter.add.f32 [tilespmem:s6], [sflag:$0x1], $0x80, s31, s7, $0xb8;
	[tilespmem:$0x19400] =	vst v63  }
0x35: {  	s1 =	rddreg [dreg:$0x8]  }
0x36: {  	[spmem:s2] =	stream.indirect.scatter.add.f32 [tilespmem:s6], [sflag:$0x2], $0x80, s1, s7, $0xb8;
	[tilespmem:$0x19400] =	vst v63  }
0x37: {  	s12 =	smov.u32 s0;
	s0 =	rddreg [dreg:$0x9]  }
0x38: {  	[spmem:s2] =	stream.indirect.scatter.add.f32 [tilespmem:s6], [sflag:$0x3], $0x80, s0, s7, $0xb8;
	[tilespmem:$0x19400] =	vst v63  }
0x39: {  	s1 =	rddreg [dreg:$0xa]  }
0x3a: {  	[spmem:s2] =	stream.indirect.scatter.add.f32 [tilespmem:s6], [sflag:$0x4], $0x80, s1, s7, $0xb8;
	[tilespmem:$0x19400] =	vst v63  }
0x3b: {  	_ =	swait.ge [sflag:s8], $0x3E80  }
0x3c: {  	[sflag:s8] =	ssyncset.done $0x0  }
0x3d: {  	s1 =	rddreg [dreg:$0xb];
	[sflag:s8] =	ssyncadd.s32 $0xFFFFC180  }
0x3e: {  	[spmem:s2] =	stream.indirect.scatter.add.f32 [tilespmem:s6], [sflag:$0x1], $0x80, s1, s7, $0xb8;
	[tilespmem:$0x19400] =	vst v63  }
0x3f: {  	_ =	swait.ge [sflag:s9], $0x3E80  }
0x40: {  	[sflag:s9] =	ssyncset.done $0x0  }
0x41: {  	s1 =	rddreg [dreg:$0xc];
	[sflag:s9] =	ssyncadd.s32 $0xFFFFC180  }
0x42: {  	[spmem:s2] =	stream.indirect.scatter.add.f32 [tilespmem:s6], [sflag:$0x2], $0x80, s1, s7, $0xb8;
	[tilespmem:$0x19400] =	vst v63  }
0x43: {  	_ =	swait.ge [sflag:s10], $0x3E80  }
0x44: {  	[sflag:s10] =	ssyncset.done $0x0  }
0x45: {  	s1 =	rddreg [dreg:$0xd];
	[sflag:s10] =	ssyncadd.s32 $0xFFFFC180  }
0x46: {  	[spmem:s2] =	stream.indirect.scatter.add.f32 [tilespmem:s6], [sflag:$0x3], $0x80, s1, s7, $0xb8;
	[tilespmem:$0x19400] =	vst v63  }
0x47: {  	_ =	swait.ge [sflag:s11], $0x3E80  }
0x48: {  	[sflag:s11] =	ssyncset.done $0x0  }
0x49: {  	s1 =	rddreg [dreg:$0xe];
	[sflag:s11] =	ssyncadd.s32 $0xFFFFC180  }
0x4a: {  	[spmem:s2] =	stream.indirect.scatter.add.f32 [tilespmem:s6], [sflag:$0x4], $0x80, s1, s7, $0xb8;
	[tilespmem:$0x19400] =	vst v63  }
0x4b: {  	_ =	swait.ge [sflag:s8], $0x3E80  }
0x4c: {  	[sflag:s8] =	ssyncset.done $0x0  }
0x4d: {  	s1 =	rddreg [dreg:$0xf];
	[sflag:s8] =	ssyncadd.s32 $0xFFFFC180  }
0x4e: {  	[spmem:s2] =	stream.indirect.scatter.add.f32 [tilespmem:s6], [sflag:$0x1], $0x80, s1, s7, $0xb8;
	[tilespmem:$0x19400] =	vst v63  }
0x4f: {  	_ =	swait.ge [sflag:s9], $0x3E80  }
0x50: {  	[sflag:s9] =	ssyncset.done $0x0  }
0x51: {  	s1 =	rddreg [dreg:$0x10];
	[sflag:s9] =	ssyncadd.s32 $0xFFFFC180  }
0x52: {  	[spmem:s2] =	stream.indirect.scatter.add.f32 [tilespmem:s6], [sflag:$0x2], $0x80, s1, s7, $0xb8;
	[tilespmem:$0x19400] =	vst v63  }
0x53: {  	_ =	swait.ge [sflag:s10], $0x3E80  }
0x54: {  	[sflag:s10] =	ssyncset.done $0x0  }
0x55: {  	s1 =	rddreg [dreg:$0x11];
	[sflag:s10] =	ssyncadd.s32 $0xFFFFC180  }
0x56: {  	[spmem:s2] =	stream.indirect.scatter.add.f32 [tilespmem:s6], [sflag:$0x3], $0x80, s1, s7, $0xb8;
	[tilespmem:$0x19400] =	vst v63  }
0x57: {  	_ =	swait.ge [sflag:s11], $0x3E80  }
0x58: {  	[sflag:s11] =	ssyncset.done $0x0  }
0x59: {  	s1 =	rddreg [dreg:$0x12];
	[sflag:s11] =	ssyncadd.s32 $0xFFFFC180  }
0x5a: {  	[spmem:s2] =	stream.indirect.scatter.add.f32 [tilespmem:s6], [sflag:$0x4], $0x80, s1, s7, $0xb8;
	[tilespmem:$0x19400] =	vst v63  }
0x5b: {  	_ =	swait.ge [sflag:s8], $0x3E80  }
0x5c: {  	[sflag:s8] =	ssyncset.done $0x0  }
0x5d: {  	s1 =	rddreg [dreg:$0x13];
	[sflag:s8] =	ssyncadd.s32 $0xFFFFC180  }
0x5e: {  	[spmem:s2] =	stream.indirect.scatter.add.f32 [tilespmem:s6], [sflag:$0x1], $0x80, s1, s7, $0xb8;
	[tilespmem:$0x19400] =	vst v63  }
0x5f: {  	_ =	swait.ge [sflag:s9], $0x3E80  }
0x60: {  	[sflag:s9] =	ssyncset.done $0x0  }
0x61: {  	s1 =	rddreg [dreg:$0x14];
	[sflag:s9] =	ssyncadd.s32 $0xFFFFC180  }
0x62: {  	[spmem:s2] =	stream.indirect.scatter.add.f32 [tilespmem:s6], [sflag:$0x2], $0x80, s1, s7, $0xb8;
	[tilespmem:$0x19400] =	vst v63  }
0x63: {  	_ =	swait.ge [sflag:s10], $0x3E80  }
0x64: {  	[sflag:s10] =	ssyncset.done $0x0  }
0x65: {  	s1 =	rddreg [dreg:$0x15];
	[sflag:s10] =	ssyncadd.s32 $0xFFFFC180  }
0x66: {  	[spmem:s2] =	stream.indirect.scatter.add.f32 [tilespmem:s6], [sflag:$0x3], $0x80, s1, s7, $0xb8;
	[tilespmem:$0x19400] =	vst v63  }
0x67: {  	_ =	swait.ge [sflag:s11], $0x3E80  }
0x68: {  	[sflag:s11] =	ssyncset.done $0x0  }
0x69: {  	s1 =	rddreg [dreg:$0x16];
	[sflag:s11] =	ssyncadd.s32 $0xFFFFC180  }
0x6a: {  	[spmem:s2] =	stream.indirect.scatter.add.f32 [tilespmem:s6], [sflag:$0x4], $0x80, s1, s7, $0xb8;
	[tilespmem:$0x19400] =	vst v63  }
0x6b: {  	_ =	swait.ge [sflag:s8], $0x3E80  }
0x6c: {  	[sflag:s8] =	ssyncset.done $0x0  }
0x6d: {  	s1 =	rddreg [dreg:$0x17];
	[sflag:s8] =	ssyncadd.s32 $0xFFFFC180  }
0x6e: {  	[spmem:s2] =	stream.indirect.scatter.add.f32 [tilespmem:s6], [sflag:$0x1], $0x80, s1, s7, $0xb8;
	[tilespmem:$0x19400] =	vst v63  }
0x6f: {  	_ =	swait.ge [sflag:s9], $0x3E80  }
0x70: {  	[sflag:s9] =	ssyncset.done $0x0  }
0x71: {  	s1 =	rddreg [dreg:$0x18];
	[sflag:s9] =	ssyncadd.s32 $0xFFFFC180  }
0x72: {  	[spmem:s2] =	stream.indirect.scatter.add.f32 [tilespmem:s6], [sflag:$0x2], $0x80, s1, s7, $0xb8;
	[tilespmem:$0x19400] =	vst v63  }
0x73: {  	_ =	swait.ge [sflag:s10], $0x3E80  }
0x74: {  	[sflag:s10] =	ssyncset.done $0x0  }
0x75: {  	s1 =	rddreg [dreg:$0x19];
	[sflag:s10] =	ssyncadd.s32 $0xFFFFC180  }
0x76: {  	[spmem:s2] =	stream.indirect.scatter.add.f32 [tilespmem:s6], [sflag:$0x3], $0x80, s1, s7, $0xb8;
	[tilespmem:$0x19400] =	vst v63  }
0x77: {  	_ =	swait.ge [sflag:s11], $0x3E80  }
0x78: {  	[sflag:s11] =	ssyncset.done $0x0  }
0x79: {  	s1 =	rddreg [dreg:$0x1a];
	[sflag:s11] =	ssyncadd.s32 $0xFFFFC180  }
0x7a: {  	[spmem:s2] =	stream.indirect.scatter.add.f32 [tilespmem:s6], [sflag:$0x4], $0x80, s1, s7, $0xb8;
	[tilespmem:$0x19400] =	vst v63  }
0x7b: {  	_ =	swait.ge [sflag:s8], $0x3E80  }
0x7c: {  	[sflag:s8] =	ssyncset.done $0x0  }
0x7d: {  	s1 =	rddreg [dreg:$0x1b];
	[sflag:s8] =	ssyncadd.s32 $0xFFFFC180  }
0x7e: {  	[spmem:s2] =	stream.indirect.scatter.add.f32 [tilespmem:s6], [sflag:$0x1], $0x80, s1, s7, $0xb8;
	[tilespmem:$0x19400] =	vst v63  }
0x7f: {  	_ =	swait.ge [sflag:s9], $0x3E80  }
0x80: {  	[sflag:s9] =	ssyncset.done $0x0  }
0x81: {  	s1 =	rddreg [dreg:$0x1c];
	[sflag:s9] =	ssyncadd.s32 $0xFFFFC180  }
0x82: {  	[spmem:s2] =	stream.indirect.scatter.add.f32 [tilespmem:s6], [sflag:$0x2], $0x80, s1, s7, $0xb8;
	[tilespmem:$0x19400] =	vst v63  }
0x83: {  	_ =	swait.ge [sflag:s10], $0x3E80  }
0x84: {  	[sflag:s10] =	ssyncset.done $0x0  }
0x85: {  	[sflag:s10] =	ssyncadd.s32 $0xFFFFC180  }
0x86: {  	[spmem:s2] =	stream.indirect.scatter.add.f32 [tilespmem:s6], [sflag:$0x3], $0x80, s18, s7, $0xb8;
	[tilespmem:$0x19400] =	vst v63  }
0x87: {  	_ =	swait.ge [sflag:s11], $0x3E80  }
0x88: {  	[sflag:s11] =	ssyncset.done $0x0  }
0x89: {  	[sflag:s11] =	ssyncadd.s32 $0xFFFFC180  }
0x8a: {  	[spmem:s2] =	stream.indirect.scatter.add.f32 [tilespmem:s6], [sflag:$0x4], $0x80, s30, s7, $0xb8;
	[tilespmem:$0x19400] =	vst v63  }
0x8b: {  	_ =	swait.ge [sflag:s8], $0x3E80  }
0x8c: {  	[sflag:s8] =	ssyncset.done $0x0  }
0x8d: {  	[sflag:s8] =	ssyncadd.s32 $0xFFFFC180  }
0x8e: {  	[spmem:s2] =	stream.indirect.scatter.add.f32 [tilespmem:s6], [sflag:$0x1], $0x80, s29, s7, $0xb8;
	[tilespmem:$0x19400] =	vst v63  }
0x8f: {  	_ =	swait.ge [sflag:s9], $0x3E80  }
0x90: {  	[sflag:s9] =	ssyncset.done $0x0  }
0x91: {  	[sflag:s9] =	ssyncadd.s32 $0xFFFFC180  }
0x92: {  	[spmem:s2] =	stream.indirect.scatter.add.f32 [tilespmem:s6], [sflag:$0x2], $0x80, s28, s7, $0xb8;
	[tilespmem:$0x19400] =	vst v63  }
0x93: {  	_ =	swait.ge [sflag:s10], $0x3E80  }
0x94: {  	[sflag:s10] =	ssyncset.done $0x0  }
0x95: {  	[sflag:s10] =	ssyncadd.s32 $0xFFFFC180  }
0x96: {  	[spmem:s2] =	stream.indirect.scatter.add.f32 [tilespmem:s6], [sflag:$0x3], $0x80, s26, s7, $0xb8;
	[tilespmem:$0x19400] =	vst v63  }
0x97: {  	_ =	swait.ge [sflag:s11], $0x3E80  }
0x98: {  	[sflag:s11] =	ssyncset.done $0x0  }
0x99: {  	[sflag:s11] =	ssyncadd.s32 $0xFFFFC180  }
0x9a: {  	[spmem:s2] =	stream.indirect.scatter.add.f32 [tilespmem:s6], [sflag:$0x4], $0x80, s25, s7, $0xb8;
	[tilespmem:$0x19400] =	vst v63  }
0x9b: {  	_ =	swait.ge [sflag:s8], $0x3E80  }
0x9c: {  	[sflag:s8] =	ssyncset.done $0x0  }
0x9d: {  	[sflag:s8] =	ssyncadd.s32 $0xFFFFC180  }
0x9e: {  	[spmem:s2] =	stream.indirect.scatter.add.f32 [tilespmem:s6], [sflag:$0x1], $0x80, s24, s7, $0xb8;
	[tilespmem:$0x19400] =	vst v63  }
0x9f: {  	_ =	swait.ge [sflag:s9], $0x3E80  }
0xa0: {  	[sflag:s9] =	ssyncset.done $0x0  }
0xa1: {  	[sflag:s9] =	ssyncadd.s32 $0xFFFFC180  }
0xa2: {  	[spmem:s2] =	stream.indirect.scatter.add.f32 [tilespmem:s6], [sflag:$0x2], $0x80, s23, s7, $0xb8;
	[tilespmem:$0x19400] =	vst v63  }
0xa3: {  	_ =	swait.ge [sflag:s10], $0x3E80  }
0xa4: {  	[sflag:s10] =	ssyncset.done $0x0  }
0xa5: {  	[sflag:s10] =	ssyncadd.s32 $0xFFFFC180  }
0xa6: {  	[spmem:s2] =	stream.indirect.scatter.add.f32 [tilespmem:s6], [sflag:$0x3], $0x80, s22, s7, $0xb8;
	[tilespmem:$0x19400] =	vst v63  }
0xa7: {  	_ =	swait.ge [sflag:s11], $0x3E80  }
0xa8: {  	[sflag:s11] =	ssyncset.done $0x0  }
0xa9: {  	[sflag:s11] =	ssyncadd.s32 $0xFFFFC180  }
0xaa: {  	[spmem:s2] =	stream.indirect.scatter.add.f32 [tilespmem:s6], [sflag:$0x4], $0x80, s21, s7, $0xb8;
	[tilespmem:$0x19400] =	vst v63  }
0xab: {  	_ =	swait.ge [sflag:s8], $0x3E80  }
0xac: {  	[sflag:s8] =	ssyncset.done $0x0  }
0xad: {  	[sflag:s8] =	ssyncadd.s32 $0xFFFFC180  }
0xae: {  	[spmem:s2] =	stream.indirect.scatter.add.f32 [tilespmem:s6], [sflag:$0x1], $0x80, s20, s7, $0xb8;
	[tilespmem:$0x19400] =	vst v63  }
0xaf: {  	_ =	swait.ge [sflag:s9], $0x3E80  }
0xb0: {  	[sflag:s9] =	ssyncset.done $0x0  }
0xb1: {  	s1 =	simm.s32 $0x1080;
	[sflag:s9] =	ssyncadd.s32 $0xFFFFC180  }
0xb2: {  	[spmem:s2] =	stream.indirect.scatter.add.f32 [tilespmem:s6], [sflag:$0x2], $0x80, s1, s7, $0xb8;
	[tilespmem:$0x19400] =	vst v63  }
0xb3: {  	_ =	swait.ge [sflag:s10], $0x3E80  }
0xb4: {  	[sflag:s10] =	ssyncset.done $0x0  }
0xb5: {  	[sflag:s10] =	ssyncadd.s32 $0xFFFFC180  }
0xb6: {  	[spmem:s2] =	stream.indirect.scatter.add.f32 [tilespmem:s6], [sflag:$0x3], $0x80, s19, s7, $0xb8;
	[tilespmem:$0x19400] =	vst v63  }
0xb7: {  	_ =	swait.ge [sflag:s11], $0x3E80  }
0xb8: {  	[sflag:s11] =	ssyncset.done $0x0  }
0xb9: {  	[sflag:s11] =	ssyncadd.s32 $0xFFFFC180  }
0xba: {  	[spmem:s2] =	stream.indirect.scatter.add.f32 [tilespmem:s6], [sflag:$0x4], $0x80, s17, s7, $0xb8;
	[tilespmem:$0x19400] =	vst v63  }
0xbb: {  	_ =	swait.ge [sflag:s8], $0x3E80  }
0xbc: {  	[sflag:s8] =	ssyncset.done $0x0  }
0xbd: {  	[sflag:s8] =	ssyncadd.s32 $0xFFFFC180  }
0xbe: {  	[spmem:s2] =	stream.indirect.scatter.add.f32 [tilespmem:s6], [sflag:$0x1], $0x80, s16, s7, $0xb8;
	[tilespmem:$0x19400] =	vst v63  }
0xbf: {  	_ =	swait.ge [sflag:s9], $0x3E80  }
0xc0: {  	[sflag:s9] =	ssyncset.done $0x0  }
0xc1: {  	[sflag:s9] =	ssyncadd.s32 $0xFFFFC180  }
0xc2: {  	[spmem:s2] =	stream.indirect.scatter.add.f32 [tilespmem:s6], [sflag:$0x2], $0x80, s15, s7, $0xb8;
	[tilespmem:$0x19400] =	vst v63  }
0xc3: {  	_ =	swait.ge [sflag:s10], $0x3E80  }
0xc4: {  	[sflag:s10] =	ssyncset.done $0x0  }
0xc5: {  	[sflag:s10] =	ssyncadd.s32 $0xFFFFC180  }
0xc6: {  	[spmem:s2] =	stream.indirect.scatter.add.f32 [tilespmem:s6], [sflag:$0x3], $0x80, s14, s7, $0xb8;
	[tilespmem:$0x19400] =	vst v63  }
0xc7: {  	_ =	swait.ge [sflag:s11], $0x3E80  }
0xc8: {  	[sflag:s11] =	ssyncset.done $0x0  }
0xc9: {  	[sflag:s11] =	ssyncadd.s32 $0xFFFFC180  }
0xca: {  	[spmem:s2] =	stream.indirect.scatter.add.f32 [tilespmem:s6], [sflag:$0x4], $0x80, s13, s7, $0xb8;
	[tilespmem:$0x19400] =	vst v63  }
0xcb: {  	_ =	swait.ge [sflag:s8], $0x3E80  }
0xcc: {  	[sflag:s8] =	ssyncset.done $0x0  }
0xcd: {  	[sflag:s8] =	ssyncadd.s32 $0xFFFFC180  }
0xce: {  	_ =	swait.ge [sflag:s9], $0x3E80  }
0xcf: {  	[sflag:s9] =	ssyncset.done $0x0  }
0xd0: {  	[sflag:s9] =	ssyncadd.s32 $0xFFFFC180  }
0xd1: {  	_ =	swait.ge [sflag:s10], $0x3E80  }
0xd2: {  	[sflag:s10] =	ssyncset.done $0x0  }
0xd3: {  	[sflag:s10] =	ssyncadd.s32 $0xFFFFC180  }
0xd4: {  	_ =	swait.ge [sflag:s11], $0x3E80  }
0xd5: {  	[sflag:s11] =	ssyncset.done $0x0  }
0xd6: {  	p1 =	sne.s32 s12, $0x1;
	[sflag:s11] =	ssyncadd.s32 $0xFFFFC180  }
.Ltmp1:
0xd7: {  	[bflag:$0x0] =	sbarrier.arrive $0xFFFF;
	(pc) =	sbr.rel @!p1 .LBB2_3-.Ltmp1, $4  }
0xd8: {  	s1 =	rddreg [dreg:$0x7]  }
0xd9: {  	[hbm:s1], [sflag:s3] =	dma.local [spmem:s4], $0x2800  }
0xda: {  	p0 =	por $0x1, $0x1;
	_ =	swait.ge [sflag:s5], $0x2800  }
0xdb: {  	s0 =	sadd.s32 $0xFFFFFFFF, s12;
	s1 =	rddreg [dreg:$0x4];
	[sflag:s5] =	ssyncset.done $0x0  }
.LBB2_4:
0xdc: {  	[sflag:s5] =	ssyncadd.s32 $0xFFFFD800  }
0xdd: {  	[spmem:s4], [sflag:s3] =	dma.local [hbm:s1], $0x2800  }
0xde: {  	_ =	swait.ge [sflag:s5], $0x2800  }
0xdf: {  	[sflag:s5] =	ssyncset.done $0x0  }
0xe0: {  	s12 =	rddreg [dreg:$0x6];
	[sflag:s5] =	ssyncadd.s32 $0xFFFFD800  }
0xe1: {  	[tilespmem:s31], [sflag:$0x5] =	stream.linear.gather [hbm4b:s12+s31], $0x1400, $0x38;
	[tilespmem:$0x19400] =	vst v63  }
0xe2: {  	_ =	swait.ge [sflag:s5], $0x1400  }
0xe3: {  	[sflag:s5] =	ssyncset.done $0x0  }
0xe4: {  	s12 =	rddreg [dreg:$0x5];
	[sflag:s5] =	ssyncadd.s32 $0xFFFFEC00  }
0xe5: {  	[tilespmem:s6], [sflag:$0x5] =	stream.linear.gather [hbm4b:s12+s31], $0x3E80, $0x38;
	[tilespmem:$0x19400] =	vst v63  }
0xe6: {  	_ =	swait.ge [sflag:s5], $0x3E80  }
0xe7: {  	[sflag:s5] =	ssyncset.done $0x0  }
0xe8: {  	[sflag:s5] =	ssyncadd.s32 $0xFFFFC180  }
0xe9: {  	[bflag:$0x0] =	sbarrier.arrive $0xFFFF  }
0xea: {  	[spmem:s2] =	stream.indirect.scatter.add.f32 [tilespmem:s6], [sflag:$0x1], $0x80, s31, s7, $0xb8;
	[tilespmem:$0x19400] =	vst v63  }
0xeb: {  	s1 =	rddreg [dreg:$0x8]  }
0xec: {  	[spmem:s2] =	stream.indirect.scatter.add.f32 [tilespmem:s6], [sflag:$0x2], $0x80, s1, s7, $0xb8;
	[tilespmem:$0x19400] =	vst v63  }
0xed: {  	s12 =	rddreg [dreg:$0x9]  }
0xee: {  	[spmem:s2] =	stream.indirect.scatter.add.f32 [tilespmem:s6], [sflag:$0x3], $0x80, s12, s7, $0xb8;
	[tilespmem:$0x19400] =	vst v63  }
0xef: {  	s1 =	rddreg [dreg:$0xa]  }
0xf0: {  	[spmem:s2] =	stream.indirect.scatter.add.f32 [tilespmem:s6], [sflag:$0x4], $0x80, s1, s7, $0xb8;
	[tilespmem:$0x19400] =	vst v63  }
0xf1: {  	_ =	swait.ge [sflag:s8], $0x3E80  }
0xf2: {  	[sflag:s8] =	ssyncset.done $0x0  }
0xf3: {  	s12 =	rddreg [dreg:$0xb];
	[sflag:s8] =	ssyncadd.s32 $0xFFFFC180  }
0xf4: {  	[spmem:s2] =	stream.indirect.scatter.add.f32 [tilespmem:s6], [sflag:$0x1], $0x80, s12, s7, $0xb8;
	[tilespmem:$0x19400] =	vst v63  }
0xf5: {  	_ =	swait.ge [sflag:s9], $0x3E80  }
0xf6: {  	[sflag:s9] =	ssyncset.done $0x0  }
0xf7: {  	s12 =	rddreg [dreg:$0xc];
	[sflag:s9] =	ssyncadd.s32 $0xFFFFC180  }
0xf8: {  	[spmem:s2] =	stream.indirect.scatter.add.f32 [tilespmem:s6], [sflag:$0x2], $0x80, s12, s7, $0xb8;
	[tilespmem:$0x19400] =	vst v63  }
0xf9: {  	_ =	swait.ge [sflag:s10], $0x3E80  }
0xfa: {  	[sflag:s10] =	ssyncset.done $0x0  }
0xfb: {  	s12 =	rddreg [dreg:$0xd];
	[sflag:s10] =	ssyncadd.s32 $0xFFFFC180  }
0xfc: {  	[spmem:s2] =	stream.indirect.scatter.add.f32 [tilespmem:s6], [sflag:$0x3], $0x80, s12, s7, $0xb8;
	[tilespmem:$0x19400] =	vst v63  }
0xfd: {  	_ =	swait.ge [sflag:s11], $0x3E80  }
0xfe: {  	[sflag:s11] =	ssyncset.done $0x0  }
0xff: {  	s12 =	rddreg [dreg:$0xe];
	[sflag:s11] =	ssyncadd.s32 $0xFFFFC180  }
0x100: {  	[spmem:s2] =	stream.indirect.scatter.add.f32 [tilespmem:s6], [sflag:$0x4], $0x80, s12, s7, $0xb8;
	[tilespmem:$0x19400] =	vst v63  }
0x101: {  	_ =	swait.ge [sflag:s8], $0x3E80  }
0x102: {  	[sflag:s8] =	ssyncset.done $0x0  }
0x103: {  	s12 =	rddreg [dreg:$0xf];
	[sflag:s8] =	ssyncadd.s32 $0xFFFFC180  }
0x104: {  	[spmem:s2] =	stream.indirect.scatter.add.f32 [tilespmem:s6], [sflag:$0x1], $0x80, s12, s7, $0xb8;
	[tilespmem:$0x19400] =	vst v63  }
0x105: {  	_ =	swait.ge [sflag:s9], $0x3E80  }
0x106: {  	[sflag:s9] =	ssyncset.done $0x0  }
0x107: {  	s12 =	rddreg [dreg:$0x10];
	[sflag:s9] =	ssyncadd.s32 $0xFFFFC180  }
0x108: {  	[spmem:s2] =	stream.indirect.scatter.add.f32 [tilespmem:s6], [sflag:$0x2], $0x80, s12, s7, $0xb8;
	[tilespmem:$0x19400] =	vst v63  }
0x109: {  	_ =	swait.ge [sflag:s10], $0x3E80  }
0x10a: {  	[sflag:s10] =	ssyncset.done $0x0  }
0x10b: {  	s12 =	rddreg [dreg:$0x11];
	[sflag:s10] =	ssyncadd.s32 $0xFFFFC180  }
0x10c: {  	[spmem:s2] =	stream.indirect.scatter.add.f32 [tilespmem:s6], [sflag:$0x3], $0x80, s12, s7, $0xb8;
	[tilespmem:$0x19400] =	vst v63  }
0x10d: {  	_ =	swait.ge [sflag:s11], $0x3E80  }
0x10e: {  	[sflag:s11] =	ssyncset.done $0x0  }
0x10f: {  	s12 =	rddreg [dreg:$0x12];
	[sflag:s11] =	ssyncadd.s32 $0xFFFFC180  }
0x110: {  	[spmem:s2] =	stream.indirect.scatter.add.f32 [tilespmem:s6], [sflag:$0x4], $0x80, s12, s7, $0xb8;
	[tilespmem:$0x19400] =	vst v63  }
0x111: {  	_ =	swait.ge [sflag:s8], $0x3E80  }
0x112: {  	[sflag:s8] =	ssyncset.done $0x0  }
0x113: {  	s12 =	rddreg [dreg:$0x13];
	[sflag:s8] =	ssyncadd.s32 $0xFFFFC180  }
0x114: {  	[spmem:s2] =	stream.indirect.scatter.add.f32 [tilespmem:s6], [sflag:$0x1], $0x80, s12, s7, $0xb8;
	[tilespmem:$0x19400] =	vst v63  }
0x115: {  	_ =	swait.ge [sflag:s9], $0x3E80  }
0x116: {  	[sflag:s9] =	ssyncset.done $0x0  }
0x117: {  	s12 =	rddreg [dreg:$0x14];
	[sflag:s9] =	ssyncadd.s32 $0xFFFFC180  }
0x118: {  	[spmem:s2] =	stream.indirect.scatter.add.f32 [tilespmem:s6], [sflag:$0x2], $0x80, s12, s7, $0xb8;
	[tilespmem:$0x19400] =	vst v63  }
0x119: {  	_ =	swait.ge [sflag:s10], $0x3E80  }
0x11a: {  	[sflag:s10] =	ssyncset.done $0x0  }
0x11b: {  	s12 =	rddreg [dreg:$0x15];
	[sflag:s10] =	ssyncadd.s32 $0xFFFFC180  }
0x11c: {  	[spmem:s2] =	stream.indirect.scatter.add.f32 [tilespmem:s6], [sflag:$0x3], $0x80, s12, s7, $0xb8;
	[tilespmem:$0x19400] =	vst v63  }
0x11d: {  	_ =	swait.ge [sflag:s11], $0x3E80  }
0x11e: {  	[sflag:s11] =	ssyncset.done $0x0  }
0x11f: {  	s12 =	rddreg [dreg:$0x16];
	[sflag:s11] =	ssyncadd.s32 $0xFFFFC180  }
0x120: {  	[spmem:s2] =	stream.indirect.scatter.add.f32 [tilespmem:s6], [sflag:$0x4], $0x80, s12, s7, $0xb8;
	[tilespmem:$0x19400] =	vst v63  }
0x121: {  	_ =	swait.ge [sflag:s8], $0x3E80  }
0x122: {  	[sflag:s8] =	ssyncset.done $0x0  }
0x123: {  	s12 =	rddreg [dreg:$0x17];
	[sflag:s8] =	ssyncadd.s32 $0xFFFFC180  }
0x124: {  	[spmem:s2] =	stream.indirect.scatter.add.f32 [tilespmem:s6], [sflag:$0x1], $0x80, s12, s7, $0xb8;
	[tilespmem:$0x19400] =	vst v63  }
0x125: {  	_ =	swait.ge [sflag:s9], $0x3E80  }
0x126: {  	[sflag:s9] =	ssyncset.done $0x0  }
0x127: {  	s12 =	rddreg [dreg:$0x18];
	[sflag:s9] =	ssyncadd.s32 $0xFFFFC180  }
0x128: {  	[spmem:s2] =	stream.indirect.scatter.add.f32 [tilespmem:s6], [sflag:$0x2], $0x80, s12, s7, $0xb8;
	[tilespmem:$0x19400] =	vst v63  }
0x129: {  	_ =	swait.ge [sflag:s10], $0x3E80  }
0x12a: {  	[sflag:s10] =	ssyncset.done $0x0  }
0x12b: {  	s12 =	rddreg [dreg:$0x19];
	[sflag:s10] =	ssyncadd.s32 $0xFFFFC180  }
0x12c: {  	[spmem:s2] =	stream.indirect.scatter.add.f32 [tilespmem:s6], [sflag:$0x3], $0x80, s12, s7, $0xb8;
	[tilespmem:$0x19400] =	vst v63  }
0x12d: {  	_ =	swait.ge [sflag:s11], $0x3E80  }
0x12e: {  	[sflag:s11] =	ssyncset.done $0x0  }
0x12f: {  	s12 =	rddreg [dreg:$0x1a];
	[sflag:s11] =	ssyncadd.s32 $0xFFFFC180  }
0x130: {  	[spmem:s2] =	stream.indirect.scatter.add.f32 [tilespmem:s6], [sflag:$0x4], $0x80, s12, s7, $0xb8;
	[tilespmem:$0x19400] =	vst v63  }
0x131: {  	_ =	swait.ge [sflag:s8], $0x3E80  }
0x132: {  	[sflag:s8] =	ssyncset.done $0x0  }
0x133: {  	s12 =	rddreg [dreg:$0x1b];
	[sflag:s8] =	ssyncadd.s32 $0xFFFFC180  }
0x134: {  	[spmem:s2] =	stream.indirect.scatter.add.f32 [tilespmem:s6], [sflag:$0x1], $0x80, s12, s7, $0xb8;
	[tilespmem:$0x19400] =	vst v63  }
0x135: {  	_ =	swait.ge [sflag:s9], $0x3E80  }
0x136: {  	[sflag:s9] =	ssyncset.done $0x0  }
0x137: {  	s12 =	rddreg [dreg:$0x1c];
	[sflag:s9] =	ssyncadd.s32 $0xFFFFC180  }
0x138: {  	[spmem:s2] =	stream.indirect.scatter.add.f32 [tilespmem:s6], [sflag:$0x2], $0x80, s12, s7, $0xb8;
	[tilespmem:$0x19400] =	vst v63  }
0x139: {  	_ =	swait.ge [sflag:s10], $0x3E80  }
0x13a: {  	[sflag:s10] =	ssyncset.done $0x0  }
0x13b: {  	[sflag:s10] =	ssyncadd.s32 $0xFFFFC180  }
0x13c: {  	[spmem:s2] =	stream.indirect.scatter.add.f32 [tilespmem:s6], [sflag:$0x3], $0x80, s18, s7, $0xb8;
	[tilespmem:$0x19400] =	vst v63  }
0x13d: {  	_ =	swait.ge [sflag:s11], $0x3E80  }
0x13e: {  	[sflag:s11] =	ssyncset.done $0x0  }
0x13f: {  	[sflag:s11] =	ssyncadd.s32 $0xFFFFC180  }
0x140: {  	[spmem:s2] =	stream.indirect.scatter.add.f32 [tilespmem:s6], [sflag:$0x4], $0x80, s30, s7, $0xb8;
	[tilespmem:$0x19400] =	vst v63  }
0x141: {  	_ =	swait.ge [sflag:s8], $0x3E80  }
0x142: {  	[sflag:s8] =	ssyncset.done $0x0  }
0x143: {  	[sflag:s8] =	ssyncadd.s32 $0xFFFFC180  }
0x144: {  	[spmem:s2] =	stream.indirect.scatter.add.f32 [tilespmem:s6], [sflag:$0x1], $0x80, s29, s7, $0xb8;
	[tilespmem:$0x19400] =	vst v63  }
0x145: {  	_ =	swait.ge [sflag:s9], $0x3E80  }
0x146: {  	[sflag:s9] =	ssyncset.done $0x0  }
0x147: {  	[sflag:s9] =	ssyncadd.s32 $0xFFFFC180  }
0x148: {  	[spmem:s2] =	stream.indirect.scatter.add.f32 [tilespmem:s6], [sflag:$0x2], $0x80, s28, s7, $0xb8;
	[tilespmem:$0x19400] =	vst v63  }
0x149: {  	_ =	swait.ge [sflag:s10], $0x3E80  }
0x14a: {  	[sflag:s10] =	ssyncset.done $0x0  }
0x14b: {  	[sflag:s10] =	ssyncadd.s32 $0xFFFFC180  }
0x14c: {  	[spmem:s2] =	stream.indirect.scatter.add.f32 [tilespmem:s6], [sflag:$0x3], $0x80, s26, s7, $0xb8;
	[tilespmem:$0x19400] =	vst v63  }
0x14d: {  	_ =	swait.ge [sflag:s11], $0x3E80  }
0x14e: {  	[sflag:s11] =	ssyncset.done $0x0  }
0x14f: {  	[sflag:s11] =	ssyncadd.s32 $0xFFFFC180  }
0x150: {  	[spmem:s2] =	stream.indirect.scatter.add.f32 [tilespmem:s6], [sflag:$0x4], $0x80, s25, s7, $0xb8;
	[tilespmem:$0x19400] =	vst v63  }
0x151: {  	_ =	swait.ge [sflag:s8], $0x3E80  }
0x152: {  	[sflag:s8] =	ssyncset.done $0x0  }
0x153: {  	[sflag:s8] =	ssyncadd.s32 $0xFFFFC180  }
0x154: {  	[spmem:s2] =	stream.indirect.scatter.add.f32 [tilespmem:s6], [sflag:$0x1], $0x80, s24, s7, $0xb8;
	[tilespmem:$0x19400] =	vst v63  }
0x155: {  	_ =	swait.ge [sflag:s9], $0x3E80  }
0x156: {  	[sflag:s9] =	ssyncset.done $0x0  }
0x157: {  	[sflag:s9] =	ssyncadd.s32 $0xFFFFC180  }
0x158: {  	[spmem:s2] =	stream.indirect.scatter.add.f32 [tilespmem:s6], [sflag:$0x2], $0x80, s23, s7, $0xb8;
	[tilespmem:$0x19400] =	vst v63  }
0x159: {  	_ =	swait.ge [sflag:s10], $0x3E80  }
0x15a: {  	[sflag:s10] =	ssyncset.done $0x0  }
0x15b: {  	[sflag:s10] =	ssyncadd.s32 $0xFFFFC180  }
0x15c: {  	[spmem:s2] =	stream.indirect.scatter.add.f32 [tilespmem:s6], [sflag:$0x3], $0x80, s22, s7, $0xb8;
	[tilespmem:$0x19400] =	vst v63  }
0x15d: {  	_ =	swait.ge [sflag:s11], $0x3E80  }
0x15e: {  	[sflag:s11] =	ssyncset.done $0x0  }
0x15f: {  	[sflag:s11] =	ssyncadd.s32 $0xFFFFC180  }
0x160: {  	[spmem:s2] =	stream.indirect.scatter.add.f32 [tilespmem:s6], [sflag:$0x4], $0x80, s21, s7, $0xb8;
	[tilespmem:$0x19400] =	vst v63  }
0x161: {  	_ =	swait.ge [sflag:s8], $0x3E80  }
0x162: {  	[sflag:s8] =	ssyncset.done $0x0  }
0x163: {  	[sflag:s8] =	ssyncadd.s32 $0xFFFFC180  }
0x164: {  	[spmem:s2] =	stream.indirect.scatter.add.f32 [tilespmem:s6], [sflag:$0x1], $0x80, s20, s7, $0xb8;
	[tilespmem:$0x19400] =	vst v63  }
0x165: {  	_ =	swait.ge [sflag:s9], $0x3E80  }
0x166: {  	[sflag:s9] =	ssyncset.done $0x0  }
0x167: {  	s12 =	simm.s32 $0x1080;
	[sflag:s9] =	ssyncadd.s32 $0xFFFFC180  }
0x168: {  	[spmem:s2] =	stream.indirect.scatter.add.f32 [tilespmem:s6], [sflag:$0x2], $0x80, s12, s7, $0xb8;
	[tilespmem:$0x19400] =	vst v63  }
0x169: {  	_ =	swait.ge [sflag:s10], $0x3E80  }
0x16a: {  	[sflag:s10] =	ssyncset.done $0x0  }
0x16b: {  	[sflag:s10] =	ssyncadd.s32 $0xFFFFC180  }
0x16c: {  	[spmem:s2] =	stream.indirect.scatter.add.f32 [tilespmem:s6], [sflag:$0x3], $0x80, s19, s7, $0xb8;
	[tilespmem:$0x19400] =	vst v63  }
0x16d: {  	_ =	swait.ge [sflag:s11], $0x3E80  }
0x16e: {  	[sflag:s11] =	ssyncset.done $0x0  }
0x16f: {  	[sflag:s11] =	ssyncadd.s32 $0xFFFFC180  }
0x170: {  	[spmem:s2] =	stream.indirect.scatter.add.f32 [tilespmem:s6], [sflag:$0x4], $0x80, s17, s7, $0xb8;
	[tilespmem:$0x19400] =	vst v63  }
0x171: {  	_ =	swait.ge [sflag:s8], $0x3E80  }
0x172: {  	[sflag:s8] =	ssyncset.done $0x0  }
0x173: {  	[sflag:s8] =	ssyncadd.s32 $0xFFFFC180  }
0x174: {  	[spmem:s2] =	stream.indirect.scatter.add.f32 [tilespmem:s6], [sflag:$0x1], $0x80, s16, s7, $0xb8;
	[tilespmem:$0x19400] =	vst v63  }
0x175: {  	_ =	swait.ge [sflag:s9], $0x3E80  }
0x176: {  	[sflag:s9] =	ssyncset.done $0x0  }
0x177: {  	[sflag:s9] =	ssyncadd.s32 $0xFFFFC180  }
0x178: {  	[spmem:s2] =	stream.indirect.scatter.add.f32 [tilespmem:s6], [sflag:$0x2], $0x80, s15, s7, $0xb8;
	[tilespmem:$0x19400] =	vst v63  }
0x179: {  	_ =	swait.ge [sflag:s10], $0x3E80  }
0x17a: {  	[sflag:s10] =	ssyncset.done $0x0  }
0x17b: {  	[sflag:s10] =	ssyncadd.s32 $0xFFFFC180  }
0x17c: {  	[spmem:s2] =	stream.indirect.scatter.add.f32 [tilespmem:s6], [sflag:$0x3], $0x80, s14, s7, $0xb8;
	[tilespmem:$0x19400] =	vst v63  }
0x17d: {  	_ =	swait.ge [sflag:s11], $0x3E80  }
0x17e: {  	[sflag:s11] =	ssyncset.done $0x0  }
0x17f: {  	[sflag:s11] =	ssyncadd.s32 $0xFFFFC180  }
0x180: {  	[spmem:s2] =	stream.indirect.scatter.add.f32 [tilespmem:s6], [sflag:$0x4], $0x80, s13, s7, $0xb8;
	[tilespmem:$0x19400] =	vst v63  }
0x181: {  	_ =	swait.ge [sflag:s8], $0x3E80  }
0x182: {  	[sflag:s8] =	ssyncset.done $0x0  }
0x183: {  	[sflag:s8] =	ssyncadd.s32 $0xFFFFC180  }
0x184: {  	_ =	swait.ge [sflag:s9], $0x3E80  }
0x185: {  	[sflag:s9] =	ssyncset.done $0x0  }
0x186: {  	[sflag:s9] =	ssyncadd.s32 $0xFFFFC180  }
0x187: {  	_ =	swait.ge [sflag:s10], $0x3E80  }
0x188: {  	[sflag:s10] =	ssyncset.done $0x0  }
0x189: {  	[sflag:s10] =	ssyncadd.s32 $0xFFFFC180  }
0x18a: {  	_ =	swait.ge [sflag:s11], $0x3E80  }
0x18b: {  	[sflag:s11] =	ssyncset.done $0x0  }
0x18c: {  	p1 =	sne.s32 s0, $0x1;
	[sflag:s11] =	ssyncadd.s32 $0xFFFFC180  }
.Ltmp2:
0x18d: {  	[bflag:$0x0] =	sbarrier.arrive $0xFFFF;
	(pc) =	sbr.rel @p1 .LBB2_4-.Ltmp2, $4  }
0x18e: {  	s12 =	rddreg [dreg:$0x7]  }
0x18f: {  	[hbm:s12], [sflag:s3] =	dma.local [spmem:s4], $0x2800  }
0x190: {  	_ =	swait.ge [sflag:s5], $0x2800  }
0x191: {  	s0 =	sadd.s32 $0xFFFFFFFF, s0;
	s1 =	rddreg [dreg:$0x4];
	[sflag:s5] =	ssyncset.done $0x0  }
0x192: {  	s13 =	simm.s32 $0xB00;
	s30 =	simm.s32 $0xB80;
	s29 =	simm.s32 $0xC00  }
0x193: {  	s28 =	simm.s32 $0xC80;
	s26 =	simm.s32 $0xD00;
	s25 =	simm.s32 $0xD80  }
0x194: {  	s24 =	simm.s32 $0xE00;
	s23 =	simm.s32 $0xE80;
	s22 =	simm.s32 $0xF00  }
0x195: {  	s21 =	simm.s32 $0xF80;
	s20 =	simm.s32 $0x1000;
	s19 =	simm.s32 $0x1100  }
0x196: {  	s18 =	simm.s32 $0x1080;
	s17 =	simm.s32 $0x1180;
	s16 =	simm.s32 $0x1200  }
0x197: {  	s15 =	simm.s32 $0x1280;
	s14 =	simm.s32 $0x1300;
	s12 =	rddreg [dreg:$0x3]  }
.LBB2_6:
0x198: {  	[sflag:s5] =	ssyncadd.s32 @p0 $0xFFFFD800  }
0x199: {  	[spmem:s4], [sflag:s3] =	dma.local [hbm:s1], $0x2800  }
0x19a: {  	_ =	swait.ge [sflag:s5], $0x2800  }
0x19b: {  	[sflag:s5] =	ssyncset.done $0x0  }
0x19c: {  	s0 =	rddreg [dreg:$0x6];
	[sflag:s5] =	ssyncadd.s32 $0xFFFFD800  }
0x19d: {  	[tilespmem:s31], [sflag:$0x5] =	stream.linear.gather [hbm4b:s0+s31], $0x1400, $0x38;
	[tilespmem:$0x19400] =	vst v63  }
0x19e: {  	_ =	swait.ge [sflag:s5], $0x1400  }
0x19f: {  	[sflag:s5] =	ssyncset.done $0x0  }
0x1a0: {  	s1 =	rddreg [dreg:$0x5];
	[sflag:s5] =	ssyncadd.s32 $0xFFFFEC00  }
0x1a1: {  	[tilespmem:s6], [sflag:$0x5] =	stream.linear.gather [hbm4b:s1+s31], $0x3E80, $0x38;
	[tilespmem:$0x19400] =	vst v63  }
0x1a2: {  	_ =	swait.ge [sflag:s5], $0x3E80  }
0x1a3: {  	[sflag:s5] =	ssyncset.done $0x0  }
0x1a4: {  	[sflag:s5] =	ssyncadd.s32 $0xFFFFC180  }
0x1a5: {  	[bflag:$0x0] =	sbarrier.arrive $0xFFFF  }
0x1a6: {  	[spmem:s2] =	stream.indirect.scatter.add.f32 [tilespmem:s6], [sflag:$0x1], $0x80, s31, s7, $0xb8;
	[tilespmem:$0x19400] =	vst v63  }
0x1a7: {  	s0 =	rddreg [dreg:$0x8]  }
0x1a8: {  	[spmem:s2] =	stream.indirect.scatter.add.f32 [tilespmem:s6], [sflag:$0x2], $0x80, s0, s7, $0xb8;
	[tilespmem:$0x19400] =	vst v63  }
0x1a9: {  	s1 =	rddreg [dreg:$0x9]  }
0x1aa: {  	[spmem:s2] =	stream.indirect.scatter.add.f32 [tilespmem:s6], [sflag:$0x3], $0x80, s1, s7, $0xb8;
	[tilespmem:$0x19400] =	vst v63  }
0x1ab: {  	s31 =	rddreg [dreg:$0xa]  }
0x1ac: {  	[spmem:s2] =	stream.indirect.scatter.add.f32 [tilespmem:s6], [sflag:$0x4], $0x80, s31, s7, $0xb8;
	[tilespmem:$0x19400] =	vst v63  }
0x1ad: {  	_ =	swait.ge [sflag:s8], $0x3E80  }
0x1ae: {  	[sflag:s8] =	ssyncset.done $0x0  }
0x1af: {  	s31 =	rddreg [dreg:$0xb];
	[sflag:s8] =	ssyncadd.s32 $0xFFFFC180  }
0x1b0: {  	[spmem:s2] =	stream.indirect.scatter.add.f32 [tilespmem:s6], [sflag:$0x1], $0x80, s31, s7, $0xb8;
	[tilespmem:$0x19400] =	vst v63  }
0x1b1: {  	_ =	swait.ge [sflag:s9], $0x3E80  }
0x1b2: {  	[sflag:s9] =	ssyncset.done $0x0  }
0x1b3: {  	s1 =	rddreg [dreg:$0xc];
	[sflag:s9] =	ssyncadd.s32 $0xFFFFC180  }
0x1b4: {  	[spmem:s2] =	stream.indirect.scatter.add.f32 [tilespmem:s6], [sflag:$0x2], $0x80, s1, s7, $0xb8;
	[tilespmem:$0x19400] =	vst v63  }
0x1b5: {  	_ =	swait.ge [sflag:s10], $0x3E80  }
0x1b6: {  	[sflag:s10] =	ssyncset.done $0x0  }
0x1b7: {  	s31 =	rddreg [dreg:$0xd];
	[sflag:s10] =	ssyncadd.s32 $0xFFFFC180  }
0x1b8: {  	[spmem:s2] =	stream.indirect.scatter.add.f32 [tilespmem:s6], [sflag:$0x3], $0x80, s31, s7, $0xb8;
	[tilespmem:$0x19400] =	vst v63  }
0x1b9: {  	_ =	swait.ge [sflag:s11], $0x3E80  }
0x1ba: {  	[sflag:s11] =	ssyncset.done $0x0  }
0x1bb: {  	s1 =	rddreg [dreg:$0xe];
	[sflag:s11] =	ssyncadd.s32 $0xFFFFC180  }
0x1bc: {  	[spmem:s2] =	stream.indirect.scatter.add.f32 [tilespmem:s6], [sflag:$0x4], $0x80, s1, s7, $0xb8;
	[tilespmem:$0x19400] =	vst v63  }
0x1bd: {  	_ =	swait.ge [sflag:s8], $0x3E80  }
0x1be: {  	[sflag:s8] =	ssyncset.done $0x0  }
0x1bf: {  	s31 =	rddreg [dreg:$0xf];
	[sflag:s8] =	ssyncadd.s32 $0xFFFFC180  }
0x1c0: {  	[spmem:s2] =	stream.indirect.scatter.add.f32 [tilespmem:s6], [sflag:$0x1], $0x80, s31, s7, $0xb8;
	[tilespmem:$0x19400] =	vst v63  }
0x1c1: {  	_ =	swait.ge [sflag:s9], $0x3E80  }
0x1c2: {  	[sflag:s9] =	ssyncset.done $0x0  }
0x1c3: {  	s1 =	rddreg [dreg:$0x10];
	[sflag:s9] =	ssyncadd.s32 $0xFFFFC180  }
0x1c4: {  	[spmem:s2] =	stream.indirect.scatter.add.f32 [tilespmem:s6], [sflag:$0x2], $0x80, s1, s7, $0xb8;
	[tilespmem:$0x19400] =	vst v63  }
0x1c5: {  	_ =	swait.ge [sflag:s10], $0x3E80  }
0x1c6: {  	[sflag:s10] =	ssyncset.done $0x0  }
0x1c7: {  	s31 =	rddreg [dreg:$0x11];
	[sflag:s10] =	ssyncadd.s32 $0xFFFFC180  }
0x1c8: {  	[spmem:s2] =	stream.indirect.scatter.add.f32 [tilespmem:s6], [sflag:$0x3], $0x80, s31, s7, $0xb8;
	[tilespmem:$0x19400] =	vst v63  }
0x1c9: {  	_ =	swait.ge [sflag:s11], $0x3E80  }
0x1ca: {  	[sflag:s11] =	ssyncset.done $0x0  }
0x1cb: {  	s1 =	rddreg [dreg:$0x12];
	[sflag:s11] =	ssyncadd.s32 $0xFFFFC180  }
0x1cc: {  	[spmem:s2] =	stream.indirect.scatter.add.f32 [tilespmem:s6], [sflag:$0x4], $0x80, s1, s7, $0xb8;
	[tilespmem:$0x19400] =	vst v63  }
0x1cd: {  	_ =	swait.ge [sflag:s8], $0x3E80  }
0x1ce: {  	[sflag:s8] =	ssyncset.done $0x0  }
0x1cf: {  	s31 =	rddreg [dreg:$0x13];
	[sflag:s8] =	ssyncadd.s32 $0xFFFFC180  }
0x1d0: {  	[spmem:s2] =	stream.indirect.scatter.add.f32 [tilespmem:s6], [sflag:$0x1], $0x80, s31, s7, $0xb8;
	[tilespmem:$0x19400] =	vst v63  }
0x1d1: {  	_ =	swait.ge [sflag:s9], $0x3E80  }
0x1d2: {  	[sflag:s9] =	ssyncset.done $0x0  }
0x1d3: {  	s1 =	rddreg [dreg:$0x14];
	[sflag:s9] =	ssyncadd.s32 $0xFFFFC180  }
0x1d4: {  	[spmem:s2] =	stream.indirect.scatter.add.f32 [tilespmem:s6], [sflag:$0x2], $0x80, s1, s7, $0xb8;
	[tilespmem:$0x19400] =	vst v63  }
0x1d5: {  	_ =	swait.ge [sflag:s10], $0x3E80  }
0x1d6: {  	[sflag:s10] =	ssyncset.done $0x0  }
0x1d7: {  	s31 =	rddreg [dreg:$0x15];
	[sflag:s10] =	ssyncadd.s32 $0xFFFFC180  }
0x1d8: {  	[spmem:s2] =	stream.indirect.scatter.add.f32 [tilespmem:s6], [sflag:$0x3], $0x80, s31, s7, $0xb8;
	[tilespmem:$0x19400] =	vst v63  }
0x1d9: {  	_ =	swait.ge [sflag:s11], $0x3E80  }
0x1da: {  	[sflag:s11] =	ssyncset.done $0x0  }
0x1db: {  	s1 =	rddreg [dreg:$0x16];
	[sflag:s11] =	ssyncadd.s32 $0xFFFFC180  }
0x1dc: {  	[spmem:s2] =	stream.indirect.scatter.add.f32 [tilespmem:s6], [sflag:$0x4], $0x80, s1, s7, $0xb8;
	[tilespmem:$0x19400] =	vst v63  }
0x1dd: {  	_ =	swait.ge [sflag:s8], $0x3E80  }
0x1de: {  	[sflag:s8] =	ssyncset.done $0x0  }
0x1df: {  	s31 =	rddreg [dreg:$0x17];
	[sflag:s8] =	ssyncadd.s32 $0xFFFFC180  }
0x1e0: {  	[spmem:s2] =	stream.indirect.scatter.add.f32 [tilespmem:s6], [sflag:$0x1], $0x80, s31, s7, $0xb8;
	[tilespmem:$0x19400] =	vst v63  }
0x1e1: {  	_ =	swait.ge [sflag:s9], $0x3E80  }
0x1e2: {  	[sflag:s9] =	ssyncset.done $0x0  }
0x1e3: {  	s1 =	rddreg [dreg:$0x18];
	[sflag:s9] =	ssyncadd.s32 $0xFFFFC180  }
0x1e4: {  	[spmem:s2] =	stream.indirect.scatter.add.f32 [tilespmem:s6], [sflag:$0x2], $0x80, s1, s7, $0xb8;
	[tilespmem:$0x19400] =	vst v63  }
0x1e5: {  	_ =	swait.ge [sflag:s10], $0x3E80  }
0x1e6: {  	[sflag:s10] =	ssyncset.done $0x0  }
0x1e7: {  	s31 =	rddreg [dreg:$0x19];
	[sflag:s10] =	ssyncadd.s32 $0xFFFFC180  }
0x1e8: {  	[spmem:s2] =	stream.indirect.scatter.add.f32 [tilespmem:s6], [sflag:$0x3], $0x80, s31, s7, $0xb8;
	[tilespmem:$0x19400] =	vst v63  }
0x1e9: {  	_ =	swait.ge [sflag:s11], $0x3E80  }
0x1ea: {  	[sflag:s11] =	ssyncset.done $0x0  }
0x1eb: {  	s1 =	rddreg [dreg:$0x1a];
	[sflag:s11] =	ssyncadd.s32 $0xFFFFC180  }
0x1ec: {  	[spmem:s2] =	stream.indirect.scatter.add.f32 [tilespmem:s6], [sflag:$0x4], $0x80, s1, s7, $0xb8;
	[tilespmem:$0x19400] =	vst v63  }
0x1ed: {  	_ =	swait.ge [sflag:s8], $0x3E80  }
0x1ee: {  	[sflag:s8] =	ssyncset.done $0x0  }
0x1ef: {  	s31 =	rddreg [dreg:$0x1b];
	[sflag:s8] =	ssyncadd.s32 $0xFFFFC180  }
0x1f0: {  	[spmem:s2] =	stream.indirect.scatter.add.f32 [tilespmem:s6], [sflag:$0x1], $0x80, s31, s7, $0xb8;
	[tilespmem:$0x19400] =	vst v63  }
0x1f1: {  	_ =	swait.ge [sflag:s9], $0x3E80  }
0x1f2: {  	[sflag:s9] =	ssyncset.done $0x0  }
0x1f3: {  	s1 =	rddreg [dreg:$0x1c];
	[sflag:s9] =	ssyncadd.s32 $0xFFFFC180  }
0x1f4: {  	[spmem:s2] =	stream.indirect.scatter.add.f32 [tilespmem:s6], [sflag:$0x2], $0x80, s1, s7, $0xb8;
	[tilespmem:$0x19400] =	vst v63  }
0x1f5: {  	_ =	swait.ge [sflag:s10], $0x3E80  }
0x1f6: {  	[sflag:s10] =	ssyncset.done $0x0  }
0x1f7: {  	[sflag:s10] =	ssyncadd.s32 $0xFFFFC180  }
0x1f8: {  	[spmem:s2] =	stream.indirect.scatter.add.f32 [tilespmem:s6], [sflag:$0x3], $0x80, s13, s7, $0xb8;
	[tilespmem:$0x19400] =	vst v63  }
0x1f9: {  	_ =	swait.ge [sflag:s11], $0x3E80  }
0x1fa: {  	[sflag:s11] =	ssyncset.done $0x0  }
0x1fb: {  	[sflag:s11] =	ssyncadd.s32 $0xFFFFC180  }
0x1fc: {  	[spmem:s2] =	stream.indirect.scatter.add.f32 [tilespmem:s6], [sflag:$0x4], $0x80, s30, s7, $0xb8;
	[tilespmem:$0x19400] =	vst v63  }
0x1fd: {  	_ =	swait.ge [sflag:s8], $0x3E80  }
0x1fe: {  	[sflag:s8] =	ssyncset.done $0x0  }
0x1ff: {  	[sflag:s8] =	ssyncadd.s32 $0xFFFFC180  }
0x200: {  	[spmem:s2] =	stream.indirect.scatter.add.f32 [tilespmem:s6], [sflag:$0x1], $0x80, s29, s7, $0xb8;
	[tilespmem:$0x19400] =	vst v63  }
0x201: {  	_ =	swait.ge [sflag:s9], $0x3E80  }
0x202: {  	[sflag:s9] =	ssyncset.done $0x0  }
0x203: {  	[sflag:s9] =	ssyncadd.s32 $0xFFFFC180  }
0x204: {  	[spmem:s2] =	stream.indirect.scatter.add.f32 [tilespmem:s6], [sflag:$0x2], $0x80, s28, s7, $0xb8;
	[tilespmem:$0x19400] =	vst v63  }
0x205: {  	_ =	swait.ge [sflag:s10], $0x3E80  }
0x206: {  	[sflag:s10] =	ssyncset.done $0x0  }
0x207: {  	[sflag:s10] =	ssyncadd.s32 $0xFFFFC180  }
0x208: {  	[spmem:s2] =	stream.indirect.scatter.add.f32 [tilespmem:s6], [sflag:$0x3], $0x80, s26, s7, $0xb8;
	[tilespmem:$0x19400] =	vst v63  }
0x209: {  	_ =	swait.ge [sflag:s11], $0x3E80  }
0x20a: {  	[sflag:s11] =	ssyncset.done $0x0  }
0x20b: {  	[sflag:s11] =	ssyncadd.s32 $0xFFFFC180  }
0x20c: {  	[spmem:s2] =	stream.indirect.scatter.add.f32 [tilespmem:s6], [sflag:$0x4], $0x80, s25, s7, $0xb8;
	[tilespmem:$0x19400] =	vst v63  }
0x20d: {  	_ =	swait.ge [sflag:s8], $0x3E80  }
0x20e: {  	[sflag:s8] =	ssyncset.done $0x0  }
0x20f: {  	[sflag:s8] =	ssyncadd.s32 $0xFFFFC180  }
0x210: {  	[spmem:s2] =	stream.indirect.scatter.add.f32 [tilespmem:s6], [sflag:$0x1], $0x80, s24, s7, $0xb8;
	[tilespmem:$0x19400] =	vst v63  }
0x211: {  	_ =	swait.ge [sflag:s9], $0x3E80  }
0x212: {  	[sflag:s9] =	ssyncset.done $0x0  }
0x213: {  	[sflag:s9] =	ssyncadd.s32 $0xFFFFC180  }
0x214: {  	[spmem:s2] =	stream.indirect.scatter.add.f32 [tilespmem:s6], [sflag:$0x2], $0x80, s23, s7, $0xb8;
	[tilespmem:$0x19400] =	vst v63  }
0x215: {  	_ =	swait.ge [sflag:s10], $0x3E80  }
0x216: {  	[sflag:s10] =	ssyncset.done $0x0  }
0x217: {  	[sflag:s10] =	ssyncadd.s32 $0xFFFFC180  }
0x218: {  	[spmem:s2] =	stream.indirect.scatter.add.f32 [tilespmem:s6], [sflag:$0x3], $0x80, s22, s7, $0xb8;
	[tilespmem:$0x19400] =	vst v63  }
0x219: {  	_ =	swait.ge [sflag:s11], $0x3E80  }
0x21a: {  	[sflag:s11] =	ssyncset.done $0x0  }
0x21b: {  	[sflag:s11] =	ssyncadd.s32 $0xFFFFC180  }
0x21c: {  	[spmem:s2] =	stream.indirect.scatter.add.f32 [tilespmem:s6], [sflag:$0x4], $0x80, s21, s7, $0xb8;
	[tilespmem:$0x19400] =	vst v63  }
0x21d: {  	_ =	swait.ge [sflag:s8], $0x3E80  }
0x21e: {  	[sflag:s8] =	ssyncset.done $0x0  }
0x21f: {  	[sflag:s8] =	ssyncadd.s32 $0xFFFFC180  }
0x220: {  	[spmem:s2] =	stream.indirect.scatter.add.f32 [tilespmem:s6], [sflag:$0x1], $0x80, s20, s7, $0xb8;
	[tilespmem:$0x19400] =	vst v63  }
0x221: {  	_ =	swait.ge [sflag:s9], $0x3E80  }
0x222: {  	[sflag:s9] =	ssyncset.done $0x0  }
0x223: {  	[sflag:s9] =	ssyncadd.s32 $0xFFFFC180  }
0x224: {  	[spmem:s2] =	stream.indirect.scatter.add.f32 [tilespmem:s6], [sflag:$0x2], $0x80, s18, s7, $0xb8;
	[tilespmem:$0x19400] =	vst v63  }
0x225: {  	_ =	swait.ge [sflag:s10], $0x3E80  }
0x226: {  	[sflag:s10] =	ssyncset.done $0x0  }
0x227: {  	[sflag:s10] =	ssyncadd.s32 $0xFFFFC180  }
0x228: {  	[spmem:s2] =	stream.indirect.scatter.add.f32 [tilespmem:s6], [sflag:$0x3], $0x80, s19, s7, $0xb8;
	[tilespmem:$0x19400] =	vst v63  }
0x229: {  	_ =	swait.ge [sflag:s11], $0x3E80  }
0x22a: {  	[sflag:s11] =	ssyncset.done $0x0  }
0x22b: {  	[sflag:s11] =	ssyncadd.s32 $0xFFFFC180  }
0x22c: {  	[spmem:s2] =	stream.indirect.scatter.add.f32 [tilespmem:s6], [sflag:$0x4], $0x80, s17, s7, $0xb8;
	[tilespmem:$0x19400] =	vst v63  }
0x22d: {  	_ =	swait.ge [sflag:s8], $0x3E80  }
0x22e: {  	[sflag:s8] =	ssyncset.done $0x0  }
0x22f: {  	[sflag:s8] =	ssyncadd.s32 $0xFFFFC180  }
0x230: {  	[spmem:s2] =	stream.indirect.scatter.add.f32 [tilespmem:s6], [sflag:$0x1], $0x80, s16, s7, $0xb8;
	[tilespmem:$0x19400] =	vst v63  }
0x231: {  	_ =	swait.ge [sflag:s9], $0x3E80  }
0x232: {  	[sflag:s9] =	ssyncset.done $0x0  }
0x233: {  	[sflag:s9] =	ssyncadd.s32 $0xFFFFC180  }
0x234: {  	[spmem:s2] =	stream.indirect.scatter.add.f32 [tilespmem:s6], [sflag:$0x2], $0x80, s15, s7, $0xb8;
	[tilespmem:$0x19400] =	vst v63  }
0x235: {  	_ =	swait.ge [sflag:s10], $0x3E80  }
0x236: {  	[sflag:s10] =	ssyncset.done $0x0  }
0x237: {  	[sflag:s10] =	ssyncadd.s32 $0xFFFFC180  }
0x238: {  	[spmem:s2] =	stream.indirect.scatter.add.f32 [tilespmem:s6], [sflag:$0x3], $0x80, s14, s7, $0xb8;
	[tilespmem:$0x19400] =	vst v63  }
0x239: {  	_ =	swait.ge [sflag:s11], $0x3E80  }
0x23a: {  	[sflag:s11] =	ssyncset.done $0x0  }
0x23b: {  	s29 =	simm.s32 $0x1380;
	[sflag:s11] =	ssyncadd.s32 $0xFFFFC180  }
0x23c: {  	[spmem:s2] =	stream.indirect.scatter.add.f32 [tilespmem:s6], [sflag:$0x4], $0x80, s29, s7, $0xb8;
	[tilespmem:$0x19400] =	vst v63  }
0x23d: {  	_ =	swait.ge [sflag:s8], $0x3E80  }
0x23e: {  	[sflag:s8] =	ssyncset.done $0x0  }
0x23f: {  	[sflag:s8] =	ssyncadd.s32 $0xFFFFC180  }
0x240: {  	_ =	swait.ge [sflag:s9], $0x3E80  }
0x241: {  	[sflag:s9] =	ssyncset.done $0x0  }
0x242: {  	[sflag:s9] =	ssyncadd.s32 $0xFFFFC180  }
0x243: {  	_ =	swait.ge [sflag:s10], $0x3E80  }
0x244: {  	[sflag:s10] =	ssyncset.done $0x0  }
0x245: {  	[sflag:s10] =	ssyncadd.s32 $0xFFFFC180  }
0x246: {  	_ =	swait.ge [sflag:s11], $0x3E80  }
0x247: {  	[sflag:s11] =	ssyncset.done $0x0  }
0x248: {  	[sflag:s11] =	ssyncadd.s32 $0xFFFFC180  }
0x249: {  	[bflag:$0x0] =	sbarrier.arrive $0xFFFF  }
0x24a: {  	s30 =	rddreg [dreg:$0x7]  }
0x24b: {  	[hbm:s30], [sflag:s3] =	dma.local [spmem:s4], $0x2800  }
0x24c: {  	_ =	swait.ge [sflag:s5], $0x2800  }
0x24d: {  	[sflag:s5] =	ssyncset.done $0x0  }
0x24e: {  	[sflag:s5] =	ssyncadd.s32 $0xFFFFD800  }
0x24f: {  	_ =	sfence.sel $0x180000  }
0x250: {  	s31 =	stileid.u32;
	[bflag:$0x0] =	sbarrier.arrive $0xFFFF  }
0x251: {  	p0 =	sne.s32 s31, $0x0;
	_ =	strace $0x90000047  }
0x252: {  	s0 =	sadd.s32 @!p0 $0x100000, s12;
	[bflag:$0x2] =	sbarrier.arrive $0xFFFF  }
0x253: {  	[sflag:s0] =	ssyncadd.tile.s32 @!p0 $0x1;
	_ =	shalt  }
.LBB2_1:
0x254: {  	s13 =	simm.s32 $0xB00;
	s30 =	simm.s32 $0xB80;
	s29 =	simm.s32 $0xC00  }
.Ltmp3:
0x255: {  	s28 =	simm.s32 $0xC80;
	s26 =	simm.s32 $0xD00;
	(pc) =	sbr.rel .LBB2_6-.Ltmp3, $4  }
0x256: {  	s25 =	simm.s32 $0xD80;
	s24 =	simm.s32 $0xE00;
	s23 =	simm.s32 $0xE80  }
0x257: {  	s22 =	simm.s32 $0xF00;
	s21 =	simm.s32 $0xF80;
	s20 =	simm.s32 $0x1000  }
0x258: {  	s19 =	simm.s32 $0x1100;
	s18 =	simm.s32 $0x1080;
	s17 =	simm.s32 $0x1180  }
0x259: {  	s16 =	simm.s32 $0x1200;
	s15 =	simm.s32 $0x1280;
	s14 =	simm.s32 $0x1300  }
.LBB2_3:
0x25a: {  	s13 =	simm.s32 $0xB00  }
0x25b: {  	s30 =	simm.s32 $0xB80;
	s29 =	simm.s32 $0xC00;
	s28 =	simm.s32 $0xC80  }
.Ltmp4:
0x25c: {  	s26 =	simm.s32 $0xD00;
	s25 =	simm.s32 $0xD80;
	(pc) =	sbr.rel .LBB2_6-.Ltmp4, $4  }
0x25d: {  	s24 =	simm.s32 $0xE00;
	s23 =	simm.s32 $0xE80;
	s22 =	simm.s32 $0xF00  }
0x25e: {  	s21 =	simm.s32 $0xF80;
	s20 =	simm.s32 $0x1000;
	s19 =	simm.s32 $0x1100  }
0x25f: {  	s18 =	simm.s32 $0x1080;
	s17 =	simm.s32 $0x1180;
	s16 =	simm.s32 $0x1200  }
0x260: {  	s15 =	simm.s32 $0x1280;
	s14 =	simm.s32 $0x1300;
	s12 =	rddreg [dreg:$0x3]  }
.Lfunc_end2:
_tile_overlayer_lowered:
.L_overlay_start_2:
0x261: {  	(tag) =	ssettag $0x2  }
0x262: {  	s0 =	rddreg [dreg:$0x0];
	s2 =	stileid.u32  }
0x263: {  	s1 =	rddreg [dreg:$0x1];
	p0 =	sne.s32 s2, $0x0  }
0x264: {  	s3 =	rddreg [dreg:$0x2];
	[bflag:$0x3] =	sbarrier.arrive $0xFFFF;
	s2 =	simm.s32 @!p0 $0x1C05  }
0x265: {  	[timem:s3], [sflag:s2] =	dma.local @!p0 [hbm:s0], s1  }
0x266: {  	s0 =	simm.s32 @!p0 $0x5  }
0x267: {  	_ =	swait.ge @!p0 [sflag:s0], s1  }
0x268: {  	s1 =	ssub.s32 @!p0 $0x0, s1;
	[sflag:s0] =	ssyncset.done @!p0 $0x0  }
0x269: {  	[sflag:s0] =	ssyncadd.s32 @!p0 s1  }
0x26a: {  	[bflag:$0x3] =	sbarrier.arrive $0xFFFF  }
0x26b: {  	_ =	shalt  }

// kernel: kernel.9.cloned.1.call-start
scs
__scs_entry_jumppad:
0x0: {  	(pc) =	sbr.rel $0x88, $3  }
0x1: {  	(tag) =	ssettag $0x0;
	lr =	simm.s32 $0x1  }
0x2: {  	[smem:$0x3F9D] =	sst lr;
	_ =	strace $0xD0000000  }
0x3: {  	_ = 	snop  }
0x4: {  	_ = 	snop  }
0x5: {  	_ = 	snop  }
0x6: {  	_ = 	snop  }
0x7: {  	_ = 	snop  }
__scs_overlays_trampoline_lowered:
0x8: {  	[smem:$0x3FAC] =	sst s0  }
0x9: {  	[smem:$0x3FAD] =	sst s1  }
0xa: {  	[smem:$0x3FAE] =	sst s2  }
0xb: {  	[smem:$0x3FAF] =	sst s3  }
0xc: {  	[smem:$0x3FB0] =	sst s4  }
0xd: {  	[smem:$0x3FB1] =	sst s5  }
0xe: {  	[smem:$0x3FB2] =	sst s6  }
0xf: {  	[smem:$0x3FB3] =	sst s7  }
0x10: {  	[smem:$0x3FB4] =	sst s8  }
0x11: {  	[smem:$0x3FB5] =	sst s9;
	s0 =	simm.s32 @!p0 $0x0  }
0x12: {  	s1 =	sld [smem:$0x3F9B];
	s0 =	simm.s32 @p0 $0x1  }
0x13: {  	[smem:$0x3FB6] =	sst s0;
	s0 =	simm.s32 @!p1 $0x0  }
0x14: {  	s2 =	sld [smem:$0x3F9A];
	s0 =	simm.s32 @p1 $0x1  }
0x15: {  	[smem:$0x3FB7] =	sst s0;
	s0 =	simm.s32 @!p2 $0x0  }
0x16: {  	s3 =	sld [smem:$0x3FDB];
	s0 =	simm.s32 @p2 $0x1  }
0x17: {  	s4 =	simm.s32 $0x1BF5;
	[smem:$0x3FB9] =	sst s0  }
0x18: {  	s0 =	sld [smem:$0x3F9C];
	_ =	swait.ge [sflag:s4], $0x0  }
0x19: {  	s7 =	sld [smem:$0x3F9D]  }
0x1a: {  	s8 =	sadd.s32 $0xFFFFE003, lr  }
0x1b: {  	s9 =	sadd.s32 $0xFFFFFEF7, lr;
	s5 =	simm.s32 $0xFFFFFFFF;
	p2 =	slt.u32 s8, $0xFFFFF086  }
0x1c: {  	p1 =	slt.u32 s9, $0xF7A;
	s5 =	simm.s32 @!p2 $0x0  }
0x1d: {  	s5 =	simm.s32 @p1 $0x1;
	p0 =	seq.s32 s7, s2  }
0x1e: {  	s7 =	smul.u32 @!p0 $0xF7A, s2;
	p2 =	seq.s32 @!p0 s5, $0x0  }
0x1f: {  	s9 =	smul.u32 $0xF7A, s1;
	s8 =	simm.s32 @!p0 $0x1BF5;
	p2 =	por !p2, p0  }
0x20: {  	[sflag:s8] =	ssyncset.s32 @!p0 $0xFFFFF086;
	s6 =	sadd.s32 @!p0 s3, s7;
	s7 =	simm.s32 @!p0 $0x108  }
0x21: {  	s3 =	sadd.s32 s3, s9;
	s6 =	sadd.s32 @!p0 $0x88, s6;
	s7 =	simm.s32 @p2 $0x1082  }
0x22: {  	[simem:s7], [sflag:s8] =	dma.local @!p0 [hbm:s6], $0xF7A  }
0x23: {  	s9 =	sor.u32 $0xD0000000, s2;
	s6 =	simm.s32 $0x108;
	_ =	swait.ge @!p0 [sflag:s8], $0x0  }
0x24: {  	s3 =	sadd.s32 $0x88, s3;
	s6 =	simm.s32 @!p1 $0x1082;
	[sflag:s4] =	ssyncset.s32 $0xFFFFF086  }
0x25: {  	[simem:s6], [sflag:s4] =	dma.local [hbm:s3], $0xF7A  }
0x26: {  	[smem:$0x3F9D] =	sst s1;
	(tag) =	ssettag s2;
	_ =	strace s9  }
0x27: {  	s1 =	sld [smem:$0x3FAD]  }
0x28: {  	s2 =	sld [smem:$0x3FAE]  }
0x29: {  	s4 =	sld [smem:$0x3FB0]  }
0x2a: {  	p0 =	seq.s32 s5, $0x0;
	s5 =	sld [smem:$0x3FB1]  }
0x2b: {  	s6 =	sld [smem:$0x3FB2]  }
0x2c: {  	s7 =	sld [smem:$0x3FB3]  }
0x2d: {  	s3 =	simm.s32 $0x108;
	s8 =	sld [smem:$0x3FB4]  }
0x2e: {  	s3 =	simm.s32 @!p0 $0x1082;
	s9 =	sld [smem:$0x3FB5]  }
0x2f: {  	lr =	sadd.s32 s0, s3;
	s0 =	sld [smem:$0x3FAC]  }
0x30: {  	s3 =	sld [smem:$0x3FAF]  }
0x31: {  	[smem:$0x3FB8] =	sst s10  }
0x32: {  	s10 =	sld [smem:$0x3FB6];
	_ =	sdelay $0x3  }
0x33: {  	p0 =	seq.s32 s10, $0x1;
	s10 =	sld [smem:$0x3FB8];
	_ =	sdelay $0x3  }
0x34: {  	[smem:$0x3FB8] =	sst s10  }
0x35: {  	s10 =	sld [smem:$0x3FB7];
	_ =	sdelay $0x3  }
0x36: {  	p1 =	seq.s32 s10, $0x1;
	s10 =	sld [smem:$0x3FB8];
	_ =	sdelay $0x3  }
0x37: {  	[smem:$0x3FB8] =	sst s10  }
0x38: {  	s10 =	sld [smem:$0x3FB9]  }
0x39: {  	_ = 	snop;
	(pc) =	sbr.ind lr, $3  }
0x3a: {  	_ = 	snop  }
0x3b: {  	_ = 	snop  }
0x3c: {  	p2 =	seq.s32 s10, $0x1;
	s10 =	sld [smem:$0x3FB8]  }
0x3d: {  	_ =	shalt  }
0x3e: {  	_ =	shalt  }
0x3f: {  	_ =	shalt  }
0x40: {  	_ =	shalt  }
0x41: {  	_ =	shalt  }
0x42: {  	_ =	shalt  }
0x43: {  	_ =	shalt  }
0x44: {  	_ =	shalt  }
0x45: {  	_ =	shalt  }
0x46: {  	_ =	shalt  }
0x47: {  	_ =	shalt  }
0x48: {  	_ =	shalt  }
0x49: {  	_ =	shalt  }
0x4a: {  	_ =	shalt  }
0x4b: {  	_ =	shalt  }
0x4c: {  	_ =	shalt  }
0x4d: {  	_ =	shalt  }
0x4e: {  	_ =	shalt  }
0x4f: {  	_ =	shalt  }
0x50: {  	_ =	shalt  }
0x51: {  	_ =	shalt  }
0x52: {  	_ =	shalt  }
0x53: {  	_ =	shalt  }
0x54: {  	_ =	shalt  }
0x55: {  	_ =	shalt  }
0x56: {  	_ =	shalt  }
0x57: {  	_ =	shalt  }
0x58: {  	_ =	shalt  }
0x59: {  	_ =	shalt  }
0x5a: {  	_ =	shalt  }
0x5b: {  	_ =	shalt  }
0x5c: {  	_ =	shalt  }
0x5d: {  	_ =	shalt  }
0x5e: {  	_ =	shalt  }
0x5f: {  	_ =	shalt  }
0x60: {  	_ =	shalt  }
0x61: {  	_ =	shalt  }
0x62: {  	_ =	shalt  }
0x63: {  	_ =	shalt  }
0x64: {  	_ =	shalt  }
0x65: {  	_ =	shalt  }
0x66: {  	_ =	shalt  }
0x67: {  	_ =	shalt  }
0x68: {  	_ =	shalt  }
0x69: {  	_ =	shalt  }
0x6a: {  	_ =	shalt  }
0x6b: {  	_ =	shalt  }
0x6c: {  	_ =	shalt  }
0x6d: {  	_ =	shalt  }
0x6e: {  	_ =	shalt  }
0x6f: {  	_ =	shalt  }
0x70: {  	_ =	shalt  }
0x71: {  	_ =	shalt  }
0x72: {  	_ =	shalt  }
0x73: {  	_ =	shalt  }
0x74: {  	_ =	shalt  }
0x75: {  	_ =	shalt  }
0x76: {  	_ =	shalt  }
0x77: {  	_ =	shalt  }
0x78: {  	_ =	shalt  }
0x79: {  	_ =	shalt  }
0x7a: {  	_ =	shalt  }
0x7b: {  	_ =	shalt  }
0x7c: {  	_ =	shalt  }
0x7d: {  	_ =	shalt  }
0x7e: {  	_ =	shalt  }
0x7f: {  	_ =	shalt  }
0x80: {  	_ =	shalt  }
0x81: {  	_ =	shalt  }
0x82: {  	_ =	shalt  }
0x83: {  	_ =	shalt  }
0x84: {  	_ =	shalt  }
0x85: {  	_ =	shalt  }
0x86: {  	_ =	shalt  }
0x87: {  	_ =	shalt  }
.Lfunc_end0:
.L_simem_size_0:
called_computation.1_lowered:
.L_overlay_start_0:
0x88: {  	s2 =	sld [smem:$0x3FD9]  }
0x89: {  	s3 =	sld [smem:$0x3FFE];
	_ =	sdelay $0x1  }
0x8a: {  	s1 =	srdreg.scid  }
0x8b: {  	s0 =	sand.u32 $0x1, s1  }
0x8c: {  	s17 =	sshll.u32 s0, $0xA;
	s2 =	sadd.s32 s3, s2  }
0x8d: {  	s2 =	sadd.s32 s2, s17  }
0x8e: {  	[smem:$0x3FC4] =	sst s2  }
0x8f: {  	_ = 	snop  }
0x90: {  	s2 =	sld [smem:$0x3FD0];
	(tm) =	ssettm $0x1  }
0x91: {  	s18 =	sld [smem:$0x3FFB];
	_ =	sdelay $0x3  }
0x92: {  	_ =	strace s18  }
0x93: {  	s3 =	sld [smem:$0x3FFC];
	_ =	sdelay $0x3  }
0x94: {  	_ =	strace s3  }
0x95: {  	s3 =	sld [smem:$0x3FFD];
	_ =	sdelay $0x3  }
0x96: {  	_ =	strace s3  }
0x97: {  	_ =	strace $0x8FFFFFFF  }
0x98: {  	s19 =	sld [smem:$0x3FDB];
	_ =	sdelay $0x1  }
0x99: {  	s4 =	simm.s32 $_scs_section_size  }
0x9a: {  	s5 =	simm.s32 $_size__tile_overlayer_lowered;
	s6 =	simm.s32 $_tile_overlayer_lowered  }
0x9b: {  	s22 =	simm.s32 $0x1BFF;
	s21 =	sshll.u32 s6, $0x1;
	s3 =	sadd.s32 s4, s19  }
0x9c: {  	s7 =	simm.s32 $0x0;
	s20 =	sshll.u32 s5, $0x1;
	s5 =	sadd.s32 s21, s3  }
0x9d: {  	[timem:s7], [sflag:s22] =	dma.local [hbm:s5], s20  }
0x9e: {  	_ =	swait.ge [sflag:s22], s20  }
0x9f: {  	s4 =	ssub.s32 $0x0, s20;
	[sflag:s22] =	ssyncset.done $0x0  }
0xa0: {  	[sflag:s22] =	ssyncadd.s32 s4;
	_ =	sdelay $0x1  }
0xa1: {  	s23 =	simm.s32 $0x1B8B  }
0xa2: {  	_ =	swait.ge [sflag:s23], $0x1  }
0xa3: {  	[sflag:s23] =	ssyncset.done $0x0  }
0xa4: {  	s25 =	simm.s32 $0x1B8E;
	s24 =	sld [smem:$0x3FFE];
	[sflag:s23] =	ssyncadd.s32 $0xFFFFFFFF  }
0xa5: {  	s26 =	simm.s32 $execute0_lowered;
	[smem:$0x3FD2] =	sst s25  }
0xa6: {  	s5 =	sshll.u32 s26, $0x1;
	_ =	strace $0x80000049;
	[dreg:$0x1] =	wrdreg $0xFFFFFFFF  }
0xa7: {  	s28 =	simm.s32 $_size_execute0_lowered;
	s3 =	sadd.s32 s3, s5;
	[dreg:$0x0] =	wrdreg $0x0  }
0xa8: {  	s5 =	sshll.u32 s28, $0x1;
	[dreg:$0x2] =	wrdreg s3  }
0xa9: {  	[dreg:$0x3] =	wrdreg s5  }
0xaa: {  	[dreg:$0x4] =	wrdreg $0xC0  }
0xab: {  	_ =	task [dreg:s7], $0x5FFFF  }
0xac: {  	[dreg:$0x1] =	wrdreg $0xFFFFFFFF  }
0xad: {  	[dreg:$0x0] =	wrdreg $0x60  }
0xae: {  	[dreg:$0x2] =	wrdreg s2  }
0xaf: {  	[dreg:$0x3] =	wrdreg s24  }
0xb0: {  	[dreg:$0x4] =	wrdreg $0xA2000  }
0xb1: {  	[dreg:$0x5] =	wrdreg $0x9  }
0xb2: {  	_ =	task.clear_ibuf [dreg:s7], $0x6FFFF;
	_ =	strace $0x90000049  }
0xb3: {  	s29 =	simm.s32 $0x9;
	_ =	strace $0x8000004B  }
0xb4: {  	_ =	swait.ge [sflag:s29], $0x1  }
0xb5: {  	[sflag:s29] =	ssyncadd.s32 $0xFFFFFFFF  }
0xb6: {  	_ =	strace $0x9000004B  }
0xb7: {  	_ =	sfence  }
0xb8: {  	s30 =	sld [smem:$0x0];
	_ =	sdelay $0x2  }
0xb9: {  	s31 =	sshll.u32 s1, $0xD;
	s1 =	sshrl.u32 s1, $0x2  }
0xba: {  	s3 =	sand.u32 $0x4000, s31;
	s1 =	sadd.s32 s1, s30  }
0xbb: {  	s0 =	sor.u32 s3, s0;
	s1 =	sshll.u32 s1, $0x11  }
0xbc: {  	s0 =	sor.u32 s1, s0  }
0xbd: {  	s0 =	sadd.s32 $0x8F2B, s0  }
0xbe: {  	[sflag:s0] =	ssyncadd.remote.s32 $0x1  }
0xbf: {  	_ =	sfence.sel $0xFFFF  }
0xc0: {  	[dreg:$0x0] =	wrdreg $0xFFFFFFFF;
	(pc) =	sbr.abs _section_cstart, $3  }
0xc1: {  	[dreg:$0x1] =	wrdreg $0xFFFFFFFF  }
0xc2: {  	_ =	task.clear_ibuf [dreg:s7], $0x2FFFF;
	_ =	strace $0x9FFFFFFF  }
0xc3: {  	(tm) =	ssettm $0x7FFFFFFF  }
tec
execute0_lowered:
.L_overlay_start_1:
0x0: {  	(tag) =	ssettag $0x1  }
0x1: {  	s1 =	rddreg [dreg:$0x0]  }
0x2: {  	s0 =	rddreg [dreg:$0x1]  }
0x3: {  	s2 =	rddreg [dreg:$0x2];
	s3 =	simm.s32 $0x0;
	s4 =	srdreg.scid  }
0x4: {  	s11 =	stileid.u32;
	s28 =	simm.s32 $0x100;
	s29 =	simm.s32 $0x200  }
0x5: {  	s30 =	simm.s32 $0x64;
	s31 =	simm.s32 $0x600;
	[smem:$0x7FF] =	sst s3  }
0x6: {  	s5 =	sadd.s32 $0x61600, s0;
	s6 =	sadd.s32 $0x54E00, s0;
	s8 =	smul.u32 $0x50000, s11  }
0x7: {  	s9 =	sadd.s32 $0x89600, s0;
	s10 =	smul.u32 $0x6400, s11;
	s0 =	sadd.s32 $0xB1600, s0  }
0x8: {  	s26 =	smul.u32 $0x2800, s11;
	_ =	strace $0x8000004A;
	[dreg:$0x4] =	wrdreg s9  }
0x9: {  	s4 =	sand.u32 $0x1, s4;
	s23 =	smul.u32 $0xC80, s11;
	[dreg:$0x5] =	wrdreg s0  }
0xa: {  	s7 =	ssub.s32 $0x2, s4;
	s14 =	sadd.s32 s1, s26;
	[dreg:$0x6] =	wrdreg s26  }
0xb: {  	s13 =	sshrl.u32 s10, $0x3;
	s24 =	sadd.s32 s5, s26;
	[dreg:$0x7] =	wrdreg s14  }
0xc: {  	s25 =	sshrl.u32 s7, $0x1;
	s15 =	sadd.s32 s6, s13;
	[dreg:$0x12] =	wrdreg s24  }
0xd: {  	s0 =	ssub.s32 s7, s25;
	s25 =	sshll.u32 s11, $0x6;
	[dreg:$0x8] =	wrdreg s15  }
0xe: {  	p0 =	seq.s32 s4, $0x1;
	s7 =	sadd.s32 $0x20, s15;
	[dreg:$0x13] =	wrdreg s25  }
0xf: {  	s9 =	simm.s32 $0x300;
	s16 =	sadd.s32 $0x40, s15;
	[dreg:$0x9] =	wrdreg s7  }
0x10: {  	s12 =	sshrl.u32 s8, $0x2;
	s17 =	sadd.s32 $0x60, s15;
	[dreg:$0xa] =	wrdreg s16  }
0x11: {  	s23 =	sadd.s32 s23, s6;
	s18 =	sadd.s32 $0x80, s15;
	[dreg:$0xb] =	wrdreg s17  }
0x12: {  	s4 =	sadd.s32 s12, s2;
	s19 =	sadd.s32 $0xA0, s15;
	[dreg:$0xc] =	wrdreg s18  }
0x13: {  	s12 =	simm.s32 $0x400;
	s20 =	sadd.s32 $0xC0, s15;
	[dreg:$0xd] =	wrdreg s19  }
0x14: {  	s13 =	simm.s32 $0xA;
	s21 =	sadd.s32 $0xE0, s15;
	[dreg:$0xe] =	wrdreg s20  }
0x15: {  	s14 =	simm.s32 $0x4;
	s22 =	sadd.s32 $0x100, s15;
	[dreg:$0xf] =	wrdreg s21  }
0x16: {  	s24 =	simm.s32 $0xC;
	s8 =	sadd.s32 $0xC60, s15;
	[dreg:$0x10] =	wrdreg s22  }
0x17: {  	s6 =	simm.s32 $0x2;
	s0 =	smax.u32 s0, $0x1;
	[dreg:$0x11] =	wrdreg s8  }
0x18: {  	s26 =	sor.u32 $0x1C0D, s25;
	s15 =	simm.s32 $0x9;
	[dreg:$0x14] =	wrdreg s0  }
.Ltmp0:
0x19: {  	s25 =	simm.s32 $0x1;
	[dreg:$0x15] =	wrdreg s26;
	(pc) =	sbr.rel .LBB2_1-.Ltmp0, $4  }
0x1a: {  	s22 =	sshrl.u32 s4, $0x3;
	s0 =	simm.s32 $0x3A00;
	s4 =	simm.s32 $0x7  }
0x1b: {  	s7 =	simm.s32 $0x3;
	s20 =	simm.s32 $0x6E00;
	s21 =	simm.s32 $0x8  }
0x1c: {  	s17 =	simm.s32 $0x500;
	s18 =	simm.s32 $0xB;
	s19 =	simm.s32 $0x5  }
0x1d: {  	s8 =	simm.s32 $0x6;
	s26 =	simm.s32 $0x0;
	[dreg:$0x16] =	wrdreg s22  }
.LBB2_7:
0x1e: {  	[tilespmem:s0], [sflag:$0x8] =	stream.indirect.gather [hbm4b:s5+s30], $0x80, s28, s30, $0xb8;
	[tilespmem:$0x1E200] =	vst v63  }
0x1f: {  	s11 =	rddreg [dreg:$0x5]  }
0x20: {  	s26 =	rddreg [dreg:$0x15]  }
0x21: {  	[dreg:$0x18] =	wrdreg s26  }
0x22: {  	s10 =	simm.s32 $0x180;
	s16 =	smov.u32 s5;
	s26 =	rddreg [dreg:$0x17]  }
.LBB2_8:
0x23: {  	_ =	swait.ge [sflag:s4], $0x3200  }
0x24: {  	[sflag:s4] =	ssyncset.done $0x0  }
0x25: {  	[sflag:s4] =	ssyncadd.s32 $0xFFFFCE00  }
0x26: {  	[spmem:s2] =	stream.indirect.scatter.add.f32 [tilespmem:s31], [sflag:$0xA], $0x80, s22, s30, $0xb8;
	[tilespmem:$0x1E200] =	vst v63  }
0x27: {  	s22 =	rddreg [dreg:$0x11]  }
0x28: {  	[tilespmem:s9], [sflag:$0x4] =	stream.linear.gather [hbm4b:s22+s3], $0x100, $0x38;
	[tilespmem:$0x1E200] =	vst v63  }
0x29: {  	_ =	swait.ge [sflag:s24], $0x3200  }
0x2a: {  	[sflag:s24] =	ssyncset.done $0x0  }
0x2b: {  	[sflag:s24] =	ssyncadd.s32 $0xFFFFCE00  }
0x2c: {  	_ =	swait.ge [sflag:s7], $0x100  }
0x2d: {  	[sflag:s7] =	ssyncset.done $0x0  }
0x2e: {  	[sflag:s7] =	ssyncadd.s32 $0xFFFFFF00  }
0x2f: {  	[tilespmem:s20], [sflag:$0x9] =	stream.indirect.gather [hbm4b:s16+s30], $0x80, s29, s30, $0xb8;
	[tilespmem:$0x1E200] =	vst v63  }
0x30: {  	_ =	swait.ge [sflag:s21], $0x3200  }
0x31: {  	[sflag:s21] =	ssyncset.done $0x0  }
0x32: {  	[sflag:s21] =	ssyncadd.s32 $0xFFFFCE00  }
0x33: {  	[spmem:s2] =	stream.indirect.scatter.add.f32 [tilespmem:s0], [sflag:$0xB], $0x80, s10, s30, $0xb8;
	[tilespmem:$0x1E200] =	vst v63  }
0x34: {  	_ =	swait.ge [sflag:s13], $0x3200  }
0x35: {  	[sflag:s13] =	ssyncset.done $0x0  }
0x36: {  	[sflag:s13] =	ssyncadd.s32 $0xFFFFCE00  }
0x37: {  	_ =	swait.ge [sflag:s14], $0x100  }
0x38: {  	[sflag:s14] =	ssyncset.done $0x0  }
0x39: {  	[sflag:s14] =	ssyncadd.s32 $0xFFFFFF00  }
0x3a: {  	[tilespmem:s31], [sflag:$0x7] =	stream.indirect.gather [hbm4b:s16+s30], $0x80, s9, s30, $0xb8;
	[tilespmem:$0x1E200] =	vst v63  }
0x3b: {  	_ =	swait.ge [sflag:s15], $0x3200  }
0x3c: {  	[sflag:s15] =	ssyncset.done $0x0  }
0x3d: {  	s16 =	simm.s32 $0x280;
	[sflag:s15] =	ssyncadd.s32 $0xFFFFCE00  }
0x3e: {  	[spmem:s2] =	stream.indirect.scatter.add.f32 [tilespmem:s20], [sflag:$0xC], $0x80, s16, s30, $0xb8;
	[tilespmem:$0x1E200] =	vst v63  }
0x3f: {  	_ =	swait.ge [sflag:s18], $0x3200  }
0x40: {  	[sflag:s18] =	ssyncset.done $0x0  }
0x41: {  	[sflag:s18] =	ssyncadd.s32 $0xFFFFCE00  }
0x42: {  	_ =	swait.ge [sflag:s4], $0x3200  }
0x43: {  	[sflag:s4] =	ssyncset.done $0x0  }
0x44: {  	s22 =	simm.s32 $0x380;
	[sflag:s4] =	ssyncadd.s32 $0xFFFFCE00  }
0x45: {  	[spmem:s2] =	stream.indirect.scatter.add.f32 [tilespmem:s31], [sflag:$0xA], $0x80, s22, s30, $0xb8;
	[tilespmem:$0x1E200] =	vst v63  }
0x46: {  	_ =	swait.ge [sflag:s24], $0x3200  }
0x47: {  	[sflag:s24] =	ssyncset.done $0x0  }
0x48: {  	[sflag:s24] =	ssyncadd.s32 $0xFFFFCE00  }
0x49: {  	_ =	swait.ge [sflag:s13], $0x3200  }
0x4a: {  	[sflag:s13] =	ssyncset.done $0x0  }
0x4b: {  	[sflag:s13] =	ssyncadd.s32 $0xFFFFCE00  }
0x4c: {  	s10 =	rddreg [dreg:$0x6];
	[bflag:$0x0] =	sbarrier.arrive $0xFFFF  }
0x4d: {  	s22 =	rddreg [dreg:$0x16]  }
0x4e: {  	s11 =	sadd.s32 s11, s10;
	s16 =	rddreg [dreg:$0x18]  }
0x4f: {  	[hbm:s11], [sflag:s16] =	dma.local [spmem:s22], $0x2800  }
0x50: {  	s16 =	simm.s32 $0xD  }
0x51: {  	_ =	swait.ge [sflag:s16], $0x2800  }
0x52: {  	s26 =	sadd.s32 $0x1, s26;
	s10 =	rddreg [dreg:$0x14]  }
0x53: {  	p1 =	sne.s32 s26, s10  }
.Ltmp1:
0x54: {  	_ = 	snop;
	(pc) =	sbr.rel @!p1 .LBB2_9-.Ltmp1, $3  }
0x55: {  	_ =	sdelay $0x1  }
0x56: {  	[sflag:s16] =	ssyncset.done $0x0  }
0x57: {  	[sflag:s16] =	ssyncadd.s32 $0xFFFFD800  }
.LBB2_1:
.Ltmp2:
0x58: {  	(pc) =	sbr.rel @!p0 .LBB2_2-.Ltmp2, $2  }
0x59: {  	_ =	sdelay $0x2  }
0x5a: {  	[dreg:$0x17] =	wrdreg s26  }
0x5b: {  	s11 =	rddreg [dreg:$0x12]  }
0x5c: {  	s16 =	rddreg [dreg:$0x15]  }
0x5d: {  	[spmem:s22], [sflag:s16] =	dma.local [hbm:s11], $0x2800  }
0x5e: {  	s22 =	simm.s32 $0xD  }
0x5f: {  	_ =	swait.ge [sflag:s22], $0x2800  }
0x60: {  	[sflag:s22] =	ssyncset.done $0x0  }
0x61: {  	[sflag:s22] =	ssyncadd.s32 $0xFFFFD800  }
0x62: {  	[bflag:$0x0] =	sbarrier.arrive $0xFFFF  }
0x63: {  	s11 =	simm.s32 $0x0;
	s26 =	rddreg [dreg:$0x8]  }
0x64: {  	[tilespmem:s11], [sflag:$0xD] =	stream.linear.gather [hbm4b:s26+s11], $0x100, $0x38;
	[tilespmem:$0x1E200] =	vst v63  }
0x65: {  	_ =	swait.ge [sflag:s22], $0x100  }
0x66: {  	[sflag:s22] =	ssyncset.done $0x0  }
0x67: {  	s10 =	rddreg [dreg:$0x9];
	[sflag:s22] =	ssyncadd.s32 $0xFFFFFF00  }
0x68: {  	[tilespmem:s28], [sflag:$0xD] =	stream.linear.gather [hbm4b:s10+s11], $0x100, $0x38;
	[tilespmem:$0x1E200] =	vst v63  }
0x69: {  	_ =	swait.ge [sflag:s22], $0x100  }
0x6a: {  	[sflag:s22] =	ssyncset.done $0x0  }
0x6b: {  	[sflag:s22] =	ssyncadd.s32 $0xFFFFFF00;
	s22 =	rddreg [dreg:$0xa]  }
0x6c: {  	[tilespmem:s29], [sflag:$0x3] =	stream.linear.gather [hbm4b:s22+s11], $0x100, $0x38;
	[tilespmem:$0x1E200] =	vst v63  }
0x6d: {  	_ = 	snop  }
0x6e: {  	[tilespmem:s31], [sflag:$0x7] =	stream.indirect.gather [hbm4b:s5+s30], $0x80, s11, s30, $0xb8;
	[tilespmem:$0x1E200] =	vst v63  }
0x6f: {  	_ = 	snop  }
0x70: {  	[tilespmem:s0], [sflag:$0x8] =	stream.indirect.gather [hbm4b:s5+s30], $0x80, s28, s30, $0xb8;
	[tilespmem:$0x1E200] =	vst v63  }
0x71: {  	_ =	swait.ge [sflag:s4], $0x3200  }
0x72: {  	[sflag:s4] =	ssyncset.done $0x0  }
0x73: {  	s22 =	simm.s32 $0x80;
	[sflag:s4] =	ssyncadd.s32 $0xFFFFCE00  }
0x74: {  	[spmem:s2] =	stream.indirect.scatter.add.f32 [tilespmem:s31], [sflag:$0xA], $0x80, s22, s30, $0xb8;
	[tilespmem:$0x1E200] =	vst v63  }
0x75: {  	s26 =	rddreg [dreg:$0xb]  }
0x76: {  	[tilespmem:s9], [sflag:$0x4] =	stream.linear.gather [hbm4b:s26+s11], $0x100, $0x38;
	[tilespmem:$0x1E200] =	vst v63  }
0x77: {  	_ =	swait.ge [sflag:s7], $0x100  }
0x78: {  	[sflag:s7] =	ssyncset.done $0x0  }
0x79: {  	[sflag:s7] =	ssyncadd.s32 $0xFFFFFF00  }
0x7a: {  	[tilespmem:s20], [sflag:$0x9] =	stream.indirect.gather [hbm4b:s5+s30], $0x80, s29, s30, $0xb8;
	[tilespmem:$0x1E200] =	vst v63  }
0x7b: {  	_ =	swait.ge [sflag:s21], $0x3200  }
0x7c: {  	[sflag:s21] =	ssyncset.done $0x0  }
0x7d: {  	s10 =	simm.s32 $0x180;
	[sflag:s21] =	ssyncadd.s32 $0xFFFFCE00  }
0x7e: {  	[spmem:s2] =	stream.indirect.scatter.add.f32 [tilespmem:s0], [sflag:$0xB], $0x80, s10, s30, $0xb8;
	[tilespmem:$0x1E200] =	vst v63  }
0x7f: {  	s10 =	rddreg [dreg:$0xc]  }
0x80: {  	[tilespmem:s12], [sflag:$0x5] =	stream.linear.gather [hbm4b:s10+s11], $0x100, $0x38;
	[tilespmem:$0x1E200] =	vst v63  }
0x81: {  	_ =	swait.ge [sflag:s13], $0x3200  }
0x82: {  	[sflag:s13] =	ssyncset.done $0x0  }
0x83: {  	[sflag:s13] =	ssyncadd.s32 $0xFFFFCE00  }
0x84: {  	_ =	swait.ge [sflag:s14], $0x100  }
0x85: {  	[sflag:s14] =	ssyncset.done $0x0  }
0x86: {  	[sflag:s14] =	ssyncadd.s32 $0xFFFFFF00  }
0x87: {  	[tilespmem:s31], [sflag:$0x7] =	stream.indirect.gather [hbm4b:s5+s30], $0x80, s9, s30, $0xb8;
	[tilespmem:$0x1E200] =	vst v63  }
0x88: {  	_ =	swait.ge [sflag:s15], $0x3200  }
0x89: {  	[sflag:s15] =	ssyncset.done $0x0  }
0x8a: {  	s26 =	simm.s32 $0x280;
	[sflag:s15] =	ssyncadd.s32 $0xFFFFCE00  }
0x8b: {  	[spmem:s2] =	stream.indirect.scatter.add.f32 [tilespmem:s20], [sflag:$0xC], $0x80, s26, s30, $0xb8;
	[tilespmem:$0x1E200] =	vst v63  }
0x8c: {  	s10 =	rddreg [dreg:$0xd]  }
0x8d: {  	[tilespmem:s17], [sflag:$0x6] =	stream.linear.gather [hbm4b:s10+s11], $0x100, $0x38;
	[tilespmem:$0x1E200] =	vst v63  }
0x8e: {  	_ =	swait.ge [sflag:s18], $0x3200  }
0x8f: {  	[sflag:s18] =	ssyncset.done $0x0  }
0x90: {  	[sflag:s18] =	ssyncadd.s32 $0xFFFFCE00  }
0x91: {  	_ =	swait.ge [sflag:s19], $0x100  }
0x92: {  	[sflag:s19] =	ssyncset.done $0x0  }
0x93: {  	[sflag:s19] =	ssyncadd.s32 $0xFFFFFF00  }
0x94: {  	[tilespmem:s0], [sflag:$0x8] =	stream.indirect.gather [hbm4b:s5+s30], $0x80, s12, s30, $0xb8;
	[tilespmem:$0x1E200] =	vst v63  }
0x95: {  	_ =	swait.ge [sflag:s4], $0x3200  }
0x96: {  	[sflag:s4] =	ssyncset.done $0x0  }
0x97: {  	s16 =	simm.s32 $0x380;
	[sflag:s4] =	ssyncadd.s32 $0xFFFFCE00  }
0x98: {  	[spmem:s2] =	stream.indirect.scatter.add.f32 [tilespmem:s31], [sflag:$0xA], $0x80, s16, s30, $0xb8;
	[tilespmem:$0x1E200] =	vst v63  }
0x99: {  	s26 =	rddreg [dreg:$0xe]  }
0x9a: {  	[tilespmem:s11], [sflag:$0x1] =	stream.linear.gather [hbm4b:s26+s11], $0x100, $0x38;
	[tilespmem:$0x1E200] =	vst v63  }
0x9b: {  	_ =	swait.ge [sflag:s24], $0x3200  }
0x9c: {  	[sflag:s24] =	ssyncset.done $0x0  }
0x9d: {  	[sflag:s24] =	ssyncadd.s32 $0xFFFFCE00  }
0x9e: {  	_ =	swait.ge [sflag:s8], $0x100  }
0x9f: {  	[sflag:s8] =	ssyncset.done $0x0  }
0xa0: {  	[sflag:s8] =	ssyncadd.s32 $0xFFFFFF00  }
0xa1: {  	[tilespmem:s20], [sflag:$0x9] =	stream.indirect.gather [hbm4b:s5+s30], $0x80, s17, s30, $0xb8;
	[tilespmem:$0x1E200] =	vst v63  }
0xa2: {  	_ =	swait.ge [sflag:s21], $0x3200  }
0xa3: {  	[sflag:s21] =	ssyncset.done $0x0  }
0xa4: {  	s26 =	simm.s32 $0x480;
	[sflag:s21] =	ssyncadd.s32 $0xFFFFCE00  }
0xa5: {  	[spmem:s2] =	stream.indirect.scatter.add.f32 [tilespmem:s0], [sflag:$0xB], $0x80, s26, s30, $0xb8;
	[tilespmem:$0x1E200] =	vst v63  }
0xa6: {  	s10 =	rddreg [dreg:$0xf]  }
0xa7: {  	[tilespmem:s28], [sflag:$0x2] =	stream.linear.gather [hbm4b:s10+s11], $0x100, $0x38;
	[tilespmem:$0x1E200] =	vst v63  }
0xa8: {  	_ =	swait.ge [sflag:s13], $0x3200  }
0xa9: {  	[sflag:s13] =	ssyncset.done $0x0  }
0xaa: {  	[sflag:s13] =	ssyncadd.s32 $0xFFFFCE00  }
0xab: {  	_ =	swait.ge [sflag:s25], $0x100  }
0xac: {  	[sflag:s25] =	ssyncset.done $0x0  }
0xad: {  	[sflag:s25] =	ssyncadd.s32 $0xFFFFFF00  }
0xae: {  	[tilespmem:s31], [sflag:$0x7] =	stream.indirect.gather [hbm4b:s5+s30], $0x80, s11, s30, $0xb8;
	[tilespmem:$0x1E200] =	vst v63  }
0xaf: {  	_ =	swait.ge [sflag:s15], $0x3200  }
0xb0: {  	[sflag:s15] =	ssyncset.done $0x0  }
0xb1: {  	s16 =	simm.s32 $0x580;
	[sflag:s15] =	ssyncadd.s32 $0xFFFFCE00  }
0xb2: {  	[spmem:s2] =	stream.indirect.scatter.add.f32 [tilespmem:s20], [sflag:$0xC], $0x80, s16, s30, $0xb8;
	[tilespmem:$0x1E200] =	vst v63  }
0xb3: {  	s10 =	rddreg [dreg:$0x10]  }
0xb4: {  	[tilespmem:s29], [sflag:$0x3] =	stream.linear.gather [hbm4b:s10+s11], $0x100, $0x38;
	[tilespmem:$0x1E200] =	vst v63  }
0xb5: {  	_ =	swait.ge [sflag:s18], $0x3200  }
0xb6: {  	[sflag:s18] =	ssyncset.done $0x0  }
0xb7: {  	[sflag:s18] =	ssyncadd.s32 $0xFFFFCE00  }
0xb8: {  	_ =	swait.ge [sflag:s6], $0x100  }
0xb9: {  	[sflag:s6] =	ssyncset.done $0x0  }
0xba: {  	[sflag:s6] =	ssyncadd.s32 $0xFFFFFF00  }
0xbb: {  	[tilespmem:s0], [sflag:$0x8] =	stream.indirect.gather [hbm4b:s5+s30], $0x80, s28, s30, $0xb8;
	[tilespmem:$0x1E200] =	vst v63  }
0xbc: {  	_ =	swait.ge [sflag:s4], $0x3200  }
0xbd: {  	[sflag:s4] =	ssyncset.done $0x0  }
0xbe: {  	s11 =	sadd.s32 $0x0, s23;
	[sflag:s4] =	ssyncadd.s32 $0xFFFFCE00  }
0xbf: {  	[spmem:s2] =	stream.indirect.scatter.add.f32 [tilespmem:s31], [sflag:$0xA], $0x80, s22, s30, $0xb8;
	[tilespmem:$0x1E200] =	vst v63  }
0xc0: {  	s10 =	sadd.s32 $0x120, s11  }
0xc1: {  	[tilespmem:s9], [sflag:$0x4] =	stream.linear.gather [hbm4b:s10+s3], $0x100, $0x38;
	[tilespmem:$0x1E200] =	vst v63  }
0xc2: {  	_ =	swait.ge [sflag:s24], $0x3200  }
0xc3: {  	[sflag:s24] =	ssyncset.done $0x0  }
0xc4: {  	[sflag:s24] =	ssyncadd.s32 $0xFFFFCE00  }
0xc5: {  	_ =	swait.ge [sflag:s7], $0x100  }
0xc6: {  	[sflag:s7] =	ssyncset.done $0x0  }
0xc7: {  	[sflag:s7] =	ssyncadd.s32 $0xFFFFFF00  }
0xc8: {  	[tilespmem:s20], [sflag:$0x9] =	stream.indirect.gather [hbm4b:s5+s30], $0x80, s29, s30, $0xb8;
	[tilespmem:$0x1E200] =	vst v63  }
0xc9: {  	_ =	swait.ge [sflag:s21], $0x3200  }
0xca: {  	[sflag:s21] =	ssyncset.done $0x0  }
0xcb: {  	s16 =	simm.s32 $0x180;
	[sflag:s21] =	ssyncadd.s32 $0xFFFFCE00  }
0xcc: {  	[spmem:s2] =	stream.indirect.scatter.add.f32 [tilespmem:s0], [sflag:$0xB], $0x80, s16, s30, $0xb8;
	[tilespmem:$0x1E200] =	vst v63  }
0xcd: {  	s10 =	sadd.s32 $0x140, s11  }
0xce: {  	[tilespmem:s12], [sflag:$0x5] =	stream.linear.gather [hbm4b:s10+s3], $0x100, $0x38;
	[tilespmem:$0x1E200] =	vst v63  }
0xcf: {  	_ =	swait.ge [sflag:s13], $0x3200  }
0xd0: {  	[sflag:s13] =	ssyncset.done $0x0  }
0xd1: {  	[sflag:s13] =	ssyncadd.s32 $0xFFFFCE00  }
0xd2: {  	_ =	swait.ge [sflag:s14], $0x100  }
0xd3: {  	[sflag:s14] =	ssyncset.done $0x0  }
0xd4: {  	[sflag:s14] =	ssyncadd.s32 $0xFFFFFF00  }
0xd5: {  	[tilespmem:s31], [sflag:$0x7] =	stream.indirect.gather [hbm4b:s5+s30], $0x80, s9, s30, $0xb8;
	[tilespmem:$0x1E200] =	vst v63  }
0xd6: {  	_ =	swait.ge [sflag:s15], $0x3200  }
0xd7: {  	[sflag:s15] =	ssyncset.done $0x0  }
0xd8: {  	s16 =	simm.s32 $0x280;
	[sflag:s15] =	ssyncadd.s32 $0xFFFFCE00  }
0xd9: {  	[spmem:s2] =	stream.indirect.scatter.add.f32 [tilespmem:s20], [sflag:$0xC], $0x80, s16, s30, $0xb8;
	[tilespmem:$0x1E200] =	vst v63  }
0xda: {  	s10 =	sadd.s32 $0x160, s11  }
0xdb: {  	[tilespmem:s17], [sflag:$0x6] =	stream.linear.gather [hbm4b:s10+s3], $0x100, $0x38;
	[tilespmem:$0x1E200] =	vst v63  }
0xdc: {  	_ =	swait.ge [sflag:s18], $0x3200  }
0xdd: {  	[sflag:s18] =	ssyncset.done $0x0  }
0xde: {  	[sflag:s18] =	ssyncadd.s32 $0xFFFFCE00  }
0xdf: {  	_ =	swait.ge [sflag:s19], $0x100  }
0xe0: {  	[sflag:s19] =	ssyncset.done $0x0  }
0xe1: {  	[sflag:s19] =	ssyncadd.s32 $0xFFFFFF00  }
0xe2: {  	[tilespmem:s0], [sflag:$0x8] =	stream.indirect.gather [hbm4b:s5+s30], $0x80, s12, s30, $0xb8;
	[tilespmem:$0x1E200] =	vst v63  }
0xe3: {  	_ =	swait.ge [sflag:s4], $0x3200  }
0xe4: {  	[sflag:s4] =	ssyncset.done $0x0  }
0xe5: {  	s16 =	simm.s32 $0x380;
	[sflag:s4] =	ssyncadd.s32 $0xFFFFCE00  }
0xe6: {  	[spmem:s2] =	stream.indirect.scatter.add.f32 [tilespmem:s31], [sflag:$0xA], $0x80, s16, s30, $0xb8;
	[tilespmem:$0x1E200] =	vst v63  }
0xe7: {  	s10 =	sadd.s32 $0x180, s11  }
0xe8: {  	[tilespmem:s3], [sflag:$0x1] =	stream.linear.gather [hbm4b:s10+s3], $0x100, $0x38;
	[tilespmem:$0x1E200] =	vst v63  }
0xe9: {  	_ =	swait.ge [sflag:s24], $0x3200  }
0xea: {  	[sflag:s24] =	ssyncset.done $0x0  }
0xeb: {  	[sflag:s24] =	ssyncadd.s32 $0xFFFFCE00  }
0xec: {  	_ =	swait.ge [sflag:s8], $0x100  }
0xed: {  	[sflag:s8] =	ssyncset.done $0x0  }
0xee: {  	[sflag:s8] =	ssyncadd.s32 $0xFFFFFF00  }
0xef: {  	[tilespmem:s20], [sflag:$0x9] =	stream.indirect.gather [hbm4b:s5+s30], $0x80, s17, s30, $0xb8;
	[tilespmem:$0x1E200] =	vst v63  }
0xf0: {  	_ =	swait.ge [sflag:s21], $0x3200  }
0xf1: {  	[sflag:s21] =	ssyncset.done $0x0  }
0xf2: {  	[sflag:s21] =	ssyncadd.s32 $0xFFFFCE00  }
0xf3: {  	[spmem:s2] =	stream.indirect.scatter.add.f32 [tilespmem:s0], [sflag:$0xB], $0x80, s26, s30, $0xb8;
	[tilespmem:$0x1E200] =	vst v63  }
0xf4: {  	s26 =	sadd.s32 $0x1A0, s11  }
0xf5: {  	[tilespmem:s28], [sflag:$0x2] =	stream.linear.gather [hbm4b:s26+s3], $0x100, $0x38;
	[tilespmem:$0x1E200] =	vst v63  }
0xf6: {  	_ =	swait.ge [sflag:s13], $0x3200  }
0xf7: {  	[sflag:s13] =	ssyncset.done $0x0  }
0xf8: {  	[sflag:s13] =	ssyncadd.s32 $0xFFFFCE00  }
0xf9: {  	_ =	swait.ge [sflag:s25], $0x100  }
0xfa: {  	[sflag:s25] =	ssyncset.done $0x0  }
0xfb: {  	[sflag:s25] =	ssyncadd.s32 $0xFFFFFF00  }
0xfc: {  	[tilespmem:s31], [sflag:$0x7] =	stream.indirect.gather [hbm4b:s5+s30], $0x80, s3, s30, $0xb8;
	[tilespmem:$0x1E200] =	vst v63  }
0xfd: {  	_ =	swait.ge [sflag:s15], $0x3200  }
0xfe: {  	[sflag:s15] =	ssyncset.done $0x0  }
0xff: {  	s16 =	simm.s32 $0x580;
	[sflag:s15] =	ssyncadd.s32 $0xFFFFCE00  }
0x100: {  	[spmem:s2] =	stream.indirect.scatter.add.f32 [tilespmem:s20], [sflag:$0xC], $0x80, s16, s30, $0xb8;
	[tilespmem:$0x1E200] =	vst v63  }
0x101: {  	s11 =	sadd.s32 $0x1C0, s11  }
0x102: {  	[tilespmem:s29], [sflag:$0x3] =	stream.linear.gather [hbm4b:s11+s3], $0x100, $0x38;
	[tilespmem:$0x1E200] =	vst v63  }
0x103: {  	_ =	swait.ge [sflag:s18], $0x3200  }
0x104: {  	[sflag:s18] =	ssyncset.done $0x0  }
0x105: {  	[sflag:s18] =	ssyncadd.s32 $0xFFFFCE00  }
0x106: {  	_ =	swait.ge [sflag:s6], $0x100  }
0x107: {  	s10 =	simm.s32 $0x480;
	[sflag:s6] =	ssyncset.done $0x0  }
0x108: {  	s26 =	simm.s32 $0x580;
	s11 =	simm.s32 $0xC0;
	[sflag:s6] =	ssyncadd.s32 $0xFFFFFF00  }
.LBB2_6:
0x109: {  	[tilespmem:s0], [sflag:$0x8] =	stream.indirect.gather [hbm4b:s5+s30], $0x80, s28, s30, $0xb8;
	[tilespmem:$0x1E200] =	vst v63  }
0x10a: {  	s16 =	smov.u32 s11  }
0x10b: {  	p1 =	sne.s32 s11, $0xA80;
	s11 =	sadd.s32 $0xC0, s11;
	_ =	swait.ge [sflag:s4], $0x3200  }
0x10c: {  	[sflag:s4] =	ssyncset.done $0x0  }
0x10d: {  	s16 =	sadd.s32 s16, s23;
	[sflag:s4] =	ssyncadd.s32 $0xFFFFCE00  }
0x10e: {  	[spmem:s2] =	stream.indirect.scatter.add.f32 [tilespmem:s31], [sflag:$0xA], $0x80, s22, s30, $0xb8;
	[tilespmem:$0x1E200] =	vst v63  }
0x10f: {  	s22 =	sadd.s32 $0x120, s16  }
0x110: {  	[tilespmem:s9], [sflag:$0x4] =	stream.linear.gather [hbm4b:s22+s3], $0x100, $0x38;
	[tilespmem:$0x1E200] =	vst v63  }
0x111: {  	_ =	swait.ge [sflag:s24], $0x3200  }
0x112: {  	[sflag:s24] =	ssyncset.done $0x0  }
0x113: {  	[sflag:s24] =	ssyncadd.s32 $0xFFFFCE00  }
0x114: {  	_ =	swait.ge [sflag:s7], $0x100  }
0x115: {  	[sflag:s7] =	ssyncset.done $0x0  }
0x116: {  	[sflag:s7] =	ssyncadd.s32 $0xFFFFFF00  }
0x117: {  	[tilespmem:s20], [sflag:$0x9] =	stream.indirect.gather [hbm4b:s5+s30], $0x80, s29, s30, $0xb8;
	[tilespmem:$0x1E200] =	vst v63  }
0x118: {  	_ =	swait.ge [sflag:s21], $0x3200  }
0x119: {  	[sflag:s21] =	ssyncset.done $0x0  }
0x11a: {  	s22 =	simm.s32 $0x180;
	[sflag:s21] =	ssyncadd.s32 $0xFFFFCE00  }
0x11b: {  	[spmem:s2] =	stream.indirect.scatter.add.f32 [tilespmem:s0], [sflag:$0xB], $0x80, s22, s30, $0xb8;
	[tilespmem:$0x1E200] =	vst v63  }
0x11c: {  	s22 =	sadd.s32 $0x140, s16  }
0x11d: {  	[tilespmem:s12], [sflag:$0x5] =	stream.linear.gather [hbm4b:s22+s3], $0x100, $0x38;
	[tilespmem:$0x1E200] =	vst v63  }
0x11e: {  	_ =	swait.ge [sflag:s13], $0x3200  }
0x11f: {  	[sflag:s13] =	ssyncset.done $0x0  }
0x120: {  	[sflag:s13] =	ssyncadd.s32 $0xFFFFCE00  }
0x121: {  	_ =	swait.ge [sflag:s14], $0x100  }
0x122: {  	[sflag:s14] =	ssyncset.done $0x0  }
0x123: {  	[sflag:s14] =	ssyncadd.s32 $0xFFFFFF00  }
0x124: {  	[tilespmem:s31], [sflag:$0x7] =	stream.indirect.gather [hbm4b:s5+s30], $0x80, s9, s30, $0xb8;
	[tilespmem:$0x1E200] =	vst v63  }
0x125: {  	_ =	swait.ge [sflag:s15], $0x3200  }
0x126: {  	[sflag:s15] =	ssyncset.done $0x0  }
0x127: {  	s22 =	simm.s32 $0x280;
	[sflag:s15] =	ssyncadd.s32 $0xFFFFCE00  }
0x128: {  	[spmem:s2] =	stream.indirect.scatter.add.f32 [tilespmem:s20], [sflag:$0xC], $0x80, s22, s30, $0xb8;
	[tilespmem:$0x1E200] =	vst v63  }
0x129: {  	s22 =	sadd.s32 $0x160, s16  }
0x12a: {  	[tilespmem:s17], [sflag:$0x6] =	stream.linear.gather [hbm4b:s22+s3], $0x100, $0x38;
	[tilespmem:$0x1E200] =	vst v63  }
0x12b: {  	_ =	swait.ge [sflag:s18], $0x3200  }
0x12c: {  	[sflag:s18] =	ssyncset.done $0x0  }
0x12d: {  	[sflag:s18] =	ssyncadd.s32 $0xFFFFCE00  }
0x12e: {  	_ =	swait.ge [sflag:s19], $0x100  }
0x12f: {  	[sflag:s19] =	ssyncset.done $0x0  }
0x130: {  	[sflag:s19] =	ssyncadd.s32 $0xFFFFFF00  }
0x131: {  	[tilespmem:s0], [sflag:$0x8] =	stream.indirect.gather [hbm4b:s5+s30], $0x80, s12, s30, $0xb8;
	[tilespmem:$0x1E200] =	vst v63  }
0x132: {  	_ =	swait.ge [sflag:s4], $0x3200  }
0x133: {  	[sflag:s4] =	ssyncset.done $0x0  }
0x134: {  	s22 =	simm.s32 $0x380;
	[sflag:s4] =	ssyncadd.s32 $0xFFFFCE00  }
0x135: {  	[spmem:s2] =	stream.indirect.scatter.add.f32 [tilespmem:s31], [sflag:$0xA], $0x80, s22, s30, $0xb8;
	[tilespmem:$0x1E200] =	vst v63  }
0x136: {  	s22 =	sadd.s32 $0x180, s16  }
0x137: {  	[tilespmem:s3], [sflag:$0x1] =	stream.linear.gather [hbm4b:s22+s3], $0x100, $0x38;
	[tilespmem:$0x1E200] =	vst v63  }
0x138: {  	_ =	swait.ge [sflag:s24], $0x3200  }
0x139: {  	[sflag:s24] =	ssyncset.done $0x0  }
0x13a: {  	[sflag:s24] =	ssyncadd.s32 $0xFFFFCE00  }
0x13b: {  	_ =	swait.ge [sflag:s8], $0x100  }
0x13c: {  	[sflag:s8] =	ssyncset.done $0x0  }
0x13d: {  	[sflag:s8] =	ssyncadd.s32 $0xFFFFFF00  }
0x13e: {  	[tilespmem:s20], [sflag:$0x9] =	stream.indirect.gather [hbm4b:s5+s30], $0x80, s17, s30, $0xb8;
	[tilespmem:$0x1E200] =	vst v63  }
0x13f: {  	_ =	swait.ge [sflag:s21], $0x3200  }
0x140: {  	[sflag:s21] =	ssyncset.done $0x0  }
0x141: {  	[sflag:s21] =	ssyncadd.s32 $0xFFFFCE00  }
0x142: {  	[spmem:s2] =	stream.indirect.scatter.add.f32 [tilespmem:s0], [sflag:$0xB], $0x80, s10, s30, $0xb8;
	[tilespmem:$0x1E200] =	vst v63  }
0x143: {  	s22 =	sadd.s32 $0x1A0, s16  }
0x144: {  	[tilespmem:s28], [sflag:$0x2] =	stream.linear.gather [hbm4b:s22+s3], $0x100, $0x38;
	[tilespmem:$0x1E200] =	vst v63  }
0x145: {  	s22 =	simm.s32 $0x80  }
0x146: {  	_ =	swait.ge [sflag:s13], $0x3200  }
0x147: {  	[sflag:s13] =	ssyncset.done $0x0  }
0x148: {  	[sflag:s13] =	ssyncadd.s32 $0xFFFFCE00  }
0x149: {  	_ =	swait.ge [sflag:s25], $0x100  }
0x14a: {  	[sflag:s25] =	ssyncset.done $0x0  }
0x14b: {  	[sflag:s25] =	ssyncadd.s32 $0xFFFFFF00  }
0x14c: {  	[tilespmem:s31], [sflag:$0x7] =	stream.indirect.gather [hbm4b:s5+s30], $0x80, s3, s30, $0xb8;
	[tilespmem:$0x1E200] =	vst v63  }
0x14d: {  	_ =	swait.ge [sflag:s15], $0x3200  }
0x14e: {  	[sflag:s15] =	ssyncset.done $0x0  }
0x14f: {  	[sflag:s15] =	ssyncadd.s32 $0xFFFFCE00  }
0x150: {  	[spmem:s2] =	stream.indirect.scatter.add.f32 [tilespmem:s20], [sflag:$0xC], $0x80, s26, s30, $0xb8;
	[tilespmem:$0x1E200] =	vst v63  }
0x151: {  	s16 =	sadd.s32 $0x1C0, s16  }
0x152: {  	[tilespmem:s29], [sflag:$0x3] =	stream.linear.gather [hbm4b:s16+s3], $0x100, $0x38;
	[tilespmem:$0x1E200] =	vst v63  }
0x153: {  	_ =	swait.ge [sflag:s18], $0x3200  }
.Ltmp3:
0x154: {  	[sflag:s18] =	ssyncset.done $0x0;
	(pc) =	sbr.rel @p1 .LBB2_6-.Ltmp3, $4  }
0x155: {  	[sflag:s18] =	ssyncadd.s32 $0xFFFFCE00  }
0x156: {  	_ =	swait.ge [sflag:s6], $0x100  }
0x157: {  	[sflag:s6] =	ssyncset.done $0x0  }
0x158: {  	[sflag:s6] =	ssyncadd.s32 $0xFFFFFF00  }
.Ltmp4:
0x159: {  	_ = 	snop;
	(pc) =	sbr.rel .LBB2_7-.Ltmp4, $1  }
0x15a: {  	_ =	sdelay $0x3  }
.LBB2_2:
0x15b: {  	s11 =	rddreg [dreg:$0x13]  }
0x15c: {  	s16 =	rddreg [dreg:$0x7];
	s10 =	sor.u32 $0x1C0D, s11  }
0x15d: {  	s26 =	simm.s32 $0xD;
	[dreg:$0x18] =	wrdreg s10  }
0x15e: {  	[spmem:s22], [sflag:s10] =	dma.local [hbm:s16], $0x2800  }
0x15f: {  	_ =	swait.ge [sflag:s26], $0x2800  }
0x160: {  	[sflag:s26] =	ssyncset.done $0x0  }
0x161: {  	[sflag:s26] =	ssyncadd.s32 $0xFFFFD800  }
0x162: {  	[bflag:$0x0] =	sbarrier.arrive $0xFFFF  }
0x163: {  	s11 =	simm.s32 $0x0;
	s16 =	rddreg [dreg:$0x8]  }
0x164: {  	[tilespmem:s11], [sflag:$0xD] =	stream.linear.gather [hbm4b:s16+s11], $0x100, $0x38;
	[tilespmem:$0x1E200] =	vst v63  }
0x165: {  	_ =	swait.ge [sflag:s26], $0x100  }
0x166: {  	[sflag:s26] =	ssyncset.done $0x0  }
0x167: {  	s10 =	rddreg [dreg:$0x9];
	[sflag:s26] =	ssyncadd.s32 $0xFFFFFF00  }
0x168: {  	[tilespmem:s28], [sflag:$0xD] =	stream.linear.gather [hbm4b:s10+s11], $0x100, $0x38;
	[tilespmem:$0x1E200] =	vst v63  }
0x169: {  	_ =	swait.ge [sflag:s26], $0x100  }
0x16a: {  	[sflag:s26] =	ssyncset.done $0x0  }
0x16b: {  	[sflag:s26] =	ssyncadd.s32 $0xFFFFFF00;
	s26 =	rddreg [dreg:$0xa]  }
0x16c: {  	[tilespmem:s29], [sflag:$0x3] =	stream.linear.gather [hbm4b:s26+s11], $0x100, $0x38;
	[tilespmem:$0x1E200] =	vst v63  }
0x16d: {  	_ = 	snop  }
0x16e: {  	[tilespmem:s31], [sflag:$0x7] =	stream.indirect.gather [hbm4b:s1+s30], $0x80, s11, s30, $0xb8;
	[tilespmem:$0x1E200] =	vst v63  }
0x16f: {  	_ = 	snop  }
0x170: {  	[tilespmem:s0], [sflag:$0x8] =	stream.indirect.gather [hbm4b:s1+s30], $0x80, s28, s30, $0xb8;
	[tilespmem:$0x1E200] =	vst v63  }
0x171: {  	_ =	swait.ge [sflag:s4], $0x3200  }
0x172: {  	[sflag:s4] =	ssyncset.done $0x0  }
0x173: {  	s22 =	simm.s32 $0x80;
	[sflag:s4] =	ssyncadd.s32 $0xFFFFCE00  }
0x174: {  	[spmem:s2] =	stream.indirect.scatter.add.f32 [tilespmem:s31], [sflag:$0xA], $0x80, s22, s30, $0xb8;
	[tilespmem:$0x1E200] =	vst v63  }
0x175: {  	s10 =	rddreg [dreg:$0xb]  }
0x176: {  	[tilespmem:s9], [sflag:$0x4] =	stream.linear.gather [hbm4b:s10+s11], $0x100, $0x38;
	[tilespmem:$0x1E200] =	vst v63  }
0x177: {  	_ =	swait.ge [sflag:s7], $0x100  }
0x178: {  	[sflag:s7] =	ssyncset.done $0x0  }
0x179: {  	[sflag:s7] =	ssyncadd.s32 $0xFFFFFF00  }
0x17a: {  	[tilespmem:s20], [sflag:$0x9] =	stream.indirect.gather [hbm4b:s1+s30], $0x80, s29, s30, $0xb8;
	[tilespmem:$0x1E200] =	vst v63  }
0x17b: {  	_ =	swait.ge [sflag:s21], $0x3200  }
0x17c: {  	[sflag:s21] =	ssyncset.done $0x0  }
0x17d: {  	s26 =	simm.s32 $0x180;
	[sflag:s21] =	ssyncadd.s32 $0xFFFFCE00  }
0x17e: {  	[spmem:s2] =	stream.indirect.scatter.add.f32 [tilespmem:s0], [sflag:$0xB], $0x80, s26, s30, $0xb8;
	[tilespmem:$0x1E200] =	vst v63  }
0x17f: {  	s10 =	rddreg [dreg:$0xc]  }
0x180: {  	[tilespmem:s12], [sflag:$0x5] =	stream.linear.gather [hbm4b:s10+s11], $0x100, $0x38;
	[tilespmem:$0x1E200] =	vst v63  }
0x181: {  	_ =	swait.ge [sflag:s13], $0x3200  }
0x182: {  	[sflag:s13] =	ssyncset.done $0x0  }
0x183: {  	[sflag:s13] =	ssyncadd.s32 $0xFFFFCE00  }
0x184: {  	_ =	swait.ge [sflag:s14], $0x100  }
0x185: {  	[sflag:s14] =	ssyncset.done $0x0  }
0x186: {  	[sflag:s14] =	ssyncadd.s32 $0xFFFFFF00  }
0x187: {  	[tilespmem:s31], [sflag:$0x7] =	stream.indirect.gather [hbm4b:s1+s30], $0x80, s9, s30, $0xb8;
	[tilespmem:$0x1E200] =	vst v63  }
0x188: {  	_ =	swait.ge [sflag:s15], $0x3200  }
0x189: {  	[sflag:s15] =	ssyncset.done $0x0  }
0x18a: {  	s26 =	simm.s32 $0x280;
	[sflag:s15] =	ssyncadd.s32 $0xFFFFCE00  }
0x18b: {  	[spmem:s2] =	stream.indirect.scatter.add.f32 [tilespmem:s20], [sflag:$0xC], $0x80, s26, s30, $0xb8;
	[tilespmem:$0x1E200] =	vst v63  }
0x18c: {  	s10 =	rddreg [dreg:$0xd]  }
0x18d: {  	[tilespmem:s17], [sflag:$0x6] =	stream.linear.gather [hbm4b:s10+s11], $0x100, $0x38;
	[tilespmem:$0x1E200] =	vst v63  }
0x18e: {  	_ =	swait.ge [sflag:s18], $0x3200  }
0x18f: {  	[sflag:s18] =	ssyncset.done $0x0  }
0x190: {  	[sflag:s18] =	ssyncadd.s32 $0xFFFFCE00  }
0x191: {  	_ =	swait.ge [sflag:s19], $0x100  }
0x192: {  	[sflag:s19] =	ssyncset.done $0x0  }
0x193: {  	[sflag:s19] =	ssyncadd.s32 $0xFFFFFF00  }
0x194: {  	[tilespmem:s0], [sflag:$0x8] =	stream.indirect.gather [hbm4b:s1+s30], $0x80, s12, s30, $0xb8;
	[tilespmem:$0x1E200] =	vst v63  }
0x195: {  	_ =	swait.ge [sflag:s4], $0x3200  }
0x196: {  	[sflag:s4] =	ssyncset.done $0x0  }
0x197: {  	s16 =	simm.s32 $0x380;
	[sflag:s4] =	ssyncadd.s32 $0xFFFFCE00  }
0x198: {  	[spmem:s2] =	stream.indirect.scatter.add.f32 [tilespmem:s31], [sflag:$0xA], $0x80, s16, s30, $0xb8;
	[tilespmem:$0x1E200] =	vst v63  }
0x199: {  	s26 =	rddreg [dreg:$0xe]  }
0x19a: {  	[tilespmem:s11], [sflag:$0x1] =	stream.linear.gather [hbm4b:s26+s11], $0x100, $0x38;
	[tilespmem:$0x1E200] =	vst v63  }
0x19b: {  	_ =	swait.ge [sflag:s24], $0x3200  }
0x19c: {  	[sflag:s24] =	ssyncset.done $0x0  }
0x19d: {  	[sflag:s24] =	ssyncadd.s32 $0xFFFFCE00  }
0x19e: {  	_ =	swait.ge [sflag:s8], $0x100  }
0x19f: {  	[sflag:s8] =	ssyncset.done $0x0  }
0x1a0: {  	[sflag:s8] =	ssyncadd.s32 $0xFFFFFF00  }
0x1a1: {  	[tilespmem:s20], [sflag:$0x9] =	stream.indirect.gather [hbm4b:s1+s30], $0x80, s17, s30, $0xb8;
	[tilespmem:$0x1E200] =	vst v63  }
0x1a2: {  	_ =	swait.ge [sflag:s21], $0x3200  }
0x1a3: {  	[sflag:s21] =	ssyncset.done $0x0  }
0x1a4: {  	s26 =	simm.s32 $0x480;
	[sflag:s21] =	ssyncadd.s32 $0xFFFFCE00  }
0x1a5: {  	[spmem:s2] =	stream.indirect.scatter.add.f32 [tilespmem:s0], [sflag:$0xB], $0x80, s26, s30, $0xb8;
	[tilespmem:$0x1E200] =	vst v63  }
0x1a6: {  	s10 =	rddreg [dreg:$0xf]  }
0x1a7: {  	[tilespmem:s28], [sflag:$0x2] =	stream.linear.gather [hbm4b:s10+s11], $0x100, $0x38;
	[tilespmem:$0x1E200] =	vst v63  }
0x1a8: {  	_ =	swait.ge [sflag:s13], $0x3200  }
0x1a9: {  	[sflag:s13] =	ssyncset.done $0x0  }
0x1aa: {  	[sflag:s13] =	ssyncadd.s32 $0xFFFFCE00  }
0x1ab: {  	_ =	swait.ge [sflag:s25], $0x100  }
0x1ac: {  	[sflag:s25] =	ssyncset.done $0x0  }
0x1ad: {  	[sflag:s25] =	ssyncadd.s32 $0xFFFFFF00  }
0x1ae: {  	[tilespmem:s31], [sflag:$0x7] =	stream.indirect.gather [hbm4b:s1+s30], $0x80, s11, s30, $0xb8;
	[tilespmem:$0x1E200] =	vst v63  }
0x1af: {  	_ =	swait.ge [sflag:s15], $0x3200  }
0x1b0: {  	[sflag:s15] =	ssyncset.done $0x0  }
0x1b1: {  	s16 =	simm.s32 $0x580;
	[sflag:s15] =	ssyncadd.s32 $0xFFFFCE00  }
0x1b2: {  	[spmem:s2] =	stream.indirect.scatter.add.f32 [tilespmem:s20], [sflag:$0xC], $0x80, s16, s30, $0xb8;
	[tilespmem:$0x1E200] =	vst v63  }
0x1b3: {  	s10 =	rddreg [dreg:$0x10]  }
0x1b4: {  	[tilespmem:s29], [sflag:$0x3] =	stream.linear.gather [hbm4b:s10+s11], $0x100, $0x38;
	[tilespmem:$0x1E200] =	vst v63  }
0x1b5: {  	_ =	swait.ge [sflag:s18], $0x3200  }
0x1b6: {  	[sflag:s18] =	ssyncset.done $0x0  }
0x1b7: {  	[sflag:s18] =	ssyncadd.s32 $0xFFFFCE00  }
0x1b8: {  	_ =	swait.ge [sflag:s6], $0x100  }
0x1b9: {  	[sflag:s6] =	ssyncset.done $0x0  }
0x1ba: {  	[sflag:s6] =	ssyncadd.s32 $0xFFFFFF00  }
0x1bb: {  	[tilespmem:s0], [sflag:$0x8] =	stream.indirect.gather [hbm4b:s1+s30], $0x80, s28, s30, $0xb8;
	[tilespmem:$0x1E200] =	vst v63  }
0x1bc: {  	_ =	swait.ge [sflag:s4], $0x3200  }
0x1bd: {  	[sflag:s4] =	ssyncset.done $0x0  }
0x1be: {  	s11 =	sadd.s32 $0x0, s23;
	[sflag:s4] =	ssyncadd.s32 $0xFFFFCE00  }
0x1bf: {  	[spmem:s2] =	stream.indirect.scatter.add.f32 [tilespmem:s31], [sflag:$0xA], $0x80, s22, s30, $0xb8;
	[tilespmem:$0x1E200] =	vst v63  }
0x1c0: {  	s10 =	sadd.s32 $0x120, s11  }
0x1c1: {  	[tilespmem:s9], [sflag:$0x4] =	stream.linear.gather [hbm4b:s10+s3], $0x100, $0x38;
	[tilespmem:$0x1E200] =	vst v63  }
0x1c2: {  	_ =	swait.ge [sflag:s24], $0x3200  }
0x1c3: {  	[sflag:s24] =	ssyncset.done $0x0  }
0x1c4: {  	[sflag:s24] =	ssyncadd.s32 $0xFFFFCE00  }
0x1c5: {  	_ =	swait.ge [sflag:s7], $0x100  }
0x1c6: {  	[sflag:s7] =	ssyncset.done $0x0  }
0x1c7: {  	[sflag:s7] =	ssyncadd.s32 $0xFFFFFF00  }
0x1c8: {  	[tilespmem:s20], [sflag:$0x9] =	stream.indirect.gather [hbm4b:s1+s30], $0x80, s29, s30, $0xb8;
	[tilespmem:$0x1E200] =	vst v63  }
0x1c9: {  	_ =	swait.ge [sflag:s21], $0x3200  }
0x1ca: {  	[sflag:s21] =	ssyncset.done $0x0  }
0x1cb: {  	s16 =	simm.s32 $0x180;
	[sflag:s21] =	ssyncadd.s32 $0xFFFFCE00  }
0x1cc: {  	[spmem:s2] =	stream.indirect.scatter.add.f32 [tilespmem:s0], [sflag:$0xB], $0x80, s16, s30, $0xb8;
	[tilespmem:$0x1E200] =	vst v63  }
0x1cd: {  	s10 =	sadd.s32 $0x140, s11  }
0x1ce: {  	[tilespmem:s12], [sflag:$0x5] =	stream.linear.gather [hbm4b:s10+s3], $0x100, $0x38;
	[tilespmem:$0x1E200] =	vst v63  }
0x1cf: {  	_ =	swait.ge [sflag:s13], $0x3200  }
0x1d0: {  	[sflag:s13] =	ssyncset.done $0x0  }
0x1d1: {  	[sflag:s13] =	ssyncadd.s32 $0xFFFFCE00  }
0x1d2: {  	_ =	swait.ge [sflag:s14], $0x100  }
0x1d3: {  	[sflag:s14] =	ssyncset.done $0x0  }
0x1d4: {  	[sflag:s14] =	ssyncadd.s32 $0xFFFFFF00  }
0x1d5: {  	[tilespmem:s31], [sflag:$0x7] =	stream.indirect.gather [hbm4b:s1+s30], $0x80, s9, s30, $0xb8;
	[tilespmem:$0x1E200] =	vst v63  }
0x1d6: {  	_ =	swait.ge [sflag:s15], $0x3200  }
0x1d7: {  	[sflag:s15] =	ssyncset.done $0x0  }
0x1d8: {  	s16 =	simm.s32 $0x280;
	[sflag:s15] =	ssyncadd.s32 $0xFFFFCE00  }
0x1d9: {  	[spmem:s2] =	stream.indirect.scatter.add.f32 [tilespmem:s20], [sflag:$0xC], $0x80, s16, s30, $0xb8;
	[tilespmem:$0x1E200] =	vst v63  }
0x1da: {  	s10 =	sadd.s32 $0x160, s11  }
0x1db: {  	[tilespmem:s17], [sflag:$0x6] =	stream.linear.gather [hbm4b:s10+s3], $0x100, $0x38;
	[tilespmem:$0x1E200] =	vst v63  }
0x1dc: {  	_ =	swait.ge [sflag:s18], $0x3200  }
0x1dd: {  	[sflag:s18] =	ssyncset.done $0x0  }
0x1de: {  	[sflag:s18] =	ssyncadd.s32 $0xFFFFCE00  }
0x1df: {  	_ =	swait.ge [sflag:s19], $0x100  }
0x1e0: {  	[sflag:s19] =	ssyncset.done $0x0  }
0x1e1: {  	[sflag:s19] =	ssyncadd.s32 $0xFFFFFF00  }
0x1e2: {  	[tilespmem:s0], [sflag:$0x8] =	stream.indirect.gather [hbm4b:s1+s30], $0x80, s12, s30, $0xb8;
	[tilespmem:$0x1E200] =	vst v63  }
0x1e3: {  	_ =	swait.ge [sflag:s4], $0x3200  }
0x1e4: {  	[sflag:s4] =	ssyncset.done $0x0  }
0x1e5: {  	s16 =	simm.s32 $0x380;
	[sflag:s4] =	ssyncadd.s32 $0xFFFFCE00  }
0x1e6: {  	[spmem:s2] =	stream.indirect.scatter.add.f32 [tilespmem:s31], [sflag:$0xA], $0x80, s16, s30, $0xb8;
	[tilespmem:$0x1E200] =	vst v63  }
0x1e7: {  	s10 =	sadd.s32 $0x180, s11  }
0x1e8: {  	[tilespmem:s3], [sflag:$0x1] =	stream.linear.gather [hbm4b:s10+s3], $0x100, $0x38;
	[tilespmem:$0x1E200] =	vst v63  }
0x1e9: {  	_ =	swait.ge [sflag:s24], $0x3200  }
0x1ea: {  	[sflag:s24] =	ssyncset.done $0x0  }
0x1eb: {  	[sflag:s24] =	ssyncadd.s32 $0xFFFFCE00  }
0x1ec: {  	_ =	swait.ge [sflag:s8], $0x100  }
0x1ed: {  	[sflag:s8] =	ssyncset.done $0x0  }
0x1ee: {  	[sflag:s8] =	ssyncadd.s32 $0xFFFFFF00  }
0x1ef: {  	[tilespmem:s20], [sflag:$0x9] =	stream.indirect.gather [hbm4b:s1+s30], $0x80, s17, s30, $0xb8;
	[tilespmem:$0x1E200] =	vst v63  }
0x1f0: {  	_ =	swait.ge [sflag:s21], $0x3200  }
0x1f1: {  	[sflag:s21] =	ssyncset.done $0x0  }
0x1f2: {  	[sflag:s21] =	ssyncadd.s32 $0xFFFFCE00  }
0x1f3: {  	[spmem:s2] =	stream.indirect.scatter.add.f32 [tilespmem:s0], [sflag:$0xB], $0x80, s26, s30, $0xb8;
	[tilespmem:$0x1E200] =	vst v63  }
0x1f4: {  	s26 =	sadd.s32 $0x1A0, s11  }
0x1f5: {  	[tilespmem:s28], [sflag:$0x2] =	stream.linear.gather [hbm4b:s26+s3], $0x100, $0x38;
	[tilespmem:$0x1E200] =	vst v63  }
0x1f6: {  	_ =	swait.ge [sflag:s13], $0x3200  }
0x1f7: {  	[sflag:s13] =	ssyncset.done $0x0  }
0x1f8: {  	[sflag:s13] =	ssyncadd.s32 $0xFFFFCE00  }
0x1f9: {  	_ =	swait.ge [sflag:s25], $0x100  }
0x1fa: {  	[sflag:s25] =	ssyncset.done $0x0  }
0x1fb: {  	[sflag:s25] =	ssyncadd.s32 $0xFFFFFF00  }
0x1fc: {  	[tilespmem:s31], [sflag:$0x7] =	stream.indirect.gather [hbm4b:s1+s30], $0x80, s3, s30, $0xb8;
	[tilespmem:$0x1E200] =	vst v63  }
0x1fd: {  	_ =	swait.ge [sflag:s15], $0x3200  }
0x1fe: {  	[sflag:s15] =	ssyncset.done $0x0  }
0x1ff: {  	s16 =	simm.s32 $0x580;
	[sflag:s15] =	ssyncadd.s32 $0xFFFFCE00  }
0x200: {  	[spmem:s2] =	stream.indirect.scatter.add.f32 [tilespmem:s20], [sflag:$0xC], $0x80, s16, s30, $0xb8;
	[tilespmem:$0x1E200] =	vst v63  }
0x201: {  	s11 =	sadd.s32 $0x1C0, s11  }
0x202: {  	[tilespmem:s29], [sflag:$0x3] =	stream.linear.gather [hbm4b:s11+s3], $0x100, $0x38;
	[tilespmem:$0x1E200] =	vst v63  }
0x203: {  	_ =	swait.ge [sflag:s18], $0x3200  }
0x204: {  	[sflag:s18] =	ssyncset.done $0x0  }
0x205: {  	[sflag:s18] =	ssyncadd.s32 $0xFFFFCE00  }
0x206: {  	_ =	swait.ge [sflag:s6], $0x100  }
0x207: {  	s10 =	simm.s32 $0x480;
	[sflag:s6] =	ssyncset.done $0x0  }
0x208: {  	s26 =	simm.s32 $0x580;
	s11 =	simm.s32 $0xC0;
	[sflag:s6] =	ssyncadd.s32 $0xFFFFFF00  }
.LBB2_3:
0x209: {  	[tilespmem:s0], [sflag:$0x8] =	stream.indirect.gather [hbm4b:s1+s30], $0x80, s28, s30, $0xb8;
	[tilespmem:$0x1E200] =	vst v63  }
0x20a: {  	s16 =	smov.u32 s11  }
0x20b: {  	p1 =	seq.s32 s11, $0xA80;
	s11 =	sadd.s32 $0xC0, s11;
	_ =	swait.ge [sflag:s4], $0x3200  }
0x20c: {  	[sflag:s4] =	ssyncset.done $0x0  }
0x20d: {  	s16 =	sadd.s32 s16, s23;
	[sflag:s4] =	ssyncadd.s32 $0xFFFFCE00  }
0x20e: {  	[spmem:s2] =	stream.indirect.scatter.add.f32 [tilespmem:s31], [sflag:$0xA], $0x80, s22, s30, $0xb8;
	[tilespmem:$0x1E200] =	vst v63  }
0x20f: {  	s22 =	sadd.s32 $0x120, s16  }
0x210: {  	[tilespmem:s9], [sflag:$0x4] =	stream.linear.gather [hbm4b:s22+s3], $0x100, $0x38;
	[tilespmem:$0x1E200] =	vst v63  }
0x211: {  	_ =	swait.ge [sflag:s24], $0x3200  }
0x212: {  	[sflag:s24] =	ssyncset.done $0x0  }
0x213: {  	[sflag:s24] =	ssyncadd.s32 $0xFFFFCE00  }
0x214: {  	_ =	swait.ge [sflag:s7], $0x100  }
0x215: {  	[sflag:s7] =	ssyncset.done $0x0  }
0x216: {  	[sflag:s7] =	ssyncadd.s32 $0xFFFFFF00  }
0x217: {  	[tilespmem:s20], [sflag:$0x9] =	stream.indirect.gather [hbm4b:s1+s30], $0x80, s29, s30, $0xb8;
	[tilespmem:$0x1E200] =	vst v63  }
0x218: {  	_ =	swait.ge [sflag:s21], $0x3200  }
0x219: {  	[sflag:s21] =	ssyncset.done $0x0  }
0x21a: {  	s22 =	simm.s32 $0x180;
	[sflag:s21] =	ssyncadd.s32 $0xFFFFCE00  }
0x21b: {  	[spmem:s2] =	stream.indirect.scatter.add.f32 [tilespmem:s0], [sflag:$0xB], $0x80, s22, s30, $0xb8;
	[tilespmem:$0x1E200] =	vst v63  }
0x21c: {  	s22 =	sadd.s32 $0x140, s16  }
0x21d: {  	[tilespmem:s12], [sflag:$0x5] =	stream.linear.gather [hbm4b:s22+s3], $0x100, $0x38;
	[tilespmem:$0x1E200] =	vst v63  }
0x21e: {  	_ =	swait.ge [sflag:s13], $0x3200  }
0x21f: {  	[sflag:s13] =	ssyncset.done $0x0  }
0x220: {  	[sflag:s13] =	ssyncadd.s32 $0xFFFFCE00  }
0x221: {  	_ =	swait.ge [sflag:s14], $0x100  }
0x222: {  	[sflag:s14] =	ssyncset.done $0x0  }
0x223: {  	[sflag:s14] =	ssyncadd.s32 $0xFFFFFF00  }
0x224: {  	[tilespmem:s31], [sflag:$0x7] =	stream.indirect.gather [hbm4b:s1+s30], $0x80, s9, s30, $0xb8;
	[tilespmem:$0x1E200] =	vst v63  }
0x225: {  	_ =	swait.ge [sflag:s15], $0x3200  }
0x226: {  	[sflag:s15] =	ssyncset.done $0x0  }
0x227: {  	s22 =	simm.s32 $0x280;
	[sflag:s15] =	ssyncadd.s32 $0xFFFFCE00  }
0x228: {  	[spmem:s2] =	stream.indirect.scatter.add.f32 [tilespmem:s20], [sflag:$0xC], $0x80, s22, s30, $0xb8;
	[tilespmem:$0x1E200] =	vst v63  }
0x229: {  	s22 =	sadd.s32 $0x160, s16  }
0x22a: {  	[tilespmem:s17], [sflag:$0x6] =	stream.linear.gather [hbm4b:s22+s3], $0x100, $0x38;
	[tilespmem:$0x1E200] =	vst v63  }
0x22b: {  	_ =	swait.ge [sflag:s18], $0x3200  }
0x22c: {  	[sflag:s18] =	ssyncset.done $0x0  }
0x22d: {  	[sflag:s18] =	ssyncadd.s32 $0xFFFFCE00  }
0x22e: {  	_ =	swait.ge [sflag:s19], $0x100  }
0x22f: {  	[sflag:s19] =	ssyncset.done $0x0  }
0x230: {  	[sflag:s19] =	ssyncadd.s32 $0xFFFFFF00  }
0x231: {  	[tilespmem:s0], [sflag:$0x8] =	stream.indirect.gather [hbm4b:s1+s30], $0x80, s12, s30, $0xb8;
	[tilespmem:$0x1E200] =	vst v63  }
0x232: {  	_ =	swait.ge [sflag:s4], $0x3200  }
0x233: {  	[sflag:s4] =	ssyncset.done $0x0  }
0x234: {  	s22 =	simm.s32 $0x380;
	[sflag:s4] =	ssyncadd.s32 $0xFFFFCE00  }
0x235: {  	[spmem:s2] =	stream.indirect.scatter.add.f32 [tilespmem:s31], [sflag:$0xA], $0x80, s22, s30, $0xb8;
	[tilespmem:$0x1E200] =	vst v63  }
0x236: {  	s22 =	sadd.s32 $0x180, s16  }
0x237: {  	[tilespmem:s3], [sflag:$0x1] =	stream.linear.gather [hbm4b:s22+s3], $0x100, $0x38;
	[tilespmem:$0x1E200] =	vst v63  }
0x238: {  	_ =	swait.ge [sflag:s24], $0x3200  }
0x239: {  	[sflag:s24] =	ssyncset.done $0x0  }
0x23a: {  	[sflag:s24] =	ssyncadd.s32 $0xFFFFCE00  }
0x23b: {  	_ =	swait.ge [sflag:s8], $0x100  }
0x23c: {  	[sflag:s8] =	ssyncset.done $0x0  }
0x23d: {  	[sflag:s8] =	ssyncadd.s32 $0xFFFFFF00  }
0x23e: {  	[tilespmem:s20], [sflag:$0x9] =	stream.indirect.gather [hbm4b:s1+s30], $0x80, s17, s30, $0xb8;
	[tilespmem:$0x1E200] =	vst v63  }
0x23f: {  	_ =	swait.ge [sflag:s21], $0x3200  }
0x240: {  	[sflag:s21] =	ssyncset.done $0x0  }
0x241: {  	[sflag:s21] =	ssyncadd.s32 $0xFFFFCE00  }
0x242: {  	[spmem:s2] =	stream.indirect.scatter.add.f32 [tilespmem:s0], [sflag:$0xB], $0x80, s10, s30, $0xb8;
	[tilespmem:$0x1E200] =	vst v63  }
0x243: {  	s22 =	sadd.s32 $0x1A0, s16  }
0x244: {  	[tilespmem:s28], [sflag:$0x2] =	stream.linear.gather [hbm4b:s22+s3], $0x100, $0x38;
	[tilespmem:$0x1E200] =	vst v63  }
0x245: {  	s22 =	simm.s32 $0x80  }
0x246: {  	_ =	swait.ge [sflag:s13], $0x3200  }
0x247: {  	[sflag:s13] =	ssyncset.done $0x0  }
0x248: {  	[sflag:s13] =	ssyncadd.s32 $0xFFFFCE00  }
0x249: {  	_ =	swait.ge [sflag:s25], $0x100  }
0x24a: {  	[sflag:s25] =	ssyncset.done $0x0  }
0x24b: {  	[sflag:s25] =	ssyncadd.s32 $0xFFFFFF00  }
0x24c: {  	[tilespmem:s31], [sflag:$0x7] =	stream.indirect.gather [hbm4b:s1+s30], $0x80, s3, s30, $0xb8;
	[tilespmem:$0x1E200] =	vst v63  }
0x24d: {  	_ =	swait.ge [sflag:s15], $0x3200  }
0x24e: {  	[sflag:s15] =	ssyncset.done $0x0  }
0x24f: {  	[sflag:s15] =	ssyncadd.s32 $0xFFFFCE00  }
0x250: {  	[spmem:s2] =	stream.indirect.scatter.add.f32 [tilespmem:s20], [sflag:$0xC], $0x80, s26, s30, $0xb8;
	[tilespmem:$0x1E200] =	vst v63  }
0x251: {  	s16 =	sadd.s32 $0x1C0, s16  }
0x252: {  	[tilespmem:s29], [sflag:$0x3] =	stream.linear.gather [hbm4b:s16+s3], $0x100, $0x38;
	[tilespmem:$0x1E200] =	vst v63  }
0x253: {  	_ =	swait.ge [sflag:s18], $0x3200  }
.Ltmp5:
0x254: {  	[sflag:s18] =	ssyncset.done $0x0;
	(pc) =	sbr.rel @!p1 .LBB2_3-.Ltmp5, $4  }
0x255: {  	[sflag:s18] =	ssyncadd.s32 $0xFFFFCE00  }
0x256: {  	_ =	swait.ge [sflag:s6], $0x100  }
0x257: {  	[sflag:s6] =	ssyncset.done $0x0  }
0x258: {  	[sflag:s6] =	ssyncadd.s32 $0xFFFFFF00  }
0x259: {  	[tilespmem:s0], [sflag:$0x8] =	stream.indirect.gather [hbm4b:s1+s30], $0x80, s28, s30, $0xb8;
	[tilespmem:$0x1E200] =	vst v63  }
.Ltmp6:
0x25a: {  	_ = 	snop;
	(pc) =	sbr.rel .LBB2_8-.Ltmp6, $4  }
0x25b: {  	s11 =	rddreg [dreg:$0x4]  }
0x25c: {  	s26 =	rddreg [dreg:$0x17]  }
0x25d: {  	[dreg:$0x19] =	wrdreg s11  }
0x25e: {  	s10 =	simm.s32 $0x180;
	s16 =	smov.u32 s1;
	s11 =	rddreg [dreg:$0x19]  }
.LBB2_9:
0x25f: {  	_ =	sfence.sel $0x180000  }
0x260: {  	[bflag:$0x0] =	sbarrier.arrive $0xFFFF  }
0x261: {  	_ =	strace $0x9000004A  }
0x262: {  	s0 =	stileid.u32;
	[bflag:$0x2] =	sbarrier.arrive $0xFFFF  }
0x263: {  	p0 =	sne.s32 s0, $0x0;
	s0 =	rddreg [dreg:$0x3]  }
0x264: {  	s0 =	sadd.s32 @!p0 $0x100000, s0  }
0x265: {  	[sflag:s0] =	ssyncadd.tile.s32 @!p0 $0x1;
	_ =	shalt  }
.Lfunc_end2:
_tile_overlayer_lowered:
.L_overlay_start_2:
0x266: {  	(tag) =	ssettag $0x2  }
0x267: {  	s0 =	rddreg [dreg:$0x0];
	s2 =	stileid.u32  }
0x268: {  	s1 =	rddreg [dreg:$0x1];
	p0 =	sne.s32 s2, $0x0  }
0x269: {  	s3 =	rddreg [dreg:$0x2];
	[bflag:$0x3] =	sbarrier.arrive $0xFFFF;
	s2 =	simm.s32 @!p0 $0x1C0D  }
0x26a: {  	[timem:s3], [sflag:s2] =	dma.local @!p0 [hbm:s0], s1  }
0x26b: {  	s0 =	simm.s32 @!p0 $0xD  }
0x26c: {  	_ =	swait.ge @!p0 [sflag:s0], s1  }
0x26d: {  	s1 =	ssub.s32 @!p0 $0x0, s1;
	[sflag:s0] =	ssyncset.done @!p0 $0x0  }
0x26e: {  	[sflag:s0] =	ssyncadd.s32 @!p0 s1  }
0x26f: {  	[bflag:$0x3] =	sbarrier.arrive $0xFFFF  }
0x270: {  	_ =	shalt  }

</sc_bundles>
